<compile_context>
chip_gen: v7x
topology: tpu7x:2x2x1
jax: 0.10.2.dev20260603
libtpu: 0.0.44.dev20260713+nightly
codegen_flags: <defaults>
</compile_context>

<pallas_src>
import functools

import jax
import jax.numpy as jnp
from jax import lax
from jax.experimental import pallas as pl
from jax.experimental.pallas import tpu as pltpu
from jax.experimental.pallas import tpu_sc as plsc

N_NODES = 10000
D_IN = 128
D_OUT = 128
N_EDGES = 320000

CH = 128
NW = 32
N_CH = 80
E_PAD = NW * N_CH * CH
N_PAD = 10112
ROWS_PER_TILE = N_PAD // 16


def _sc_aggregate(x, pk3, adj3):
    mesh = plsc.VectorSubcoreMesh(core_axis_name="c", subcore_axis_name="s")

    @functools.partial(
        pl.kernel,
        out_type=jax.ShapeDtypeStruct((2, N_PAD, D_IN), jnp.float32),
        mesh=mesh,
        scratch_types=[
            pltpu.VMEM((N_CH, CH), jnp.int32),
            pltpu.VMEM((2, CH), jnp.int32),
            pltpu.VMEM((2, CH), jnp.int32),
            pltpu.VMEM((2, CH), jnp.float32),
            pltpu.VMEM((CH, D_IN), jnp.float32),
            pltpu.VMEM((CH, D_IN), jnp.float32),
            pltpu.VMEM_SHARED((N_PAD, D_IN), jnp.float32),
            pltpu.SemaphoreType.DMA,
            pltpu.SemaphoreType.DMA,
            pltpu.SemaphoreType.DMA,
            pltpu.SemaphoreType.DMA,
        ],
    )
    def k(x_hbm, pk_hbm, adj_hbm, out_hbm,
          pk_v, srci_v, dsti_v, adjc_v, rows0_v, rows1_v, acc,
          gsem0, gsem1, asem0, asem1):
        c = lax.axis_index("c")
        s = lax.axis_index("s")
        wid = s * 2 + c

        pltpu.sync_copy(pk_hbm.at[wid], pk_v)
        adj_w = adj_hbm.at[wid]

        zero16 = jnp.zeros((16,), jnp.float32)

        def zrow(r, carry):
            for kk in range(D_IN // 16):
                rows0_v[r, pl.ds(kk * 16, 16)] = zero16
            return carry

        lax.fori_loop(0, CH, zrow, 0)
        for i in range(4):
            pltpu.sync_copy(
                rows0_v, acc.at[pl.ds(s * ROWS_PER_TILE + i * CH, CH)])
        pltpu.sync_copy(
            rows0_v.at[pl.ds(0, ROWS_PER_TILE - 4 * CH)],
            acc.at[pl.ds(s * ROWS_PER_TILE + 4 * CH, ROWS_PER_TILE - 4 * CH)])
        plsc.subcore_barrier()

        bufs = ((rows0_v, gsem0, asem0), (rows1_v, gsem1, asem1))
        mask16 = jnp.full((16,), 0xFFFF, jnp.int32)

        def unpack_and_fetch(j, bi):
            rv, gsem, asem = bufs[bi]
            for g in range(CH // 16):
                sl = pl.ds(g * 16, 16)
                p = pk_v[j, sl]
                srci_v[bi, sl] = p & mask16
                dsti_v[bi, sl] = lax.shift_right_logical(p, 16)
            pltpu.async_copy(x_hbm.at[srci_v.at[bi]], rv, gsem)
            pltpu.async_copy(adj_w.at[j], adjc_v.at[bi], asem)

        def scale_rows(bi, rv):
            def grp(g, c2):
                a16 = adjc_v[bi, pl.ds(g * 16, 16)]
                for t in range(16):
                    a = a16[t]
                    e = g * 16 + t
                    for kk in range(D_IN // 16):
                        sl = pl.ds(kk * 16, 16)
                        rv[e, sl] = rv[e, sl] * a
                return c2

            lax.fori_loop(0, CH // 16, grp, 0)

        unpack_and_fetch(0, 0)
        unpack_and_fetch(1, 1)

        def chunk2(jj, carry):
            j0 = 2 * jj
            for bi in range(2):
                j = j0 + bi
                rv, gsem, asem = bufs[bi]
                pltpu.make_async_copy(
                    x_hbm.at[srci_v.at[bi]], rv, gsem).wait()
                pltpu.make_async_copy(
                    adj_w.at[j], adjc_v.at[bi], asem).wait()
                scale_rows(bi, rv)
                pltpu.sync_copy(rv, acc.at[dsti_v.at[bi]], add=True)
                nj = j + 2

                @pl.when(nj < N_CH)
                def _():
                    unpack_and_fetch(nj, bi)

            return carry

        lax.fori_loop(0, N_CH // 2, chunk2, 0)
        plsc.subcore_barrier()

        pltpu.sync_copy(
            acc.at[pl.ds(s * ROWS_PER_TILE, ROWS_PER_TILE)],
            out_hbm.at[c].at[pl.ds(s * ROWS_PER_TILE, ROWS_PER_TILE)],
        )

    return k(x, pk3, adj3)


def _finish_kernel(agg_ref, w_ref, b_ref, o_ref):
    ssum = agg_ref[0] + agg_ref[1]
    o_ref[...] = jnp.maximum(
        jnp.dot(ssum, w_ref[...], preferred_element_type=jnp.float32)
        + b_ref[...],
        0.0,
    )


def _tc_finish(agg, W, b):
    bm = 1000
    return pl.pallas_call(
        _finish_kernel,
        grid=(N_NODES // bm,),
        in_specs=[
            pl.BlockSpec((2, bm, D_IN), lambda i: (0, i, 0)),
            pl.BlockSpec((D_IN, D_OUT), lambda i: (0, 0)),
            pl.BlockSpec((1, D_OUT), lambda i: (0, 0)),
        ],
        out_specs=pl.BlockSpec((bm, D_OUT), lambda i: (i, 0)),
        out_shape=jax.ShapeDtypeStruct((N_NODES, D_OUT), jnp.float32),
    )(agg, W, b.reshape(1, D_OUT))


def kernel(x, edge_index, adj_values, W, b):
    ei = edge_index.astype(jnp.int32)
    dst = ei[0]
    src = ei[1]
    adj = adj_values.astype(jnp.float32)

    pad = E_PAD - N_EDGES
    fill = (jnp.arange(pad, dtype=jnp.int32) * 97) % N_NODES
    src_p = jnp.concatenate([src, fill])
    dst_p = jnp.concatenate([dst, fill])
    pk_p = (src_p | (dst_p << 16)).reshape(NW, N_CH, CH)
    adj_p = jnp.concatenate([adj, jnp.zeros((pad,), jnp.float32)]).reshape(
        NW, N_CH, CH)

    agg = _sc_aggregate(x, pk_p, adj_p)
    return _tc_finish(agg, W, b)

# --- scband reference (transcript-rebuilt; emitter-appended) ---
"""Pipeline reference for scband-batch-graph-conv-82815559402091 (READ-ONLY COPY).

The authoritative reference and input builder live on the scoring server;
editing this copy changes nothing except your own understanding.
"""

import jax, jax.numpy as jnp
import numpy as np

N_NODES = 10000
N_EDGES = 320000
D_IN = 128
D_OUT = 128


def setup_inputs(seed: int = 0) -> dict:
    key = jax.random.key(seed)
    k1, k2, k3, k4 = jax.random.split(key, 4)
    x = jax.random.normal(k1, (N_NODES, D_IN), dtype=jnp.float32)
    edge_index = jax.random.randint(k2, (2, N_EDGES), 0, N_NODES, dtype=jnp.int64)
    adj_values = jax.random.uniform(k3, (N_EDGES,), dtype=jnp.float32)
    W = jax.random.normal(k4, (D_IN, D_OUT), dtype=jnp.float32) * (1.0 / np.sqrt(D_IN))
    b = jnp.zeros((D_OUT,), dtype=jnp.float32)
    return {"x": x, "edge_index": edge_index, "adj_values": adj_values, "W": W, "b": b}


def reference(x, edge_index, adj_values, W, b):
    # Dense transform: net = x @ W + b
    h = jnp.matmul(x, W) + b
    # Sparse adjacency matmul: out[i] = sum_j adj[i, j] * h[j]
    # edge_index[0] = row (destination), edge_index[1] = col (source)
    dst = edge_index[0]
    src = edge_index[1]
    msgs = adj_values[:, None] * jnp.take(h, src, axis=0)
    out = jax.ops.segment_sum(msgs, dst, num_segments=N_NODES)
    return jax.nn.relu(out)

if __name__ == "__main__":
    import jax
    _d = setup_inputs()
    print(jax.jit(kernel)(*tuple(_d.values())))

</pallas_src>

<mosaic_0001>
#map = affine_map<(d0, d1) -> (0, 0)>
#map1 = affine_map<(d0, d1) -> (0, 0, 0)>
module attributes {stable_mosaic.version = 14 : i64} {
  func.func @k(%arg0: i32, %arg1: i32, %arg2: memref<10000x128xf32, #tpu.memory_space<hbm>>, %arg3: memref<32x80x128xi32, #tpu.memory_space<hbm>>, %arg4: memref<32x80x128xf32, #tpu.memory_space<hbm>>, %arg5: memref<2x10112x128xf32, #tpu.memory_space<hbm>>, %arg6: memref<80x128xi32, #tpu.memory_space<vmem>>, %arg7: memref<2x128xi32, #tpu.memory_space<vmem>>, %arg8: memref<2x128xi32, #tpu.memory_space<vmem>>, %arg9: memref<2x128xf32, #tpu.memory_space<vmem>>, %arg10: memref<128x128xf32, #tpu.memory_space<vmem>>, %arg11: memref<128x128xf32, #tpu.memory_space<vmem>>, %arg12: memref<10112x128xf32, #tpu.memory_space<vmem_shared>>, %arg13: memref<!tpu.dma_semaphore, #tpu.memory_space<semaphore_mem>>, %arg14: memref<!tpu.dma_semaphore, #tpu.memory_space<semaphore_mem>>, %arg15: memref<!tpu.dma_semaphore, #tpu.memory_space<semaphore_mem>>, %arg16: memref<!tpu.dma_semaphore, #tpu.memory_space<semaphore_mem>>) attributes {dimension_semantics = [#tpu.dimension_semantics<core_parallel>, #tpu.dimension_semantics<subcore_parallel>], iteration_bounds = array<i64: 2, 16>, scalar_prefetch = 0 : i64, scratch_operands = 11 : i64, tpu.core_type = #tpu.core_type<sc_vector_subcore>, window_params = [{transform_indices = #map}, {transform_indices = #map1}, {transform_indices = #map1}, {transform_indices = #map1}]} {
    %mul3A = arith.constant 2 : i32
    %mul3A_0 = arith.muli %arg1, %mul3A : i32
    %add3A = arith.addi %mul3A_0, %arg0 : i32
    "tpu.region"() ({
      %run_scoped3A = tpu.sem_alloc : memref<!tpu.dma_semaphore, #tpu.memory_space<semaphore_mem>>
      %dma_start3A_429 = arith.constant 0 : i32
      %dma_start3A_430 = arith.constant 0 : i32
      %dma_start3A_431 = tpu.memref_slice %arg3[%add3A, %dma_start3A_429, %dma_start3A_430] : memref<32x80x128xi32, #tpu.memory_space<hbm>> -> memref<1x80x128xi32, #tpu.memory_space<hbm>>
      %dma_start3A_432 = tpu.memref_squeeze %dma_start3A_431 : memref<1x80x128xi32, #tpu.memory_space<hbm>> -> memref<80x128xi32, #tpu.memory_space<hbm>>
      %dma_start3A_433 = arith.constant 0 : i32
      %dma_start3A_434 = arith.constant 0 : i32
      %dma_start3A_435 = tpu.memref_slice %arg3[%add3A, %dma_start3A_433, %dma_start3A_434] : memref<32x80x128xi32, #tpu.memory_space<hbm>> -> memref<1x80x128xi32, #tpu.memory_space<hbm>>
      %dma_start3A_436 = tpu.memref_squeeze %dma_start3A_435 : memref<1x80x128xi32, #tpu.memory_space<hbm>> -> memref<80x128xi32, #tpu.memory_space<hbm>>
      tpu.enqueue_dma source(%dma_start3A_436 : memref<80x128xi32, #tpu.memory_space<hbm>>) target(%arg6 : memref<80x128xi32, #tpu.memory_space<vmem>>) target_semaphore(%run_scoped3A : memref<!tpu.dma_semaphore, #tpu.memory_space<semaphore_mem>>)
      %dma_wait3A = arith.constant 0 : i32
      %dma_wait3A_437 = arith.constant 0 : i32
      %dma_wait3A_438 = tpu.memref_slice %arg3[%add3A, %dma_wait3A, %dma_wait3A_437] : memref<32x80x128xi32, #tpu.memory_space<hbm>> -> memref<1x80x128xi32, #tpu.memory_space<hbm>>
      %dma_wait3A_439 = tpu.memref_squeeze %dma_wait3A_438 : memref<1x80x128xi32, #tpu.memory_space<hbm>> -> memref<80x128xi32, #tpu.memory_space<hbm>>
      %dma_wait3A_440 = arith.constant 0 : i32
      %dma_wait3A_441 = arith.constant 0 : i32
      %dma_wait3A_442 = tpu.memref_slice %arg3[%add3A, %dma_wait3A_440, %dma_wait3A_441] : memref<32x80x128xi32, #tpu.memory_space<hbm>> -> memref<1x80x128xi32, #tpu.memory_space<hbm>>
      %dma_wait3A_443 = tpu.memref_squeeze %dma_wait3A_442 : memref<1x80x128xi32, #tpu.memory_space<hbm>> -> memref<80x128xi32, #tpu.memory_space<hbm>>
      tpu.wait_dma2 semaphore(%run_scoped3A : memref<!tpu.dma_semaphore, #tpu.memory_space<semaphore_mem>>) src(%dma_wait3A_443 : memref<80x128xi32, #tpu.memory_space<hbm>>) dst(%arg6 : memref<80x128xi32, #tpu.memory_space<vmem>>)
      tpu.yield
    }) : () -> ()
    %broadcast_in_dim3A = arith.constant 0.000000e+00 : f32
    %broadcast_in_dim3A_1 = vector.broadcast %broadcast_in_dim3A : f32 to vector<16xf32>
    %scan3A = arith.constant 0 : i32
    %scan3A_2 = arith.constant 0 : i32
    %scan3A_3 = arith.constant 128 : i32
    %scan3A_4 = arith.addi %scan3A_2, %scan3A_3 : i32
    %scan3A_5 = arith.constant 1 : i32
    scf.for %scan3A_429 = %scan3A_2 to %scan3A_4 step %scan3A_5  : i32 {
      %swap3A_430 = arith.index_cast %scan3A_429 : i32 to index
      %swap3A_431 = arith.constant 0 : index
      %swap3A_432 = tpu.vector_load %arg10[%swap3A_430, %swap3A_431] {strides = array<i32>} : memref<128x128xf32, #tpu.memory_space<vmem>>, vector<1x16xf32>,
      %swap3A_433 = vector.shape_cast %swap3A_432 : vector<1x16xf32> to vector<16xf32>
      %swap3A_434 = vector.shape_cast %broadcast_in_dim3A_1 : vector<16xf32> to vector<1x16xf32>
      tpu.vector_store %arg10[%swap3A_430, %swap3A_431], %swap3A_434 {strides = array<i32>} : memref<128x128xf32, #tpu.memory_space<vmem>>, vector<1x16xf32>,
      %swap3A_435 = arith.index_cast %scan3A_429 : i32 to index
      %swap3A_436 = arith.constant 16 : index
      %swap3A_437 = tpu.vector_load %arg10[%swap3A_435, %swap3A_436] {strides = array<i32>} : memref<128x128xf32, #tpu.memory_space<vmem>>, vector<1x16xf32>,
      %swap3A_438 = vector.shape_cast %swap3A_437 : vector<1x16xf32> to vector<16xf32>
      %swap3A_439 = vector.shape_cast %broadcast_in_dim3A_1 : vector<16xf32> to vector<1x16xf32>
      tpu.vector_store %arg10[%swap3A_435, %swap3A_436], %swap3A_439 {strides = array<i32>} : memref<128x128xf32, #tpu.memory_space<vmem>>, vector<1x16xf32>,
      %swap3A_440 = arith.index_cast %scan3A_429 : i32 to index
      %swap3A_441 = arith.constant 32 : index
      %swap3A_442 = tpu.vector_load %arg10[%swap3A_440, %swap3A_441] {strides = array<i32>} : memref<128x128xf32, #tpu.memory_space<vmem>>, vector<1x16xf32>,
      %swap3A_443 = vector.shape_cast %swap3A_442 : vector<1x16xf32> to vector<16xf32>
      %swap3A_444 = vector.shape_cast %broadcast_in_dim3A_1 : vector<16xf32> to vector<1x16xf32>
      tpu.vector_store %arg10[%swap3A_440, %swap3A_441], %swap3A_444 {strides = array<i32>} : memref<128x128xf32, #tpu.memory_space<vmem>>, vector<1x16xf32>,
      %swap3A_445 = arith.index_cast %scan3A_429 : i32 to index
      %swap3A_446 = arith.constant 48 : index
      %swap3A_447 = tpu.vector_load %arg10[%swap3A_445, %swap3A_446] {strides = array<i32>} : memref<128x128xf32, #tpu.memory_space<vmem>>, vector<1x16xf32>,
      %swap3A_448 = vector.shape_cast %swap3A_447 : vector<1x16xf32> to vector<16xf32>
      %swap3A_449 = vector.shape_cast %broadcast_in_dim3A_1 : vector<16xf32> to vector<1x16xf32>
      tpu.vector_store %arg10[%swap3A_445, %swap3A_446], %swap3A_449 {strides = array<i32>} : memref<128x128xf32, #tpu.memory_space<vmem>>, vector<1x16xf32>,
      %swap3A_450 = arith.index_cast %scan3A_429 : i32 to index
      %swap3A_451 = arith.constant 64 : index
      %swap3A_452 = tpu.vector_load %arg10[%swap3A_450, %swap3A_451] {strides = array<i32>} : memref<128x128xf32, #tpu.memory_space<vmem>>, vector<1x16xf32>,
      %swap3A_453 = vector.shape_cast %swap3A_452 : vector<1x16xf32> to vector<16xf32>
      %swap3A_454 = vector.shape_cast %broadcast_in_dim3A_1 : vector<16xf32> to vector<1x16xf32>
      tpu.vector_store %arg10[%swap3A_450, %swap3A_451], %swap3A_454 {strides = array<i32>} : memref<128x128xf32, #tpu.memory_space<vmem>>, vector<1x16xf32>,
      %swap3A_455 = arith.index_cast %scan3A_429 : i32 to index
      %swap3A_456 = arith.constant 80 : index
      %swap3A_457 = tpu.vector_load %arg10[%swap3A_455, %swap3A_456] {strides = array<i32>} : memref<128x128xf32, #tpu.memory_space<vmem>>, vector<1x16xf32>,
      %swap3A_458 = vector.shape_cast %swap3A_457 : vector<1x16xf32> to vector<16xf32>
      %swap3A_459 = vector.shape_cast %broadcast_in_dim3A_1 : vector<16xf32> to vector<1x16xf32>
      tpu.vector_store %arg10[%swap3A_455, %swap3A_456], %swap3A_459 {strides = array<i32>} : memref<128x128xf32, #tpu.memory_space<vmem>>, vector<1x16xf32>,
      %swap3A_460 = arith.index_cast %scan3A_429 : i32 to index
      %swap3A_461 = arith.constant 96 : index
      %swap3A_462 = tpu.vector_load %arg10[%swap3A_460, %swap3A_461] {strides = array<i32>} : memref<128x128xf32, #tpu.memory_space<vmem>>, vector<1x16xf32>,
      %swap3A_463 = vector.shape_cast %swap3A_462 : vector<1x16xf32> to vector<16xf32>
      %swap3A_464 = vector.shape_cast %broadcast_in_dim3A_1 : vector<16xf32> to vector<1x16xf32>
      tpu.vector_store %arg10[%swap3A_460, %swap3A_461], %swap3A_464 {strides = array<i32>} : memref<128x128xf32, #tpu.memory_space<vmem>>, vector<1x16xf32>,
      %swap3A_465 = arith.index_cast %scan3A_429 : i32 to index
      %swap3A_466 = arith.constant 112 : index
      %swap3A_467 = tpu.vector_load %arg10[%swap3A_465, %swap3A_466] {strides = array<i32>} : memref<128x128xf32, #tpu.memory_space<vmem>>, vector<1x16xf32>,
      %swap3A_468 = vector.shape_cast %swap3A_467 : vector<1x16xf32> to vector<16xf32>
      %swap3A_469 = vector.shape_cast %broadcast_in_dim3A_1 : vector<16xf32> to vector<1x16xf32>
      tpu.vector_store %arg10[%swap3A_465, %swap3A_466], %swap3A_469 {strides = array<i32>} : memref<128x128xf32, #tpu.memory_space<vmem>>, vector<1x16xf32>,
    }
    %scan3A_6 = arith.constant 128 : i32
    %mul3A_7 = arith.constant 632 : i32
    %mul3A_8 = arith.muli %arg1, %mul3A_7 : i32
    %add3A_9 = arith.constant 0 : i32
    %add3A_10 = arith.addi %mul3A_8, %add3A_9 : i32
    "tpu.region"() ({
      %run_scoped3A = tpu.sem_alloc : memref<!tpu.dma_semaphore, #tpu.memory_space<semaphore_mem>>
      %dma_start3A_429 = arith.constant 0 : i32
      %dma_start3A_430 = tpu.memref_slice %arg12[%add3A_10, %dma_start3A_429] : memref<10112x128xf32, #tpu.memory_space<vmem_shared>> -> memref<128x128xf32, #tpu.memory_space<vmem_shared>>
      %dma_start3A_431 = arith.constant 0 : i32
      %dma_start3A_432 = tpu.memref_slice %arg12[%add3A_10, %dma_start3A_431] : memref<10112x128xf32, #tpu.memory_space<vmem_shared>> -> memref<128x128xf32, #tpu.memory_space<vmem_shared>>
      tpu.enqueue_dma source(%arg10 : memref<128x128xf32, #tpu.memory_space<vmem>>) target(%dma_start3A_432 : memref<128x128xf32, #tpu.memory_space<vmem_shared>>) target_semaphore(%run_scoped3A : memref<!tpu.dma_semaphore, #tpu.memory_space<semaphore_mem>>)
      %dma_wait3A = arith.constant 0 : i32
      %dma_wait3A_433 = tpu.memref_slice %arg12[%add3A_10, %dma_wait3A] : memref<10112x128xf32, #tpu.memory_space<vmem_shared>> -> memref<128x128xf32, #tpu.memory_space<vmem_shared>>
      %dma_wait3A_434 = arith.constant 0 : i32
      %dma_wait3A_435 = tpu.memref_slice %arg12[%add3A_10, %dma_wait3A_434] : memref<10112x128xf32, #tpu.memory_space<vmem_shared>> -> memref<128x128xf32, #tpu.memory_space<vmem_shared>>
      tpu.wait_dma2 semaphore(%run_scoped3A : memref<!tpu.dma_semaphore, #tpu.memory_space<semaphore_mem>>) src(%arg10 : memref<128x128xf32, #tpu.memory_space<vmem>>) dst(%dma_wait3A_435 : memref<128x128xf32, #tpu.memory_space<vmem_shared>>)
      tpu.yield
    }) : () -> ()
    %mul3A_11 = arith.constant 632 : i32
    %mul3A_12 = arith.muli %arg1, %mul3A_11 : i32
    %add3A_13 = arith.constant 128 : i32
    %add3A_14 = arith.addi %mul3A_12, %add3A_13 : i32
    "tpu.region"() ({
      %run_scoped3A = tpu.sem_alloc : memref<!tpu.dma_semaphore, #tpu.memory_space<semaphore_mem>>
      %dma_start3A_429 = arith.constant 0 : i32
      %dma_start3A_430 = tpu.memref_slice %arg12[%add3A_14, %dma_start3A_429] : memref<10112x128xf32, #tpu.memory_space<vmem_shared>> -> memref<128x128xf32, #tpu.memory_space<vmem_shared>>
      %dma_start3A_431 = arith.constant 0 : i32
      %dma_start3A_432 = tpu.memref_slice %arg12[%add3A_14, %dma_start3A_431] : memref<10112x128xf32, #tpu.memory_space<vmem_shared>> -> memref<128x128xf32, #tpu.memory_space<vmem_shared>>
      tpu.enqueue_dma source(%arg10 : memref<128x128xf32, #tpu.memory_space<vmem>>) target(%dma_start3A_432 : memref<128x128xf32, #tpu.memory_space<vmem_shared>>) target_semaphore(%run_scoped3A : memref<!tpu.dma_semaphore, #tpu.memory_space<semaphore_mem>>)
      %dma_wait3A = arith.constant 0 : i32
      %dma_wait3A_433 = tpu.memref_slice %arg12[%add3A_14, %dma_wait3A] : memref<10112x128xf32, #tpu.memory_space<vmem_shared>> -> memref<128x128xf32, #tpu.memory_space<vmem_shared>>
      %dma_wait3A_434 = arith.constant 0 : i32
      %dma_wait3A_435 = tpu.memref_slice %arg12[%add3A_14, %dma_wait3A_434] : memref<10112x128xf32, #tpu.memory_space<vmem_shared>> -> memref<128x128xf32, #tpu.memory_space<vmem_shared>>
      tpu.wait_dma2 semaphore(%run_scoped3A : memref<!tpu.dma_semaphore, #tpu.memory_space<semaphore_mem>>) src(%arg10 : memref<128x128xf32, #tpu.memory_space<vmem>>) dst(%dma_wait3A_435 : memref<128x128xf32, #tpu.memory_space<vmem_shared>>)
      tpu.yield
    }) : () -> ()
    %mul3A_15 = arith.constant 632 : i32
    %mul3A_16 = arith.muli %arg1, %mul3A_15 : i32
    %add3A_17 = arith.constant 256 : i32
    %add3A_18 = arith.addi %mul3A_16, %add3A_17 : i32
    "tpu.region"() ({
      %run_scoped3A = tpu.sem_alloc : memref<!tpu.dma_semaphore, #tpu.memory_space<semaphore_mem>>
      %dma_start3A_429 = arith.constant 0 : i32
      %dma_start3A_430 = tpu.memref_slice %arg12[%add3A_18, %dma_start3A_429] : memref<10112x128xf32, #tpu.memory_space<vmem_shared>> -> memref<128x128xf32, #tpu.memory_space<vmem_shared>>
      %dma_start3A_431 = arith.constant 0 : i32
      %dma_start3A_432 = tpu.memref_slice %arg12[%add3A_18, %dma_start3A_431] : memref<10112x128xf32, #tpu.memory_space<vmem_shared>> -> memref<128x128xf32, #tpu.memory_space<vmem_shared>>
      tpu.enqueue_dma source(%arg10 : memref<128x128xf32, #tpu.memory_space<vmem>>) target(%dma_start3A_432 : memref<128x128xf32, #tpu.memory_space<vmem_shared>>) target_semaphore(%run_scoped3A : memref<!tpu.dma_semaphore, #tpu.memory_space<semaphore_mem>>)
      %dma_wait3A = arith.constant 0 : i32
      %dma_wait3A_433 = tpu.memref_slice %arg12[%add3A_18, %dma_wait3A] : memref<10112x128xf32, #tpu.memory_space<vmem_shared>> -> memref<128x128xf32, #tpu.memory_space<vmem_shared>>
      %dma_wait3A_434 = arith.constant 0 : i32
      %dma_wait3A_435 = tpu.memref_slice %arg12[%add3A_18, %dma_wait3A_434] : memref<10112x128xf32, #tpu.memory_space<vmem_shared>> -> memref<128x128xf32, #tpu.memory_space<vmem_shared>>
      tpu.wait_dma2 semaphore(%run_scoped3A : memref<!tpu.dma_semaphore, #tpu.memory_space<semaphore_mem>>) src(%arg10 : memref<128x128xf32, #tpu.memory_space<vmem>>) dst(%dma_wait3A_435 : memref<128x128xf32, #tpu.memory_space<vmem_shared>>)
      tpu.yield
    }) : () -> ()
    %mul3A_19 = arith.constant 632 : i32
    %mul3A_20 = arith.muli %arg1, %mul3A_19 : i32
    %add3A_21 = arith.constant 384 : i32
    %add3A_22 = arith.addi %mul3A_20, %add3A_21 : i32
    "tpu.region"() ({
      %run_scoped3A = tpu.sem_alloc : memref<!tpu.dma_semaphore, #tpu.memory_space<semaphore_mem>>
      %dma_start3A_429 = arith.constant 0 : i32
      %dma_start3A_430 = tpu.memref_slice %arg12[%add3A_22, %dma_start3A_429] : memref<10112x128xf32, #tpu.memory_space<vmem_shared>> -> memref<128x128xf32, #tpu.memory_space<vmem_shared>>
      %dma_start3A_431 = arith.constant 0 : i32
      %dma_start3A_432 = tpu.memref_slice %arg12[%add3A_22, %dma_start3A_431] : memref<10112x128xf32, #tpu.memory_space<vmem_shared>> -> memref<128x128xf32, #tpu.memory_space<vmem_shared>>
      tpu.enqueue_dma source(%arg10 : memref<128x128xf32, #tpu.memory_space<vmem>>) target(%dma_start3A_432 : memref<128x128xf32, #tpu.memory_space<vmem_shared>>) target_semaphore(%run_scoped3A : memref<!tpu.dma_semaphore, #tpu.memory_space<semaphore_mem>>)
      %dma_wait3A = arith.constant 0 : i32
      %dma_wait3A_433 = tpu.memref_slice %arg12[%add3A_22, %dma_wait3A] : memref<10112x128xf32, #tpu.memory_space<vmem_shared>> -> memref<128x128xf32, #tpu.memory_space<vmem_shared>>
      %dma_wait3A_434 = arith.constant 0 : i32
      %dma_wait3A_435 = tpu.memref_slice %arg12[%add3A_22, %dma_wait3A_434] : memref<10112x128xf32, #tpu.memory_space<vmem_shared>> -> memref<128x128xf32, #tpu.memory_space<vmem_shared>>
      tpu.wait_dma2 semaphore(%run_scoped3A : memref<!tpu.dma_semaphore, #tpu.memory_space<semaphore_mem>>) src(%arg10 : memref<128x128xf32, #tpu.memory_space<vmem>>) dst(%dma_wait3A_435 : memref<128x128xf32, #tpu.memory_space<vmem_shared>>)
      tpu.yield
    }) : () -> ()
    %mul3A_23 = arith.constant 632 : i32
    %mul3A_24 = arith.muli %arg1, %mul3A_23 : i32
    %add3A_25 = arith.constant 512 : i32
    %add3A_26 = arith.addi %mul3A_24, %add3A_25 : i32
    "tpu.region"() ({
      %run_scoped3A = tpu.sem_alloc : memref<!tpu.dma_semaphore, #tpu.memory_space<semaphore_mem>>
      %dma_start3A_429 = arith.constant 0 : i32
      %dma_start3A_430 = arith.constant 0 : i32
      %dma_start3A_431 = tpu.memref_slice %arg10[%dma_start3A_429, %dma_start3A_430] : memref<128x128xf32, #tpu.memory_space<vmem>> -> memref<120x128xf32, #tpu.memory_space<vmem>>
      %dma_start3A_432 = arith.constant 0 : i32
      %dma_start3A_433 = tpu.memref_slice %arg12[%add3A_26, %dma_start3A_432] : memref<10112x128xf32, #tpu.memory_space<vmem_shared>> -> memref<120x128xf32, #tpu.memory_space<vmem_shared>>
      %dma_start3A_434 = arith.constant 0 : i32
      %dma_start3A_435 = tpu.memref_slice %arg12[%add3A_26, %dma_start3A_434] : memref<10112x128xf32, #tpu.memory_space<vmem_shared>> -> memref<120x128xf32, #tpu.memory_space<vmem_shared>>
      %dma_start3A_436 = arith.constant 0 : i32
      %dma_start3A_437 = arith.constant 0 : i32
      %dma_start3A_438 = tpu.memref_slice %arg10[%dma_start3A_436, %dma_start3A_437] : memref<128x128xf32, #tpu.memory_space<vmem>> -> memref<120x128xf32, #tpu.memory_space<vmem>>
      tpu.enqueue_dma source(%dma_start3A_438 : memref<120x128xf32, #tpu.memory_space<vmem>>) target(%dma_start3A_435 : memref<120x128xf32, #tpu.memory_space<vmem_shared>>) target_semaphore(%run_scoped3A : memref<!tpu.dma_semaphore, #tpu.memory_space<semaphore_mem>>)
      %dma_wait3A = arith.constant 0 : i32
      %dma_wait3A_439 = arith.constant 0 : i32
      %dma_wait3A_440 = tpu.memref_slice %arg10[%dma_wait3A, %dma_wait3A_439] : memref<128x128xf32, #tpu.memory_space<vmem>> -> memref<120x128xf32, #tpu.memory_space<vmem>>
      %dma_wait3A_441 = arith.constant 0 : i32
      %dma_wait3A_442 = tpu.memref_slice %arg12[%add3A_26, %dma_wait3A_441] : memref<10112x128xf32, #tpu.memory_space<vmem_shared>> -> memref<120x128xf32, #tpu.memory_space<vmem_shared>>
      %dma_wait3A_443 = arith.constant 0 : i32
      %dma_wait3A_444 = tpu.memref_slice %arg12[%add3A_26, %dma_wait3A_443] : memref<10112x128xf32, #tpu.memory_space<vmem_shared>> -> memref<120x128xf32, #tpu.memory_space<vmem_shared>>
      %dma_wait3A_445 = arith.constant 0 : i32
      %dma_wait3A_446 = arith.constant 0 : i32
      %dma_wait3A_447 = tpu.memref_slice %arg10[%dma_wait3A_445, %dma_wait3A_446] : memref<128x128xf32, #tpu.memory_space<vmem>> -> memref<120x128xf32, #tpu.memory_space<vmem>>
      tpu.wait_dma2 semaphore(%run_scoped3A : memref<!tpu.dma_semaphore, #tpu.memory_space<semaphore_mem>>) src(%dma_wait3A_447 : memref<120x128xf32, #tpu.memory_space<vmem>>) dst(%dma_wait3A_444 : memref<120x128xf32, #tpu.memory_space<vmem_shared>>)
      tpu.yield
    }) : () -> ()
    %barrier3A = arith.constant 0 : index
    tpu.barrier barrier_id(%barrier3A)
    %broadcast_in_dim3A_27 = arith.constant 65535 : i32
    %broadcast_in_dim3A_28 = vector.broadcast %broadcast_in_dim3A_27 : i32 to vector<16xi32>
    %get3A = arith.constant 0 : i32
    %get3A_29 = arith.index_cast %get3A : i32 to index
    %get3A_30 = arith.constant 0 : index
    %get3A_31 = tpu.vector_load %arg6[%get3A_29, %get3A_30] {strides = array<i32>} : memref<80x128xi32, #tpu.memory_space<vmem>>, vector<1x16xi32>,
    %get3A_32 = vector.shape_cast %get3A_31 : vector<1x16xi32> to vector<16xi32>
    %and3A = arith.andi %get3A_32, %broadcast_in_dim3A_28 : vector<16xi32>
    %swap3A = arith.constant 0 : i32
    %swap3A_33 = arith.index_cast %swap3A : i32 to index
    %swap3A_34 = arith.constant 0 : index
    %swap3A_35 = tpu.vector_load %arg7[%swap3A_33, %swap3A_34] {strides = array<i32>} : memref<2x128xi32, #tpu.memory_space<vmem>>, vector<1x16xi32>,
    %swap3A_36 = vector.shape_cast %swap3A_35 : vector<1x16xi32> to vector<16xi32>
    %swap3A_37 = vector.shape_cast %and3A : vector<16xi32> to vector<1x16xi32>
    tpu.vector_store %arg7[%swap3A_33, %swap3A_34], %swap3A_37 {strides = array<i32>} : memref<2x128xi32, #tpu.memory_space<vmem>>, vector<1x16xi32>,
    %shift_right_logical3A = arith.constant 16 : i32
    %shift_right_logical3A_38 = vector.broadcast %shift_right_logical3A : i32 to vector<16xi32>
    %shift_right_logical3A_39 = arith.shrui %get3A_32, %shift_right_logical3A_38 : vector<16xi32>
    %swap3A_40 = arith.constant 0 : i32
    %swap3A_41 = arith.index_cast %swap3A_40 : i32 to index
    %swap3A_42 = arith.constant 0 : index
    %swap3A_43 = tpu.vector_load %arg8[%swap3A_41, %swap3A_42] {strides = array<i32>} : memref<2x128xi32, #tpu.memory_space<vmem>>, vector<1x16xi32>,
    %swap3A_44 = vector.shape_cast %swap3A_43 : vector<1x16xi32> to vector<16xi32>
    %swap3A_45 = vector.shape_cast %shift_right_logical3A_39 : vector<16xi32> to vector<1x16xi32>
    tpu.vector_store %arg8[%swap3A_41, %swap3A_42], %swap3A_45 {strides = array<i32>} : memref<2x128xi32, #tpu.memory_space<vmem>>, vector<1x16xi32>,
    %get3A_46 = arith.constant 0 : i32
    %get3A_47 = arith.index_cast %get3A_46 : i32 to index
    %get3A_48 = arith.constant 16 : index
    %get3A_49 = tpu.vector_load %arg6[%get3A_47, %get3A_48] {strides = array<i32>} : memref<80x128xi32, #tpu.memory_space<vmem>>, vector<1x16xi32>,
    %get3A_50 = vector.shape_cast %get3A_49 : vector<1x16xi32> to vector<16xi32>
    %and3A_51 = arith.andi %get3A_50, %broadcast_in_dim3A_28 : vector<16xi32>
    %swap3A_52 = arith.constant 0 : i32
    %swap3A_53 = arith.index_cast %swap3A_52 : i32 to index
    %swap3A_54 = arith.constant 16 : index
    %swap3A_55 = tpu.vector_load %arg7[%swap3A_53, %swap3A_54] {strides = array<i32>} : memref<2x128xi32, #tpu.memory_space<vmem>>, vector<1x16xi32>,
    %swap3A_56 = vector.shape_cast %swap3A_55 : vector<1x16xi32> to vector<16xi32>
    %swap3A_57 = vector.shape_cast %and3A_51 : vector<16xi32> to vector<1x16xi32>
    tpu.vector_store %arg7[%swap3A_53, %swap3A_54], %swap3A_57 {strides = array<i32>} : memref<2x128xi32, #tpu.memory_space<vmem>>, vector<1x16xi32>,
    %shift_right_logical3A_58 = arith.constant 16 : i32
    %shift_right_logical3A_59 = vector.broadcast %shift_right_logical3A_58 : i32 to vector<16xi32>
    %shift_right_logical3A_60 = arith.shrui %get3A_50, %shift_right_logical3A_59 : vector<16xi32>
    %swap3A_61 = arith.constant 0 : i32
    %swap3A_62 = arith.index_cast %swap3A_61 : i32 to index
    %swap3A_63 = arith.constant 16 : index
    %swap3A_64 = tpu.vector_load %arg8[%swap3A_62, %swap3A_63] {strides = array<i32>} : memref<2x128xi32, #tpu.memory_space<vmem>>, vector<1x16xi32>,
    %swap3A_65 = vector.shape_cast %swap3A_64 : vector<1x16xi32> to vector<16xi32>
    %swap3A_66 = vector.shape_cast %shift_right_logical3A_60 : vector<16xi32> to vector<1x16xi32>
    tpu.vector_store %arg8[%swap3A_62, %swap3A_63], %swap3A_66 {strides = array<i32>} : memref<2x128xi32, #tpu.memory_space<vmem>>, vector<1x16xi32>,
    %get3A_67 = arith.constant 0 : i32
    %get3A_68 = arith.index_cast %get3A_67 : i32 to index
    %get3A_69 = arith.constant 32 : index
    %get3A_70 = tpu.vector_load %arg6[%get3A_68, %get3A_69] {strides = array<i32>} : memref<80x128xi32, #tpu.memory_space<vmem>>, vector<1x16xi32>,
    %get3A_71 = vector.shape_cast %get3A_70 : vector<1x16xi32> to vector<16xi32>
    %and3A_72 = arith.andi %get3A_71, %broadcast_in_dim3A_28 : vector<16xi32>
    %swap3A_73 = arith.constant 0 : i32
    %swap3A_74 = arith.index_cast %swap3A_73 : i32 to index
    %swap3A_75 = arith.constant 32 : index
    %swap3A_76 = tpu.vector_load %arg7[%swap3A_74, %swap3A_75] {strides = array<i32>} : memref<2x128xi32, #tpu.memory_space<vmem>>, vector<1x16xi32>,
    %swap3A_77 = vector.shape_cast %swap3A_76 : vector<1x16xi32> to vector<16xi32>
    %swap3A_78 = vector.shape_cast %and3A_72 : vector<16xi32> to vector<1x16xi32>
    tpu.vector_store %arg7[%swap3A_74, %swap3A_75], %swap3A_78 {strides = array<i32>} : memref<2x128xi32, #tpu.memory_space<vmem>>, vector<1x16xi32>,
    %shift_right_logical3A_79 = arith.constant 16 : i32
    %shift_right_logical3A_80 = vector.broadcast %shift_right_logical3A_79 : i32 to vector<16xi32>
    %shift_right_logical3A_81 = arith.shrui %get3A_71, %shift_right_logical3A_80 : vector<16xi32>
    %swap3A_82 = arith.constant 0 : i32
    %swap3A_83 = arith.index_cast %swap3A_82 : i32 to index
    %swap3A_84 = arith.constant 32 : index
    %swap3A_85 = tpu.vector_load %arg8[%swap3A_83, %swap3A_84] {strides = array<i32>} : memref<2x128xi32, #tpu.memory_space<vmem>>, vector<1x16xi32>,
    %swap3A_86 = vector.shape_cast %swap3A_85 : vector<1x16xi32> to vector<16xi32>
    %swap3A_87 = vector.shape_cast %shift_right_logical3A_81 : vector<16xi32> to vector<1x16xi32>
    tpu.vector_store %arg8[%swap3A_83, %swap3A_84], %swap3A_87 {strides = array<i32>} : memref<2x128xi32, #tpu.memory_space<vmem>>, vector<1x16xi32>,
    %get3A_88 = arith.constant 0 : i32
    %get3A_89 = arith.index_cast %get3A_88 : i32 to index
    %get3A_90 = arith.constant 48 : index
    %get3A_91 = tpu.vector_load %arg6[%get3A_89, %get3A_90] {strides = array<i32>} : memref<80x128xi32, #tpu.memory_space<vmem>>, vector<1x16xi32>,
    %get3A_92 = vector.shape_cast %get3A_91 : vector<1x16xi32> to vector<16xi32>
    %and3A_93 = arith.andi %get3A_92, %broadcast_in_dim3A_28 : vector<16xi32>
    %swap3A_94 = arith.constant 0 : i32
    %swap3A_95 = arith.index_cast %swap3A_94 : i32 to index
    %swap3A_96 = arith.constant 48 : index
    %swap3A_97 = tpu.vector_load %arg7[%swap3A_95, %swap3A_96] {strides = array<i32>} : memref<2x128xi32, #tpu.memory_space<vmem>>, vector<1x16xi32>,
    %swap3A_98 = vector.shape_cast %swap3A_97 : vector<1x16xi32> to vector<16xi32>
    %swap3A_99 = vector.shape_cast %and3A_93 : vector<16xi32> to vector<1x16xi32>
    tpu.vector_store %arg7[%swap3A_95, %swap3A_96], %swap3A_99 {strides = array<i32>} : memref<2x128xi32, #tpu.memory_space<vmem>>, vector<1x16xi32>,
    %shift_right_logical3A_100 = arith.constant 16 : i32
    %shift_right_logical3A_101 = vector.broadcast %shift_right_logical3A_100 : i32 to vector<16xi32>
    %shift_right_logical3A_102 = arith.shrui %get3A_92, %shift_right_logical3A_101 : vector<16xi32>
    %swap3A_103 = arith.constant 0 : i32
    %swap3A_104 = arith.index_cast %swap3A_103 : i32 to index
    %swap3A_105 = arith.constant 48 : index
    %swap3A_106 = tpu.vector_load %arg8[%swap3A_104, %swap3A_105] {strides = array<i32>} : memref<2x128xi32, #tpu.memory_space<vmem>>, vector<1x16xi32>,
    %swap3A_107 = vector.shape_cast %swap3A_106 : vector<1x16xi32> to vector<16xi32>
    %swap3A_108 = vector.shape_cast %shift_right_logical3A_102 : vector<16xi32> to vector<1x16xi32>
    tpu.vector_store %arg8[%swap3A_104, %swap3A_105], %swap3A_108 {strides = array<i32>} : memref<2x128xi32, #tpu.memory_space<vmem>>, vector<1x16xi32>,
    %get3A_109 = arith.constant 0 : i32
    %get3A_110 = arith.index_cast %get3A_109 : i32 to index
    %get3A_111 = arith.constant 64 : index
    %get3A_112 = tpu.vector_load %arg6[%get3A_110, %get3A_111] {strides = array<i32>} : memref<80x128xi32, #tpu.memory_space<vmem>>, vector<1x16xi32>,
    %get3A_113 = vector.shape_cast %get3A_112 : vector<1x16xi32> to vector<16xi32>
    %and3A_114 = arith.andi %get3A_113, %broadcast_in_dim3A_28 : vector<16xi32>
    %swap3A_115 = arith.constant 0 : i32
    %swap3A_116 = arith.index_cast %swap3A_115 : i32 to index
    %swap3A_117 = arith.constant 64 : index
    %swap3A_118 = tpu.vector_load %arg7[%swap3A_116, %swap3A_117] {strides = array<i32>} : memref<2x128xi32, #tpu.memory_space<vmem>>, vector<1x16xi32>,
    %swap3A_119 = vector.shape_cast %swap3A_118 : vector<1x16xi32> to vector<16xi32>
    %swap3A_120 = vector.shape_cast %and3A_114 : vector<16xi32> to vector<1x16xi32>
    tpu.vector_store %arg7[%swap3A_116, %swap3A_117], %swap3A_120 {strides = array<i32>} : memref<2x128xi32, #tpu.memory_space<vmem>>, vector<1x16xi32>,
    %shift_right_logical3A_121 = arith.constant 16 : i32
    %shift_right_logical3A_122 = vector.broadcast %shift_right_logical3A_121 : i32 to vector<16xi32>
    %shift_right_logical3A_123 = arith.shrui %get3A_113, %shift_right_logical3A_122 : vector<16xi32>
    %swap3A_124 = arith.constant 0 : i32
    %swap3A_125 = arith.index_cast %swap3A_124 : i32 to index
    %swap3A_126 = arith.constant 64 : index
    %swap3A_127 = tpu.vector_load %arg8[%swap3A_125, %swap3A_126] {strides = array<i32>} : memref<2x128xi32, #tpu.memory_space<vmem>>, vector<1x16xi32>,
    %swap3A_128 = vector.shape_cast %swap3A_127 : vector<1x16xi32> to vector<16xi32>
    %swap3A_129 = vector.shape_cast %shift_right_logical3A_123 : vector<16xi32> to vector<1x16xi32>
    tpu.vector_store %arg8[%swap3A_125, %swap3A_126], %swap3A_129 {strides = array<i32>} : memref<2x128xi32, #tpu.memory_space<vmem>>, vector<1x16xi32>,
    %get3A_130 = arith.constant 0 : i32
    %get3A_131 = arith.index_cast %get3A_130 : i32 to index
    %get3A_132 = arith.constant 80 : index
    %get3A_133 = tpu.vector_load %arg6[%get3A_131, %get3A_132] {strides = array<i32>} : memref<80x128xi32, #tpu.memory_space<vmem>>, vector<1x16xi32>,
    %get3A_134 = vector.shape_cast %get3A_133 : vector<1x16xi32> to vector<16xi32>
    %and3A_135 = arith.andi %get3A_134, %broadcast_in_dim3A_28 : vector<16xi32>
    %swap3A_136 = arith.constant 0 : i32
    %swap3A_137 = arith.index_cast %swap3A_136 : i32 to index
    %swap3A_138 = arith.constant 80 : index
    %swap3A_139 = tpu.vector_load %arg7[%swap3A_137, %swap3A_138] {strides = array<i32>} : memref<2x128xi32, #tpu.memory_space<vmem>>, vector<1x16xi32>,
    %swap3A_140 = vector.shape_cast %swap3A_139 : vector<1x16xi32> to vector<16xi32>
    %swap3A_141 = vector.shape_cast %and3A_135 : vector<16xi32> to vector<1x16xi32>
    tpu.vector_store %arg7[%swap3A_137, %swap3A_138], %swap3A_141 {strides = array<i32>} : memref<2x128xi32, #tpu.memory_space<vmem>>, vector<1x16xi32>,
    %shift_right_logical3A_142 = arith.constant 16 : i32
    %shift_right_logical3A_143 = vector.broadcast %shift_right_logical3A_142 : i32 to vector<16xi32>
    %shift_right_logical3A_144 = arith.shrui %get3A_134, %shift_right_logical3A_143 : vector<16xi32>
    %swap3A_145 = arith.constant 0 : i32
    %swap3A_146 = arith.index_cast %swap3A_145 : i32 to index
    %swap3A_147 = arith.constant 80 : index
    %swap3A_148 = tpu.vector_load %arg8[%swap3A_146, %swap3A_147] {strides = array<i32>} : memref<2x128xi32, #tpu.memory_space<vmem>>, vector<1x16xi32>,
    %swap3A_149 = vector.shape_cast %swap3A_148 : vector<1x16xi32> to vector<16xi32>
    %swap3A_150 = vector.shape_cast %shift_right_logical3A_144 : vector<16xi32> to vector<1x16xi32>
    tpu.vector_store %arg8[%swap3A_146, %swap3A_147], %swap3A_150 {strides = array<i32>} : memref<2x128xi32, #tpu.memory_space<vmem>>, vector<1x16xi32>,
    %get3A_151 = arith.constant 0 : i32
    %get3A_152 = arith.index_cast %get3A_151 : i32 to index
    %get3A_153 = arith.constant 96 : index
    %get3A_154 = tpu.vector_load %arg6[%get3A_152, %get3A_153] {strides = array<i32>} : memref<80x128xi32, #tpu.memory_space<vmem>>, vector<1x16xi32>,
    %get3A_155 = vector.shape_cast %get3A_154 : vector<1x16xi32> to vector<16xi32>
    %and3A_156 = arith.andi %get3A_155, %broadcast_in_dim3A_28 : vector<16xi32>
    %swap3A_157 = arith.constant 0 : i32
    %swap3A_158 = arith.index_cast %swap3A_157 : i32 to index
    %swap3A_159 = arith.constant 96 : index
    %swap3A_160 = tpu.vector_load %arg7[%swap3A_158, %swap3A_159] {strides = array<i32>} : memref<2x128xi32, #tpu.memory_space<vmem>>, vector<1x16xi32>,
    %swap3A_161 = vector.shape_cast %swap3A_160 : vector<1x16xi32> to vector<16xi32>
    %swap3A_162 = vector.shape_cast %and3A_156 : vector<16xi32> to vector<1x16xi32>
    tpu.vector_store %arg7[%swap3A_158, %swap3A_159], %swap3A_162 {strides = array<i32>} : memref<2x128xi32, #tpu.memory_space<vmem>>, vector<1x16xi32>,
    %shift_right_logical3A_163 = arith.constant 16 : i32
    %shift_right_logical3A_164 = vector.broadcast %shift_right_logical3A_163 : i32 to vector<16xi32>
    %shift_right_logical3A_165 = arith.shrui %get3A_155, %shift_right_logical3A_164 : vector<16xi32>
    %swap3A_166 = arith.constant 0 : i32
    %swap3A_167 = arith.index_cast %swap3A_166 : i32 to index
    %swap3A_168 = arith.constant 96 : index
    %swap3A_169 = tpu.vector_load %arg8[%swap3A_167, %swap3A_168] {strides = array<i32>} : memref<2x128xi32, #tpu.memory_space<vmem>>, vector<1x16xi32>,
    %swap3A_170 = vector.shape_cast %swap3A_169 : vector<1x16xi32> to vector<16xi32>
    %swap3A_171 = vector.shape_cast %shift_right_logical3A_165 : vector<16xi32> to vector<1x16xi32>
    tpu.vector_store %arg8[%swap3A_167, %swap3A_168], %swap3A_171 {strides = array<i32>} : memref<2x128xi32, #tpu.memory_space<vmem>>, vector<1x16xi32>,
    %get3A_172 = arith.constant 0 : i32
    %get3A_173 = arith.index_cast %get3A_172 : i32 to index
    %get3A_174 = arith.constant 112 : index
    %get3A_175 = tpu.vector_load %arg6[%get3A_173, %get3A_174] {strides = array<i32>} : memref<80x128xi32, #tpu.memory_space<vmem>>, vector<1x16xi32>,
    %get3A_176 = vector.shape_cast %get3A_175 : vector<1x16xi32> to vector<16xi32>
    %and3A_177 = arith.andi %get3A_176, %broadcast_in_dim3A_28 : vector<16xi32>
    %swap3A_178 = arith.constant 0 : i32
    %swap3A_179 = arith.index_cast %swap3A_178 : i32 to index
    %swap3A_180 = arith.constant 112 : index
    %swap3A_181 = tpu.vector_load %arg7[%swap3A_179, %swap3A_180] {strides = array<i32>} : memref<2x128xi32, #tpu.memory_space<vmem>>, vector<1x16xi32>,
    %swap3A_182 = vector.shape_cast %swap3A_181 : vector<1x16xi32> to vector<16xi32>
    %swap3A_183 = vector.shape_cast %and3A_177 : vector<16xi32> to vector<1x16xi32>
    tpu.vector_store %arg7[%swap3A_179, %swap3A_180], %swap3A_183 {strides = array<i32>} : memref<2x128xi32, #tpu.memory_space<vmem>>, vector<1x16xi32>,
    %shift_right_logical3A_184 = arith.constant 16 : i32
    %shift_right_logical3A_185 = vector.broadcast %shift_right_logical3A_184 : i32 to vector<16xi32>
    %shift_right_logical3A_186 = arith.shrui %get3A_176, %shift_right_logical3A_185 : vector<16xi32>
    %swap3A_187 = arith.constant 0 : i32
    %swap3A_188 = arith.index_cast %swap3A_187 : i32 to index
    %swap3A_189 = arith.constant 112 : index
    %swap3A_190 = tpu.vector_load %arg8[%swap3A_188, %swap3A_189] {strides = array<i32>} : memref<2x128xi32, #tpu.memory_space<vmem>>, vector<1x16xi32>,
    %swap3A_191 = vector.shape_cast %swap3A_190 : vector<1x16xi32> to vector<16xi32>
    %swap3A_192 = vector.shape_cast %shift_right_logical3A_186 : vector<16xi32> to vector<1x16xi32>
    tpu.vector_store %arg8[%swap3A_188, %swap3A_189], %swap3A_192 {strides = array<i32>} : memref<2x128xi32, #tpu.memory_space<vmem>>, vector<1x16xi32>,
    %dma_start3A = arith.constant 0 : i32
    %dma_start3A_193 = arith.constant 0 : i32
    %dma_start3A_194 = tpu.memref_slice %arg7[%dma_start3A, %dma_start3A_193] : memref<2x128xi32, #tpu.memory_space<vmem>> -> memref<1x128xi32, #tpu.memory_space<vmem>>
    %dma_start3A_195 = tpu.memref_squeeze %dma_start3A_194 : memref<1x128xi32, #tpu.memory_space<vmem>> -> memref<128xi32, #tpu.memory_space<vmem>>
    %dma_start3A_196 = arith.constant 0 : i32
    %dma_start3A_197 = arith.constant 0 : i32
    %dma_start3A_198 = tpu.memref_slice %arg2[%dma_start3A_196, %dma_start3A_197] : memref<10000x128xf32, #tpu.memory_space<hbm>> -> memref<10000x128xf32, #tpu.memory_space<hbm>>
    tpu.enqueue_indirect_dma source(%dma_start3A_198 : memref<10000x128xf32, #tpu.memory_space<hbm>>) target(%arg10 : memref<128x128xf32, #tpu.memory_space<vmem>>) offsets(%dma_start3A_195 : memref<128xi32, #tpu.memory_space<vmem>>) semaphore(%arg13 : memref<!tpu.dma_semaphore, #tpu.memory_space<semaphore_mem>>)
    %dma_start3A_199 = arith.constant 0 : i32
    %dma_start3A_200 = arith.constant 0 : i32
    %dma_start3A_201 = arith.constant 0 : i32
    %dma_start3A_202 = tpu.memref_slice %arg9[%dma_start3A_200, %dma_start3A_201] : memref<2x128xf32, #tpu.memory_space<vmem>> -> memref<1x128xf32, #tpu.memory_space<vmem>>
    %dma_start3A_203 = tpu.memref_squeeze %dma_start3A_202 : memref<1x128xf32, #tpu.memory_space<vmem>> -> memref<128xf32, #tpu.memory_space<vmem>>
    %dma_start3A_204 = arith.constant 0 : i32
    %dma_start3A_205 = arith.constant 0 : i32
    %dma_start3A_206 = tpu.memref_slice %arg4[%add3A, %dma_start3A_204, %dma_start3A_205] : memref<32x80x128xf32, #tpu.memory_space<hbm>> -> memref<1x80x128xf32, #tpu.memory_space<hbm>>
    %dma_start3A_207 = tpu.memref_squeeze %dma_start3A_206 : memref<1x80x128xf32, #tpu.memory_space<hbm>> -> memref<80x128xf32, #tpu.memory_space<hbm>>
    %dma_start3A_208 = arith.constant 0 : i32
    %dma_start3A_209 = tpu.memref_slice %dma_start3A_207[%dma_start3A_199, %dma_start3A_208] : memref<80x128xf32, #tpu.memory_space<hbm>> -> memref<1x128xf32, #tpu.memory_space<hbm>>
    %dma_start3A_210 = tpu.memref_squeeze %dma_start3A_209 : memref<1x128xf32, #tpu.memory_space<hbm>> -> memref<128xf32, #tpu.memory_space<hbm>>
    %dma_start3A_211 = arith.constant 0 : i32
    %dma_start3A_212 = tpu.memref_slice %arg9[%dma_start3A_200, %dma_start3A_211] : memref<2x128xf32, #tpu.memory_space<vmem>> -> memref<1x128xf32, #tpu.memory_space<vmem>>
    %dma_start3A_213 = tpu.memref_squeeze %dma_start3A_212 : memref<1x128xf32, #tpu.memory_space<vmem>> -> memref<128xf32, #tpu.memory_space<vmem>>
    %dma_start3A_214 = arith.constant 0 : i32
    %dma_start3A_215 = arith.constant 0 : i32
    %dma_start3A_216 = tpu.memref_slice %arg4[%add3A, %dma_start3A_214, %dma_start3A_215] : memref<32x80x128xf32, #tpu.memory_space<hbm>> -> memref<1x80x128xf32, #tpu.memory_space<hbm>>
    %dma_start3A_217 = tpu.memref_squeeze %dma_start3A_216 : memref<1x80x128xf32, #tpu.memory_space<hbm>> -> memref<80x128xf32, #tpu.memory_space<hbm>>
    %dma_start3A_218 = arith.constant 0 : i32
    %dma_start3A_219 = tpu.memref_slice %dma_start3A_217[%dma_start3A_199, %dma_start3A_218] : memref<80x128xf32, #tpu.memory_space<hbm>> -> memref<1x128xf32, #tpu.memory_space<hbm>>
    %dma_start3A_220 = tpu.memref_squeeze %dma_start3A_219 : memref<1x128xf32, #tpu.memory_space<hbm>> -> memref<128xf32, #tpu.memory_space<hbm>>
    tpu.enqueue_dma source(%dma_start3A_220 : memref<128xf32, #tpu.memory_space<hbm>>) target(%dma_start3A_213 : memref<128xf32, #tpu.memory_space<vmem>>) target_semaphore(%arg15 : memref<!tpu.dma_semaphore, #tpu.memory_space<semaphore_mem>>)
    %get3A_221 = arith.constant 1 : i32
    %get3A_222 = arith.index_cast %get3A_221 : i32 to index
    %get3A_223 = arith.constant 0 : index
    %get3A_224 = tpu.vector_load %arg6[%get3A_222, %get3A_223] {strides = array<i32>} : memref<80x128xi32, #tpu.memory_space<vmem>>, vector<1x16xi32>,
    %get3A_225 = vector.shape_cast %get3A_224 : vector<1x16xi32> to vector<16xi32>
    %and3A_226 = arith.andi %get3A_225, %broadcast_in_dim3A_28 : vector<16xi32>
    %swap3A_227 = arith.constant 1 : i32
    %swap3A_228 = arith.index_cast %swap3A_227 : i32 to index
    %swap3A_229 = arith.constant 0 : index
    %swap3A_230 = tpu.vector_load %arg7[%swap3A_228, %swap3A_229] {strides = array<i32>} : memref<2x128xi32, #tpu.memory_space<vmem>>, vector<1x16xi32>,
    %swap3A_231 = vector.shape_cast %swap3A_230 : vector<1x16xi32> to vector<16xi32>
    %swap3A_232 = vector.shape_cast %and3A_226 : vector<16xi32> to vector<1x16xi32>
    tpu.vector_store %arg7[%swap3A_228, %swap3A_229], %swap3A_232 {strides = array<i32>} : memref<2x128xi32, #tpu.memory_space<vmem>>, vector<1x16xi32>,
    %shift_right_logical3A_233 = arith.constant 16 : i32
    %shift_right_logical3A_234 = vector.broadcast %shift_right_logical3A_233 : i32 to vector<16xi32>
    %shift_right_logical3A_235 = arith.shrui %get3A_225, %shift_right_logical3A_234 : vector<16xi32>
    %swap3A_236 = arith.constant 1 : i32
    %swap3A_237 = arith.index_cast %swap3A_236 : i32 to index
    %swap3A_238 = arith.constant 0 : index
    %swap3A_239 = tpu.vector_load %arg8[%swap3A_237, %swap3A_238] {strides = array<i32>} : memref<2x128xi32, #tpu.memory_space<vmem>>, vector<1x16xi32>,
    %swap3A_240 = vector.shape_cast %swap3A_239 : vector<1x16xi32> to vector<16xi32>
    %swap3A_241 = vector.shape_cast %shift_right_logical3A_235 : vector<16xi32> to vector<1x16xi32>
    tpu.vector_store %arg8[%swap3A_237, %swap3A_238], %swap3A_241 {strides = array<i32>} : memref<2x128xi32, #tpu.memory_space<vmem>>, vector<1x16xi32>,
    %get3A_242 = arith.constant 1 : i32
    %get3A_243 = arith.index_cast %get3A_242 : i32 to index
    %get3A_244 = arith.constant 16 : index
    %get3A_245 = tpu.vector_load %arg6[%get3A_243, %get3A_244] {strides = array<i32>} : memref<80x128xi32, #tpu.memory_space<vmem>>, vector<1x16xi32>,
    %get3A_246 = vector.shape_cast %get3A_245 : vector<1x16xi32> to vector<16xi32>
    %and3A_247 = arith.andi %get3A_246, %broadcast_in_dim3A_28 : vector<16xi32>
    %swap3A_248 = arith.constant 1 : i32
    %swap3A_249 = arith.index_cast %swap3A_248 : i32 to index
    %swap3A_250 = arith.constant 16 : index
    %swap3A_251 = tpu.vector_load %arg7[%swap3A_249, %swap3A_250] {strides = array<i32>} : memref<2x128xi32, #tpu.memory_space<vmem>>, vector<1x16xi32>,
    %swap3A_252 = vector.shape_cast %swap3A_251 : vector<1x16xi32> to vector<16xi32>
    %swap3A_253 = vector.shape_cast %and3A_247 : vector<16xi32> to vector<1x16xi32>
    tpu.vector_store %arg7[%swap3A_249, %swap3A_250], %swap3A_253 {strides = array<i32>} : memref<2x128xi32, #tpu.memory_space<vmem>>, vector<1x16xi32>,
    %shift_right_logical3A_254 = arith.constant 16 : i32
    %shift_right_logical3A_255 = vector.broadcast %shift_right_logical3A_254 : i32 to vector<16xi32>
    %shift_right_logical3A_256 = arith.shrui %get3A_246, %shift_right_logical3A_255 : vector<16xi32>
    %swap3A_257 = arith.constant 1 : i32
    %swap3A_258 = arith.index_cast %swap3A_257 : i32 to index
    %swap3A_259 = arith.constant 16 : index
    %swap3A_260 = tpu.vector_load %arg8[%swap3A_258, %swap3A_259] {strides = array<i32>} : memref<2x128xi32, #tpu.memory_space<vmem>>, vector<1x16xi32>,
    %swap3A_261 = vector.shape_cast %swap3A_260 : vector<1x16xi32> to vector<16xi32>
    %swap3A_262 = vector.shape_cast %shift_right_logical3A_256 : vector<16xi32> to vector<1x16xi32>
    tpu.vector_store %arg8[%swap3A_258, %swap3A_259], %swap3A_262 {strides = array<i32>} : memref<2x128xi32, #tpu.memory_space<vmem>>, vector<1x16xi32>,
    %get3A_263 = arith.constant 1 : i32
    %get3A_264 = arith.index_cast %get3A_263 : i32 to index
    %get3A_265 = arith.constant 32 : index
    %get3A_266 = tpu.vector_load %arg6[%get3A_264, %get3A_265] {strides = array<i32>} : memref<80x128xi32, #tpu.memory_space<vmem>>, vector<1x16xi32>,
    %get3A_267 = vector.shape_cast %get3A_266 : vector<1x16xi32> to vector<16xi32>
    %and3A_268 = arith.andi %get3A_267, %broadcast_in_dim3A_28 : vector<16xi32>
    %swap3A_269 = arith.constant 1 : i32
    %swap3A_270 = arith.index_cast %swap3A_269 : i32 to index
    %swap3A_271 = arith.constant 32 : index
    %swap3A_272 = tpu.vector_load %arg7[%swap3A_270, %swap3A_271] {strides = array<i32>} : memref<2x128xi32, #tpu.memory_space<vmem>>, vector<1x16xi32>,
    %swap3A_273 = vector.shape_cast %swap3A_272 : vector<1x16xi32> to vector<16xi32>
    %swap3A_274 = vector.shape_cast %and3A_268 : vector<16xi32> to vector<1x16xi32>
    tpu.vector_store %arg7[%swap3A_270, %swap3A_271], %swap3A_274 {strides = array<i32>} : memref<2x128xi32, #tpu.memory_space<vmem>>, vector<1x16xi32>,
    %shift_right_logical3A_275 = arith.constant 16 : i32
    %shift_right_logical3A_276 = vector.broadcast %shift_right_logical3A_275 : i32 to vector<16xi32>
    %shift_right_logical3A_277 = arith.shrui %get3A_267, %shift_right_logical3A_276 : vector<16xi32>
    %swap3A_278 = arith.constant 1 : i32
    %swap3A_279 = arith.index_cast %swap3A_278 : i32 to index
    %swap3A_280 = arith.constant 32 : index
    %swap3A_281 = tpu.vector_load %arg8[%swap3A_279, %swap3A_280] {strides = array<i32>} : memref<2x128xi32, #tpu.memory_space<vmem>>, vector<1x16xi32>,
    %swap3A_282 = vector.shape_cast %swap3A_281 : vector<1x16xi32> to vector<16xi32>
    %swap3A_283 = vector.shape_cast %shift_right_logical3A_277 : vector<16xi32> to vector<1x16xi32>
    tpu.vector_store %arg8[%swap3A_279, %swap3A_280], %swap3A_283 {strides = array<i32>} : memref<2x128xi32, #tpu.memory_space<vmem>>, vector<1x16xi32>,
    %get3A_284 = arith.constant 1 : i32
    %get3A_285 = arith.index_cast %get3A_284 : i32 to index
    %get3A_286 = arith.constant 48 : index
    %get3A_287 = tpu.vector_load %arg6[%get3A_285, %get3A_286] {strides = array<i32>} : memref<80x128xi32, #tpu.memory_space<vmem>>, vector<1x16xi32>,
    %get3A_288 = vector.shape_cast %get3A_287 : vector<1x16xi32> to vector<16xi32>
    %and3A_289 = arith.andi %get3A_288, %broadcast_in_dim3A_28 : vector<16xi32>
    %swap3A_290 = arith.constant 1 : i32
    %swap3A_291 = arith.index_cast %swap3A_290 : i32 to index
    %swap3A_292 = arith.constant 48 : index
    %swap3A_293 = tpu.vector_load %arg7[%swap3A_291, %swap3A_292] {strides = array<i32>} : memref<2x128xi32, #tpu.memory_space<vmem>>, vector<1x16xi32>,
    %swap3A_294 = vector.shape_cast %swap3A_293 : vector<1x16xi32> to vector<16xi32>
    %swap3A_295 = vector.shape_cast %and3A_289 : vector<16xi32> to vector<1x16xi32>
    tpu.vector_store %arg7[%swap3A_291, %swap3A_292], %swap3A_295 {strides = array<i32>} : memref<2x128xi32, #tpu.memory_space<vmem>>, vector<1x16xi32>,
    %shift_right_logical3A_296 = arith.constant 16 : i32
    %shift_right_logical3A_297 = vector.broadcast %shift_right_logical3A_296 : i32 to vector<16xi32>
    %shift_right_logical3A_298 = arith.shrui %get3A_288, %shift_right_logical3A_297 : vector<16xi32>
    %swap3A_299 = arith.constant 1 : i32
    %swap3A_300 = arith.index_cast %swap3A_299 : i32 to index
    %swap3A_301 = arith.constant 48 : index
    %swap3A_302 = tpu.vector_load %arg8[%swap3A_300, %swap3A_301] {strides = array<i32>} : memref<2x128xi32, #tpu.memory_space<vmem>>, vector<1x16xi32>,
    %swap3A_303 = vector.shape_cast %swap3A_302 : vector<1x16xi32> to vector<16xi32>
    %swap3A_304 = vector.shape_cast %shift_right_logical3A_298 : vector<16xi32> to vector<1x16xi32>
    tpu.vector_store %arg8[%swap3A_300, %swap3A_301], %swap3A_304 {strides = array<i32>} : memref<2x128xi32, #tpu.memory_space<vmem>>, vector<1x16xi32>,
    %get3A_305 = arith.constant 1 : i32
    %get3A_306 = arith.index_cast %get3A_305 : i32 to index
    %get3A_307 = arith.constant 64 : index
    %get3A_308 = tpu.vector_load %arg6[%get3A_306, %get3A_307] {strides = array<i32>} : memref<80x128xi32, #tpu.memory_space<vmem>>, vector<1x16xi32>,
    %get3A_309 = vector.shape_cast %get3A_308 : vector<1x16xi32> to vector<16xi32>
    %and3A_310 = arith.andi %get3A_309, %broadcast_in_dim3A_28 : vector<16xi32>
    %swap3A_311 = arith.constant 1 : i32
    %swap3A_312 = arith.index_cast %swap3A_311 : i32 to index
    %swap3A_313 = arith.constant 64 : index
    %swap3A_314 = tpu.vector_load %arg7[%swap3A_312, %swap3A_313] {strides = array<i32>} : memref<2x128xi32, #tpu.memory_space<vmem>>, vector<1x16xi32>,
    %swap3A_315 = vector.shape_cast %swap3A_314 : vector<1x16xi32> to vector<16xi32>
    %swap3A_316 = vector.shape_cast %and3A_310 : vector<16xi32> to vector<1x16xi32>
    tpu.vector_store %arg7[%swap3A_312, %swap3A_313], %swap3A_316 {strides = array<i32>} : memref<2x128xi32, #tpu.memory_space<vmem>>, vector<1x16xi32>,
    %shift_right_logical3A_317 = arith.constant 16 : i32
    %shift_right_logical3A_318 = vector.broadcast %shift_right_logical3A_317 : i32 to vector<16xi32>
    %shift_right_logical3A_319 = arith.shrui %get3A_309, %shift_right_logical3A_318 : vector<16xi32>
    %swap3A_320 = arith.constant 1 : i32
    %swap3A_321 = arith.index_cast %swap3A_320 : i32 to index
    %swap3A_322 = arith.constant 64 : index
    %swap3A_323 = tpu.vector_load %arg8[%swap3A_321, %swap3A_322] {strides = array<i32>} : memref<2x128xi32, #tpu.memory_space<vmem>>, vector<1x16xi32>,
    %swap3A_324 = vector.shape_cast %swap3A_323 : vector<1x16xi32> to vector<16xi32>
    %swap3A_325 = vector.shape_cast %shift_right_logical3A_319 : vector<16xi32> to vector<1x16xi32>
    tpu.vector_store %arg8[%swap3A_321, %swap3A_322], %swap3A_325 {strides = array<i32>} : memref<2x128xi32, #tpu.memory_space<vmem>>, vector<1x16xi32>,
    %get3A_326 = arith.constant 1 : i32
    %get3A_327 = arith.index_cast %get3A_326 : i32 to index
    %get3A_328 = arith.constant 80 : index
    %get3A_329 = tpu.vector_load %arg6[%get3A_327, %get3A_328] {strides = array<i32>} : memref<80x128xi32, #tpu.memory_space<vmem>>, vector<1x16xi32>,
    %get3A_330 = vector.shape_cast %get3A_329 : vector<1x16xi32> to vector<16xi32>
    %and3A_331 = arith.andi %get3A_330, %broadcast_in_dim3A_28 : vector<16xi32>
    %swap3A_332 = arith.constant 1 : i32
    %swap3A_333 = arith.index_cast %swap3A_332 : i32 to index
    %swap3A_334 = arith.constant 80 : index
    %swap3A_335 = tpu.vector_load %arg7[%swap3A_333, %swap3A_334] {strides = array<i32>} : memref<2x128xi32, #tpu.memory_space<vmem>>, vector<1x16xi32>,
    %swap3A_336 = vector.shape_cast %swap3A_335 : vector<1x16xi32> to vector<16xi32>
    %swap3A_337 = vector.shape_cast %and3A_331 : vector<16xi32> to vector<1x16xi32>
    tpu.vector_store %arg7[%swap3A_333, %swap3A_334], %swap3A_337 {strides = array<i32>} : memref<2x128xi32, #tpu.memory_space<vmem>>, vector<1x16xi32>,
    %shift_right_logical3A_338 = arith.constant 16 : i32
    %shift_right_logical3A_339 = vector.broadcast %shift_right_logical3A_338 : i32 to vector<16xi32>
    %shift_right_logical3A_340 = arith.shrui %get3A_330, %shift_right_logical3A_339 : vector<16xi32>
    %swap3A_341 = arith.constant 1 : i32
    %swap3A_342 = arith.index_cast %swap3A_341 : i32 to index
    %swap3A_343 = arith.constant 80 : index
    %swap3A_344 = tpu.vector_load %arg8[%swap3A_342, %swap3A_343] {strides = array<i32>} : memref<2x128xi32, #tpu.memory_space<vmem>>, vector<1x16xi32>,
    %swap3A_345 = vector.shape_cast %swap3A_344 : vector<1x16xi32> to vector<16xi32>
    %swap3A_346 = vector.shape_cast %shift_right_logical3A_340 : vector<16xi32> to vector<1x16xi32>
    tpu.vector_store %arg8[%swap3A_342, %swap3A_343], %swap3A_346 {strides = array<i32>} : memref<2x128xi32, #tpu.memory_space<vmem>>, vector<1x16xi32>,
    %get3A_347 = arith.constant 1 : i32
    %get3A_348 = arith.index_cast %get3A_347 : i32 to index
    %get3A_349 = arith.constant 96 : index
    %get3A_350 = tpu.vector_load %arg6[%get3A_348, %get3A_349] {strides = array<i32>} : memref<80x128xi32, #tpu.memory_space<vmem>>, vector<1x16xi32>,
    %get3A_351 = vector.shape_cast %get3A_350 : vector<1x16xi32> to vector<16xi32>
    %and3A_352 = arith.andi %get3A_351, %broadcast_in_dim3A_28 : vector<16xi32>
    %swap3A_353 = arith.constant 1 : i32
    %swap3A_354 = arith.index_cast %swap3A_353 : i32 to index
    %swap3A_355 = arith.constant 96 : index
    %swap3A_356 = tpu.vector_load %arg7[%swap3A_354, %swap3A_355] {strides = array<i32>} : memref<2x128xi32, #tpu.memory_space<vmem>>, vector<1x16xi32>,
    %swap3A_357 = vector.shape_cast %swap3A_356 : vector<1x16xi32> to vector<16xi32>
    %swap3A_358 = vector.shape_cast %and3A_352 : vector<16xi32> to vector<1x16xi32>
    tpu.vector_store %arg7[%swap3A_354, %swap3A_355], %swap3A_358 {strides = array<i32>} : memref<2x128xi32, #tpu.memory_space<vmem>>, vector<1x16xi32>,
    %shift_right_logical3A_359 = arith.constant 16 : i32
    %shift_right_logical3A_360 = vector.broadcast %shift_right_logical3A_359 : i32 to vector<16xi32>
    %shift_right_logical3A_361 = arith.shrui %get3A_351, %shift_right_logical3A_360 : vector<16xi32>
    %swap3A_362 = arith.constant 1 : i32
    %swap3A_363 = arith.index_cast %swap3A_362 : i32 to index
    %swap3A_364 = arith.constant 96 : index
    %swap3A_365 = tpu.vector_load %arg8[%swap3A_363, %swap3A_364] {strides = array<i32>} : memref<2x128xi32, #tpu.memory_space<vmem>>, vector<1x16xi32>,
    %swap3A_366 = vector.shape_cast %swap3A_365 : vector<1x16xi32> to vector<16xi32>
    %swap3A_367 = vector.shape_cast %shift_right_logical3A_361 : vector<16xi32> to vector<1x16xi32>
    tpu.vector_store %arg8[%swap3A_363, %swap3A_364], %swap3A_367 {strides = array<i32>} : memref<2x128xi32, #tpu.memory_space<vmem>>, vector<1x16xi32>,
    %get3A_368 = arith.constant 1 : i32
    %get3A_369 = arith.index_cast %get3A_368 : i32 to index
    %get3A_370 = arith.constant 112 : index
    %get3A_371 = tpu.vector_load %arg6[%get3A_369, %get3A_370] {strides = array<i32>} : memref<80x128xi32, #tpu.memory_space<vmem>>, vector<1x16xi32>,
    %get3A_372 = vector.shape_cast %get3A_371 : vector<1x16xi32> to vector<16xi32>
    %and3A_373 = arith.andi %get3A_372, %broadcast_in_dim3A_28 : vector<16xi32>
    %swap3A_374 = arith.constant 1 : i32
    %swap3A_375 = arith.index_cast %swap3A_374 : i32 to index
    %swap3A_376 = arith.constant 112 : index
    %swap3A_377 = tpu.vector_load %arg7[%swap3A_375, %swap3A_376] {strides = array<i32>} : memref<2x128xi32, #tpu.memory_space<vmem>>, vector<1x16xi32>,
    %swap3A_378 = vector.shape_cast %swap3A_377 : vector<1x16xi32> to vector<16xi32>
    %swap3A_379 = vector.shape_cast %and3A_373 : vector<16xi32> to vector<1x16xi32>
    tpu.vector_store %arg7[%swap3A_375, %swap3A_376], %swap3A_379 {strides = array<i32>} : memref<2x128xi32, #tpu.memory_space<vmem>>, vector<1x16xi32>,
    %shift_right_logical3A_380 = arith.constant 16 : i32
    %shift_right_logical3A_381 = vector.broadcast %shift_right_logical3A_380 : i32 to vector<16xi32>
    %shift_right_logical3A_382 = arith.shrui %get3A_372, %shift_right_logical3A_381 : vector<16xi32>
    %swap3A_383 = arith.constant 1 : i32
    %swap3A_384 = arith.index_cast %swap3A_383 : i32 to index
    %swap3A_385 = arith.constant 112 : index
    %swap3A_386 = tpu.vector_load %arg8[%swap3A_384, %swap3A_385] {strides = array<i32>} : memref<2x128xi32, #tpu.memory_space<vmem>>, vector<1x16xi32>,
    %swap3A_387 = vector.shape_cast %swap3A_386 : vector<1x16xi32> to vector<16xi32>
    %swap3A_388 = vector.shape_cast %shift_right_logical3A_382 : vector<16xi32> to vector<1x16xi32>
    tpu.vector_store %arg8[%swap3A_384, %swap3A_385], %swap3A_388 {strides = array<i32>} : memref<2x128xi32, #tpu.memory_space<vmem>>, vector<1x16xi32>,
    %dma_start3A_389 = arith.constant 1 : i32
    %dma_start3A_390 = arith.constant 0 : i32
    %dma_start3A_391 = tpu.memref_slice %arg7[%dma_start3A_389, %dma_start3A_390] : memref<2x128xi32, #tpu.memory_space<vmem>> -> memref<1x128xi32, #tpu.memory_space<vmem>>
    %dma_start3A_392 = tpu.memref_squeeze %dma_start3A_391 : memref<1x128xi32, #tpu.memory_space<vmem>> -> memref<128xi32, #tpu.memory_space<vmem>>
    %dma_start3A_393 = arith.constant 0 : i32
    %dma_start3A_394 = arith.constant 0 : i32
    %dma_start3A_395 = tpu.memref_slice %arg2[%dma_start3A_393, %dma_start3A_394] : memref<10000x128xf32, #tpu.memory_space<hbm>> -> memref<10000x128xf32, #tpu.memory_space<hbm>>
    tpu.enqueue_indirect_dma source(%dma_start3A_395 : memref<10000x128xf32, #tpu.memory_space<hbm>>) target(%arg11 : memref<128x128xf32, #tpu.memory_space<vmem>>) offsets(%dma_start3A_392 : memref<128xi32, #tpu.memory_space<vmem>>) semaphore(%arg14 : memref<!tpu.dma_semaphore, #tpu.memory_space<semaphore_mem>>)
    %dma_start3A_396 = arith.constant 1 : i32
    %dma_start3A_397 = arith.constant 1 : i32
    %dma_start3A_398 = arith.constant 0 : i32
    %dma_start3A_399 = tpu.memref_slice %arg9[%dma_start3A_397, %dma_start3A_398] : memref<2x128xf32, #tpu.memory_space<vmem>> -> memref<1x128xf32, #tpu.memory_space<vmem>>
    %dma_start3A_400 = tpu.memref_squeeze %dma_start3A_399 : memref<1x128xf32, #tpu.memory_space<vmem>> -> memref<128xf32, #tpu.memory_space<vmem>>
    %dma_start3A_401 = arith.constant 0 : i32
    %dma_start3A_402 = arith.constant 0 : i32
    %dma_start3A_403 = tpu.memref_slice %arg4[%add3A, %dma_start3A_401, %dma_start3A_402] : memref<32x80x128xf32, #tpu.memory_space<hbm>> -> memref<1x80x128xf32, #tpu.memory_space<hbm>>
    %dma_start3A_404 = tpu.memref_squeeze %dma_start3A_403 : memref<1x80x128xf32, #tpu.memory_space<hbm>> -> memref<80x128xf32, #tpu.memory_space<hbm>>
    %dma_start3A_405 = arith.constant 0 : i32
    %dma_start3A_406 = tpu.memref_slice %dma_start3A_404[%dma_start3A_396, %dma_start3A_405] : memref<80x128xf32, #tpu.memory_space<hbm>> -> memref<1x128xf32, #tpu.memory_space<hbm>>
    %dma_start3A_407 = tpu.memref_squeeze %dma_start3A_406 : memref<1x128xf32, #tpu.memory_space<hbm>> -> memref<128xf32, #tpu.memory_space<hbm>>
    %dma_start3A_408 = arith.constant 0 : i32
    %dma_start3A_409 = tpu.memref_slice %arg9[%dma_start3A_397, %dma_start3A_408] : memref<2x128xf32, #tpu.memory_space<vmem>> -> memref<1x128xf32, #tpu.memory_space<vmem>>
    %dma_start3A_410 = tpu.memref_squeeze %dma_start3A_409 : memref<1x128xf32, #tpu.memory_space<vmem>> -> memref<128xf32, #tpu.memory_space<vmem>>
    %dma_start3A_411 = arith.constant 0 : i32
    %dma_start3A_412 = arith.constant 0 : i32
    %dma_start3A_413 = tpu.memref_slice %arg4[%add3A, %dma_start3A_411, %dma_start3A_412] : memref<32x80x128xf32, #tpu.memory_space<hbm>> -> memref<1x80x128xf32, #tpu.memory_space<hbm>>
    %dma_start3A_414 = tpu.memref_squeeze %dma_start3A_413 : memref<1x80x128xf32, #tpu.memory_space<hbm>> -> memref<80x128xf32, #tpu.memory_space<hbm>>
    %dma_start3A_415 = arith.constant 0 : i32
    %dma_start3A_416 = tpu.memref_slice %dma_start3A_414[%dma_start3A_396, %dma_start3A_415] : memref<80x128xf32, #tpu.memory_space<hbm>> -> memref<1x128xf32, #tpu.memory_space<hbm>>
    %dma_start3A_417 = tpu.memref_squeeze %dma_start3A_416 : memref<1x128xf32, #tpu.memory_space<hbm>> -> memref<128xf32, #tpu.memory_space<hbm>>
    tpu.enqueue_dma source(%dma_start3A_417 : memref<128xf32, #tpu.memory_space<hbm>>) target(%dma_start3A_410 : memref<128xf32, #tpu.memory_space<vmem>>) target_semaphore(%arg16 : memref<!tpu.dma_semaphore, #tpu.memory_space<semaphore_mem>>)
    %scan3A_418 = arith.constant 0 : i32
    %scan3A_419 = arith.constant 0 : i32
    %scan3A_420 = arith.constant 40 : i32
    %scan3A_421 = arith.addi %scan3A_419, %scan3A_420 : i32
    %scan3A_422 = arith.constant 1 : i32
    scf.for %scan3A_429 = %scan3A_419 to %scan3A_421 step %scan3A_422  : i32 {
      %mul3A_430 = arith.constant 2 : i32
      %mul3A_431 = arith.muli %mul3A_430, %scan3A_429 : i32
      %add3A_432 = arith.constant 0 : i32
      %add3A_433 = arith.addi %mul3A_431, %add3A_432 : i32
      %dma_wait3A = arith.constant 0 : i32
      %dma_wait3A_434 = arith.constant 0 : i32
      %dma_wait3A_435 = tpu.memref_slice %arg7[%dma_wait3A, %dma_wait3A_434] : memref<2x128xi32, #tpu.memory_space<vmem>> -> memref<1x128xi32, #tpu.memory_space<vmem>>
      %dma_wait3A_436 = tpu.memref_squeeze %dma_wait3A_435 : memref<1x128xi32, #tpu.memory_space<vmem>> -> memref<128xi32, #tpu.memory_space<vmem>>
      %dma_wait3A_437 = arith.constant 0 : i32
      %dma_wait3A_438 = arith.constant 0 : i32
      %dma_wait3A_439 = tpu.memref_slice %arg2[%dma_wait3A_437, %dma_wait3A_438] : memref<10000x128xf32, #tpu.memory_space<hbm>> -> memref<10000x128xf32, #tpu.memory_space<hbm>>
      tpu.wait_indirect_dma semaphore(%arg13 : memref<!tpu.dma_semaphore, #tpu.memory_space<semaphore_mem>>) src(%dma_wait3A_439 : memref<10000x128xf32, #tpu.memory_space<hbm>>) dst(%arg10 : memref<128x128xf32, #tpu.memory_space<vmem>>)
      %dma_wait3A_440 = arith.constant 0 : i32
      %dma_wait3A_441 = arith.constant 0 : i32
      %dma_wait3A_442 = tpu.memref_slice %arg9[%dma_wait3A_440, %dma_wait3A_441] : memref<2x128xf32, #tpu.memory_space<vmem>> -> memref<1x128xf32, #tpu.memory_space<vmem>>
      %dma_wait3A_443 = tpu.memref_squeeze %dma_wait3A_442 : memref<1x128xf32, #tpu.memory_space<vmem>> -> memref<128xf32, #tpu.memory_space<vmem>>
      %dma_wait3A_444 = arith.constant 0 : i32
      %dma_wait3A_445 = arith.constant 0 : i32
      %dma_wait3A_446 = tpu.memref_slice %arg4[%add3A, %dma_wait3A_444, %dma_wait3A_445] : memref<32x80x128xf32, #tpu.memory_space<hbm>> -> memref<1x80x128xf32, #tpu.memory_space<hbm>>
      %dma_wait3A_447 = tpu.memref_squeeze %dma_wait3A_446 : memref<1x80x128xf32, #tpu.memory_space<hbm>> -> memref<80x128xf32, #tpu.memory_space<hbm>>
      %dma_wait3A_448 = arith.constant 0 : i32
      %dma_wait3A_449 = tpu.memref_slice %dma_wait3A_447[%add3A_433, %dma_wait3A_448] : memref<80x128xf32, #tpu.memory_space<hbm>> -> memref<1x128xf32, #tpu.memory_space<hbm>>
      %dma_wait3A_450 = tpu.memref_squeeze %dma_wait3A_449 : memref<1x128xf32, #tpu.memory_space<hbm>> -> memref<128xf32, #tpu.memory_space<hbm>>
      %dma_wait3A_451 = arith.constant 0 : i32
      %dma_wait3A_452 = tpu.memref_slice %arg9[%dma_wait3A_440, %dma_wait3A_451] : memref<2x128xf32, #tpu.memory_space<vmem>> -> memref<1x128xf32, #tpu.memory_space<vmem>>
      %dma_wait3A_453 = tpu.memref_squeeze %dma_wait3A_452 : memref<1x128xf32, #tpu.memory_space<vmem>> -> memref<128xf32, #tpu.memory_space<vmem>>
      %dma_wait3A_454 = arith.constant 0 : i32
      %dma_wait3A_455 = arith.constant 0 : i32
      %dma_wait3A_456 = tpu.memref_slice %arg4[%add3A, %dma_wait3A_454, %dma_wait3A_455] : memref<32x80x128xf32, #tpu.memory_space<hbm>> -> memref<1x80x128xf32, #tpu.memory_space<hbm>>
      %dma_wait3A_457 = tpu.memref_squeeze %dma_wait3A_456 : memref<1x80x128xf32, #tpu.memory_space<hbm>> -> memref<80x128xf32, #tpu.memory_space<hbm>>
      %dma_wait3A_458 = arith.constant 0 : i32
      %dma_wait3A_459 = tpu.memref_slice %dma_wait3A_457[%add3A_433, %dma_wait3A_458] : memref<80x128xf32, #tpu.memory_space<hbm>> -> memref<1x128xf32, #tpu.memory_space<hbm>>
      %dma_wait3A_460 = tpu.memref_squeeze %dma_wait3A_459 : memref<1x128xf32, #tpu.memory_space<hbm>> -> memref<128xf32, #tpu.memory_space<hbm>>
      tpu.wait_dma2 semaphore(%arg15 : memref<!tpu.dma_semaphore, #tpu.memory_space<semaphore_mem>>) src(%dma_wait3A_460 : memref<128xf32, #tpu.memory_space<hbm>>) dst(%dma_wait3A_453 : memref<128xf32, #tpu.memory_space<vmem>>)
      %scan3A_461 = arith.constant 0 : i32
      %scan3A_462 = arith.constant 0 : i32
      %scan3A_463 = arith.constant 8 : i32
      %scan3A_464 = arith.addi %scan3A_462, %scan3A_463 : i32
      %scan3A_465 = arith.constant 1 : i32
      scf.for %scan3A_515 = %scan3A_462 to %scan3A_464 step %scan3A_465  : i32 {
        %mul3A_516 = arith.constant 16 : i32
        %mul3A_517 = arith.muli %scan3A_515, %mul3A_516 : i32
        %get3A_518 = arith.constant 0 : i32
        %get3A_519 = arith.index_cast %get3A_518 : i32 to index
        %get3A_520 = arith.index_cast %mul3A_517 : i32 to index
        %get3A_521 = tpu.vector_load %arg9[%get3A_519, %get3A_520] {strides = array<i32>} : memref<2x128xf32, #tpu.memory_space<vmem>>, vector<1x16xf32>,
        %get3A_522 = vector.shape_cast %get3A_521 : vector<1x16xf32> to vector<16xf32>
        %slice3A = vector.extract_strided_slice %get3A_522 {offsets = [0], sizes = [1], strides = [1]} : vector<16xf32> to vector<1xf32>
        %squeeze3A = vector.extract %slice3A[0] : f32 from vector<1xf32>
        %mul3A_523 = arith.constant 16 : i32
        %mul3A_524 = arith.muli %scan3A_515, %mul3A_523 : i32
        %add3A_525 = arith.constant 0 : i32
        %add3A_526 = arith.addi %mul3A_524, %add3A_525 : i32
        %get3A_527 = arith.index_cast %add3A_526 : i32 to index
        %get3A_528 = arith.constant 0 : index
        %get3A_529 = tpu.vector_load %arg10[%get3A_527, %get3A_528] {strides = array<i32>} : memref<128x128xf32, #tpu.memory_space<vmem>>, vector<1x16xf32>,
        %get3A_530 = vector.shape_cast %get3A_529 : vector<1x16xf32> to vector<16xf32>
        %mul3A_531 = vector.broadcast %squeeze3A : f32 to vector<16xf32>
        %mul3A_532 = arith.mulf %get3A_530, %mul3A_531 : vector<16xf32>
        %swap3A_533 = arith.index_cast %add3A_526 : i32 to index
        %swap3A_534 = arith.constant 0 : index
        %swap3A_535 = tpu.vector_load %arg10[%swap3A_533, %swap3A_534] {strides = array<i32>} : memref<128x128xf32, #tpu.memory_space<vmem>>, vector<1x16xf32>,
        %swap3A_536 = vector.shape_cast %swap3A_535 : vector<1x16xf32> to vector<16xf32>
        %swap3A_537 = vector.shape_cast %mul3A_532 : vector<16xf32> to vector<1x16xf32>
        tpu.vector_store %arg10[%swap3A_533, %swap3A_534], %swap3A_537 {strides = array<i32>} : memref<128x128xf32, #tpu.memory_space<vmem>>, vector<1x16xf32>,
        %get3A_538 = arith.index_cast %add3A_526 : i32 to index
        %get3A_539 = arith.constant 16 : index
        %get3A_540 = tpu.vector_load %arg10[%get3A_538, %get3A_539] {strides = array<i32>} : memref<128x128xf32, #tpu.memory_space<vmem>>, vector<1x16xf32>,
        %get3A_541 = vector.shape_cast %get3A_540 : vector<1x16xf32> to vector<16xf32>
        %mul3A_542 = vector.broadcast %squeeze3A : f32 to vector<16xf32>
        %mul3A_543 = arith.mulf %get3A_541, %mul3A_542 : vector<16xf32>
        %swap3A_544 = arith.index_cast %add3A_526 : i32 to index
        %swap3A_545 = arith.constant 16 : index
        %swap3A_546 = tpu.vector_load %arg10[%swap3A_544, %swap3A_545] {strides = array<i32>} : memref<128x128xf32, #tpu.memory_space<vmem>>, vector<1x16xf32>,
        %swap3A_547 = vector.shape_cast %swap3A_546 : vector<1x16xf32> to vector<16xf32>
        %swap3A_548 = vector.shape_cast %mul3A_543 : vector<16xf32> to vector<1x16xf32>
        tpu.vector_store %arg10[%swap3A_544, %swap3A_545], %swap3A_548 {strides = array<i32>} : memref<128x128xf32, #tpu.memory_space<vmem>>, vector<1x16xf32>,
        %get3A_549 = arith.index_cast %add3A_526 : i32 to index
        %get3A_550 = arith.constant 32 : index
        %get3A_551 = tpu.vector_load %arg10[%get3A_549, %get3A_550] {strides = array<i32>} : memref<128x128xf32, #tpu.memory_space<vmem>>, vector<1x16xf32>,
        %get3A_552 = vector.shape_cast %get3A_551 : vector<1x16xf32> to vector<16xf32>
        %mul3A_553 = vector.broadcast %squeeze3A : f32 to vector<16xf32>
        %mul3A_554 = arith.mulf %get3A_552, %mul3A_553 : vector<16xf32>
        %swap3A_555 = arith.index_cast %add3A_526 : i32 to index
        %swap3A_556 = arith.constant 32 : index
        %swap3A_557 = tpu.vector_load %arg10[%swap3A_555, %swap3A_556] {strides = array<i32>} : memref<128x128xf32, #tpu.memory_space<vmem>>, vector<1x16xf32>,
        %swap3A_558 = vector.shape_cast %swap3A_557 : vector<1x16xf32> to vector<16xf32>
        %swap3A_559 = vector.shape_cast %mul3A_554 : vector<16xf32> to vector<1x16xf32>
        tpu.vector_store %arg10[%swap3A_555, %swap3A_556], %swap3A_559 {strides = array<i32>} : memref<128x128xf32, #tpu.memory_space<vmem>>, vector<1x16xf32>,
        %get3A_560 = arith.index_cast %add3A_526 : i32 to index
        %get3A_561 = arith.constant 48 : index
        %get3A_562 = tpu.vector_load %arg10[%get3A_560, %get3A_561] {strides = array<i32>} : memref<128x128xf32, #tpu.memory_space<vmem>>, vector<1x16xf32>,
        %get3A_563 = vector.shape_cast %get3A_562 : vector<1x16xf32> to vector<16xf32>
        %mul3A_564 = vector.broadcast %squeeze3A : f32 to vector<16xf32>
        %mul3A_565 = arith.mulf %get3A_563, %mul3A_564 : vector<16xf32>
        %swap3A_566 = arith.index_cast %add3A_526 : i32 to index
        %swap3A_567 = arith.constant 48 : index
        %swap3A_568 = tpu.vector_load %arg10[%swap3A_566, %swap3A_567] {strides = array<i32>} : memref<128x128xf32, #tpu.memory_space<vmem>>, vector<1x16xf32>,
        %swap3A_569 = vector.shape_cast %swap3A_568 : vector<1x16xf32> to vector<16xf32>
        %swap3A_570 = vector.shape_cast %mul3A_565 : vector<16xf32> to vector<1x16xf32>
        tpu.vector_store %arg10[%swap3A_566, %swap3A_567], %swap3A_570 {strides = array<i32>} : memref<128x128xf32, #tpu.memory_space<vmem>>, vector<1x16xf32>,
        %get3A_571 = arith.index_cast %add3A_526 : i32 to index
        %get3A_572 = arith.constant 64 : index
        %get3A_573 = tpu.vector_load %arg10[%get3A_571, %get3A_572] {strides = array<i32>} : memref<128x128xf32, #tpu.memory_space<vmem>>, vector<1x16xf32>,
        %get3A_574 = vector.shape_cast %get3A_573 : vector<1x16xf32> to vector<16xf32>
        %mul3A_575 = vector.broadcast %squeeze3A : f32 to vector<16xf32>
        %mul3A_576 = arith.mulf %get3A_574, %mul3A_575 : vector<16xf32>
        %swap3A_577 = arith.index_cast %add3A_526 : i32 to index
        %swap3A_578 = arith.constant 64 : index
        %swap3A_579 = tpu.vector_load %arg10[%swap3A_577, %swap3A_578] {strides = array<i32>} : memref<128x128xf32, #tpu.memory_space<vmem>>, vector<1x16xf32>,
        %swap3A_580 = vector.shape_cast %swap3A_579 : vector<1x16xf32> to vector<16xf32>
        %swap3A_581 = vector.shape_cast %mul3A_576 : vector<16xf32> to vector<1x16xf32>
        tpu.vector_store %arg10[%swap3A_577, %swap3A_578], %swap3A_581 {strides = array<i32>} : memref<128x128xf32, #tpu.memory_space<vmem>>, vector<1x16xf32>,
        %get3A_582 = arith.index_cast %add3A_526 : i32 to index
        %get3A_583 = arith.constant 80 : index
        %get3A_584 = tpu.vector_load %arg10[%get3A_582, %get3A_583] {strides = array<i32>} : memref<128x128xf32, #tpu.memory_space<vmem>>, vector<1x16xf32>,
        %get3A_585 = vector.shape_cast %get3A_584 : vector<1x16xf32> to vector<16xf32>
        %mul3A_586 = vector.broadcast %squeeze3A : f32 to vector<16xf32>
        %mul3A_587 = arith.mulf %get3A_585, %mul3A_586 : vector<16xf32>
        %swap3A_588 = arith.index_cast %add3A_526 : i32 to index
        %swap3A_589 = arith.constant 80 : index
        %swap3A_590 = tpu.vector_load %arg10[%swap3A_588, %swap3A_589] {strides = array<i32>} : memref<128x128xf32, #tpu.memory_space<vmem>>, vector<1x16xf32>,
        %swap3A_591 = vector.shape_cast %swap3A_590 : vector<1x16xf32> to vector<16xf32>
        %swap3A_592 = vector.shape_cast %mul3A_587 : vector<16xf32> to vector<1x16xf32>
        tpu.vector_store %arg10[%swap3A_588, %swap3A_589], %swap3A_592 {strides = array<i32>} : memref<128x128xf32, #tpu.memory_space<vmem>>, vector<1x16xf32>,
        %get3A_593 = arith.index_cast %add3A_526 : i32 to index
        %get3A_594 = arith.constant 96 : index
        %get3A_595 = tpu.vector_load %arg10[%get3A_593, %get3A_594] {strides = array<i32>} : memref<128x128xf32, #tpu.memory_space<vmem>>, vector<1x16xf32>,
        %get3A_596 = vector.shape_cast %get3A_595 : vector<1x16xf32> to vector<16xf32>
        %mul3A_597 = vector.broadcast %squeeze3A : f32 to vector<16xf32>
        %mul3A_598 = arith.mulf %get3A_596, %mul3A_597 : vector<16xf32>
        %swap3A_599 = arith.index_cast %add3A_526 : i32 to index
        %swap3A_600 = arith.constant 96 : index
        %swap3A_601 = tpu.vector_load %arg10[%swap3A_599, %swap3A_600] {strides = array<i32>} : memref<128x128xf32, #tpu.memory_space<vmem>>, vector<1x16xf32>,
        %swap3A_602 = vector.shape_cast %swap3A_601 : vector<1x16xf32> to vector<16xf32>
        %swap3A_603 = vector.shape_cast %mul3A_598 : vector<16xf32> to vector<1x16xf32>
        tpu.vector_store %arg10[%swap3A_599, %swap3A_600], %swap3A_603 {strides = array<i32>} : memref<128x128xf32, #tpu.memory_space<vmem>>, vector<1x16xf32>,
        %get3A_604 = arith.index_cast %add3A_526 : i32 to index
        %get3A_605 = arith.constant 112 : index
        %get3A_606 = tpu.vector_load %arg10[%get3A_604, %get3A_605] {strides = array<i32>} : memref<128x128xf32, #tpu.memory_space<vmem>>, vector<1x16xf32>,
        %get3A_607 = vector.shape_cast %get3A_606 : vector<1x16xf32> to vector<16xf32>
        %mul3A_608 = vector.broadcast %squeeze3A : f32 to vector<16xf32>
        %mul3A_609 = arith.mulf %get3A_607, %mul3A_608 : vector<16xf32>
        %swap3A_610 = arith.index_cast %add3A_526 : i32 to index
        %swap3A_611 = arith.constant 112 : index
        %swap3A_612 = tpu.vector_load %arg10[%swap3A_610, %swap3A_611] {strides = array<i32>} : memref<128x128xf32, #tpu.memory_space<vmem>>, vector<1x16xf32>,
        %swap3A_613 = vector.shape_cast %swap3A_612 : vector<1x16xf32> to vector<16xf32>
        %swap3A_614 = vector.shape_cast %mul3A_609 : vector<16xf32> to vector<1x16xf32>
        tpu.vector_store %arg10[%swap3A_610, %swap3A_611], %swap3A_614 {strides = array<i32>} : memref<128x128xf32, #tpu.memory_space<vmem>>, vector<1x16xf32>,
        %slice3A_615 = vector.extract_strided_slice %get3A_522 {offsets = [1], sizes = [1], strides = [1]} : vector<16xf32> to vector<1xf32>
        %squeeze3A_616 = vector.extract %slice3A_615[0] : f32 from vector<1xf32>
        %mul3A_617 = arith.constant 16 : i32
        %mul3A_618 = arith.muli %scan3A_515, %mul3A_617 : i32
        %add3A_619 = arith.constant 1 : i32
        %add3A_620 = arith.addi %mul3A_618, %add3A_619 : i32
        %get3A_621 = arith.index_cast %add3A_620 : i32 to index
        %get3A_622 = arith.constant 0 : index
        %get3A_623 = tpu.vector_load %arg10[%get3A_621, %get3A_622] {strides = array<i32>} : memref<128x128xf32, #tpu.memory_space<vmem>>, vector<1x16xf32>,
        %get3A_624 = vector.shape_cast %get3A_623 : vector<1x16xf32> to vector<16xf32>
        %mul3A_625 = vector.broadcast %squeeze3A_616 : f32 to vector<16xf32>
        %mul3A_626 = arith.mulf %get3A_624, %mul3A_625 : vector<16xf32>
        %swap3A_627 = arith.index_cast %add3A_620 : i32 to index
        %swap3A_628 = arith.constant 0 : index
        %swap3A_629 = tpu.vector_load %arg10[%swap3A_627, %swap3A_628] {strides = array<i32>} : memref<128x128xf32, #tpu.memory_space<vmem>>, vector<1x16xf32>,
        %swap3A_630 = vector.shape_cast %swap3A_629 : vector<1x16xf32> to vector<16xf32>
        %swap3A_631 = vector.shape_cast %mul3A_626 : vector<16xf32> to vector<1x16xf32>
        tpu.vector_store %arg10[%swap3A_627, %swap3A_628], %swap3A_631 {strides = array<i32>} : memref<128x128xf32, #tpu.memory_space<vmem>>, vector<1x16xf32>,
        %get3A_632 = arith.index_cast %add3A_620 : i32 to index
        %get3A_633 = arith.constant 16 : index
        %get3A_634 = tpu.vector_load %arg10[%get3A_632, %get3A_633] {strides = array<i32>} : memref<128x128xf32, #tpu.memory_space<vmem>>, vector<1x16xf32>,
        %get3A_635 = vector.shape_cast %get3A_634 : vector<1x16xf32> to vector<16xf32>
        %mul3A_636 = vector.broadcast %squeeze3A_616 : f32 to vector<16xf32>
        %mul3A_637 = arith.mulf %get3A_635, %mul3A_636 : vector<16xf32>
        %swap3A_638 = arith.index_cast %add3A_620 : i32 to index
        %swap3A_639 = arith.constant 16 : index
        %swap3A_640 = tpu.vector_load %arg10[%swap3A_638, %swap3A_639] {strides = array<i32>} : memref<128x128xf32, #tpu.memory_space<vmem>>, vector<1x16xf32>,
        %swap3A_641 = vector.shape_cast %swap3A_640 : vector<1x16xf32> to vector<16xf32>
        %swap3A_642 = vector.shape_cast %mul3A_637 : vector<16xf32> to vector<1x16xf32>
        tpu.vector_store %arg10[%swap3A_638, %swap3A_639], %swap3A_642 {strides = array<i32>} : memref<128x128xf32, #tpu.memory_space<vmem>>, vector<1x16xf32>,
        %get3A_643 = arith.index_cast %add3A_620 : i32 to index
        %get3A_644 = arith.constant 32 : index
        %get3A_645 = tpu.vector_load %arg10[%get3A_643, %get3A_644] {strides = array<i32>} : memref<128x128xf32, #tpu.memory_space<vmem>>, vector<1x16xf32>,
        %get3A_646 = vector.shape_cast %get3A_645 : vector<1x16xf32> to vector<16xf32>
        %mul3A_647 = vector.broadcast %squeeze3A_616 : f32 to vector<16xf32>
        %mul3A_648 = arith.mulf %get3A_646, %mul3A_647 : vector<16xf32>
        %swap3A_649 = arith.index_cast %add3A_620 : i32 to index
        %swap3A_650 = arith.constant 32 : index
        %swap3A_651 = tpu.vector_load %arg10[%swap3A_649, %swap3A_650] {strides = array<i32>} : memref<128x128xf32, #tpu.memory_space<vmem>>, vector<1x16xf32>,
        %swap3A_652 = vector.shape_cast %swap3A_651 : vector<1x16xf32> to vector<16xf32>
        %swap3A_653 = vector.shape_cast %mul3A_648 : vector<16xf32> to vector<1x16xf32>
        tpu.vector_store %arg10[%swap3A_649, %swap3A_650], %swap3A_653 {strides = array<i32>} : memref<128x128xf32, #tpu.memory_space<vmem>>, vector<1x16xf32>,
        %get3A_654 = arith.index_cast %add3A_620 : i32 to index
        %get3A_655 = arith.constant 48 : index
        %get3A_656 = tpu.vector_load %arg10[%get3A_654, %get3A_655] {strides = array<i32>} : memref<128x128xf32, #tpu.memory_space<vmem>>, vector<1x16xf32>,
        %get3A_657 = vector.shape_cast %get3A_656 : vector<1x16xf32> to vector<16xf32>
        %mul3A_658 = vector.broadcast %squeeze3A_616 : f32 to vector<16xf32>
        %mul3A_659 = arith.mulf %get3A_657, %mul3A_658 : vector<16xf32>
        %swap3A_660 = arith.index_cast %add3A_620 : i32 to index
        %swap3A_661 = arith.constant 48 : index
        %swap3A_662 = tpu.vector_load %arg10[%swap3A_660, %swap3A_661] {strides = array<i32>} : memref<128x128xf32, #tpu.memory_space<vmem>>, vector<1x16xf32>,
        %swap3A_663 = vector.shape_cast %swap3A_662 : vector<1x16xf32> to vector<16xf32>
        %swap3A_664 = vector.shape_cast %mul3A_659 : vector<16xf32> to vector<1x16xf32>
        tpu.vector_store %arg10[%swap3A_660, %swap3A_661], %swap3A_664 {strides = array<i32>} : memref<128x128xf32, #tpu.memory_space<vmem>>, vector<1x16xf32>,
        %get3A_665 = arith.index_cast %add3A_620 : i32 to index
        %get3A_666 = arith.constant 64 : index
        %get3A_667 = tpu.vector_load %arg10[%get3A_665, %get3A_666] {strides = array<i32>} : memref<128x128xf32, #tpu.memory_space<vmem>>, vector<1x16xf32>,
        %get3A_668 = vector.shape_cast %get3A_667 : vector<1x16xf32> to vector<16xf32>
        %mul3A_669 = vector.broadcast %squeeze3A_616 : f32 to vector<16xf32>
        %mul3A_670 = arith.mulf %get3A_668, %mul3A_669 : vector<16xf32>
        %swap3A_671 = arith.index_cast %add3A_620 : i32 to index
        %swap3A_672 = arith.constant 64 : index
        %swap3A_673 = tpu.vector_load %arg10[%swap3A_671, %swap3A_672] {strides = array<i32>} : memref<128x128xf32, #tpu.memory_space<vmem>>, vector<1x16xf32>,
        %swap3A_674 = vector.shape_cast %swap3A_673 : vector<1x16xf32> to vector<16xf32>
        %swap3A_675 = vector.shape_cast %mul3A_670 : vector<16xf32> to vector<1x16xf32>
        tpu.vector_store %arg10[%swap3A_671, %swap3A_672], %swap3A_675 {strides = array<i32>} : memref<128x128xf32, #tpu.memory_space<vmem>>, vector<1x16xf32>,
        %get3A_676 = arith.index_cast %add3A_620 : i32 to index
        %get3A_677 = arith.constant 80 : index
        %get3A_678 = tpu.vector_load %arg10[%get3A_676, %get3A_677] {strides = array<i32>} : memref<128x128xf32, #tpu.memory_space<vmem>>, vector<1x16xf32>,
        %get3A_679 = vector.shape_cast %get3A_678 : vector<1x16xf32> to vector<16xf32>
        %mul3A_680 = vector.broadcast %squeeze3A_616 : f32 to vector<16xf32>
        %mul3A_681 = arith.mulf %get3A_679, %mul3A_680 : vector<16xf32>
        %swap3A_682 = arith.index_cast %add3A_620 : i32 to index
        %swap3A_683 = arith.constant 80 : index
        %swap3A_684 = tpu.vector_load %arg10[%swap3A_682, %swap3A_683] {strides = array<i32>} : memref<128x128xf32, #tpu.memory_space<vmem>>, vector<1x16xf32>,
        %swap3A_685 = vector.shape_cast %swap3A_684 : vector<1x16xf32> to vector<16xf32>
        %swap3A_686 = vector.shape_cast %mul3A_681 : vector<16xf32> to vector<1x16xf32>
        tpu.vector_store %arg10[%swap3A_682, %swap3A_683], %swap3A_686 {strides = array<i32>} : memref<128x128xf32, #tpu.memory_space<vmem>>, vector<1x16xf32>,
        %get3A_687 = arith.index_cast %add3A_620 : i32 to index
        %get3A_688 = arith.constant 96 : index
        %get3A_689 = tpu.vector_load %arg10[%get3A_687, %get3A_688] {strides = array<i32>} : memref<128x128xf32, #tpu.memory_space<vmem>>, vector<1x16xf32>,
        %get3A_690 = vector.shape_cast %get3A_689 : vector<1x16xf32> to vector<16xf32>
        %mul3A_691 = vector.broadcast %squeeze3A_616 : f32 to vector<16xf32>
        %mul3A_692 = arith.mulf %get3A_690, %mul3A_691 : vector<16xf32>
        %swap3A_693 = arith.index_cast %add3A_620 : i32 to index
        %swap3A_694 = arith.constant 96 : index
        %swap3A_695 = tpu.vector_load %arg10[%swap3A_693, %swap3A_694] {strides = array<i32>} : memref<128x128xf32, #tpu.memory_space<vmem>>, vector<1x16xf32>,
        %swap3A_696 = vector.shape_cast %swap3A_695 : vector<1x16xf32> to vector<16xf32>
        %swap3A_697 = vector.shape_cast %mul3A_692 : vector<16xf32> to vector<1x16xf32>
        tpu.vector_store %arg10[%swap3A_693, %swap3A_694], %swap3A_697 {strides = array<i32>} : memref<128x128xf32, #tpu.memory_space<vmem>>, vector<1x16xf32>,
        %get3A_698 = arith.index_cast %add3A_620 : i32 to index
        %get3A_699 = arith.constant 112 : index
        %get3A_700 = tpu.vector_load %arg10[%get3A_698, %get3A_699] {strides = array<i32>} : memref<128x128xf32, #tpu.memory_space<vmem>>, vector<1x16xf32>,
        %get3A_701 = vector.shape_cast %get3A_700 : vector<1x16xf32> to vector<16xf32>
        %mul3A_702 = vector.broadcast %squeeze3A_616 : f32 to vector<16xf32>
        %mul3A_703 = arith.mulf %get3A_701, %mul3A_702 : vector<16xf32>
        %swap3A_704 = arith.index_cast %add3A_620 : i32 to index
        %swap3A_705 = arith.constant 112 : index
        %swap3A_706 = tpu.vector_load %arg10[%swap3A_704, %swap3A_705] {strides = array<i32>} : memref<128x128xf32, #tpu.memory_space<vmem>>, vector<1x16xf32>,
        %swap3A_707 = vector.shape_cast %swap3A_706 : vector<1x16xf32> to vector<16xf32>
        %swap3A_708 = vector.shape_cast %mul3A_703 : vector<16xf32> to vector<1x16xf32>
        tpu.vector_store %arg10[%swap3A_704, %swap3A_705], %swap3A_708 {strides = array<i32>} : memref<128x128xf32, #tpu.memory_space<vmem>>, vector<1x16xf32>,
        %slice3A_709 = vector.extract_strided_slice %get3A_522 {offsets = [2], sizes = [1], strides = [1]} : vector<16xf32> to vector<1xf32>
        %squeeze3A_710 = vector.extract %slice3A_709[0] : f32 from vector<1xf32>
        %mul3A_711 = arith.constant 16 : i32
        %mul3A_712 = arith.muli %scan3A_515, %mul3A_711 : i32
        %add3A_713 = arith.constant 2 : i32
        %add3A_714 = arith.addi %mul3A_712, %add3A_713 : i32
        %get3A_715 = arith.index_cast %add3A_714 : i32 to index
        %get3A_716 = arith.constant 0 : index
        %get3A_717 = tpu.vector_load %arg10[%get3A_715, %get3A_716] {strides = array<i32>} : memref<128x128xf32, #tpu.memory_space<vmem>>, vector<1x16xf32>,
        %get3A_718 = vector.shape_cast %get3A_717 : vector<1x16xf32> to vector<16xf32>
        %mul3A_719 = vector.broadcast %squeeze3A_710 : f32 to vector<16xf32>
        %mul3A_720 = arith.mulf %get3A_718, %mul3A_719 : vector<16xf32>
        %swap3A_721 = arith.index_cast %add3A_714 : i32 to index
        %swap3A_722 = arith.constant 0 : index
        %swap3A_723 = tpu.vector_load %arg10[%swap3A_721, %swap3A_722] {strides = array<i32>} : memref<128x128xf32, #tpu.memory_space<vmem>>, vector<1x16xf32>,
        %swap3A_724 = vector.shape_cast %swap3A_723 : vector<1x16xf32> to vector<16xf32>
        %swap3A_725 = vector.shape_cast %mul3A_720 : vector<16xf32> to vector<1x16xf32>
        tpu.vector_store %arg10[%swap3A_721, %swap3A_722], %swap3A_725 {strides = array<i32>} : memref<128x128xf32, #tpu.memory_space<vmem>>, vector<1x16xf32>,
        %get3A_726 = arith.index_cast %add3A_714 : i32 to index
        %get3A_727 = arith.constant 16 : index
        %get3A_728 = tpu.vector_load %arg10[%get3A_726, %get3A_727] {strides = array<i32>} : memref<128x128xf32, #tpu.memory_space<vmem>>, vector<1x16xf32>,
        %get3A_729 = vector.shape_cast %get3A_728 : vector<1x16xf32> to vector<16xf32>
        %mul3A_730 = vector.broadcast %squeeze3A_710 : f32 to vector<16xf32>
        %mul3A_731 = arith.mulf %get3A_729, %mul3A_730 : vector<16xf32>
        %swap3A_732 = arith.index_cast %add3A_714 : i32 to index
        %swap3A_733 = arith.constant 16 : index
        %swap3A_734 = tpu.vector_load %arg10[%swap3A_732, %swap3A_733] {strides = array<i32>} : memref<128x128xf32, #tpu.memory_space<vmem>>, vector<1x16xf32>,
        %swap3A_735 = vector.shape_cast %swap3A_734 : vector<1x16xf32> to vector<16xf32>
        %swap3A_736 = vector.shape_cast %mul3A_731 : vector<16xf32> to vector<1x16xf32>
        tpu.vector_store %arg10[%swap3A_732, %swap3A_733], %swap3A_736 {strides = array<i32>} : memref<128x128xf32, #tpu.memory_space<vmem>>, vector<1x16xf32>,
        %get3A_737 = arith.index_cast %add3A_714 : i32 to index
        %get3A_738 = arith.constant 32 : index
        %get3A_739 = tpu.vector_load %arg10[%get3A_737, %get3A_738] {strides = array<i32>} : memref<128x128xf32, #tpu.memory_space<vmem>>, vector<1x16xf32>,
        %get3A_740 = vector.shape_cast %get3A_739 : vector<1x16xf32> to vector<16xf32>
        %mul3A_741 = vector.broadcast %squeeze3A_710 : f32 to vector<16xf32>
        %mul3A_742 = arith.mulf %get3A_740, %mul3A_741 : vector<16xf32>
        %swap3A_743 = arith.index_cast %add3A_714 : i32 to index
        %swap3A_744 = arith.constant 32 : index
        %swap3A_745 = tpu.vector_load %arg10[%swap3A_743, %swap3A_744] {strides = array<i32>} : memref<128x128xf32, #tpu.memory_space<vmem>>, vector<1x16xf32>,
        %swap3A_746 = vector.shape_cast %swap3A_745 : vector<1x16xf32> to vector<16xf32>
        %swap3A_747 = vector.shape_cast %mul3A_742 : vector<16xf32> to vector<1x16xf32>
        tpu.vector_store %arg10[%swap3A_743, %swap3A_744], %swap3A_747 {strides = array<i32>} : memref<128x128xf32, #tpu.memory_space<vmem>>, vector<1x16xf32>,
        %get3A_748 = arith.index_cast %add3A_714 : i32 to index
        %get3A_749 = arith.constant 48 : index
        %get3A_750 = tpu.vector_load %arg10[%get3A_748, %get3A_749] {strides = array<i32>} : memref<128x128xf32, #tpu.memory_space<vmem>>, vector<1x16xf32>,
        %get3A_751 = vector.shape_cast %get3A_750 : vector<1x16xf32> to vector<16xf32>
        %mul3A_752 = vector.broadcast %squeeze3A_710 : f32 to vector<16xf32>
        %mul3A_753 = arith.mulf %get3A_751, %mul3A_752 : vector<16xf32>
        %swap3A_754 = arith.index_cast %add3A_714 : i32 to index
        %swap3A_755 = arith.constant 48 : index
        %swap3A_756 = tpu.vector_load %arg10[%swap3A_754, %swap3A_755] {strides = array<i32>} : memref<128x128xf32, #tpu.memory_space<vmem>>, vector<1x16xf32>,
        %swap3A_757 = vector.shape_cast %swap3A_756 : vector<1x16xf32> to vector<16xf32>
        %swap3A_758 = vector.shape_cast %mul3A_753 : vector<16xf32> to vector<1x16xf32>
        tpu.vector_store %arg10[%swap3A_754, %swap3A_755], %swap3A_758 {strides = array<i32>} : memref<128x128xf32, #tpu.memory_space<vmem>>, vector<1x16xf32>,
        %get3A_759 = arith.index_cast %add3A_714 : i32 to index
        %get3A_760 = arith.constant 64 : index
        %get3A_761 = tpu.vector_load %arg10[%get3A_759, %get3A_760] {strides = array<i32>} : memref<128x128xf32, #tpu.memory_space<vmem>>, vector<1x16xf32>,
        %get3A_762 = vector.shape_cast %get3A_761 : vector<1x16xf32> to vector<16xf32>
        %mul3A_763 = vector.broadcast %squeeze3A_710 : f32 to vector<16xf32>
        %mul3A_764 = arith.mulf %get3A_762, %mul3A_763 : vector<16xf32>
        %swap3A_765 = arith.index_cast %add3A_714 : i32 to index
        %swap3A_766 = arith.constant 64 : index
        %swap3A_767 = tpu.vector_load %arg10[%swap3A_765, %swap3A_766] {strides = array<i32>} : memref<128x128xf32, #tpu.memory_space<vmem>>, vector<1x16xf32>,
        %swap3A_768 = vector.shape_cast %swap3A_767 : vector<1x16xf32> to vector<16xf32>
        %swap3A_769 = vector.shape_cast %mul3A_764 : vector<16xf32> to vector<1x16xf32>
        tpu.vector_store %arg10[%swap3A_765, %swap3A_766], %swap3A_769 {strides = array<i32>} : memref<128x128xf32, #tpu.memory_space<vmem>>, vector<1x16xf32>,
        %get3A_770 = arith.index_cast %add3A_714 : i32 to index
        %get3A_771 = arith.constant 80 : index
        %get3A_772 = tpu.vector_load %arg10[%get3A_770, %get3A_771] {strides = array<i32>} : memref<128x128xf32, #tpu.memory_space<vmem>>, vector<1x16xf32>,
        %get3A_773 = vector.shape_cast %get3A_772 : vector<1x16xf32> to vector<16xf32>
        %mul3A_774 = vector.broadcast %squeeze3A_710 : f32 to vector<16xf32>
        %mul3A_775 = arith.mulf %get3A_773, %mul3A_774 : vector<16xf32>
        %swap3A_776 = arith.index_cast %add3A_714 : i32 to index
        %swap3A_777 = arith.constant 80 : index
        %swap3A_778 = tpu.vector_load %arg10[%swap3A_776, %swap3A_777] {strides = array<i32>} : memref<128x128xf32, #tpu.memory_space<vmem>>, vector<1x16xf32>,
        %swap3A_779 = vector.shape_cast %swap3A_778 : vector<1x16xf32> to vector<16xf32>
        %swap3A_780 = vector.shape_cast %mul3A_775 : vector<16xf32> to vector<1x16xf32>
        tpu.vector_store %arg10[%swap3A_776, %swap3A_777], %swap3A_780 {strides = array<i32>} : memref<128x128xf32, #tpu.memory_space<vmem>>, vector<1x16xf32>,
        %get3A_781 = arith.index_cast %add3A_714 : i32 to index
        %get3A_782 = arith.constant 96 : index
        %get3A_783 = tpu.vector_load %arg10[%get3A_781, %get3A_782] {strides = array<i32>} : memref<128x128xf32, #tpu.memory_space<vmem>>, vector<1x16xf32>,
        %get3A_784 = vector.shape_cast %get3A_783 : vector<1x16xf32> to vector<16xf32>
        %mul3A_785 = vector.broadcast %squeeze3A_710 : f32 to vector<16xf32>
        %mul3A_786 = arith.mulf %get3A_784, %mul3A_785 : vector<16xf32>
        %swap3A_787 = arith.index_cast %add3A_714 : i32 to index
        %swap3A_788 = arith.constant 96 : index
        %swap3A_789 = tpu.vector_load %arg10[%swap3A_787, %swap3A_788] {strides = array<i32>} : memref<128x128xf32, #tpu.memory_space<vmem>>, vector<1x16xf32>,
        %swap3A_790 = vector.shape_cast %swap3A_789 : vector<1x16xf32> to vector<16xf32>
        %swap3A_791 = vector.shape_cast %mul3A_786 : vector<16xf32> to vector<1x16xf32>
        tpu.vector_store %arg10[%swap3A_787, %swap3A_788], %swap3A_791 {strides = array<i32>} : memref<128x128xf32, #tpu.memory_space<vmem>>, vector<1x16xf32>,
        %get3A_792 = arith.index_cast %add3A_714 : i32 to index
        %get3A_793 = arith.constant 112 : index
        %get3A_794 = tpu.vector_load %arg10[%get3A_792, %get3A_793] {strides = array<i32>} : memref<128x128xf32, #tpu.memory_space<vmem>>, vector<1x16xf32>,
        %get3A_795 = vector.shape_cast %get3A_794 : vector<1x16xf32> to vector<16xf32>
        %mul3A_796 = vector.broadcast %squeeze3A_710 : f32 to vector<16xf32>
        %mul3A_797 = arith.mulf %get3A_795, %mul3A_796 : vector<16xf32>
        %swap3A_798 = arith.index_cast %add3A_714 : i32 to index
        %swap3A_799 = arith.constant 112 : index
        %swap3A_800 = tpu.vector_load %arg10[%swap3A_798, %swap3A_799] {strides = array<i32>} : memref<128x128xf32, #tpu.memory_space<vmem>>, vector<1x16xf32>,
        %swap3A_801 = vector.shape_cast %swap3A_800 : vector<1x16xf32> to vector<16xf32>
        %swap3A_802 = vector.shape_cast %mul3A_797 : vector<16xf32> to vector<1x16xf32>
        tpu.vector_store %arg10[%swap3A_798, %swap3A_799], %swap3A_802 {strides = array<i32>} : memref<128x128xf32, #tpu.memory_space<vmem>>, vector<1x16xf32>,
        %slice3A_803 = vector.extract_strided_slice %get3A_522 {offsets = [3], sizes = [1], strides = [1]} : vector<16xf32> to vector<1xf32>
        %squeeze3A_804 = vector.extract %slice3A_803[0] : f32 from vector<1xf32>
        %mul3A_805 = arith.constant 16 : i32
        %mul3A_806 = arith.muli %scan3A_515, %mul3A_805 : i32
        %add3A_807 = arith.constant 3 : i32
        %add3A_808 = arith.addi %mul3A_806, %add3A_807 : i32
        %get3A_809 = arith.index_cast %add3A_808 : i32 to index
        %get3A_810 = arith.constant 0 : index
        %get3A_811 = tpu.vector_load %arg10[%get3A_809, %get3A_810] {strides = array<i32>} : memref<128x128xf32, #tpu.memory_space<vmem>>, vector<1x16xf32>,
        %get3A_812 = vector.shape_cast %get3A_811 : vector<1x16xf32> to vector<16xf32>
        %mul3A_813 = vector.broadcast %squeeze3A_804 : f32 to vector<16xf32>
        %mul3A_814 = arith.mulf %get3A_812, %mul3A_813 : vector<16xf32>
        %swap3A_815 = arith.index_cast %add3A_808 : i32 to index
        %swap3A_816 = arith.constant 0 : index
        %swap3A_817 = tpu.vector_load %arg10[%swap3A_815, %swap3A_816] {strides = array<i32>} : memref<128x128xf32, #tpu.memory_space<vmem>>, vector<1x16xf32>,
        %swap3A_818 = vector.shape_cast %swap3A_817 : vector<1x16xf32> to vector<16xf32>
        %swap3A_819 = vector.shape_cast %mul3A_814 : vector<16xf32> to vector<1x16xf32>
        tpu.vector_store %arg10[%swap3A_815, %swap3A_816], %swap3A_819 {strides = array<i32>} : memref<128x128xf32, #tpu.memory_space<vmem>>, vector<1x16xf32>,
        %get3A_820 = arith.index_cast %add3A_808 : i32 to index
        %get3A_821 = arith.constant 16 : index
        %get3A_822 = tpu.vector_load %arg10[%get3A_820, %get3A_821] {strides = array<i32>} : memref<128x128xf32, #tpu.memory_space<vmem>>, vector<1x16xf32>,
        %get3A_823 = vector.shape_cast %get3A_822 : vector<1x16xf32> to vector<16xf32>
        %mul3A_824 = vector.broadcast %squeeze3A_804 : f32 to vector<16xf32>
        %mul3A_825 = arith.mulf %get3A_823, %mul3A_824 : vector<16xf32>
        %swap3A_826 = arith.index_cast %add3A_808 : i32 to index
        %swap3A_827 = arith.constant 16 : index
        %swap3A_828 = tpu.vector_load %arg10[%swap3A_826, %swap3A_827] {strides = array<i32>} : memref<128x128xf32, #tpu.memory_space<vmem>>, vector<1x16xf32>,
        %swap3A_829 = vector.shape_cast %swap3A_828 : vector<1x16xf32> to vector<16xf32>
        %swap3A_830 = vector.shape_cast %mul3A_825 : vector<16xf32> to vector<1x16xf32>
        tpu.vector_store %arg10[%swap3A_826, %swap3A_827], %swap3A_830 {strides = array<i32>} : memref<128x128xf32, #tpu.memory_space<vmem>>, vector<1x16xf32>,
        %get3A_831 = arith.index_cast %add3A_808 : i32 to index
        %get3A_832 = arith.constant 32 : index
        %get3A_833 = tpu.vector_load %arg10[%get3A_831, %get3A_832] {strides = array<i32>} : memref<128x128xf32, #tpu.memory_space<vmem>>, vector<1x16xf32>,
        %get3A_834 = vector.shape_cast %get3A_833 : vector<1x16xf32> to vector<16xf32>
        %mul3A_835 = vector.broadcast %squeeze3A_804 : f32 to vector<16xf32>
        %mul3A_836 = arith.mulf %get3A_834, %mul3A_835 : vector<16xf32>
        %swap3A_837 = arith.index_cast %add3A_808 : i32 to index
        %swap3A_838 = arith.constant 32 : index
        %swap3A_839 = tpu.vector_load %arg10[%swap3A_837, %swap3A_838] {strides = array<i32>} : memref<128x128xf32, #tpu.memory_space<vmem>>, vector<1x16xf32>,
        %swap3A_840 = vector.shape_cast %swap3A_839 : vector<1x16xf32> to vector<16xf32>
        %swap3A_841 = vector.shape_cast %mul3A_836 : vector<16xf32> to vector<1x16xf32>
        tpu.vector_store %arg10[%swap3A_837, %swap3A_838], %swap3A_841 {strides = array<i32>} : memref<128x128xf32, #tpu.memory_space<vmem>>, vector<1x16xf32>,
        %get3A_842 = arith.index_cast %add3A_808 : i32 to index
        %get3A_843 = arith.constant 48 : index
        %get3A_844 = tpu.vector_load %arg10[%get3A_842, %get3A_843] {strides = array<i32>} : memref<128x128xf32, #tpu.memory_space<vmem>>, vector<1x16xf32>,
        %get3A_845 = vector.shape_cast %get3A_844 : vector<1x16xf32> to vector<16xf32>
        %mul3A_846 = vector.broadcast %squeeze3A_804 : f32 to vector<16xf32>
        %mul3A_847 = arith.mulf %get3A_845, %mul3A_846 : vector<16xf32>
        %swap3A_848 = arith.index_cast %add3A_808 : i32 to index
        %swap3A_849 = arith.constant 48 : index
        %swap3A_850 = tpu.vector_load %arg10[%swap3A_848, %swap3A_849] {strides = array<i32>} : memref<128x128xf32, #tpu.memory_space<vmem>>, vector<1x16xf32>,
        %swap3A_851 = vector.shape_cast %swap3A_850 : vector<1x16xf32> to vector<16xf32>
        %swap3A_852 = vector.shape_cast %mul3A_847 : vector<16xf32> to vector<1x16xf32>
        tpu.vector_store %arg10[%swap3A_848, %swap3A_849], %swap3A_852 {strides = array<i32>} : memref<128x128xf32, #tpu.memory_space<vmem>>, vector<1x16xf32>,
        %get3A_853 = arith.index_cast %add3A_808 : i32 to index
        %get3A_854 = arith.constant 64 : index
        %get3A_855 = tpu.vector_load %arg10[%get3A_853, %get3A_854] {strides = array<i32>} : memref<128x128xf32, #tpu.memory_space<vmem>>, vector<1x16xf32>,
        %get3A_856 = vector.shape_cast %get3A_855 : vector<1x16xf32> to vector<16xf32>
        %mul3A_857 = vector.broadcast %squeeze3A_804 : f32 to vector<16xf32>
        %mul3A_858 = arith.mulf %get3A_856, %mul3A_857 : vector<16xf32>
        %swap3A_859 = arith.index_cast %add3A_808 : i32 to index
        %swap3A_860 = arith.constant 64 : index
        %swap3A_861 = tpu.vector_load %arg10[%swap3A_859, %swap3A_860] {strides = array<i32>} : memref<128x128xf32, #tpu.memory_space<vmem>>, vector<1x16xf32>,
        %swap3A_862 = vector.shape_cast %swap3A_861 : vector<1x16xf32> to vector<16xf32>
        %swap3A_863 = vector.shape_cast %mul3A_858 : vector<16xf32> to vector<1x16xf32>
        tpu.vector_store %arg10[%swap3A_859, %swap3A_860], %swap3A_863 {strides = array<i32>} : memref<128x128xf32, #tpu.memory_space<vmem>>, vector<1x16xf32>,
        %get3A_864 = arith.index_cast %add3A_808 : i32 to index
        %get3A_865 = arith.constant 80 : index
        %get3A_866 = tpu.vector_load %arg10[%get3A_864, %get3A_865] {strides = array<i32>} : memref<128x128xf32, #tpu.memory_space<vmem>>, vector<1x16xf32>,
        %get3A_867 = vector.shape_cast %get3A_866 : vector<1x16xf32> to vector<16xf32>
        %mul3A_868 = vector.broadcast %squeeze3A_804 : f32 to vector<16xf32>
        %mul3A_869 = arith.mulf %get3A_867, %mul3A_868 : vector<16xf32>
        %swap3A_870 = arith.index_cast %add3A_808 : i32 to index
        %swap3A_871 = arith.constant 80 : index
        %swap3A_872 = tpu.vector_load %arg10[%swap3A_870, %swap3A_871] {strides = array<i32>} : memref<128x128xf32, #tpu.memory_space<vmem>>, vector<1x16xf32>,
        %swap3A_873 = vector.shape_cast %swap3A_872 : vector<1x16xf32> to vector<16xf32>
        %swap3A_874 = vector.shape_cast %mul3A_869 : vector<16xf32> to vector<1x16xf32>
        tpu.vector_store %arg10[%swap3A_870, %swap3A_871], %swap3A_874 {strides = array<i32>} : memref<128x128xf32, #tpu.memory_space<vmem>>, vector<1x16xf32>,
        %get3A_875 = arith.index_cast %add3A_808 : i32 to index
        %get3A_876 = arith.constant 96 : index
        %get3A_877 = tpu.vector_load %arg10[%get3A_875, %get3A_876] {strides = array<i32>} : memref<128x128xf32, #tpu.memory_space<vmem>>, vector<1x16xf32>,
        %get3A_878 = vector.shape_cast %get3A_877 : vector<1x16xf32> to vector<16xf32>
        %mul3A_879 = vector.broadcast %squeeze3A_804 : f32 to vector<16xf32>
        %mul3A_880 = arith.mulf %get3A_878, %mul3A_879 : vector<16xf32>
        %swap3A_881 = arith.index_cast %add3A_808 : i32 to index
        %swap3A_882 = arith.constant 96 : index
        %swap3A_883 = tpu.vector_load %arg10[%swap3A_881, %swap3A_882] {strides = array<i32>} : memref<128x128xf32, #tpu.memory_space<vmem>>, vector<1x16xf32>,
        %swap3A_884 = vector.shape_cast %swap3A_883 : vector<1x16xf32> to vector<16xf32>
        %swap3A_885 = vector.shape_cast %mul3A_880 : vector<16xf32> to vector<1x16xf32>
        tpu.vector_store %arg10[%swap3A_881, %swap3A_882], %swap3A_885 {strides = array<i32>} : memref<128x128xf32, #tpu.memory_space<vmem>>, vector<1x16xf32>,
        %get3A_886 = arith.index_cast %add3A_808 : i32 to index
        %get3A_887 = arith.constant 112 : index
        %get3A_888 = tpu.vector_load %arg10[%get3A_886, %get3A_887] {strides = array<i32>} : memref<128x128xf32, #tpu.memory_space<vmem>>, vector<1x16xf32>,
        %get3A_889 = vector.shape_cast %get3A_888 : vector<1x16xf32> to vector<16xf32>
        %mul3A_890 = vector.broadcast %squeeze3A_804 : f32 to vector<16xf32>
        %mul3A_891 = arith.mulf %get3A_889, %mul3A_890 : vector<16xf32>
        %swap3A_892 = arith.index_cast %add3A_808 : i32 to index
        %swap3A_893 = arith.constant 112 : index
        %swap3A_894 = tpu.vector_load %arg10[%swap3A_892, %swap3A_893] {strides = array<i32>} : memref<128x128xf32, #tpu.memory_space<vmem>>, vector<1x16xf32>,
        %swap3A_895 = vector.shape_cast %swap3A_894 : vector<1x16xf32> to vector<16xf32>
        %swap3A_896 = vector.shape_cast %mul3A_891 : vector<16xf32> to vector<1x16xf32>
        tpu.vector_store %arg10[%swap3A_892, %swap3A_893], %swap3A_896 {strides = array<i32>} : memref<128x128xf32, #tpu.memory_space<vmem>>, vector<1x16xf32>,
        %slice3A_897 = vector.extract_strided_slice %get3A_522 {offsets = [4], sizes = [1], strides = [1]} : vector<16xf32> to vector<1xf32>
        %squeeze3A_898 = vector.extract %slice3A_897[0] : f32 from vector<1xf32>
        %mul3A_899 = arith.constant 16 : i32
        %mul3A_900 = arith.muli %scan3A_515, %mul3A_899 : i32
        %add3A_901 = arith.constant 4 : i32
        %add3A_902 = arith.addi %mul3A_900, %add3A_901 : i32
        %get3A_903 = arith.index_cast %add3A_902 : i32 to index
        %get3A_904 = arith.constant 0 : index
        %get3A_905 = tpu.vector_load %arg10[%get3A_903, %get3A_904] {strides = array<i32>} : memref<128x128xf32, #tpu.memory_space<vmem>>, vector<1x16xf32>,
        %get3A_906 = vector.shape_cast %get3A_905 : vector<1x16xf32> to vector<16xf32>
        %mul3A_907 = vector.broadcast %squeeze3A_898 : f32 to vector<16xf32>
        %mul3A_908 = arith.mulf %get3A_906, %mul3A_907 : vector<16xf32>
        %swap3A_909 = arith.index_cast %add3A_902 : i32 to index
        %swap3A_910 = arith.constant 0 : index
        %swap3A_911 = tpu.vector_load %arg10[%swap3A_909, %swap3A_910] {strides = array<i32>} : memref<128x128xf32, #tpu.memory_space<vmem>>, vector<1x16xf32>,
        %swap3A_912 = vector.shape_cast %swap3A_911 : vector<1x16xf32> to vector<16xf32>
        %swap3A_913 = vector.shape_cast %mul3A_908 : vector<16xf32> to vector<1x16xf32>
        tpu.vector_store %arg10[%swap3A_909, %swap3A_910], %swap3A_913 {strides = array<i32>} : memref<128x128xf32, #tpu.memory_space<vmem>>, vector<1x16xf32>,
        %get3A_914 = arith.index_cast %add3A_902 : i32 to index
        %get3A_915 = arith.constant 16 : index
        %get3A_916 = tpu.vector_load %arg10[%get3A_914, %get3A_915] {strides = array<i32>} : memref<128x128xf32, #tpu.memory_space<vmem>>, vector<1x16xf32>,
        %get3A_917 = vector.shape_cast %get3A_916 : vector<1x16xf32> to vector<16xf32>
        %mul3A_918 = vector.broadcast %squeeze3A_898 : f32 to vector<16xf32>
        %mul3A_919 = arith.mulf %get3A_917, %mul3A_918 : vector<16xf32>
        %swap3A_920 = arith.index_cast %add3A_902 : i32 to index
        %swap3A_921 = arith.constant 16 : index
        %swap3A_922 = tpu.vector_load %arg10[%swap3A_920, %swap3A_921] {strides = array<i32>} : memref<128x128xf32, #tpu.memory_space<vmem>>, vector<1x16xf32>,
        %swap3A_923 = vector.shape_cast %swap3A_922 : vector<1x16xf32> to vector<16xf32>
        %swap3A_924 = vector.shape_cast %mul3A_919 : vector<16xf32> to vector<1x16xf32>
        tpu.vector_store %arg10[%swap3A_920, %swap3A_921], %swap3A_924 {strides = array<i32>} : memref<128x128xf32, #tpu.memory_space<vmem>>, vector<1x16xf32>,
        %get3A_925 = arith.index_cast %add3A_902 : i32 to index
        %get3A_926 = arith.constant 32 : index
        %get3A_927 = tpu.vector_load %arg10[%get3A_925, %get3A_926] {strides = array<i32>} : memref<128x128xf32, #tpu.memory_space<vmem>>, vector<1x16xf32>,
        %get3A_928 = vector.shape_cast %get3A_927 : vector<1x16xf32> to vector<16xf32>
        %mul3A_929 = vector.broadcast %squeeze3A_898 : f32 to vector<16xf32>
        %mul3A_930 = arith.mulf %get3A_928, %mul3A_929 : vector<16xf32>
        %swap3A_931 = arith.index_cast %add3A_902 : i32 to index
        %swap3A_932 = arith.constant 32 : index
        %swap3A_933 = tpu.vector_load %arg10[%swap3A_931, %swap3A_932] {strides = array<i32>} : memref<128x128xf32, #tpu.memory_space<vmem>>, vector<1x16xf32>,
        %swap3A_934 = vector.shape_cast %swap3A_933 : vector<1x16xf32> to vector<16xf32>
        %swap3A_935 = vector.shape_cast %mul3A_930 : vector<16xf32> to vector<1x16xf32>
        tpu.vector_store %arg10[%swap3A_931, %swap3A_932], %swap3A_935 {strides = array<i32>} : memref<128x128xf32, #tpu.memory_space<vmem>>, vector<1x16xf32>,
        %get3A_936 = arith.index_cast %add3A_902 : i32 to index
        %get3A_937 = arith.constant 48 : index
        %get3A_938 = tpu.vector_load %arg10[%get3A_936, %get3A_937] {strides = array<i32>} : memref<128x128xf32, #tpu.memory_space<vmem>>, vector<1x16xf32>,
        %get3A_939 = vector.shape_cast %get3A_938 : vector<1x16xf32> to vector<16xf32>
        %mul3A_940 = vector.broadcast %squeeze3A_898 : f32 to vector<16xf32>
        %mul3A_941 = arith.mulf %get3A_939, %mul3A_940 : vector<16xf32>
        %swap3A_942 = arith.index_cast %add3A_902 : i32 to index
        %swap3A_943 = arith.constant 48 : index
        %swap3A_944 = tpu.vector_load %arg10[%swap3A_942, %swap3A_943] {strides = array<i32>} : memref<128x128xf32, #tpu.memory_space<vmem>>, vector<1x16xf32>,
        %swap3A_945 = vector.shape_cast %swap3A_944 : vector<1x16xf32> to vector<16xf32>
        %swap3A_946 = vector.shape_cast %mul3A_941 : vector<16xf32> to vector<1x16xf32>
        tpu.vector_store %arg10[%swap3A_942, %swap3A_943], %swap3A_946 {strides = array<i32>} : memref<128x128xf32, #tpu.memory_space<vmem>>, vector<1x16xf32>,
        %get3A_947 = arith.index_cast %add3A_902 : i32 to index
        %get3A_948 = arith.constant 64 : index
        %get3A_949 = tpu.vector_load %arg10[%get3A_947, %get3A_948] {strides = array<i32>} : memref<128x128xf32, #tpu.memory_space<vmem>>, vector<1x16xf32>,
        %get3A_950 = vector.shape_cast %get3A_949 : vector<1x16xf32> to vector<16xf32>
        %mul3A_951 = vector.broadcast %squeeze3A_898 : f32 to vector<16xf32>
        %mul3A_952 = arith.mulf %get3A_950, %mul3A_951 : vector<16xf32>
        %swap3A_953 = arith.index_cast %add3A_902 : i32 to index
        %swap3A_954 = arith.constant 64 : index
        %swap3A_955 = tpu.vector_load %arg10[%swap3A_953, %swap3A_954] {strides = array<i32>} : memref<128x128xf32, #tpu.memory_space<vmem>>, vector<1x16xf32>,
        %swap3A_956 = vector.shape_cast %swap3A_955 : vector<1x16xf32> to vector<16xf32>
        %swap3A_957 = vector.shape_cast %mul3A_952 : vector<16xf32> to vector<1x16xf32>
        tpu.vector_store %arg10[%swap3A_953, %swap3A_954], %swap3A_957 {strides = array<i32>} : memref<128x128xf32, #tpu.memory_space<vmem>>, vector<1x16xf32>,
        %get3A_958 = arith.index_cast %add3A_902 : i32 to index
        %get3A_959 = arith.constant 80 : index
        %get3A_960 = tpu.vector_load %arg10[%get3A_958, %get3A_959] {strides = array<i32>} : memref<128x128xf32, #tpu.memory_space<vmem>>, vector<1x16xf32>,
        %get3A_961 = vector.shape_cast %get3A_960 : vector<1x16xf32> to vector<16xf32>
        %mul3A_962 = vector.broadcast %squeeze3A_898 : f32 to vector<16xf32>
        %mul3A_963 = arith.mulf %get3A_961, %mul3A_962 : vector<16xf32>
        %swap3A_964 = arith.index_cast %add3A_902 : i32 to index
        %swap3A_965 = arith.constant 80 : index
        %swap3A_966 = tpu.vector_load %arg10[%swap3A_964, %swap3A_965] {strides = array<i32>} : memref<128x128xf32, #tpu.memory_space<vmem>>, vector<1x16xf32>,
        %swap3A_967 = vector.shape_cast %swap3A_966 : vector<1x16xf32> to vector<16xf32>
        %swap3A_968 = vector.shape_cast %mul3A_963 : vector<16xf32> to vector<1x16xf32>
        tpu.vector_store %arg10[%swap3A_964, %swap3A_965], %swap3A_968 {strides = array<i32>} : memref<128x128xf32, #tpu.memory_space<vmem>>, vector<1x16xf32>,
        %get3A_969 = arith.index_cast %add3A_902 : i32 to index
        %get3A_970 = arith.constant 96 : index
        %get3A_971 = tpu.vector_load %arg10[%get3A_969, %get3A_970] {strides = array<i32>} : memref<128x128xf32, #tpu.memory_space<vmem>>, vector<1x16xf32>,
        %get3A_972 = vector.shape_cast %get3A_971 : vector<1x16xf32> to vector<16xf32>
        %mul3A_973 = vector.broadcast %squeeze3A_898 : f32 to vector<16xf32>
        %mul3A_974 = arith.mulf %get3A_972, %mul3A_973 : vector<16xf32>
        %swap3A_975 = arith.index_cast %add3A_902 : i32 to index
        %swap3A_976 = arith.constant 96 : index
        %swap3A_977 = tpu.vector_load %arg10[%swap3A_975, %swap3A_976] {strides = array<i32>} : memref<128x128xf32, #tpu.memory_space<vmem>>, vector<1x16xf32>,
        %swap3A_978 = vector.shape_cast %swap3A_977 : vector<1x16xf32> to vector<16xf32>
        %swap3A_979 = vector.shape_cast %mul3A_974 : vector<16xf32> to vector<1x16xf32>
        tpu.vector_store %arg10[%swap3A_975, %swap3A_976], %swap3A_979 {strides = array<i32>} : memref<128x128xf32, #tpu.memory_space<vmem>>, vector<1x16xf32>,
        %get3A_980 = arith.index_cast %add3A_902 : i32 to index
        %get3A_981 = arith.constant 112 : index
        %get3A_982 = tpu.vector_load %arg10[%get3A_980, %get3A_981] {strides = array<i32>} : memref<128x128xf32, #tpu.memory_space<vmem>>, vector<1x16xf32>,
        %get3A_983 = vector.shape_cast %get3A_982 : vector<1x16xf32> to vector<16xf32>
        %mul3A_984 = vector.broadcast %squeeze3A_898 : f32 to vector<16xf32>
        %mul3A_985 = arith.mulf %get3A_983, %mul3A_984 : vector<16xf32>
        %swap3A_986 = arith.index_cast %add3A_902 : i32 to index
        %swap3A_987 = arith.constant 112 : index
        %swap3A_988 = tpu.vector_load %arg10[%swap3A_986, %swap3A_987] {strides = array<i32>} : memref<128x128xf32, #tpu.memory_space<vmem>>, vector<1x16xf32>,
        %swap3A_989 = vector.shape_cast %swap3A_988 : vector<1x16xf32> to vector<16xf32>
        %swap3A_990 = vector.shape_cast %mul3A_985 : vector<16xf32> to vector<1x16xf32>
        tpu.vector_store %arg10[%swap3A_986, %swap3A_987], %swap3A_990 {strides = array<i32>} : memref<128x128xf32, #tpu.memory_space<vmem>>, vector<1x16xf32>,
        %slice3A_991 = vector.extract_strided_slice %get3A_522 {offsets = [5], sizes = [1], strides = [1]} : vector<16xf32> to vector<1xf32>
        %squeeze3A_992 = vector.extract %slice3A_991[0] : f32 from vector<1xf32>
        %mul3A_993 = arith.constant 16 : i32
        %mul3A_994 = arith.muli %scan3A_515, %mul3A_993 : i32
        %add3A_995 = arith.constant 5 : i32
        %add3A_996 = arith.addi %mul3A_994, %add3A_995 : i32
        %get3A_997 = arith.index_cast %add3A_996 : i32 to index
        %get3A_998 = arith.constant 0 : index
        %get3A_999 = tpu.vector_load %arg10[%get3A_997, %get3A_998] {strides = array<i32>} : memref<128x128xf32, #tpu.memory_space<vmem>>, vector<1x16xf32>,
        %get3A_1000 = vector.shape_cast %get3A_999 : vector<1x16xf32> to vector<16xf32>
        %mul3A_1001 = vector.broadcast %squeeze3A_992 : f32 to vector<16xf32>
        %mul3A_1002 = arith.mulf %get3A_1000, %mul3A_1001 : vector<16xf32>
        %swap3A_1003 = arith.index_cast %add3A_996 : i32 to index
        %swap3A_1004 = arith.constant 0 : index
        %swap3A_1005 = tpu.vector_load %arg10[%swap3A_1003, %swap3A_1004] {strides = array<i32>} : memref<128x128xf32, #tpu.memory_space<vmem>>, vector<1x16xf32>,
        %swap3A_1006 = vector.shape_cast %swap3A_1005 : vector<1x16xf32> to vector<16xf32>
        %swap3A_1007 = vector.shape_cast %mul3A_1002 : vector<16xf32> to vector<1x16xf32>
        tpu.vector_store %arg10[%swap3A_1003, %swap3A_1004], %swap3A_1007 {strides = array<i32>} : memref<128x128xf32, #tpu.memory_space<vmem>>, vector<1x16xf32>,
        %get3A_1008 = arith.index_cast %add3A_996 : i32 to index
        %get3A_1009 = arith.constant 16 : index
        %get3A_1010 = tpu.vector_load %arg10[%get3A_1008, %get3A_1009] {strides = array<i32>} : memref<128x128xf32, #tpu.memory_space<vmem>>, vector<1x16xf32>,
        %get3A_1011 = vector.shape_cast %get3A_1010 : vector<1x16xf32> to vector<16xf32>
        %mul3A_1012 = vector.broadcast %squeeze3A_992 : f32 to vector<16xf32>
        %mul3A_1013 = arith.mulf %get3A_1011, %mul3A_1012 : vector<16xf32>
        %swap3A_1014 = arith.index_cast %add3A_996 : i32 to index
        %swap3A_1015 = arith.constant 16 : index
        %swap3A_1016 = tpu.vector_load %arg10[%swap3A_1014, %swap3A_1015] {strides = array<i32>} : memref<128x128xf32, #tpu.memory_space<vmem>>, vector<1x16xf32>,
        %swap3A_1017 = vector.shape_cast %swap3A_1016 : vector<1x16xf32> to vector<16xf32>
        %swap3A_1018 = vector.shape_cast %mul3A_1013 : vector<16xf32> to vector<1x16xf32>
        tpu.vector_store %arg10[%swap3A_1014, %swap3A_1015], %swap3A_1018 {strides = array<i32>} : memref<128x128xf32, #tpu.memory_space<vmem>>, vector<1x16xf32>,
        %get3A_1019 = arith.index_cast %add3A_996 : i32 to index
        %get3A_1020 = arith.constant 32 : index
        %get3A_1021 = tpu.vector_load %arg10[%get3A_1019, %get3A_1020] {strides = array<i32>} : memref<128x128xf32, #tpu.memory_space<vmem>>, vector<1x16xf32>,
        %get3A_1022 = vector.shape_cast %get3A_1021 : vector<1x16xf32> to vector<16xf32>
        %mul3A_1023 = vector.broadcast %squeeze3A_992 : f32 to vector<16xf32>
        %mul3A_1024 = arith.mulf %get3A_1022, %mul3A_1023 : vector<16xf32>
        %swap3A_1025 = arith.index_cast %add3A_996 : i32 to index
        %swap3A_1026 = arith.constant 32 : index
        %swap3A_1027 = tpu.vector_load %arg10[%swap3A_1025, %swap3A_1026] {strides = array<i32>} : memref<128x128xf32, #tpu.memory_space<vmem>>, vector<1x16xf32>,
        %swap3A_1028 = vector.shape_cast %swap3A_1027 : vector<1x16xf32> to vector<16xf32>
        %swap3A_1029 = vector.shape_cast %mul3A_1024 : vector<16xf32> to vector<1x16xf32>
        tpu.vector_store %arg10[%swap3A_1025, %swap3A_1026], %swap3A_1029 {strides = array<i32>} : memref<128x128xf32, #tpu.memory_space<vmem>>, vector<1x16xf32>,
        %get3A_1030 = arith.index_cast %add3A_996 : i32 to index
        %get3A_1031 = arith.constant 48 : index
        %get3A_1032 = tpu.vector_load %arg10[%get3A_1030, %get3A_1031] {strides = array<i32>} : memref<128x128xf32, #tpu.memory_space<vmem>>, vector<1x16xf32>,
        %get3A_1033 = vector.shape_cast %get3A_1032 : vector<1x16xf32> to vector<16xf32>
        %mul3A_1034 = vector.broadcast %squeeze3A_992 : f32 to vector<16xf32>
        %mul3A_1035 = arith.mulf %get3A_1033, %mul3A_1034 : vector<16xf32>
        %swap3A_1036 = arith.index_cast %add3A_996 : i32 to index
        %swap3A_1037 = arith.constant 48 : index
        %swap3A_1038 = tpu.vector_load %arg10[%swap3A_1036, %swap3A_1037] {strides = array<i32>} : memref<128x128xf32, #tpu.memory_space<vmem>>, vector<1x16xf32>,
        %swap3A_1039 = vector.shape_cast %swap3A_1038 : vector<1x16xf32> to vector<16xf32>
        %swap3A_1040 = vector.shape_cast %mul3A_1035 : vector<16xf32> to vector<1x16xf32>
        tpu.vector_store %arg10[%swap3A_1036, %swap3A_1037], %swap3A_1040 {strides = array<i32>} : memref<128x128xf32, #tpu.memory_space<vmem>>, vector<1x16xf32>,
        %get3A_1041 = arith.index_cast %add3A_996 : i32 to index
        %get3A_1042 = arith.constant 64 : index
        %get3A_1043 = tpu.vector_load %arg10[%get3A_1041, %get3A_1042] {strides = array<i32>} : memref<128x128xf32, #tpu.memory_space<vmem>>, vector<1x16xf32>,
        %get3A_1044 = vector.shape_cast %get3A_1043 : vector<1x16xf32> to vector<16xf32>
        %mul3A_1045 = vector.broadcast %squeeze3A_992 : f32 to vector<16xf32>
        %mul3A_1046 = arith.mulf %get3A_1044, %mul3A_1045 : vector<16xf32>
        %swap3A_1047 = arith.index_cast %add3A_996 : i32 to index
        %swap3A_1048 = arith.constant 64 : index
        %swap3A_1049 = tpu.vector_load %arg10[%swap3A_1047, %swap3A_1048] {strides = array<i32>} : memref<128x128xf32, #tpu.memory_space<vmem>>, vector<1x16xf32>,
        %swap3A_1050 = vector.shape_cast %swap3A_1049 : vector<1x16xf32> to vector<16xf32>
        %swap3A_1051 = vector.shape_cast %mul3A_1046 : vector<16xf32> to vector<1x16xf32>
        tpu.vector_store %arg10[%swap3A_1047, %swap3A_1048], %swap3A_1051 {strides = array<i32>} : memref<128x128xf32, #tpu.memory_space<vmem>>, vector<1x16xf32>,
        %get3A_1052 = arith.index_cast %add3A_996 : i32 to index
        %get3A_1053 = arith.constant 80 : index
        %get3A_1054 = tpu.vector_load %arg10[%get3A_1052, %get3A_1053] {strides = array<i32>} : memref<128x128xf32, #tpu.memory_space<vmem>>, vector<1x16xf32>,
        %get3A_1055 = vector.shape_cast %get3A_1054 : vector<1x16xf32> to vector<16xf32>
        %mul3A_1056 = vector.broadcast %squeeze3A_992 : f32 to vector<16xf32>
        %mul3A_1057 = arith.mulf %get3A_1055, %mul3A_1056 : vector<16xf32>
        %swap3A_1058 = arith.index_cast %add3A_996 : i32 to index
        %swap3A_1059 = arith.constant 80 : index
        %swap3A_1060 = tpu.vector_load %arg10[%swap3A_1058, %swap3A_1059] {strides = array<i32>} : memref<128x128xf32, #tpu.memory_space<vmem>>, vector<1x16xf32>,
        %swap3A_1061 = vector.shape_cast %swap3A_1060 : vector<1x16xf32> to vector<16xf32>
        %swap3A_1062 = vector.shape_cast %mul3A_1057 : vector<16xf32> to vector<1x16xf32>
        tpu.vector_store %arg10[%swap3A_1058, %swap3A_1059], %swap3A_1062 {strides = array<i32>} : memref<128x128xf32, #tpu.memory_space<vmem>>, vector<1x16xf32>,
        %get3A_1063 = arith.index_cast %add3A_996 : i32 to index
        %get3A_1064 = arith.constant 96 : index
        %get3A_1065 = tpu.vector_load %arg10[%get3A_1063, %get3A_1064] {strides = array<i32>} : memref<128x128xf32, #tpu.memory_space<vmem>>, vector<1x16xf32>,
        %get3A_1066 = vector.shape_cast %get3A_1065 : vector<1x16xf32> to vector<16xf32>
        %mul3A_1067 = vector.broadcast %squeeze3A_992 : f32 to vector<16xf32>
        %mul3A_1068 = arith.mulf %get3A_1066, %mul3A_1067 : vector<16xf32>
        %swap3A_1069 = arith.index_cast %add3A_996 : i32 to index
        %swap3A_1070 = arith.constant 96 : index
        %swap3A_1071 = tpu.vector_load %arg10[%swap3A_1069, %swap3A_1070] {strides = array<i32>} : memref<128x128xf32, #tpu.memory_space<vmem>>, vector<1x16xf32>,
        %swap3A_1072 = vector.shape_cast %swap3A_1071 : vector<1x16xf32> to vector<16xf32>
        %swap3A_1073 = vector.shape_cast %mul3A_1068 : vector<16xf32> to vector<1x16xf32>
        tpu.vector_store %arg10[%swap3A_1069, %swap3A_1070], %swap3A_1073 {strides = array<i32>} : memref<128x128xf32, #tpu.memory_space<vmem>>, vector<1x16xf32>,
        %get3A_1074 = arith.index_cast %add3A_996 : i32 to index
        %get3A_1075 = arith.constant 112 : index
        %get3A_1076 = tpu.vector_load %arg10[%get3A_1074, %get3A_1075] {strides = array<i32>} : memref<128x128xf32, #tpu.memory_space<vmem>>, vector<1x16xf32>,
        %get3A_1077 = vector.shape_cast %get3A_1076 : vector<1x16xf32> to vector<16xf32>
        %mul3A_1078 = vector.broadcast %squeeze3A_992 : f32 to vector<16xf32>
        %mul3A_1079 = arith.mulf %get3A_1077, %mul3A_1078 : vector<16xf32>
        %swap3A_1080 = arith.index_cast %add3A_996 : i32 to index
        %swap3A_1081 = arith.constant 112 : index
        %swap3A_1082 = tpu.vector_load %arg10[%swap3A_1080, %swap3A_1081] {strides = array<i32>} : memref<128x128xf32, #tpu.memory_space<vmem>>, vector<1x16xf32>,
        %swap3A_1083 = vector.shape_cast %swap3A_1082 : vector<1x16xf32> to vector<16xf32>
        %swap3A_1084 = vector.shape_cast %mul3A_1079 : vector<16xf32> to vector<1x16xf32>
        tpu.vector_store %arg10[%swap3A_1080, %swap3A_1081], %swap3A_1084 {strides = array<i32>} : memref<128x128xf32, #tpu.memory_space<vmem>>, vector<1x16xf32>,
        %slice3A_1085 = vector.extract_strided_slice %get3A_522 {offsets = [6], sizes = [1], strides = [1]} : vector<16xf32> to vector<1xf32>
        %squeeze3A_1086 = vector.extract %slice3A_1085[0] : f32 from vector<1xf32>
        %mul3A_1087 = arith.constant 16 : i32
        %mul3A_1088 = arith.muli %scan3A_515, %mul3A_1087 : i32
        %add3A_1089 = arith.constant 6 : i32
        %add3A_1090 = arith.addi %mul3A_1088, %add3A_1089 : i32
        %get3A_1091 = arith.index_cast %add3A_1090 : i32 to index
        %get3A_1092 = arith.constant 0 : index
        %get3A_1093 = tpu.vector_load %arg10[%get3A_1091, %get3A_1092] {strides = array<i32>} : memref<128x128xf32, #tpu.memory_space<vmem>>, vector<1x16xf32>,
        %get3A_1094 = vector.shape_cast %get3A_1093 : vector<1x16xf32> to vector<16xf32>
        %mul3A_1095 = vector.broadcast %squeeze3A_1086 : f32 to vector<16xf32>
        %mul3A_1096 = arith.mulf %get3A_1094, %mul3A_1095 : vector<16xf32>
        %swap3A_1097 = arith.index_cast %add3A_1090 : i32 to index
        %swap3A_1098 = arith.constant 0 : index
        %swap3A_1099 = tpu.vector_load %arg10[%swap3A_1097, %swap3A_1098] {strides = array<i32>} : memref<128x128xf32, #tpu.memory_space<vmem>>, vector<1x16xf32>,
        %swap3A_1100 = vector.shape_cast %swap3A_1099 : vector<1x16xf32> to vector<16xf32>
        %swap3A_1101 = vector.shape_cast %mul3A_1096 : vector<16xf32> to vector<1x16xf32>
        tpu.vector_store %arg10[%swap3A_1097, %swap3A_1098], %swap3A_1101 {strides = array<i32>} : memref<128x128xf32, #tpu.memory_space<vmem>>, vector<1x16xf32>,
        %get3A_1102 = arith.index_cast %add3A_1090 : i32 to index
        %get3A_1103 = arith.constant 16 : index
        %get3A_1104 = tpu.vector_load %arg10[%get3A_1102, %get3A_1103] {strides = array<i32>} : memref<128x128xf32, #tpu.memory_space<vmem>>, vector<1x16xf32>,
        %get3A_1105 = vector.shape_cast %get3A_1104 : vector<1x16xf32> to vector<16xf32>
        %mul3A_1106 = vector.broadcast %squeeze3A_1086 : f32 to vector<16xf32>
        %mul3A_1107 = arith.mulf %get3A_1105, %mul3A_1106 : vector<16xf32>
        %swap3A_1108 = arith.index_cast %add3A_1090 : i32 to index
        %swap3A_1109 = arith.constant 16 : index
        %swap3A_1110 = tpu.vector_load %arg10[%swap3A_1108, %swap3A_1109] {strides = array<i32>} : memref<128x128xf32, #tpu.memory_space<vmem>>, vector<1x16xf32>,
        %swap3A_1111 = vector.shape_cast %swap3A_1110 : vector<1x16xf32> to vector<16xf32>
        %swap3A_1112 = vector.shape_cast %mul3A_1107 : vector<16xf32> to vector<1x16xf32>
        tpu.vector_store %arg10[%swap3A_1108, %swap3A_1109], %swap3A_1112 {strides = array<i32>} : memref<128x128xf32, #tpu.memory_space<vmem>>, vector<1x16xf32>,
        %get3A_1113 = arith.index_cast %add3A_1090 : i32 to index
        %get3A_1114 = arith.constant 32 : index
        %get3A_1115 = tpu.vector_load %arg10[%get3A_1113, %get3A_1114] {strides = array<i32>} : memref<128x128xf32, #tpu.memory_space<vmem>>, vector<1x16xf32>,
        %get3A_1116 = vector.shape_cast %get3A_1115 : vector<1x16xf32> to vector<16xf32>
        %mul3A_1117 = vector.broadcast %squeeze3A_1086 : f32 to vector<16xf32>
        %mul3A_1118 = arith.mulf %get3A_1116, %mul3A_1117 : vector<16xf32>
        %swap3A_1119 = arith.index_cast %add3A_1090 : i32 to index
        %swap3A_1120 = arith.constant 32 : index
        %swap3A_1121 = tpu.vector_load %arg10[%swap3A_1119, %swap3A_1120] {strides = array<i32>} : memref<128x128xf32, #tpu.memory_space<vmem>>, vector<1x16xf32>,
        %swap3A_1122 = vector.shape_cast %swap3A_1121 : vector<1x16xf32> to vector<16xf32>
        %swap3A_1123 = vector.shape_cast %mul3A_1118 : vector<16xf32> to vector<1x16xf32>
        tpu.vector_store %arg10[%swap3A_1119, %swap3A_1120], %swap3A_1123 {strides = array<i32>} : memref<128x128xf32, #tpu.memory_space<vmem>>, vector<1x16xf32>,
        %get3A_1124 = arith.index_cast %add3A_1090 : i32 to index
        %get3A_1125 = arith.constant 48 : index
        %get3A_1126 = tpu.vector_load %arg10[%get3A_1124, %get3A_1125] {strides = array<i32>} : memref<128x128xf32, #tpu.memory_space<vmem>>, vector<1x16xf32>,
        %get3A_1127 = vector.shape_cast %get3A_1126 : vector<1x16xf32> to vector<16xf32>
        %mul3A_1128 = vector.broadcast %squeeze3A_1086 : f32 to vector<16xf32>
        %mul3A_1129 = arith.mulf %get3A_1127, %mul3A_1128 : vector<16xf32>
        %swap3A_1130 = arith.index_cast %add3A_1090 : i32 to index
        %swap3A_1131 = arith.constant 48 : index
        %swap3A_1132 = tpu.vector_load %arg10[%swap3A_1130, %swap3A_1131] {strides = array<i32>} : memref<128x128xf32, #tpu.memory_space<vmem>>, vector<1x16xf32>,
        %swap3A_1133 = vector.shape_cast %swap3A_1132 : vector<1x16xf32> to vector<16xf32>
        %swap3A_1134 = vector.shape_cast %mul3A_1129 : vector<16xf32> to vector<1x16xf32>
        tpu.vector_store %arg10[%swap3A_1130, %swap3A_1131], %swap3A_1134 {strides = array<i32>} : memref<128x128xf32, #tpu.memory_space<vmem>>, vector<1x16xf32>,
        %get3A_1135 = arith.index_cast %add3A_1090 : i32 to index
        %get3A_1136 = arith.constant 64 : index
        %get3A_1137 = tpu.vector_load %arg10[%get3A_1135, %get3A_1136] {strides = array<i32>} : memref<128x128xf32, #tpu.memory_space<vmem>>, vector<1x16xf32>,
        %get3A_1138 = vector.shape_cast %get3A_1137 : vector<1x16xf32> to vector<16xf32>
        %mul3A_1139 = vector.broadcast %squeeze3A_1086 : f32 to vector<16xf32>
        %mul3A_1140 = arith.mulf %get3A_1138, %mul3A_1139 : vector<16xf32>
        %swap3A_1141 = arith.index_cast %add3A_1090 : i32 to index
        %swap3A_1142 = arith.constant 64 : index
        %swap3A_1143 = tpu.vector_load %arg10[%swap3A_1141, %swap3A_1142] {strides = array<i32>} : memref<128x128xf32, #tpu.memory_space<vmem>>, vector<1x16xf32>,
        %swap3A_1144 = vector.shape_cast %swap3A_1143 : vector<1x16xf32> to vector<16xf32>
        %swap3A_1145 = vector.shape_cast %mul3A_1140 : vector<16xf32> to vector<1x16xf32>
        tpu.vector_store %arg10[%swap3A_1141, %swap3A_1142], %swap3A_1145 {strides = array<i32>} : memref<128x128xf32, #tpu.memory_space<vmem>>, vector<1x16xf32>,
        %get3A_1146 = arith.index_cast %add3A_1090 : i32 to index
        %get3A_1147 = arith.constant 80 : index
        %get3A_1148 = tpu.vector_load %arg10[%get3A_1146, %get3A_1147] {strides = array<i32>} : memref<128x128xf32, #tpu.memory_space<vmem>>, vector<1x16xf32>,
        %get3A_1149 = vector.shape_cast %get3A_1148 : vector<1x16xf32> to vector<16xf32>
        %mul3A_1150 = vector.broadcast %squeeze3A_1086 : f32 to vector<16xf32>
        %mul3A_1151 = arith.mulf %get3A_1149, %mul3A_1150 : vector<16xf32>
        %swap3A_1152 = arith.index_cast %add3A_1090 : i32 to index
        %swap3A_1153 = arith.constant 80 : index
        %swap3A_1154 = tpu.vector_load %arg10[%swap3A_1152, %swap3A_1153] {strides = array<i32>} : memref<128x128xf32, #tpu.memory_space<vmem>>, vector<1x16xf32>,
        %swap3A_1155 = vector.shape_cast %swap3A_1154 : vector<1x16xf32> to vector<16xf32>
        %swap3A_1156 = vector.shape_cast %mul3A_1151 : vector<16xf32> to vector<1x16xf32>
        tpu.vector_store %arg10[%swap3A_1152, %swap3A_1153], %swap3A_1156 {strides = array<i32>} : memref<128x128xf32, #tpu.memory_space<vmem>>, vector<1x16xf32>,
        %get3A_1157 = arith.index_cast %add3A_1090 : i32 to index
        %get3A_1158 = arith.constant 96 : index
        %get3A_1159 = tpu.vector_load %arg10[%get3A_1157, %get3A_1158] {strides = array<i32>} : memref<128x128xf32, #tpu.memory_space<vmem>>, vector<1x16xf32>,
        %get3A_1160 = vector.shape_cast %get3A_1159 : vector<1x16xf32> to vector<16xf32>
        %mul3A_1161 = vector.broadcast %squeeze3A_1086 : f32 to vector<16xf32>
        %mul3A_1162 = arith.mulf %get3A_1160, %mul3A_1161 : vector<16xf32>
        %swap3A_1163 = arith.index_cast %add3A_1090 : i32 to index
        %swap3A_1164 = arith.constant 96 : index
        %swap3A_1165 = tpu.vector_load %arg10[%swap3A_1163, %swap3A_1164] {strides = array<i32>} : memref<128x128xf32, #tpu.memory_space<vmem>>, vector<1x16xf32>,
        %swap3A_1166 = vector.shape_cast %swap3A_1165 : vector<1x16xf32> to vector<16xf32>
        %swap3A_1167 = vector.shape_cast %mul3A_1162 : vector<16xf32> to vector<1x16xf32>
        tpu.vector_store %arg10[%swap3A_1163, %swap3A_1164], %swap3A_1167 {strides = array<i32>} : memref<128x128xf32, #tpu.memory_space<vmem>>, vector<1x16xf32>,
        %get3A_1168 = arith.index_cast %add3A_1090 : i32 to index
        %get3A_1169 = arith.constant 112 : index
        %get3A_1170 = tpu.vector_load %arg10[%get3A_1168, %get3A_1169] {strides = array<i32>} : memref<128x128xf32, #tpu.memory_space<vmem>>, vector<1x16xf32>,
        %get3A_1171 = vector.shape_cast %get3A_1170 : vector<1x16xf32> to vector<16xf32>
        %mul3A_1172 = vector.broadcast %squeeze3A_1086 : f32 to vector<16xf32>
        %mul3A_1173 = arith.mulf %get3A_1171, %mul3A_1172 : vector<16xf32>
        %swap3A_1174 = arith.index_cast %add3A_1090 : i32 to index
        %swap3A_1175 = arith.constant 112 : index
        %swap3A_1176 = tpu.vector_load %arg10[%swap3A_1174, %swap3A_1175] {strides = array<i32>} : memref<128x128xf32, #tpu.memory_space<vmem>>, vector<1x16xf32>,
        %swap3A_1177 = vector.shape_cast %swap3A_1176 : vector<1x16xf32> to vector<16xf32>
        %swap3A_1178 = vector.shape_cast %mul3A_1173 : vector<16xf32> to vector<1x16xf32>
        tpu.vector_store %arg10[%swap3A_1174, %swap3A_1175], %swap3A_1178 {strides = array<i32>} : memref<128x128xf32, #tpu.memory_space<vmem>>, vector<1x16xf32>,
        %slice3A_1179 = vector.extract_strided_slice %get3A_522 {offsets = [7], sizes = [1], strides = [1]} : vector<16xf32> to vector<1xf32>
        %squeeze3A_1180 = vector.extract %slice3A_1179[0] : f32 from vector<1xf32>
        %mul3A_1181 = arith.constant 16 : i32
        %mul3A_1182 = arith.muli %scan3A_515, %mul3A_1181 : i32
        %add3A_1183 = arith.constant 7 : i32
        %add3A_1184 = arith.addi %mul3A_1182, %add3A_1183 : i32
        %get3A_1185 = arith.index_cast %add3A_1184 : i32 to index
        %get3A_1186 = arith.constant 0 : index
        %get3A_1187 = tpu.vector_load %arg10[%get3A_1185, %get3A_1186] {strides = array<i32>} : memref<128x128xf32, #tpu.memory_space<vmem>>, vector<1x16xf32>,
        %get3A_1188 = vector.shape_cast %get3A_1187 : vector<1x16xf32> to vector<16xf32>
        %mul3A_1189 = vector.broadcast %squeeze3A_1180 : f32 to vector<16xf32>
        %mul3A_1190 = arith.mulf %get3A_1188, %mul3A_1189 : vector<16xf32>
        %swap3A_1191 = arith.index_cast %add3A_1184 : i32 to index
        %swap3A_1192 = arith.constant 0 : index
        %swap3A_1193 = tpu.vector_load %arg10[%swap3A_1191, %swap3A_1192] {strides = array<i32>} : memref<128x128xf32, #tpu.memory_space<vmem>>, vector<1x16xf32>,
        %swap3A_1194 = vector.shape_cast %swap3A_1193 : vector<1x16xf32> to vector<16xf32>
        %swap3A_1195 = vector.shape_cast %mul3A_1190 : vector<16xf32> to vector<1x16xf32>
        tpu.vector_store %arg10[%swap3A_1191, %swap3A_1192], %swap3A_1195 {strides = array<i32>} : memref<128x128xf32, #tpu.memory_space<vmem>>, vector<1x16xf32>,
        %get3A_1196 = arith.index_cast %add3A_1184 : i32 to index
        %get3A_1197 = arith.constant 16 : index
        %get3A_1198 = tpu.vector_load %arg10[%get3A_1196, %get3A_1197] {strides = array<i32>} : memref<128x128xf32, #tpu.memory_space<vmem>>, vector<1x16xf32>,
        %get3A_1199 = vector.shape_cast %get3A_1198 : vector<1x16xf32> to vector<16xf32>
        %mul3A_1200 = vector.broadcast %squeeze3A_1180 : f32 to vector<16xf32>
        %mul3A_1201 = arith.mulf %get3A_1199, %mul3A_1200 : vector<16xf32>
        %swap3A_1202 = arith.index_cast %add3A_1184 : i32 to index
        %swap3A_1203 = arith.constant 16 : index
        %swap3A_1204 = tpu.vector_load %arg10[%swap3A_1202, %swap3A_1203] {strides = array<i32>} : memref<128x128xf32, #tpu.memory_space<vmem>>, vector<1x16xf32>,
        %swap3A_1205 = vector.shape_cast %swap3A_1204 : vector<1x16xf32> to vector<16xf32>
        %swap3A_1206 = vector.shape_cast %mul3A_1201 : vector<16xf32> to vector<1x16xf32>
        tpu.vector_store %arg10[%swap3A_1202, %swap3A_1203], %swap3A_1206 {strides = array<i32>} : memref<128x128xf32, #tpu.memory_space<vmem>>, vector<1x16xf32>,
        %get3A_1207 = arith.index_cast %add3A_1184 : i32 to index
        %get3A_1208 = arith.constant 32 : index
        %get3A_1209 = tpu.vector_load %arg10[%get3A_1207, %get3A_1208] {strides = array<i32>} : memref<128x128xf32, #tpu.memory_space<vmem>>, vector<1x16xf32>,
        %get3A_1210 = vector.shape_cast %get3A_1209 : vector<1x16xf32> to vector<16xf32>
        %mul3A_1211 = vector.broadcast %squeeze3A_1180 : f32 to vector<16xf32>
        %mul3A_1212 = arith.mulf %get3A_1210, %mul3A_1211 : vector<16xf32>
        %swap3A_1213 = arith.index_cast %add3A_1184 : i32 to index
        %swap3A_1214 = arith.constant 32 : index
        %swap3A_1215 = tpu.vector_load %arg10[%swap3A_1213, %swap3A_1214] {strides = array<i32>} : memref<128x128xf32, #tpu.memory_space<vmem>>, vector<1x16xf32>,
        %swap3A_1216 = vector.shape_cast %swap3A_1215 : vector<1x16xf32> to vector<16xf32>
        %swap3A_1217 = vector.shape_cast %mul3A_1212 : vector<16xf32> to vector<1x16xf32>
        tpu.vector_store %arg10[%swap3A_1213, %swap3A_1214], %swap3A_1217 {strides = array<i32>} : memref<128x128xf32, #tpu.memory_space<vmem>>, vector<1x16xf32>,
        %get3A_1218 = arith.index_cast %add3A_1184 : i32 to index
        %get3A_1219 = arith.constant 48 : index
        %get3A_1220 = tpu.vector_load %arg10[%get3A_1218, %get3A_1219] {strides = array<i32>} : memref<128x128xf32, #tpu.memory_space<vmem>>, vector<1x16xf32>,
        %get3A_1221 = vector.shape_cast %get3A_1220 : vector<1x16xf32> to vector<16xf32>
        %mul3A_1222 = vector.broadcast %squeeze3A_1180 : f32 to vector<16xf32>
        %mul3A_1223 = arith.mulf %get3A_1221, %mul3A_1222 : vector<16xf32>
        %swap3A_1224 = arith.index_cast %add3A_1184 : i32 to index
        %swap3A_1225 = arith.constant 48 : index
        %swap3A_1226 = tpu.vector_load %arg10[%swap3A_1224, %swap3A_1225] {strides = array<i32>} : memref<128x128xf32, #tpu.memory_space<vmem>>, vector<1x16xf32>,
        %swap3A_1227 = vector.shape_cast %swap3A_1226 : vector<1x16xf32> to vector<16xf32>
        %swap3A_1228 = vector.shape_cast %mul3A_1223 : vector<16xf32> to vector<1x16xf32>
        tpu.vector_store %arg10[%swap3A_1224, %swap3A_1225], %swap3A_1228 {strides = array<i32>} : memref<128x128xf32, #tpu.memory_space<vmem>>, vector<1x16xf32>,
        %get3A_1229 = arith.index_cast %add3A_1184 : i32 to index
        %get3A_1230 = arith.constant 64 : index
        %get3A_1231 = tpu.vector_load %arg10[%get3A_1229, %get3A_1230] {strides = array<i32>} : memref<128x128xf32, #tpu.memory_space<vmem>>, vector<1x16xf32>,
        %get3A_1232 = vector.shape_cast %get3A_1231 : vector<1x16xf32> to vector<16xf32>
        %mul3A_1233 = vector.broadcast %squeeze3A_1180 : f32 to vector<16xf32>
        %mul3A_1234 = arith.mulf %get3A_1232, %mul3A_1233 : vector<16xf32>
        %swap3A_1235 = arith.index_cast %add3A_1184 : i32 to index
        %swap3A_1236 = arith.constant 64 : index
        %swap3A_1237 = tpu.vector_load %arg10[%swap3A_1235, %swap3A_1236] {strides = array<i32>} : memref<128x128xf32, #tpu.memory_space<vmem>>, vector<1x16xf32>,
        %swap3A_1238 = vector.shape_cast %swap3A_1237 : vector<1x16xf32> to vector<16xf32>
        %swap3A_1239 = vector.shape_cast %mul3A_1234 : vector<16xf32> to vector<1x16xf32>
        tpu.vector_store %arg10[%swap3A_1235, %swap3A_1236], %swap3A_1239 {strides = array<i32>} : memref<128x128xf32, #tpu.memory_space<vmem>>, vector<1x16xf32>,
        %get3A_1240 = arith.index_cast %add3A_1184 : i32 to index
        %get3A_1241 = arith.constant 80 : index
        %get3A_1242 = tpu.vector_load %arg10[%get3A_1240, %get3A_1241] {strides = array<i32>} : memref<128x128xf32, #tpu.memory_space<vmem>>, vector<1x16xf32>,
        %get3A_1243 = vector.shape_cast %get3A_1242 : vector<1x16xf32> to vector<16xf32>
        %mul3A_1244 = vector.broadcast %squeeze3A_1180 : f32 to vector<16xf32>
        %mul3A_1245 = arith.mulf %get3A_1243, %mul3A_1244 : vector<16xf32>
        %swap3A_1246 = arith.index_cast %add3A_1184 : i32 to index
        %swap3A_1247 = arith.constant 80 : index
        %swap3A_1248 = tpu.vector_load %arg10[%swap3A_1246, %swap3A_1247] {strides = array<i32>} : memref<128x128xf32, #tpu.memory_space<vmem>>, vector<1x16xf32>,
        %swap3A_1249 = vector.shape_cast %swap3A_1248 : vector<1x16xf32> to vector<16xf32>
        %swap3A_1250 = vector.shape_cast %mul3A_1245 : vector<16xf32> to vector<1x16xf32>
        tpu.vector_store %arg10[%swap3A_1246, %swap3A_1247], %swap3A_1250 {strides = array<i32>} : memref<128x128xf32, #tpu.memory_space<vmem>>, vector<1x16xf32>,
        %get3A_1251 = arith.index_cast %add3A_1184 : i32 to index
        %get3A_1252 = arith.constant 96 : index
        %get3A_1253 = tpu.vector_load %arg10[%get3A_1251, %get3A_1252] {strides = array<i32>} : memref<128x128xf32, #tpu.memory_space<vmem>>, vector<1x16xf32>,
        %get3A_1254 = vector.shape_cast %get3A_1253 : vector<1x16xf32> to vector<16xf32>
        %mul3A_1255 = vector.broadcast %squeeze3A_1180 : f32 to vector<16xf32>
        %mul3A_1256 = arith.mulf %get3A_1254, %mul3A_1255 : vector<16xf32>
        %swap3A_1257 = arith.index_cast %add3A_1184 : i32 to index
        %swap3A_1258 = arith.constant 96 : index
        %swap3A_1259 = tpu.vector_load %arg10[%swap3A_1257, %swap3A_1258] {strides = array<i32>} : memref<128x128xf32, #tpu.memory_space<vmem>>, vector<1x16xf32>,
        %swap3A_1260 = vector.shape_cast %swap3A_1259 : vector<1x16xf32> to vector<16xf32>
        %swap3A_1261 = vector.shape_cast %mul3A_1256 : vector<16xf32> to vector<1x16xf32>
        tpu.vector_store %arg10[%swap3A_1257, %swap3A_1258], %swap3A_1261 {strides = array<i32>} : memref<128x128xf32, #tpu.memory_space<vmem>>, vector<1x16xf32>,
        %get3A_1262 = arith.index_cast %add3A_1184 : i32 to index
        %get3A_1263 = arith.constant 112 : index
        %get3A_1264 = tpu.vector_load %arg10[%get3A_1262, %get3A_1263] {strides = array<i32>} : memref<128x128xf32, #tpu.memory_space<vmem>>, vector<1x16xf32>,
        %get3A_1265 = vector.shape_cast %get3A_1264 : vector<1x16xf32> to vector<16xf32>
        %mul3A_1266 = vector.broadcast %squeeze3A_1180 : f32 to vector<16xf32>
        %mul3A_1267 = arith.mulf %get3A_1265, %mul3A_1266 : vector<16xf32>
        %swap3A_1268 = arith.index_cast %add3A_1184 : i32 to index
        %swap3A_1269 = arith.constant 112 : index
        %swap3A_1270 = tpu.vector_load %arg10[%swap3A_1268, %swap3A_1269] {strides = array<i32>} : memref<128x128xf32, #tpu.memory_space<vmem>>, vector<1x16xf32>,
        %swap3A_1271 = vector.shape_cast %swap3A_1270 : vector<1x16xf32> to vector<16xf32>
        %swap3A_1272 = vector.shape_cast %mul3A_1267 : vector<16xf32> to vector<1x16xf32>
        tpu.vector_store %arg10[%swap3A_1268, %swap3A_1269], %swap3A_1272 {strides = array<i32>} : memref<128x128xf32, #tpu.memory_space<vmem>>, vector<1x16xf32>,
        %slice3A_1273 = vector.extract_strided_slice %get3A_522 {offsets = [8], sizes = [1], strides = [1]} : vector<16xf32> to vector<1xf32>
        %squeeze3A_1274 = vector.extract %slice3A_1273[0] : f32 from vector<1xf32>
        %mul3A_1275 = arith.constant 16 : i32
        %mul3A_1276 = arith.muli %scan3A_515, %mul3A_1275 : i32
        %add3A_1277 = arith.constant 8 : i32
        %add3A_1278 = arith.addi %mul3A_1276, %add3A_1277 : i32
        %get3A_1279 = arith.index_cast %add3A_1278 : i32 to index
        %get3A_1280 = arith.constant 0 : index
        %get3A_1281 = tpu.vector_load %arg10[%get3A_1279, %get3A_1280] {strides = array<i32>} : memref<128x128xf32, #tpu.memory_space<vmem>>, vector<1x16xf32>,
        %get3A_1282 = vector.shape_cast %get3A_1281 : vector<1x16xf32> to vector<16xf32>
        %mul3A_1283 = vector.broadcast %squeeze3A_1274 : f32 to vector<16xf32>
        %mul3A_1284 = arith.mulf %get3A_1282, %mul3A_1283 : vector<16xf32>
        %swap3A_1285 = arith.index_cast %add3A_1278 : i32 to index
        %swap3A_1286 = arith.constant 0 : index
        %swap3A_1287 = tpu.vector_load %arg10[%swap3A_1285, %swap3A_1286] {strides = array<i32>} : memref<128x128xf32, #tpu.memory_space<vmem>>, vector<1x16xf32>,
        %swap3A_1288 = vector.shape_cast %swap3A_1287 : vector<1x16xf32> to vector<16xf32>
        %swap3A_1289 = vector.shape_cast %mul3A_1284 : vector<16xf32> to vector<1x16xf32>
        tpu.vector_store %arg10[%swap3A_1285, %swap3A_1286], %swap3A_1289 {strides = array<i32>} : memref<128x128xf32, #tpu.memory_space<vmem>>, vector<1x16xf32>,
        %get3A_1290 = arith.index_cast %add3A_1278 : i32 to index
        %get3A_1291 = arith.constant 16 : index
        %get3A_1292 = tpu.vector_load %arg10[%get3A_1290, %get3A_1291] {strides = array<i32>} : memref<128x128xf32, #tpu.memory_space<vmem>>, vector<1x16xf32>,
        %get3A_1293 = vector.shape_cast %get3A_1292 : vector<1x16xf32> to vector<16xf32>
        %mul3A_1294 = vector.broadcast %squeeze3A_1274 : f32 to vector<16xf32>
        %mul3A_1295 = arith.mulf %get3A_1293, %mul3A_1294 : vector<16xf32>
        %swap3A_1296 = arith.index_cast %add3A_1278 : i32 to index
        %swap3A_1297 = arith.constant 16 : index
        %swap3A_1298 = tpu.vector_load %arg10[%swap3A_1296, %swap3A_1297] {strides = array<i32>} : memref<128x128xf32, #tpu.memory_space<vmem>>, vector<1x16xf32>,
        %swap3A_1299 = vector.shape_cast %swap3A_1298 : vector<1x16xf32> to vector<16xf32>
        %swap3A_1300 = vector.shape_cast %mul3A_1295 : vector<16xf32> to vector<1x16xf32>
        tpu.vector_store %arg10[%swap3A_1296, %swap3A_1297], %swap3A_1300 {strides = array<i32>} : memref<128x128xf32, #tpu.memory_space<vmem>>, vector<1x16xf32>,
        %get3A_1301 = arith.index_cast %add3A_1278 : i32 to index
        %get3A_1302 = arith.constant 32 : index
        %get3A_1303 = tpu.vector_load %arg10[%get3A_1301, %get3A_1302] {strides = array<i32>} : memref<128x128xf32, #tpu.memory_space<vmem>>, vector<1x16xf32>,
        %get3A_1304 = vector.shape_cast %get3A_1303 : vector<1x16xf32> to vector<16xf32>
        %mul3A_1305 = vector.broadcast %squeeze3A_1274 : f32 to vector<16xf32>
        %mul3A_1306 = arith.mulf %get3A_1304, %mul3A_1305 : vector<16xf32>
        %swap3A_1307 = arith.index_cast %add3A_1278 : i32 to index
        %swap3A_1308 = arith.constant 32 : index
        %swap3A_1309 = tpu.vector_load %arg10[%swap3A_1307, %swap3A_1308] {strides = array<i32>} : memref<128x128xf32, #tpu.memory_space<vmem>>, vector<1x16xf32>,
        %swap3A_1310 = vector.shape_cast %swap3A_1309 : vector<1x16xf32> to vector<16xf32>
        %swap3A_1311 = vector.shape_cast %mul3A_1306 : vector<16xf32> to vector<1x16xf32>
        tpu.vector_store %arg10[%swap3A_1307, %swap3A_1308], %swap3A_1311 {strides = array<i32>} : memref<128x128xf32, #tpu.memory_space<vmem>>, vector<1x16xf32>,
        %get3A_1312 = arith.index_cast %add3A_1278 : i32 to index
        %get3A_1313 = arith.constant 48 : index
        %get3A_1314 = tpu.vector_load %arg10[%get3A_1312, %get3A_1313] {strides = array<i32>} : memref<128x128xf32, #tpu.memory_space<vmem>>, vector<1x16xf32>,
        %get3A_1315 = vector.shape_cast %get3A_1314 : vector<1x16xf32> to vector<16xf32>
        %mul3A_1316 = vector.broadcast %squeeze3A_1274 : f32 to vector<16xf32>
        %mul3A_1317 = arith.mulf %get3A_1315, %mul3A_1316 : vector<16xf32>
        %swap3A_1318 = arith.index_cast %add3A_1278 : i32 to index
        %swap3A_1319 = arith.constant 48 : index
        %swap3A_1320 = tpu.vector_load %arg10[%swap3A_1318, %swap3A_1319] {strides = array<i32>} : memref<128x128xf32, #tpu.memory_space<vmem>>, vector<1x16xf32>,
        %swap3A_1321 = vector.shape_cast %swap3A_1320 : vector<1x16xf32> to vector<16xf32>
        %swap3A_1322 = vector.shape_cast %mul3A_1317 : vector<16xf32> to vector<1x16xf32>
        tpu.vector_store %arg10[%swap3A_1318, %swap3A_1319], %swap3A_1322 {strides = array<i32>} : memref<128x128xf32, #tpu.memory_space<vmem>>, vector<1x16xf32>,
        %get3A_1323 = arith.index_cast %add3A_1278 : i32 to index
        %get3A_1324 = arith.constant 64 : index
        %get3A_1325 = tpu.vector_load %arg10[%get3A_1323, %get3A_1324] {strides = array<i32>} : memref<128x128xf32, #tpu.memory_space<vmem>>, vector<1x16xf32>,
        %get3A_1326 = vector.shape_cast %get3A_1325 : vector<1x16xf32> to vector<16xf32>
        %mul3A_1327 = vector.broadcast %squeeze3A_1274 : f32 to vector<16xf32>
        %mul3A_1328 = arith.mulf %get3A_1326, %mul3A_1327 : vector<16xf32>
        %swap3A_1329 = arith.index_cast %add3A_1278 : i32 to index
        %swap3A_1330 = arith.constant 64 : index
        %swap3A_1331 = tpu.vector_load %arg10[%swap3A_1329, %swap3A_1330] {strides = array<i32>} : memref<128x128xf32, #tpu.memory_space<vmem>>, vector<1x16xf32>,
        %swap3A_1332 = vector.shape_cast %swap3A_1331 : vector<1x16xf32> to vector<16xf32>
        %swap3A_1333 = vector.shape_cast %mul3A_1328 : vector<16xf32> to vector<1x16xf32>
        tpu.vector_store %arg10[%swap3A_1329, %swap3A_1330], %swap3A_1333 {strides = array<i32>} : memref<128x128xf32, #tpu.memory_space<vmem>>, vector<1x16xf32>,
        %get3A_1334 = arith.index_cast %add3A_1278 : i32 to index
        %get3A_1335 = arith.constant 80 : index
        %get3A_1336 = tpu.vector_load %arg10[%get3A_1334, %get3A_1335] {strides = array<i32>} : memref<128x128xf32, #tpu.memory_space<vmem>>, vector<1x16xf32>,
        %get3A_1337 = vector.shape_cast %get3A_1336 : vector<1x16xf32> to vector<16xf32>
        %mul3A_1338 = vector.broadcast %squeeze3A_1274 : f32 to vector<16xf32>
        %mul3A_1339 = arith.mulf %get3A_1337, %mul3A_1338 : vector<16xf32>
        %swap3A_1340 = arith.index_cast %add3A_1278 : i32 to index
        %swap3A_1341 = arith.constant 80 : index
        %swap3A_1342 = tpu.vector_load %arg10[%swap3A_1340, %swap3A_1341] {strides = array<i32>} : memref<128x128xf32, #tpu.memory_space<vmem>>, vector<1x16xf32>,
        %swap3A_1343 = vector.shape_cast %swap3A_1342 : vector<1x16xf32> to vector<16xf32>
        %swap3A_1344 = vector.shape_cast %mul3A_1339 : vector<16xf32> to vector<1x16xf32>
        tpu.vector_store %arg10[%swap3A_1340, %swap3A_1341], %swap3A_1344 {strides = array<i32>} : memref<128x128xf32, #tpu.memory_space<vmem>>, vector<1x16xf32>,
        %get3A_1345 = arith.index_cast %add3A_1278 : i32 to index
        %get3A_1346 = arith.constant 96 : index
        %get3A_1347 = tpu.vector_load %arg10[%get3A_1345, %get3A_1346] {strides = array<i32>} : memref<128x128xf32, #tpu.memory_space<vmem>>, vector<1x16xf32>,
        %get3A_1348 = vector.shape_cast %get3A_1347 : vector<1x16xf32> to vector<16xf32>
        %mul3A_1349 = vector.broadcast %squeeze3A_1274 : f32 to vector<16xf32>
        %mul3A_1350 = arith.mulf %get3A_1348, %mul3A_1349 : vector<16xf32>
        %swap3A_1351 = arith.index_cast %add3A_1278 : i32 to index
        %swap3A_1352 = arith.constant 96 : index
        %swap3A_1353 = tpu.vector_load %arg10[%swap3A_1351, %swap3A_1352] {strides = array<i32>} : memref<128x128xf32, #tpu.memory_space<vmem>>, vector<1x16xf32>,
        %swap3A_1354 = vector.shape_cast %swap3A_1353 : vector<1x16xf32> to vector<16xf32>
        %swap3A_1355 = vector.shape_cast %mul3A_1350 : vector<16xf32> to vector<1x16xf32>
        tpu.vector_store %arg10[%swap3A_1351, %swap3A_1352], %swap3A_1355 {strides = array<i32>} : memref<128x128xf32, #tpu.memory_space<vmem>>, vector<1x16xf32>,
        %get3A_1356 = arith.index_cast %add3A_1278 : i32 to index
        %get3A_1357 = arith.constant 112 : index
        %get3A_1358 = tpu.vector_load %arg10[%get3A_1356, %get3A_1357] {strides = array<i32>} : memref<128x128xf32, #tpu.memory_space<vmem>>, vector<1x16xf32>,
        %get3A_1359 = vector.shape_cast %get3A_1358 : vector<1x16xf32> to vector<16xf32>
        %mul3A_1360 = vector.broadcast %squeeze3A_1274 : f32 to vector<16xf32>
        %mul3A_1361 = arith.mulf %get3A_1359, %mul3A_1360 : vector<16xf32>
        %swap3A_1362 = arith.index_cast %add3A_1278 : i32 to index
        %swap3A_1363 = arith.constant 112 : index
        %swap3A_1364 = tpu.vector_load %arg10[%swap3A_1362, %swap3A_1363] {strides = array<i32>} : memref<128x128xf32, #tpu.memory_space<vmem>>, vector<1x16xf32>,
        %swap3A_1365 = vector.shape_cast %swap3A_1364 : vector<1x16xf32> to vector<16xf32>
        %swap3A_1366 = vector.shape_cast %mul3A_1361 : vector<16xf32> to vector<1x16xf32>
        tpu.vector_store %arg10[%swap3A_1362, %swap3A_1363], %swap3A_1366 {strides = array<i32>} : memref<128x128xf32, #tpu.memory_space<vmem>>, vector<1x16xf32>,
        %slice3A_1367 = vector.extract_strided_slice %get3A_522 {offsets = [9], sizes = [1], strides = [1]} : vector<16xf32> to vector<1xf32>
        %squeeze3A_1368 = vector.extract %slice3A_1367[0] : f32 from vector<1xf32>
        %mul3A_1369 = arith.constant 16 : i32
        %mul3A_1370 = arith.muli %scan3A_515, %mul3A_1369 : i32
        %add3A_1371 = arith.constant 9 : i32
        %add3A_1372 = arith.addi %mul3A_1370, %add3A_1371 : i32
        %get3A_1373 = arith.index_cast %add3A_1372 : i32 to index
        %get3A_1374 = arith.constant 0 : index
        %get3A_1375 = tpu.vector_load %arg10[%get3A_1373, %get3A_1374] {strides = array<i32>} : memref<128x128xf32, #tpu.memory_space<vmem>>, vector<1x16xf32>,
        %get3A_1376 = vector.shape_cast %get3A_1375 : vector<1x16xf32> to vector<16xf32>
        %mul3A_1377 = vector.broadcast %squeeze3A_1368 : f32 to vector<16xf32>
        %mul3A_1378 = arith.mulf %get3A_1376, %mul3A_1377 : vector<16xf32>
        %swap3A_1379 = arith.index_cast %add3A_1372 : i32 to index
        %swap3A_1380 = arith.constant 0 : index
        %swap3A_1381 = tpu.vector_load %arg10[%swap3A_1379, %swap3A_1380] {strides = array<i32>} : memref<128x128xf32, #tpu.memory_space<vmem>>, vector<1x16xf32>,
        %swap3A_1382 = vector.shape_cast %swap3A_1381 : vector<1x16xf32> to vector<16xf32>
        %swap3A_1383 = vector.shape_cast %mul3A_1378 : vector<16xf32> to vector<1x16xf32>
        tpu.vector_store %arg10[%swap3A_1379, %swap3A_1380], %swap3A_1383 {strides = array<i32>} : memref<128x128xf32, #tpu.memory_space<vmem>>, vector<1x16xf32>,
        %get3A_1384 = arith.index_cast %add3A_1372 : i32 to index
        %get3A_1385 = arith.constant 16 : index
        %get3A_1386 = tpu.vector_load %arg10[%get3A_1384, %get3A_1385] {strides = array<i32>} : memref<128x128xf32, #tpu.memory_space<vmem>>, vector<1x16xf32>,
        %get3A_1387 = vector.shape_cast %get3A_1386 : vector<1x16xf32> to vector<16xf32>
        %mul3A_1388 = vector.broadcast %squeeze3A_1368 : f32 to vector<16xf32>
        %mul3A_1389 = arith.mulf %get3A_1387, %mul3A_1388 : vector<16xf32>
        %swap3A_1390 = arith.index_cast %add3A_1372 : i32 to index
        %swap3A_1391 = arith.constant 16 : index
        %swap3A_1392 = tpu.vector_load %arg10[%swap3A_1390, %swap3A_1391] {strides = array<i32>} : memref<128x128xf32, #tpu.memory_space<vmem>>, vector<1x16xf32>,
        %swap3A_1393 = vector.shape_cast %swap3A_1392 : vector<1x16xf32> to vector<16xf32>
        %swap3A_1394 = vector.shape_cast %mul3A_1389 : vector<16xf32> to vector<1x16xf32>
        tpu.vector_store %arg10[%swap3A_1390, %swap3A_1391], %swap3A_1394 {strides = array<i32>} : memref<128x128xf32, #tpu.memory_space<vmem>>, vector<1x16xf32>,
        %get3A_1395 = arith.index_cast %add3A_1372 : i32 to index
        %get3A_1396 = arith.constant 32 : index
        %get3A_1397 = tpu.vector_load %arg10[%get3A_1395, %get3A_1396] {strides = array<i32>} : memref<128x128xf32, #tpu.memory_space<vmem>>, vector<1x16xf32>,
        %get3A_1398 = vector.shape_cast %get3A_1397 : vector<1x16xf32> to vector<16xf32>
        %mul3A_1399 = vector.broadcast %squeeze3A_1368 : f32 to vector<16xf32>
        %mul3A_1400 = arith.mulf %get3A_1398, %mul3A_1399 : vector<16xf32>
        %swap3A_1401 = arith.index_cast %add3A_1372 : i32 to index
        %swap3A_1402 = arith.constant 32 : index
        %swap3A_1403 = tpu.vector_load %arg10[%swap3A_1401, %swap3A_1402] {strides = array<i32>} : memref<128x128xf32, #tpu.memory_space<vmem>>, vector<1x16xf32>,
        %swap3A_1404 = vector.shape_cast %swap3A_1403 : vector<1x16xf32> to vector<16xf32>
        %swap3A_1405 = vector.shape_cast %mul3A_1400 : vector<16xf32> to vector<1x16xf32>
        tpu.vector_store %arg10[%swap3A_1401, %swap3A_1402], %swap3A_1405 {strides = array<i32>} : memref<128x128xf32, #tpu.memory_space<vmem>>, vector<1x16xf32>,
        %get3A_1406 = arith.index_cast %add3A_1372 : i32 to index
        %get3A_1407 = arith.constant 48 : index
        %get3A_1408 = tpu.vector_load %arg10[%get3A_1406, %get3A_1407] {strides = array<i32>} : memref<128x128xf32, #tpu.memory_space<vmem>>, vector<1x16xf32>,
        %get3A_1409 = vector.shape_cast %get3A_1408 : vector<1x16xf32> to vector<16xf32>
        %mul3A_1410 = vector.broadcast %squeeze3A_1368 : f32 to vector<16xf32>
        %mul3A_1411 = arith.mulf %get3A_1409, %mul3A_1410 : vector<16xf32>
        %swap3A_1412 = arith.index_cast %add3A_1372 : i32 to index
        %swap3A_1413 = arith.constant 48 : index
        %swap3A_1414 = tpu.vector_load %arg10[%swap3A_1412, %swap3A_1413] {strides = array<i32>} : memref<128x128xf32, #tpu.memory_space<vmem>>, vector<1x16xf32>,
        %swap3A_1415 = vector.shape_cast %swap3A_1414 : vector<1x16xf32> to vector<16xf32>
        %swap3A_1416 = vector.shape_cast %mul3A_1411 : vector<16xf32> to vector<1x16xf32>
        tpu.vector_store %arg10[%swap3A_1412, %swap3A_1413], %swap3A_1416 {strides = array<i32>} : memref<128x128xf32, #tpu.memory_space<vmem>>, vector<1x16xf32>,
        %get3A_1417 = arith.index_cast %add3A_1372 : i32 to index
        %get3A_1418 = arith.constant 64 : index
        %get3A_1419 = tpu.vector_load %arg10[%get3A_1417, %get3A_1418] {strides = array<i32>} : memref<128x128xf32, #tpu.memory_space<vmem>>, vector<1x16xf32>,
        %get3A_1420 = vector.shape_cast %get3A_1419 : vector<1x16xf32> to vector<16xf32>
        %mul3A_1421 = vector.broadcast %squeeze3A_1368 : f32 to vector<16xf32>
        %mul3A_1422 = arith.mulf %get3A_1420, %mul3A_1421 : vector<16xf32>
        %swap3A_1423 = arith.index_cast %add3A_1372 : i32 to index
        %swap3A_1424 = arith.constant 64 : index
        %swap3A_1425 = tpu.vector_load %arg10[%swap3A_1423, %swap3A_1424] {strides = array<i32>} : memref<128x128xf32, #tpu.memory_space<vmem>>, vector<1x16xf32>,
        %swap3A_1426 = vector.shape_cast %swap3A_1425 : vector<1x16xf32> to vector<16xf32>
        %swap3A_1427 = vector.shape_cast %mul3A_1422 : vector<16xf32> to vector<1x16xf32>
        tpu.vector_store %arg10[%swap3A_1423, %swap3A_1424], %swap3A_1427 {strides = array<i32>} : memref<128x128xf32, #tpu.memory_space<vmem>>, vector<1x16xf32>,
        %get3A_1428 = arith.index_cast %add3A_1372 : i32 to index
        %get3A_1429 = arith.constant 80 : index
        %get3A_1430 = tpu.vector_load %arg10[%get3A_1428, %get3A_1429] {strides = array<i32>} : memref<128x128xf32, #tpu.memory_space<vmem>>, vector<1x16xf32>,
        %get3A_1431 = vector.shape_cast %get3A_1430 : vector<1x16xf32> to vector<16xf32>
        %mul3A_1432 = vector.broadcast %squeeze3A_1368 : f32 to vector<16xf32>
        %mul3A_1433 = arith.mulf %get3A_1431, %mul3A_1432 : vector<16xf32>
        %swap3A_1434 = arith.index_cast %add3A_1372 : i32 to index
        %swap3A_1435 = arith.constant 80 : index
        %swap3A_1436 = tpu.vector_load %arg10[%swap3A_1434, %swap3A_1435] {strides = array<i32>} : memref<128x128xf32, #tpu.memory_space<vmem>>, vector<1x16xf32>,
        %swap3A_1437 = vector.shape_cast %swap3A_1436 : vector<1x16xf32> to vector<16xf32>
        %swap3A_1438 = vector.shape_cast %mul3A_1433 : vector<16xf32> to vector<1x16xf32>
        tpu.vector_store %arg10[%swap3A_1434, %swap3A_1435], %swap3A_1438 {strides = array<i32>} : memref<128x128xf32, #tpu.memory_space<vmem>>, vector<1x16xf32>,
        %get3A_1439 = arith.index_cast %add3A_1372 : i32 to index
        %get3A_1440 = arith.constant 96 : index
        %get3A_1441 = tpu.vector_load %arg10[%get3A_1439, %get3A_1440] {strides = array<i32>} : memref<128x128xf32, #tpu.memory_space<vmem>>, vector<1x16xf32>,
        %get3A_1442 = vector.shape_cast %get3A_1441 : vector<1x16xf32> to vector<16xf32>
        %mul3A_1443 = vector.broadcast %squeeze3A_1368 : f32 to vector<16xf32>
        %mul3A_1444 = arith.mulf %get3A_1442, %mul3A_1443 : vector<16xf32>
        %swap3A_1445 = arith.index_cast %add3A_1372 : i32 to index
        %swap3A_1446 = arith.constant 96 : index
        %swap3A_1447 = tpu.vector_load %arg10[%swap3A_1445, %swap3A_1446] {strides = array<i32>} : memref<128x128xf32, #tpu.memory_space<vmem>>, vector<1x16xf32>,
        %swap3A_1448 = vector.shape_cast %swap3A_1447 : vector<1x16xf32> to vector<16xf32>
        %swap3A_1449 = vector.shape_cast %mul3A_1444 : vector<16xf32> to vector<1x16xf32>
        tpu.vector_store %arg10[%swap3A_1445, %swap3A_1446], %swap3A_1449 {strides = array<i32>} : memref<128x128xf32, #tpu.memory_space<vmem>>, vector<1x16xf32>,
        %get3A_1450 = arith.index_cast %add3A_1372 : i32 to index
        %get3A_1451 = arith.constant 112 : index
        %get3A_1452 = tpu.vector_load %arg10[%get3A_1450, %get3A_1451] {strides = array<i32>} : memref<128x128xf32, #tpu.memory_space<vmem>>, vector<1x16xf32>,
        %get3A_1453 = vector.shape_cast %get3A_1452 : vector<1x16xf32> to vector<16xf32>
        %mul3A_1454 = vector.broadcast %squeeze3A_1368 : f32 to vector<16xf32>
        %mul3A_1455 = arith.mulf %get3A_1453, %mul3A_1454 : vector<16xf32>
        %swap3A_1456 = arith.index_cast %add3A_1372 : i32 to index
        %swap3A_1457 = arith.constant 112 : index
        %swap3A_1458 = tpu.vector_load %arg10[%swap3A_1456, %swap3A_1457] {strides = array<i32>} : memref<128x128xf32, #tpu.memory_space<vmem>>, vector<1x16xf32>,
        %swap3A_1459 = vector.shape_cast %swap3A_1458 : vector<1x16xf32> to vector<16xf32>
        %swap3A_1460 = vector.shape_cast %mul3A_1455 : vector<16xf32> to vector<1x16xf32>
        tpu.vector_store %arg10[%swap3A_1456, %swap3A_1457], %swap3A_1460 {strides = array<i32>} : memref<128x128xf32, #tpu.memory_space<vmem>>, vector<1x16xf32>,
        %slice3A_1461 = vector.extract_strided_slice %get3A_522 {offsets = [10], sizes = [1], strides = [1]} : vector<16xf32> to vector<1xf32>
        %squeeze3A_1462 = vector.extract %slice3A_1461[0] : f32 from vector<1xf32>
        %mul3A_1463 = arith.constant 16 : i32
        %mul3A_1464 = arith.muli %scan3A_515, %mul3A_1463 : i32
        %add3A_1465 = arith.constant 10 : i32
        %add3A_1466 = arith.addi %mul3A_1464, %add3A_1465 : i32
        %get3A_1467 = arith.index_cast %add3A_1466 : i32 to index
        %get3A_1468 = arith.constant 0 : index
        %get3A_1469 = tpu.vector_load %arg10[%get3A_1467, %get3A_1468] {strides = array<i32>} : memref<128x128xf32, #tpu.memory_space<vmem>>, vector<1x16xf32>,
        %get3A_1470 = vector.shape_cast %get3A_1469 : vector<1x16xf32> to vector<16xf32>
        %mul3A_1471 = vector.broadcast %squeeze3A_1462 : f32 to vector<16xf32>
        %mul3A_1472 = arith.mulf %get3A_1470, %mul3A_1471 : vector<16xf32>
        %swap3A_1473 = arith.index_cast %add3A_1466 : i32 to index
        %swap3A_1474 = arith.constant 0 : index
        %swap3A_1475 = tpu.vector_load %arg10[%swap3A_1473, %swap3A_1474] {strides = array<i32>} : memref<128x128xf32, #tpu.memory_space<vmem>>, vector<1x16xf32>,
        %swap3A_1476 = vector.shape_cast %swap3A_1475 : vector<1x16xf32> to vector<16xf32>
        %swap3A_1477 = vector.shape_cast %mul3A_1472 : vector<16xf32> to vector<1x16xf32>
        tpu.vector_store %arg10[%swap3A_1473, %swap3A_1474], %swap3A_1477 {strides = array<i32>} : memref<128x128xf32, #tpu.memory_space<vmem>>, vector<1x16xf32>,
        %get3A_1478 = arith.index_cast %add3A_1466 : i32 to index
        %get3A_1479 = arith.constant 16 : index
        %get3A_1480 = tpu.vector_load %arg10[%get3A_1478, %get3A_1479] {strides = array<i32>} : memref<128x128xf32, #tpu.memory_space<vmem>>, vector<1x16xf32>,
        %get3A_1481 = vector.shape_cast %get3A_1480 : vector<1x16xf32> to vector<16xf32>
        %mul3A_1482 = vector.broadcast %squeeze3A_1462 : f32 to vector<16xf32>
        %mul3A_1483 = arith.mulf %get3A_1481, %mul3A_1482 : vector<16xf32>
        %swap3A_1484 = arith.index_cast %add3A_1466 : i32 to index
        %swap3A_1485 = arith.constant 16 : index
        %swap3A_1486 = tpu.vector_load %arg10[%swap3A_1484, %swap3A_1485] {strides = array<i32>} : memref<128x128xf32, #tpu.memory_space<vmem>>, vector<1x16xf32>,
        %swap3A_1487 = vector.shape_cast %swap3A_1486 : vector<1x16xf32> to vector<16xf32>
        %swap3A_1488 = vector.shape_cast %mul3A_1483 : vector<16xf32> to vector<1x16xf32>
        tpu.vector_store %arg10[%swap3A_1484, %swap3A_1485], %swap3A_1488 {strides = array<i32>} : memref<128x128xf32, #tpu.memory_space<vmem>>, vector<1x16xf32>,
        %get3A_1489 = arith.index_cast %add3A_1466 : i32 to index
        %get3A_1490 = arith.constant 32 : index
        %get3A_1491 = tpu.vector_load %arg10[%get3A_1489, %get3A_1490] {strides = array<i32>} : memref<128x128xf32, #tpu.memory_space<vmem>>, vector<1x16xf32>,
        %get3A_1492 = vector.shape_cast %get3A_1491 : vector<1x16xf32> to vector<16xf32>
        %mul3A_1493 = vector.broadcast %squeeze3A_1462 : f32 to vector<16xf32>
        %mul3A_1494 = arith.mulf %get3A_1492, %mul3A_1493 : vector<16xf32>
        %swap3A_1495 = arith.index_cast %add3A_1466 : i32 to index
        %swap3A_1496 = arith.constant 32 : index
        %swap3A_1497 = tpu.vector_load %arg10[%swap3A_1495, %swap3A_1496] {strides = array<i32>} : memref<128x128xf32, #tpu.memory_space<vmem>>, vector<1x16xf32>,
        %swap3A_1498 = vector.shape_cast %swap3A_1497 : vector<1x16xf32> to vector<16xf32>
        %swap3A_1499 = vector.shape_cast %mul3A_1494 : vector<16xf32> to vector<1x16xf32>
        tpu.vector_store %arg10[%swap3A_1495, %swap3A_1496], %swap3A_1499 {strides = array<i32>} : memref<128x128xf32, #tpu.memory_space<vmem>>, vector<1x16xf32>,
        %get3A_1500 = arith.index_cast %add3A_1466 : i32 to index
        %get3A_1501 = arith.constant 48 : index
        %get3A_1502 = tpu.vector_load %arg10[%get3A_1500, %get3A_1501] {strides = array<i32>} : memref<128x128xf32, #tpu.memory_space<vmem>>, vector<1x16xf32>,
        %get3A_1503 = vector.shape_cast %get3A_1502 : vector<1x16xf32> to vector<16xf32>
        %mul3A_1504 = vector.broadcast %squeeze3A_1462 : f32 to vector<16xf32>
        %mul3A_1505 = arith.mulf %get3A_1503, %mul3A_1504 : vector<16xf32>
        %swap3A_1506 = arith.index_cast %add3A_1466 : i32 to index
        %swap3A_1507 = arith.constant 48 : index
        %swap3A_1508 = tpu.vector_load %arg10[%swap3A_1506, %swap3A_1507] {strides = array<i32>} : memref<128x128xf32, #tpu.memory_space<vmem>>, vector<1x16xf32>,
        %swap3A_1509 = vector.shape_cast %swap3A_1508 : vector<1x16xf32> to vector<16xf32>
        %swap3A_1510 = vector.shape_cast %mul3A_1505 : vector<16xf32> to vector<1x16xf32>
        tpu.vector_store %arg10[%swap3A_1506, %swap3A_1507], %swap3A_1510 {strides = array<i32>} : memref<128x128xf32, #tpu.memory_space<vmem>>, vector<1x16xf32>,
        %get3A_1511 = arith.index_cast %add3A_1466 : i32 to index
        %get3A_1512 = arith.constant 64 : index
        %get3A_1513 = tpu.vector_load %arg10[%get3A_1511, %get3A_1512] {strides = array<i32>} : memref<128x128xf32, #tpu.memory_space<vmem>>, vector<1x16xf32>,
        %get3A_1514 = vector.shape_cast %get3A_1513 : vector<1x16xf32> to vector<16xf32>
        %mul3A_1515 = vector.broadcast %squeeze3A_1462 : f32 to vector<16xf32>
        %mul3A_1516 = arith.mulf %get3A_1514, %mul3A_1515 : vector<16xf32>
        %swap3A_1517 = arith.index_cast %add3A_1466 : i32 to index
        %swap3A_1518 = arith.constant 64 : index
        %swap3A_1519 = tpu.vector_load %arg10[%swap3A_1517, %swap3A_1518] {strides = array<i32>} : memref<128x128xf32, #tpu.memory_space<vmem>>, vector<1x16xf32>,
        %swap3A_1520 = vector.shape_cast %swap3A_1519 : vector<1x16xf32> to vector<16xf32>
        %swap3A_1521 = vector.shape_cast %mul3A_1516 : vector<16xf32> to vector<1x16xf32>
        tpu.vector_store %arg10[%swap3A_1517, %swap3A_1518], %swap3A_1521 {strides = array<i32>} : memref<128x128xf32, #tpu.memory_space<vmem>>, vector<1x16xf32>,
        %get3A_1522 = arith.index_cast %add3A_1466 : i32 to index
        %get3A_1523 = arith.constant 80 : index
        %get3A_1524 = tpu.vector_load %arg10[%get3A_1522, %get3A_1523] {strides = array<i32>} : memref<128x128xf32, #tpu.memory_space<vmem>>, vector<1x16xf32>,
        %get3A_1525 = vector.shape_cast %get3A_1524 : vector<1x16xf32> to vector<16xf32>
        %mul3A_1526 = vector.broadcast %squeeze3A_1462 : f32 to vector<16xf32>
        %mul3A_1527 = arith.mulf %get3A_1525, %mul3A_1526 : vector<16xf32>
        %swap3A_1528 = arith.index_cast %add3A_1466 : i32 to index
        %swap3A_1529 = arith.constant 80 : index
        %swap3A_1530 = tpu.vector_load %arg10[%swap3A_1528, %swap3A_1529] {strides = array<i32>} : memref<128x128xf32, #tpu.memory_space<vmem>>, vector<1x16xf32>,
        %swap3A_1531 = vector.shape_cast %swap3A_1530 : vector<1x16xf32> to vector<16xf32>
        %swap3A_1532 = vector.shape_cast %mul3A_1527 : vector<16xf32> to vector<1x16xf32>
        tpu.vector_store %arg10[%swap3A_1528, %swap3A_1529], %swap3A_1532 {strides = array<i32>} : memref<128x128xf32, #tpu.memory_space<vmem>>, vector<1x16xf32>,
        %get3A_1533 = arith.index_cast %add3A_1466 : i32 to index
        %get3A_1534 = arith.constant 96 : index
        %get3A_1535 = tpu.vector_load %arg10[%get3A_1533, %get3A_1534] {strides = array<i32>} : memref<128x128xf32, #tpu.memory_space<vmem>>, vector<1x16xf32>,
        %get3A_1536 = vector.shape_cast %get3A_1535 : vector<1x16xf32> to vector<16xf32>
        %mul3A_1537 = vector.broadcast %squeeze3A_1462 : f32 to vector<16xf32>
        %mul3A_1538 = arith.mulf %get3A_1536, %mul3A_1537 : vector<16xf32>
        %swap3A_1539 = arith.index_cast %add3A_1466 : i32 to index
        %swap3A_1540 = arith.constant 96 : index
        %swap3A_1541 = tpu.vector_load %arg10[%swap3A_1539, %swap3A_1540] {strides = array<i32>} : memref<128x128xf32, #tpu.memory_space<vmem>>, vector<1x16xf32>,
        %swap3A_1542 = vector.shape_cast %swap3A_1541 : vector<1x16xf32> to vector<16xf32>
        %swap3A_1543 = vector.shape_cast %mul3A_1538 : vector<16xf32> to vector<1x16xf32>
        tpu.vector_store %arg10[%swap3A_1539, %swap3A_1540], %swap3A_1543 {strides = array<i32>} : memref<128x128xf32, #tpu.memory_space<vmem>>, vector<1x16xf32>,
        %get3A_1544 = arith.index_cast %add3A_1466 : i32 to index
        %get3A_1545 = arith.constant 112 : index
        %get3A_1546 = tpu.vector_load %arg10[%get3A_1544, %get3A_1545] {strides = array<i32>} : memref<128x128xf32, #tpu.memory_space<vmem>>, vector<1x16xf32>,
        %get3A_1547 = vector.shape_cast %get3A_1546 : vector<1x16xf32> to vector<16xf32>
        %mul3A_1548 = vector.broadcast %squeeze3A_1462 : f32 to vector<16xf32>
        %mul3A_1549 = arith.mulf %get3A_1547, %mul3A_1548 : vector<16xf32>
        %swap3A_1550 = arith.index_cast %add3A_1466 : i32 to index
        %swap3A_1551 = arith.constant 112 : index
        %swap3A_1552 = tpu.vector_load %arg10[%swap3A_1550, %swap3A_1551] {strides = array<i32>} : memref<128x128xf32, #tpu.memory_space<vmem>>, vector<1x16xf32>,
        %swap3A_1553 = vector.shape_cast %swap3A_1552 : vector<1x16xf32> to vector<16xf32>
        %swap3A_1554 = vector.shape_cast %mul3A_1549 : vector<16xf32> to vector<1x16xf32>
        tpu.vector_store %arg10[%swap3A_1550, %swap3A_1551], %swap3A_1554 {strides = array<i32>} : memref<128x128xf32, #tpu.memory_space<vmem>>, vector<1x16xf32>,
        %slice3A_1555 = vector.extract_strided_slice %get3A_522 {offsets = [11], sizes = [1], strides = [1]} : vector<16xf32> to vector<1xf32>
        %squeeze3A_1556 = vector.extract %slice3A_1555[0] : f32 from vector<1xf32>
        %mul3A_1557 = arith.constant 16 : i32
        %mul3A_1558 = arith.muli %scan3A_515, %mul3A_1557 : i32
        %add3A_1559 = arith.constant 11 : i32
        %add3A_1560 = arith.addi %mul3A_1558, %add3A_1559 : i32
        %get3A_1561 = arith.index_cast %add3A_1560 : i32 to index
        %get3A_1562 = arith.constant 0 : index
        %get3A_1563 = tpu.vector_load %arg10[%get3A_1561, %get3A_1562] {strides = array<i32>} : memref<128x128xf32, #tpu.memory_space<vmem>>, vector<1x16xf32>,
        %get3A_1564 = vector.shape_cast %get3A_1563 : vector<1x16xf32> to vector<16xf32>
        %mul3A_1565 = vector.broadcast %squeeze3A_1556 : f32 to vector<16xf32>
        %mul3A_1566 = arith.mulf %get3A_1564, %mul3A_1565 : vector<16xf32>
        %swap3A_1567 = arith.index_cast %add3A_1560 : i32 to index
        %swap3A_1568 = arith.constant 0 : index
        %swap3A_1569 = tpu.vector_load %arg10[%swap3A_1567, %swap3A_1568] {strides = array<i32>} : memref<128x128xf32, #tpu.memory_space<vmem>>, vector<1x16xf32>,
        %swap3A_1570 = vector.shape_cast %swap3A_1569 : vector<1x16xf32> to vector<16xf32>
        %swap3A_1571 = vector.shape_cast %mul3A_1566 : vector<16xf32> to vector<1x16xf32>
        tpu.vector_store %arg10[%swap3A_1567, %swap3A_1568], %swap3A_1571 {strides = array<i32>} : memref<128x128xf32, #tpu.memory_space<vmem>>, vector<1x16xf32>,
        %get3A_1572 = arith.index_cast %add3A_1560 : i32 to index
        %get3A_1573 = arith.constant 16 : index
        %get3A_1574 = tpu.vector_load %arg10[%get3A_1572, %get3A_1573] {strides = array<i32>} : memref<128x128xf32, #tpu.memory_space<vmem>>, vector<1x16xf32>,
        %get3A_1575 = vector.shape_cast %get3A_1574 : vector<1x16xf32> to vector<16xf32>
        %mul3A_1576 = vector.broadcast %squeeze3A_1556 : f32 to vector<16xf32>
        %mul3A_1577 = arith.mulf %get3A_1575, %mul3A_1576 : vector<16xf32>
        %swap3A_1578 = arith.index_cast %add3A_1560 : i32 to index
        %swap3A_1579 = arith.constant 16 : index
        %swap3A_1580 = tpu.vector_load %arg10[%swap3A_1578, %swap3A_1579] {strides = array<i32>} : memref<128x128xf32, #tpu.memory_space<vmem>>, vector<1x16xf32>,
        %swap3A_1581 = vector.shape_cast %swap3A_1580 : vector<1x16xf32> to vector<16xf32>
        %swap3A_1582 = vector.shape_cast %mul3A_1577 : vector<16xf32> to vector<1x16xf32>
        tpu.vector_store %arg10[%swap3A_1578, %swap3A_1579], %swap3A_1582 {strides = array<i32>} : memref<128x128xf32, #tpu.memory_space<vmem>>, vector<1x16xf32>,
        %get3A_1583 = arith.index_cast %add3A_1560 : i32 to index
        %get3A_1584 = arith.constant 32 : index
        %get3A_1585 = tpu.vector_load %arg10[%get3A_1583, %get3A_1584] {strides = array<i32>} : memref<128x128xf32, #tpu.memory_space<vmem>>, vector<1x16xf32>,
        %get3A_1586 = vector.shape_cast %get3A_1585 : vector<1x16xf32> to vector<16xf32>
        %mul3A_1587 = vector.broadcast %squeeze3A_1556 : f32 to vector<16xf32>
        %mul3A_1588 = arith.mulf %get3A_1586, %mul3A_1587 : vector<16xf32>
        %swap3A_1589 = arith.index_cast %add3A_1560 : i32 to index
        %swap3A_1590 = arith.constant 32 : index
        %swap3A_1591 = tpu.vector_load %arg10[%swap3A_1589, %swap3A_1590] {strides = array<i32>} : memref<128x128xf32, #tpu.memory_space<vmem>>, vector<1x16xf32>,
        %swap3A_1592 = vector.shape_cast %swap3A_1591 : vector<1x16xf32> to vector<16xf32>
        %swap3A_1593 = vector.shape_cast %mul3A_1588 : vector<16xf32> to vector<1x16xf32>
        tpu.vector_store %arg10[%swap3A_1589, %swap3A_1590], %swap3A_1593 {strides = array<i32>} : memref<128x128xf32, #tpu.memory_space<vmem>>, vector<1x16xf32>,
        %get3A_1594 = arith.index_cast %add3A_1560 : i32 to index
        %get3A_1595 = arith.constant 48 : index
        %get3A_1596 = tpu.vector_load %arg10[%get3A_1594, %get3A_1595] {strides = array<i32>} : memref<128x128xf32, #tpu.memory_space<vmem>>, vector<1x16xf32>,
        %get3A_1597 = vector.shape_cast %get3A_1596 : vector<1x16xf32> to vector<16xf32>
        %mul3A_1598 = vector.broadcast %squeeze3A_1556 : f32 to vector<16xf32>
        %mul3A_1599 = arith.mulf %get3A_1597, %mul3A_1598 : vector<16xf32>
        %swap3A_1600 = arith.index_cast %add3A_1560 : i32 to index
        %swap3A_1601 = arith.constant 48 : index
        %swap3A_1602 = tpu.vector_load %arg10[%swap3A_1600, %swap3A_1601] {strides = array<i32>} : memref<128x128xf32, #tpu.memory_space<vmem>>, vector<1x16xf32>,
        %swap3A_1603 = vector.shape_cast %swap3A_1602 : vector<1x16xf32> to vector<16xf32>
        %swap3A_1604 = vector.shape_cast %mul3A_1599 : vector<16xf32> to vector<1x16xf32>
        tpu.vector_store %arg10[%swap3A_1600, %swap3A_1601], %swap3A_1604 {strides = array<i32>} : memref<128x128xf32, #tpu.memory_space<vmem>>, vector<1x16xf32>,
        %get3A_1605 = arith.index_cast %add3A_1560 : i32 to index
        %get3A_1606 = arith.constant 64 : index
        %get3A_1607 = tpu.vector_load %arg10[%get3A_1605, %get3A_1606] {strides = array<i32>} : memref<128x128xf32, #tpu.memory_space<vmem>>, vector<1x16xf32>,
        %get3A_1608 = vector.shape_cast %get3A_1607 : vector<1x16xf32> to vector<16xf32>
        %mul3A_1609 = vector.broadcast %squeeze3A_1556 : f32 to vector<16xf32>
        %mul3A_1610 = arith.mulf %get3A_1608, %mul3A_1609 : vector<16xf32>
        %swap3A_1611 = arith.index_cast %add3A_1560 : i32 to index
        %swap3A_1612 = arith.constant 64 : index
        %swap3A_1613 = tpu.vector_load %arg10[%swap3A_1611, %swap3A_1612] {strides = array<i32>} : memref<128x128xf32, #tpu.memory_space<vmem>>, vector<1x16xf32>,
        %swap3A_1614 = vector.shape_cast %swap3A_1613 : vector<1x16xf32> to vector<16xf32>
        %swap3A_1615 = vector.shape_cast %mul3A_1610 : vector<16xf32> to vector<1x16xf32>
        tpu.vector_store %arg10[%swap3A_1611, %swap3A_1612], %swap3A_1615 {strides = array<i32>} : memref<128x128xf32, #tpu.memory_space<vmem>>, vector<1x16xf32>,
        %get3A_1616 = arith.index_cast %add3A_1560 : i32 to index
        %get3A_1617 = arith.constant 80 : index
        %get3A_1618 = tpu.vector_load %arg10[%get3A_1616, %get3A_1617] {strides = array<i32>} : memref<128x128xf32, #tpu.memory_space<vmem>>, vector<1x16xf32>,
        %get3A_1619 = vector.shape_cast %get3A_1618 : vector<1x16xf32> to vector<16xf32>
        %mul3A_1620 = vector.broadcast %squeeze3A_1556 : f32 to vector<16xf32>
        %mul3A_1621 = arith.mulf %get3A_1619, %mul3A_1620 : vector<16xf32>
        %swap3A_1622 = arith.index_cast %add3A_1560 : i32 to index
        %swap3A_1623 = arith.constant 80 : index
        %swap3A_1624 = tpu.vector_load %arg10[%swap3A_1622, %swap3A_1623] {strides = array<i32>} : memref<128x128xf32, #tpu.memory_space<vmem>>, vector<1x16xf32>,
        %swap3A_1625 = vector.shape_cast %swap3A_1624 : vector<1x16xf32> to vector<16xf32>
        %swap3A_1626 = vector.shape_cast %mul3A_1621 : vector<16xf32> to vector<1x16xf32>
        tpu.vector_store %arg10[%swap3A_1622, %swap3A_1623], %swap3A_1626 {strides = array<i32>} : memref<128x128xf32, #tpu.memory_space<vmem>>, vector<1x16xf32>,
        %get3A_1627 = arith.index_cast %add3A_1560 : i32 to index
        %get3A_1628 = arith.constant 96 : index
        %get3A_1629 = tpu.vector_load %arg10[%get3A_1627, %get3A_1628] {strides = array<i32>} : memref<128x128xf32, #tpu.memory_space<vmem>>, vector<1x16xf32>,
        %get3A_1630 = vector.shape_cast %get3A_1629 : vector<1x16xf32> to vector<16xf32>
        %mul3A_1631 = vector.broadcast %squeeze3A_1556 : f32 to vector<16xf32>
        %mul3A_1632 = arith.mulf %get3A_1630, %mul3A_1631 : vector<16xf32>
        %swap3A_1633 = arith.index_cast %add3A_1560 : i32 to index
        %swap3A_1634 = arith.constant 96 : index
        %swap3A_1635 = tpu.vector_load %arg10[%swap3A_1633, %swap3A_1634] {strides = array<i32>} : memref<128x128xf32, #tpu.memory_space<vmem>>, vector<1x16xf32>,
        %swap3A_1636 = vector.shape_cast %swap3A_1635 : vector<1x16xf32> to vector<16xf32>
        %swap3A_1637 = vector.shape_cast %mul3A_1632 : vector<16xf32> to vector<1x16xf32>
        tpu.vector_store %arg10[%swap3A_1633, %swap3A_1634], %swap3A_1637 {strides = array<i32>} : memref<128x128xf32, #tpu.memory_space<vmem>>, vector<1x16xf32>,
        %get3A_1638 = arith.index_cast %add3A_1560 : i32 to index
        %get3A_1639 = arith.constant 112 : index
        %get3A_1640 = tpu.vector_load %arg10[%get3A_1638, %get3A_1639] {strides = array<i32>} : memref<128x128xf32, #tpu.memory_space<vmem>>, vector<1x16xf32>,
        %get3A_1641 = vector.shape_cast %get3A_1640 : vector<1x16xf32> to vector<16xf32>
        %mul3A_1642 = vector.broadcast %squeeze3A_1556 : f32 to vector<16xf32>
        %mul3A_1643 = arith.mulf %get3A_1641, %mul3A_1642 : vector<16xf32>
        %swap3A_1644 = arith.index_cast %add3A_1560 : i32 to index
        %swap3A_1645 = arith.constant 112 : index
        %swap3A_1646 = tpu.vector_load %arg10[%swap3A_1644, %swap3A_1645] {strides = array<i32>} : memref<128x128xf32, #tpu.memory_space<vmem>>, vector<1x16xf32>,
        %swap3A_1647 = vector.shape_cast %swap3A_1646 : vector<1x16xf32> to vector<16xf32>
        %swap3A_1648 = vector.shape_cast %mul3A_1643 : vector<16xf32> to vector<1x16xf32>
        tpu.vector_store %arg10[%swap3A_1644, %swap3A_1645], %swap3A_1648 {strides = array<i32>} : memref<128x128xf32, #tpu.memory_space<vmem>>, vector<1x16xf32>,
        %slice3A_1649 = vector.extract_strided_slice %get3A_522 {offsets = [12], sizes = [1], strides = [1]} : vector<16xf32> to vector<1xf32>
        %squeeze3A_1650 = vector.extract %slice3A_1649[0] : f32 from vector<1xf32>
        %mul3A_1651 = arith.constant 16 : i32
        %mul3A_1652 = arith.muli %scan3A_515, %mul3A_1651 : i32
        %add3A_1653 = arith.constant 12 : i32
        %add3A_1654 = arith.addi %mul3A_1652, %add3A_1653 : i32
        %get3A_1655 = arith.index_cast %add3A_1654 : i32 to index
        %get3A_1656 = arith.constant 0 : index
        %get3A_1657 = tpu.vector_load %arg10[%get3A_1655, %get3A_1656] {strides = array<i32>} : memref<128x128xf32, #tpu.memory_space<vmem>>, vector<1x16xf32>,
        %get3A_1658 = vector.shape_cast %get3A_1657 : vector<1x16xf32> to vector<16xf32>
        %mul3A_1659 = vector.broadcast %squeeze3A_1650 : f32 to vector<16xf32>
        %mul3A_1660 = arith.mulf %get3A_1658, %mul3A_1659 : vector<16xf32>
        %swap3A_1661 = arith.index_cast %add3A_1654 : i32 to index
        %swap3A_1662 = arith.constant 0 : index
        %swap3A_1663 = tpu.vector_load %arg10[%swap3A_1661, %swap3A_1662] {strides = array<i32>} : memref<128x128xf32, #tpu.memory_space<vmem>>, vector<1x16xf32>,
        %swap3A_1664 = vector.shape_cast %swap3A_1663 : vector<1x16xf32> to vector<16xf32>
        %swap3A_1665 = vector.shape_cast %mul3A_1660 : vector<16xf32> to vector<1x16xf32>
        tpu.vector_store %arg10[%swap3A_1661, %swap3A_1662], %swap3A_1665 {strides = array<i32>} : memref<128x128xf32, #tpu.memory_space<vmem>>, vector<1x16xf32>,
        %get3A_1666 = arith.index_cast %add3A_1654 : i32 to index
        %get3A_1667 = arith.constant 16 : index
        %get3A_1668 = tpu.vector_load %arg10[%get3A_1666, %get3A_1667] {strides = array<i32>} : memref<128x128xf32, #tpu.memory_space<vmem>>, vector<1x16xf32>,
        %get3A_1669 = vector.shape_cast %get3A_1668 : vector<1x16xf32> to vector<16xf32>
        %mul3A_1670 = vector.broadcast %squeeze3A_1650 : f32 to vector<16xf32>
        %mul3A_1671 = arith.mulf %get3A_1669, %mul3A_1670 : vector<16xf32>
        %swap3A_1672 = arith.index_cast %add3A_1654 : i32 to index
        %swap3A_1673 = arith.constant 16 : index
        %swap3A_1674 = tpu.vector_load %arg10[%swap3A_1672, %swap3A_1673] {strides = array<i32>} : memref<128x128xf32, #tpu.memory_space<vmem>>, vector<1x16xf32>,
        %swap3A_1675 = vector.shape_cast %swap3A_1674 : vector<1x16xf32> to vector<16xf32>
        %swap3A_1676 = vector.shape_cast %mul3A_1671 : vector<16xf32> to vector<1x16xf32>
        tpu.vector_store %arg10[%swap3A_1672, %swap3A_1673], %swap3A_1676 {strides = array<i32>} : memref<128x128xf32, #tpu.memory_space<vmem>>, vector<1x16xf32>,
        %get3A_1677 = arith.index_cast %add3A_1654 : i32 to index
        %get3A_1678 = arith.constant 32 : index
        %get3A_1679 = tpu.vector_load %arg10[%get3A_1677, %get3A_1678] {strides = array<i32>} : memref<128x128xf32, #tpu.memory_space<vmem>>, vector<1x16xf32>,
        %get3A_1680 = vector.shape_cast %get3A_1679 : vector<1x16xf32> to vector<16xf32>
        %mul3A_1681 = vector.broadcast %squeeze3A_1650 : f32 to vector<16xf32>
        %mul3A_1682 = arith.mulf %get3A_1680, %mul3A_1681 : vector<16xf32>
        %swap3A_1683 = arith.index_cast %add3A_1654 : i32 to index
        %swap3A_1684 = arith.constant 32 : index
        %swap3A_1685 = tpu.vector_load %arg10[%swap3A_1683, %swap3A_1684] {strides = array<i32>} : memref<128x128xf32, #tpu.memory_space<vmem>>, vector<1x16xf32>,
        %swap3A_1686 = vector.shape_cast %swap3A_1685 : vector<1x16xf32> to vector<16xf32>
        %swap3A_1687 = vector.shape_cast %mul3A_1682 : vector<16xf32> to vector<1x16xf32>
        tpu.vector_store %arg10[%swap3A_1683, %swap3A_1684], %swap3A_1687 {strides = array<i32>} : memref<128x128xf32, #tpu.memory_space<vmem>>, vector<1x16xf32>,
        %get3A_1688 = arith.index_cast %add3A_1654 : i32 to index
        %get3A_1689 = arith.constant 48 : index
        %get3A_1690 = tpu.vector_load %arg10[%get3A_1688, %get3A_1689] {strides = array<i32>} : memref<128x128xf32, #tpu.memory_space<vmem>>, vector<1x16xf32>,
        %get3A_1691 = vector.shape_cast %get3A_1690 : vector<1x16xf32> to vector<16xf32>
        %mul3A_1692 = vector.broadcast %squeeze3A_1650 : f32 to vector<16xf32>
        %mul3A_1693 = arith.mulf %get3A_1691, %mul3A_1692 : vector<16xf32>
        %swap3A_1694 = arith.index_cast %add3A_1654 : i32 to index
        %swap3A_1695 = arith.constant 48 : index
        %swap3A_1696 = tpu.vector_load %arg10[%swap3A_1694, %swap3A_1695] {strides = array<i32>} : memref<128x128xf32, #tpu.memory_space<vmem>>, vector<1x16xf32>,
        %swap3A_1697 = vector.shape_cast %swap3A_1696 : vector<1x16xf32> to vector<16xf32>
        %swap3A_1698 = vector.shape_cast %mul3A_1693 : vector<16xf32> to vector<1x16xf32>
        tpu.vector_store %arg10[%swap3A_1694, %swap3A_1695], %swap3A_1698 {strides = array<i32>} : memref<128x128xf32, #tpu.memory_space<vmem>>, vector<1x16xf32>,
        %get3A_1699 = arith.index_cast %add3A_1654 : i32 to index
        %get3A_1700 = arith.constant 64 : index
        %get3A_1701 = tpu.vector_load %arg10[%get3A_1699, %get3A_1700] {strides = array<i32>} : memref<128x128xf32, #tpu.memory_space<vmem>>, vector<1x16xf32>,
        %get3A_1702 = vector.shape_cast %get3A_1701 : vector<1x16xf32> to vector<16xf32>
        %mul3A_1703 = vector.broadcast %squeeze3A_1650 : f32 to vector<16xf32>
        %mul3A_1704 = arith.mulf %get3A_1702, %mul3A_1703 : vector<16xf32>
        %swap3A_1705 = arith.index_cast %add3A_1654 : i32 to index
        %swap3A_1706 = arith.constant 64 : index
        %swap3A_1707 = tpu.vector_load %arg10[%swap3A_1705, %swap3A_1706] {strides = array<i32>} : memref<128x128xf32, #tpu.memory_space<vmem>>, vector<1x16xf32>,
        %swap3A_1708 = vector.shape_cast %swap3A_1707 : vector<1x16xf32> to vector<16xf32>
        %swap3A_1709 = vector.shape_cast %mul3A_1704 : vector<16xf32> to vector<1x16xf32>
        tpu.vector_store %arg10[%swap3A_1705, %swap3A_1706], %swap3A_1709 {strides = array<i32>} : memref<128x128xf32, #tpu.memory_space<vmem>>, vector<1x16xf32>,
        %get3A_1710 = arith.index_cast %add3A_1654 : i32 to index
        %get3A_1711 = arith.constant 80 : index
        %get3A_1712 = tpu.vector_load %arg10[%get3A_1710, %get3A_1711] {strides = array<i32>} : memref<128x128xf32, #tpu.memory_space<vmem>>, vector<1x16xf32>,
        %get3A_1713 = vector.shape_cast %get3A_1712 : vector<1x16xf32> to vector<16xf32>
        %mul3A_1714 = vector.broadcast %squeeze3A_1650 : f32 to vector<16xf32>
        %mul3A_1715 = arith.mulf %get3A_1713, %mul3A_1714 : vector<16xf32>
        %swap3A_1716 = arith.index_cast %add3A_1654 : i32 to index
        %swap3A_1717 = arith.constant 80 : index
        %swap3A_1718 = tpu.vector_load %arg10[%swap3A_1716, %swap3A_1717] {strides = array<i32>} : memref<128x128xf32, #tpu.memory_space<vmem>>, vector<1x16xf32>,
        %swap3A_1719 = vector.shape_cast %swap3A_1718 : vector<1x16xf32> to vector<16xf32>
        %swap3A_1720 = vector.shape_cast %mul3A_1715 : vector<16xf32> to vector<1x16xf32>
        tpu.vector_store %arg10[%swap3A_1716, %swap3A_1717], %swap3A_1720 {strides = array<i32>} : memref<128x128xf32, #tpu.memory_space<vmem>>, vector<1x16xf32>,
        %get3A_1721 = arith.index_cast %add3A_1654 : i32 to index
        %get3A_1722 = arith.constant 96 : index
        %get3A_1723 = tpu.vector_load %arg10[%get3A_1721, %get3A_1722] {strides = array<i32>} : memref<128x128xf32, #tpu.memory_space<vmem>>, vector<1x16xf32>,
        %get3A_1724 = vector.shape_cast %get3A_1723 : vector<1x16xf32> to vector<16xf32>
        %mul3A_1725 = vector.broadcast %squeeze3A_1650 : f32 to vector<16xf32>
        %mul3A_1726 = arith.mulf %get3A_1724, %mul3A_1725 : vector<16xf32>
        %swap3A_1727 = arith.index_cast %add3A_1654 : i32 to index
        %swap3A_1728 = arith.constant 96 : index
        %swap3A_1729 = tpu.vector_load %arg10[%swap3A_1727, %swap3A_1728] {strides = array<i32>} : memref<128x128xf32, #tpu.memory_space<vmem>>, vector<1x16xf32>,
        %swap3A_1730 = vector.shape_cast %swap3A_1729 : vector<1x16xf32> to vector<16xf32>
        %swap3A_1731 = vector.shape_cast %mul3A_1726 : vector<16xf32> to vector<1x16xf32>
        tpu.vector_store %arg10[%swap3A_1727, %swap3A_1728], %swap3A_1731 {strides = array<i32>} : memref<128x128xf32, #tpu.memory_space<vmem>>, vector<1x16xf32>,
        %get3A_1732 = arith.index_cast %add3A_1654 : i32 to index
        %get3A_1733 = arith.constant 112 : index
        %get3A_1734 = tpu.vector_load %arg10[%get3A_1732, %get3A_1733] {strides = array<i32>} : memref<128x128xf32, #tpu.memory_space<vmem>>, vector<1x16xf32>,
        %get3A_1735 = vector.shape_cast %get3A_1734 : vector<1x16xf32> to vector<16xf32>
        %mul3A_1736 = vector.broadcast %squeeze3A_1650 : f32 to vector<16xf32>
        %mul3A_1737 = arith.mulf %get3A_1735, %mul3A_1736 : vector<16xf32>
        %swap3A_1738 = arith.index_cast %add3A_1654 : i32 to index
        %swap3A_1739 = arith.constant 112 : index
        %swap3A_1740 = tpu.vector_load %arg10[%swap3A_1738, %swap3A_1739] {strides = array<i32>} : memref<128x128xf32, #tpu.memory_space<vmem>>, vector<1x16xf32>,
        %swap3A_1741 = vector.shape_cast %swap3A_1740 : vector<1x16xf32> to vector<16xf32>
        %swap3A_1742 = vector.shape_cast %mul3A_1737 : vector<16xf32> to vector<1x16xf32>
        tpu.vector_store %arg10[%swap3A_1738, %swap3A_1739], %swap3A_1742 {strides = array<i32>} : memref<128x128xf32, #tpu.memory_space<vmem>>, vector<1x16xf32>,
        %slice3A_1743 = vector.extract_strided_slice %get3A_522 {offsets = [13], sizes = [1], strides = [1]} : vector<16xf32> to vector<1xf32>
        %squeeze3A_1744 = vector.extract %slice3A_1743[0] : f32 from vector<1xf32>
        %mul3A_1745 = arith.constant 16 : i32
        %mul3A_1746 = arith.muli %scan3A_515, %mul3A_1745 : i32
        %add3A_1747 = arith.constant 13 : i32
        %add3A_1748 = arith.addi %mul3A_1746, %add3A_1747 : i32
        %get3A_1749 = arith.index_cast %add3A_1748 : i32 to index
        %get3A_1750 = arith.constant 0 : index
        %get3A_1751 = tpu.vector_load %arg10[%get3A_1749, %get3A_1750] {strides = array<i32>} : memref<128x128xf32, #tpu.memory_space<vmem>>, vector<1x16xf32>,
        %get3A_1752 = vector.shape_cast %get3A_1751 : vector<1x16xf32> to vector<16xf32>
        %mul3A_1753 = vector.broadcast %squeeze3A_1744 : f32 to vector<16xf32>
        %mul3A_1754 = arith.mulf %get3A_1752, %mul3A_1753 : vector<16xf32>
        %swap3A_1755 = arith.index_cast %add3A_1748 : i32 to index
        %swap3A_1756 = arith.constant 0 : index
        %swap3A_1757 = tpu.vector_load %arg10[%swap3A_1755, %swap3A_1756] {strides = array<i32>} : memref<128x128xf32, #tpu.memory_space<vmem>>, vector<1x16xf32>,
        %swap3A_1758 = vector.shape_cast %swap3A_1757 : vector<1x16xf32> to vector<16xf32>
        %swap3A_1759 = vector.shape_cast %mul3A_1754 : vector<16xf32> to vector<1x16xf32>
        tpu.vector_store %arg10[%swap3A_1755, %swap3A_1756], %swap3A_1759 {strides = array<i32>} : memref<128x128xf32, #tpu.memory_space<vmem>>, vector<1x16xf32>,
        %get3A_1760 = arith.index_cast %add3A_1748 : i32 to index
        %get3A_1761 = arith.constant 16 : index
        %get3A_1762 = tpu.vector_load %arg10[%get3A_1760, %get3A_1761] {strides = array<i32>} : memref<128x128xf32, #tpu.memory_space<vmem>>, vector<1x16xf32>,
        %get3A_1763 = vector.shape_cast %get3A_1762 : vector<1x16xf32> to vector<16xf32>
        %mul3A_1764 = vector.broadcast %squeeze3A_1744 : f32 to vector<16xf32>
        %mul3A_1765 = arith.mulf %get3A_1763, %mul3A_1764 : vector<16xf32>
        %swap3A_1766 = arith.index_cast %add3A_1748 : i32 to index
        %swap3A_1767 = arith.constant 16 : index
        %swap3A_1768 = tpu.vector_load %arg10[%swap3A_1766, %swap3A_1767] {strides = array<i32>} : memref<128x128xf32, #tpu.memory_space<vmem>>, vector<1x16xf32>,
        %swap3A_1769 = vector.shape_cast %swap3A_1768 : vector<1x16xf32> to vector<16xf32>
        %swap3A_1770 = vector.shape_cast %mul3A_1765 : vector<16xf32> to vector<1x16xf32>
        tpu.vector_store %arg10[%swap3A_1766, %swap3A_1767], %swap3A_1770 {strides = array<i32>} : memref<128x128xf32, #tpu.memory_space<vmem>>, vector<1x16xf32>,
        %get3A_1771 = arith.index_cast %add3A_1748 : i32 to index
        %get3A_1772 = arith.constant 32 : index
        %get3A_1773 = tpu.vector_load %arg10[%get3A_1771, %get3A_1772] {strides = array<i32>} : memref<128x128xf32, #tpu.memory_space<vmem>>, vector<1x16xf32>,
        %get3A_1774 = vector.shape_cast %get3A_1773 : vector<1x16xf32> to vector<16xf32>
        %mul3A_1775 = vector.broadcast %squeeze3A_1744 : f32 to vector<16xf32>
        %mul3A_1776 = arith.mulf %get3A_1774, %mul3A_1775 : vector<16xf32>
        %swap3A_1777 = arith.index_cast %add3A_1748 : i32 to index
        %swap3A_1778 = arith.constant 32 : index
        %swap3A_1779 = tpu.vector_load %arg10[%swap3A_1777, %swap3A_1778] {strides = array<i32>} : memref<128x128xf32, #tpu.memory_space<vmem>>, vector<1x16xf32>,
        %swap3A_1780 = vector.shape_cast %swap3A_1779 : vector<1x16xf32> to vector<16xf32>
        %swap3A_1781 = vector.shape_cast %mul3A_1776 : vector<16xf32> to vector<1x16xf32>
        tpu.vector_store %arg10[%swap3A_1777, %swap3A_1778], %swap3A_1781 {strides = array<i32>} : memref<128x128xf32, #tpu.memory_space<vmem>>, vector<1x16xf32>,
        %get3A_1782 = arith.index_cast %add3A_1748 : i32 to index
        %get3A_1783 = arith.constant 48 : index
        %get3A_1784 = tpu.vector_load %arg10[%get3A_1782, %get3A_1783] {strides = array<i32>} : memref<128x128xf32, #tpu.memory_space<vmem>>, vector<1x16xf32>,
        %get3A_1785 = vector.shape_cast %get3A_1784 : vector<1x16xf32> to vector<16xf32>
        %mul3A_1786 = vector.broadcast %squeeze3A_1744 : f32 to vector<16xf32>
        %mul3A_1787 = arith.mulf %get3A_1785, %mul3A_1786 : vector<16xf32>
        %swap3A_1788 = arith.index_cast %add3A_1748 : i32 to index
        %swap3A_1789 = arith.constant 48 : index
        %swap3A_1790 = tpu.vector_load %arg10[%swap3A_1788, %swap3A_1789] {strides = array<i32>} : memref<128x128xf32, #tpu.memory_space<vmem>>, vector<1x16xf32>,
        %swap3A_1791 = vector.shape_cast %swap3A_1790 : vector<1x16xf32> to vector<16xf32>
        %swap3A_1792 = vector.shape_cast %mul3A_1787 : vector<16xf32> to vector<1x16xf32>
        tpu.vector_store %arg10[%swap3A_1788, %swap3A_1789], %swap3A_1792 {strides = array<i32>} : memref<128x128xf32, #tpu.memory_space<vmem>>, vector<1x16xf32>,
        %get3A_1793 = arith.index_cast %add3A_1748 : i32 to index
        %get3A_1794 = arith.constant 64 : index
        %get3A_1795 = tpu.vector_load %arg10[%get3A_1793, %get3A_1794] {strides = array<i32>} : memref<128x128xf32, #tpu.memory_space<vmem>>, vector<1x16xf32>,
        %get3A_1796 = vector.shape_cast %get3A_1795 : vector<1x16xf32> to vector<16xf32>
        %mul3A_1797 = vector.broadcast %squeeze3A_1744 : f32 to vector<16xf32>
        %mul3A_1798 = arith.mulf %get3A_1796, %mul3A_1797 : vector<16xf32>
        %swap3A_1799 = arith.index_cast %add3A_1748 : i32 to index
        %swap3A_1800 = arith.constant 64 : index
        %swap3A_1801 = tpu.vector_load %arg10[%swap3A_1799, %swap3A_1800] {strides = array<i32>} : memref<128x128xf32, #tpu.memory_space<vmem>>, vector<1x16xf32>,
        %swap3A_1802 = vector.shape_cast %swap3A_1801 : vector<1x16xf32> to vector<16xf32>
        %swap3A_1803 = vector.shape_cast %mul3A_1798 : vector<16xf32> to vector<1x16xf32>
        tpu.vector_store %arg10[%swap3A_1799, %swap3A_1800], %swap3A_1803 {strides = array<i32>} : memref<128x128xf32, #tpu.memory_space<vmem>>, vector<1x16xf32>,
        %get3A_1804 = arith.index_cast %add3A_1748 : i32 to index
        %get3A_1805 = arith.constant 80 : index
        %get3A_1806 = tpu.vector_load %arg10[%get3A_1804, %get3A_1805] {strides = array<i32>} : memref<128x128xf32, #tpu.memory_space<vmem>>, vector<1x16xf32>,
        %get3A_1807 = vector.shape_cast %get3A_1806 : vector<1x16xf32> to vector<16xf32>
        %mul3A_1808 = vector.broadcast %squeeze3A_1744 : f32 to vector<16xf32>
        %mul3A_1809 = arith.mulf %get3A_1807, %mul3A_1808 : vector<16xf32>
        %swap3A_1810 = arith.index_cast %add3A_1748 : i32 to index
        %swap3A_1811 = arith.constant 80 : index
        %swap3A_1812 = tpu.vector_load %arg10[%swap3A_1810, %swap3A_1811] {strides = array<i32>} : memref<128x128xf32, #tpu.memory_space<vmem>>, vector<1x16xf32>,
        %swap3A_1813 = vector.shape_cast %swap3A_1812 : vector<1x16xf32> to vector<16xf32>
        %swap3A_1814 = vector.shape_cast %mul3A_1809 : vector<16xf32> to vector<1x16xf32>
        tpu.vector_store %arg10[%swap3A_1810, %swap3A_1811], %swap3A_1814 {strides = array<i32>} : memref<128x128xf32, #tpu.memory_space<vmem>>, vector<1x16xf32>,
        %get3A_1815 = arith.index_cast %add3A_1748 : i32 to index
        %get3A_1816 = arith.constant 96 : index
        %get3A_1817 = tpu.vector_load %arg10[%get3A_1815, %get3A_1816] {strides = array<i32>} : memref<128x128xf32, #tpu.memory_space<vmem>>, vector<1x16xf32>,
        %get3A_1818 = vector.shape_cast %get3A_1817 : vector<1x16xf32> to vector<16xf32>
        %mul3A_1819 = vector.broadcast %squeeze3A_1744 : f32 to vector<16xf32>
        %mul3A_1820 = arith.mulf %get3A_1818, %mul3A_1819 : vector<16xf32>
        %swap3A_1821 = arith.index_cast %add3A_1748 : i32 to index
        %swap3A_1822 = arith.constant 96 : index
        %swap3A_1823 = tpu.vector_load %arg10[%swap3A_1821, %swap3A_1822] {strides = array<i32>} : memref<128x128xf32, #tpu.memory_space<vmem>>, vector<1x16xf32>,
        %swap3A_1824 = vector.shape_cast %swap3A_1823 : vector<1x16xf32> to vector<16xf32>
        %swap3A_1825 = vector.shape_cast %mul3A_1820 : vector<16xf32> to vector<1x16xf32>
        tpu.vector_store %arg10[%swap3A_1821, %swap3A_1822], %swap3A_1825 {strides = array<i32>} : memref<128x128xf32, #tpu.memory_space<vmem>>, vector<1x16xf32>,
        %get3A_1826 = arith.index_cast %add3A_1748 : i32 to index
        %get3A_1827 = arith.constant 112 : index
        %get3A_1828 = tpu.vector_load %arg10[%get3A_1826, %get3A_1827] {strides = array<i32>} : memref<128x128xf32, #tpu.memory_space<vmem>>, vector<1x16xf32>,
        %get3A_1829 = vector.shape_cast %get3A_1828 : vector<1x16xf32> to vector<16xf32>
        %mul3A_1830 = vector.broadcast %squeeze3A_1744 : f32 to vector<16xf32>
        %mul3A_1831 = arith.mulf %get3A_1829, %mul3A_1830 : vector<16xf32>
        %swap3A_1832 = arith.index_cast %add3A_1748 : i32 to index
        %swap3A_1833 = arith.constant 112 : index
        %swap3A_1834 = tpu.vector_load %arg10[%swap3A_1832, %swap3A_1833] {strides = array<i32>} : memref<128x128xf32, #tpu.memory_space<vmem>>, vector<1x16xf32>,
        %swap3A_1835 = vector.shape_cast %swap3A_1834 : vector<1x16xf32> to vector<16xf32>
        %swap3A_1836 = vector.shape_cast %mul3A_1831 : vector<16xf32> to vector<1x16xf32>
        tpu.vector_store %arg10[%swap3A_1832, %swap3A_1833], %swap3A_1836 {strides = array<i32>} : memref<128x128xf32, #tpu.memory_space<vmem>>, vector<1x16xf32>,
        %slice3A_1837 = vector.extract_strided_slice %get3A_522 {offsets = [14], sizes = [1], strides = [1]} : vector<16xf32> to vector<1xf32>
        %squeeze3A_1838 = vector.extract %slice3A_1837[0] : f32 from vector<1xf32>
        %mul3A_1839 = arith.constant 16 : i32
        %mul3A_1840 = arith.muli %scan3A_515, %mul3A_1839 : i32
        %add3A_1841 = arith.constant 14 : i32
        %add3A_1842 = arith.addi %mul3A_1840, %add3A_1841 : i32
        %get3A_1843 = arith.index_cast %add3A_1842 : i32 to index
        %get3A_1844 = arith.constant 0 : index
        %get3A_1845 = tpu.vector_load %arg10[%get3A_1843, %get3A_1844] {strides = array<i32>} : memref<128x128xf32, #tpu.memory_space<vmem>>, vector<1x16xf32>,
        %get3A_1846 = vector.shape_cast %get3A_1845 : vector<1x16xf32> to vector<16xf32>
        %mul3A_1847 = vector.broadcast %squeeze3A_1838 : f32 to vector<16xf32>
        %mul3A_1848 = arith.mulf %get3A_1846, %mul3A_1847 : vector<16xf32>
        %swap3A_1849 = arith.index_cast %add3A_1842 : i32 to index
        %swap3A_1850 = arith.constant 0 : index
        %swap3A_1851 = tpu.vector_load %arg10[%swap3A_1849, %swap3A_1850] {strides = array<i32>} : memref<128x128xf32, #tpu.memory_space<vmem>>, vector<1x16xf32>,
        %swap3A_1852 = vector.shape_cast %swap3A_1851 : vector<1x16xf32> to vector<16xf32>
        %swap3A_1853 = vector.shape_cast %mul3A_1848 : vector<16xf32> to vector<1x16xf32>
        tpu.vector_store %arg10[%swap3A_1849, %swap3A_1850], %swap3A_1853 {strides = array<i32>} : memref<128x128xf32, #tpu.memory_space<vmem>>, vector<1x16xf32>,
        %get3A_1854 = arith.index_cast %add3A_1842 : i32 to index
        %get3A_1855 = arith.constant 16 : index
        %get3A_1856 = tpu.vector_load %arg10[%get3A_1854, %get3A_1855] {strides = array<i32>} : memref<128x128xf32, #tpu.memory_space<vmem>>, vector<1x16xf32>,
        %get3A_1857 = vector.shape_cast %get3A_1856 : vector<1x16xf32> to vector<16xf32>
        %mul3A_1858 = vector.broadcast %squeeze3A_1838 : f32 to vector<16xf32>
        %mul3A_1859 = arith.mulf %get3A_1857, %mul3A_1858 : vector<16xf32>
        %swap3A_1860 = arith.index_cast %add3A_1842 : i32 to index
        %swap3A_1861 = arith.constant 16 : index
        %swap3A_1862 = tpu.vector_load %arg10[%swap3A_1860, %swap3A_1861] {strides = array<i32>} : memref<128x128xf32, #tpu.memory_space<vmem>>, vector<1x16xf32>,
        %swap3A_1863 = vector.shape_cast %swap3A_1862 : vector<1x16xf32> to vector<16xf32>
        %swap3A_1864 = vector.shape_cast %mul3A_1859 : vector<16xf32> to vector<1x16xf32>
        tpu.vector_store %arg10[%swap3A_1860, %swap3A_1861], %swap3A_1864 {strides = array<i32>} : memref<128x128xf32, #tpu.memory_space<vmem>>, vector<1x16xf32>,
        %get3A_1865 = arith.index_cast %add3A_1842 : i32 to index
        %get3A_1866 = arith.constant 32 : index
        %get3A_1867 = tpu.vector_load %arg10[%get3A_1865, %get3A_1866] {strides = array<i32>} : memref<128x128xf32, #tpu.memory_space<vmem>>, vector<1x16xf32>,
        %get3A_1868 = vector.shape_cast %get3A_1867 : vector<1x16xf32> to vector<16xf32>
        %mul3A_1869 = vector.broadcast %squeeze3A_1838 : f32 to vector<16xf32>
        %mul3A_1870 = arith.mulf %get3A_1868, %mul3A_1869 : vector<16xf32>
        %swap3A_1871 = arith.index_cast %add3A_1842 : i32 to index
        %swap3A_1872 = arith.constant 32 : index
        %swap3A_1873 = tpu.vector_load %arg10[%swap3A_1871, %swap3A_1872] {strides = array<i32>} : memref<128x128xf32, #tpu.memory_space<vmem>>, vector<1x16xf32>,
        %swap3A_1874 = vector.shape_cast %swap3A_1873 : vector<1x16xf32> to vector<16xf32>
        %swap3A_1875 = vector.shape_cast %mul3A_1870 : vector<16xf32> to vector<1x16xf32>
        tpu.vector_store %arg10[%swap3A_1871, %swap3A_1872], %swap3A_1875 {strides = array<i32>} : memref<128x128xf32, #tpu.memory_space<vmem>>, vector<1x16xf32>,
        %get3A_1876 = arith.index_cast %add3A_1842 : i32 to index
        %get3A_1877 = arith.constant 48 : index
        %get3A_1878 = tpu.vector_load %arg10[%get3A_1876, %get3A_1877] {strides = array<i32>} : memref<128x128xf32, #tpu.memory_space<vmem>>, vector<1x16xf32>,
        %get3A_1879 = vector.shape_cast %get3A_1878 : vector<1x16xf32> to vector<16xf32>
        %mul3A_1880 = vector.broadcast %squeeze3A_1838 : f32 to vector<16xf32>
        %mul3A_1881 = arith.mulf %get3A_1879, %mul3A_1880 : vector<16xf32>
        %swap3A_1882 = arith.index_cast %add3A_1842 : i32 to index
        %swap3A_1883 = arith.constant 48 : index
        %swap3A_1884 = tpu.vector_load %arg10[%swap3A_1882, %swap3A_1883] {strides = array<i32>} : memref<128x128xf32, #tpu.memory_space<vmem>>, vector<1x16xf32>,
        %swap3A_1885 = vector.shape_cast %swap3A_1884 : vector<1x16xf32> to vector<16xf32>
        %swap3A_1886 = vector.shape_cast %mul3A_1881 : vector<16xf32> to vector<1x16xf32>
        tpu.vector_store %arg10[%swap3A_1882, %swap3A_1883], %swap3A_1886 {strides = array<i32>} : memref<128x128xf32, #tpu.memory_space<vmem>>, vector<1x16xf32>,
        %get3A_1887 = arith.index_cast %add3A_1842 : i32 to index
        %get3A_1888 = arith.constant 64 : index
        %get3A_1889 = tpu.vector_load %arg10[%get3A_1887, %get3A_1888] {strides = array<i32>} : memref<128x128xf32, #tpu.memory_space<vmem>>, vector<1x16xf32>,
        %get3A_1890 = vector.shape_cast %get3A_1889 : vector<1x16xf32> to vector<16xf32>
        %mul3A_1891 = vector.broadcast %squeeze3A_1838 : f32 to vector<16xf32>
        %mul3A_1892 = arith.mulf %get3A_1890, %mul3A_1891 : vector<16xf32>
        %swap3A_1893 = arith.index_cast %add3A_1842 : i32 to index
        %swap3A_1894 = arith.constant 64 : index
        %swap3A_1895 = tpu.vector_load %arg10[%swap3A_1893, %swap3A_1894] {strides = array<i32>} : memref<128x128xf32, #tpu.memory_space<vmem>>, vector<1x16xf32>,
        %swap3A_1896 = vector.shape_cast %swap3A_1895 : vector<1x16xf32> to vector<16xf32>
        %swap3A_1897 = vector.shape_cast %mul3A_1892 : vector<16xf32> to vector<1x16xf32>
        tpu.vector_store %arg10[%swap3A_1893, %swap3A_1894], %swap3A_1897 {strides = array<i32>} : memref<128x128xf32, #tpu.memory_space<vmem>>, vector<1x16xf32>,
        %get3A_1898 = arith.index_cast %add3A_1842 : i32 to index
        %get3A_1899 = arith.constant 80 : index
        %get3A_1900 = tpu.vector_load %arg10[%get3A_1898, %get3A_1899] {strides = array<i32>} : memref<128x128xf32, #tpu.memory_space<vmem>>, vector<1x16xf32>,
        %get3A_1901 = vector.shape_cast %get3A_1900 : vector<1x16xf32> to vector<16xf32>
        %mul3A_1902 = vector.broadcast %squeeze3A_1838 : f32 to vector<16xf32>
        %mul3A_1903 = arith.mulf %get3A_1901, %mul3A_1902 : vector<16xf32>
        %swap3A_1904 = arith.index_cast %add3A_1842 : i32 to index
        %swap3A_1905 = arith.constant 80 : index
        %swap3A_1906 = tpu.vector_load %arg10[%swap3A_1904, %swap3A_1905] {strides = array<i32>} : memref<128x128xf32, #tpu.memory_space<vmem>>, vector<1x16xf32>,
        %swap3A_1907 = vector.shape_cast %swap3A_1906 : vector<1x16xf32> to vector<16xf32>
        %swap3A_1908 = vector.shape_cast %mul3A_1903 : vector<16xf32> to vector<1x16xf32>
        tpu.vector_store %arg10[%swap3A_1904, %swap3A_1905], %swap3A_1908 {strides = array<i32>} : memref<128x128xf32, #tpu.memory_space<vmem>>, vector<1x16xf32>,
        %get3A_1909 = arith.index_cast %add3A_1842 : i32 to index
        %get3A_1910 = arith.constant 96 : index
        %get3A_1911 = tpu.vector_load %arg10[%get3A_1909, %get3A_1910] {strides = array<i32>} : memref<128x128xf32, #tpu.memory_space<vmem>>, vector<1x16xf32>,
        %get3A_1912 = vector.shape_cast %get3A_1911 : vector<1x16xf32> to vector<16xf32>
        %mul3A_1913 = vector.broadcast %squeeze3A_1838 : f32 to vector<16xf32>
        %mul3A_1914 = arith.mulf %get3A_1912, %mul3A_1913 : vector<16xf32>
        %swap3A_1915 = arith.index_cast %add3A_1842 : i32 to index
        %swap3A_1916 = arith.constant 96 : index
        %swap3A_1917 = tpu.vector_load %arg10[%swap3A_1915, %swap3A_1916] {strides = array<i32>} : memref<128x128xf32, #tpu.memory_space<vmem>>, vector<1x16xf32>,
        %swap3A_1918 = vector.shape_cast %swap3A_1917 : vector<1x16xf32> to vector<16xf32>
        %swap3A_1919 = vector.shape_cast %mul3A_1914 : vector<16xf32> to vector<1x16xf32>
        tpu.vector_store %arg10[%swap3A_1915, %swap3A_1916], %swap3A_1919 {strides = array<i32>} : memref<128x128xf32, #tpu.memory_space<vmem>>, vector<1x16xf32>,
        %get3A_1920 = arith.index_cast %add3A_1842 : i32 to index
        %get3A_1921 = arith.constant 112 : index
        %get3A_1922 = tpu.vector_load %arg10[%get3A_1920, %get3A_1921] {strides = array<i32>} : memref<128x128xf32, #tpu.memory_space<vmem>>, vector<1x16xf32>,
        %get3A_1923 = vector.shape_cast %get3A_1922 : vector<1x16xf32> to vector<16xf32>
        %mul3A_1924 = vector.broadcast %squeeze3A_1838 : f32 to vector<16xf32>
        %mul3A_1925 = arith.mulf %get3A_1923, %mul3A_1924 : vector<16xf32>
        %swap3A_1926 = arith.index_cast %add3A_1842 : i32 to index
        %swap3A_1927 = arith.constant 112 : index
        %swap3A_1928 = tpu.vector_load %arg10[%swap3A_1926, %swap3A_1927] {strides = array<i32>} : memref<128x128xf32, #tpu.memory_space<vmem>>, vector<1x16xf32>,
        %swap3A_1929 = vector.shape_cast %swap3A_1928 : vector<1x16xf32> to vector<16xf32>
        %swap3A_1930 = vector.shape_cast %mul3A_1925 : vector<16xf32> to vector<1x16xf32>
        tpu.vector_store %arg10[%swap3A_1926, %swap3A_1927], %swap3A_1930 {strides = array<i32>} : memref<128x128xf32, #tpu.memory_space<vmem>>, vector<1x16xf32>,
        %slice3A_1931 = vector.extract_strided_slice %get3A_522 {offsets = [15], sizes = [1], strides = [1]} : vector<16xf32> to vector<1xf32>
        %squeeze3A_1932 = vector.extract %slice3A_1931[0] : f32 from vector<1xf32>
        %mul3A_1933 = arith.constant 16 : i32
        %mul3A_1934 = arith.muli %scan3A_515, %mul3A_1933 : i32
        %add3A_1935 = arith.constant 15 : i32
        %add3A_1936 = arith.addi %mul3A_1934, %add3A_1935 : i32
        %get3A_1937 = arith.index_cast %add3A_1936 : i32 to index
        %get3A_1938 = arith.constant 0 : index
        %get3A_1939 = tpu.vector_load %arg10[%get3A_1937, %get3A_1938] {strides = array<i32>} : memref<128x128xf32, #tpu.memory_space<vmem>>, vector<1x16xf32>,
        %get3A_1940 = vector.shape_cast %get3A_1939 : vector<1x16xf32> to vector<16xf32>
        %mul3A_1941 = vector.broadcast %squeeze3A_1932 : f32 to vector<16xf32>
        %mul3A_1942 = arith.mulf %get3A_1940, %mul3A_1941 : vector<16xf32>
        %swap3A_1943 = arith.index_cast %add3A_1936 : i32 to index
        %swap3A_1944 = arith.constant 0 : index
        %swap3A_1945 = tpu.vector_load %arg10[%swap3A_1943, %swap3A_1944] {strides = array<i32>} : memref<128x128xf32, #tpu.memory_space<vmem>>, vector<1x16xf32>,
        %swap3A_1946 = vector.shape_cast %swap3A_1945 : vector<1x16xf32> to vector<16xf32>
        %swap3A_1947 = vector.shape_cast %mul3A_1942 : vector<16xf32> to vector<1x16xf32>
        tpu.vector_store %arg10[%swap3A_1943, %swap3A_1944], %swap3A_1947 {strides = array<i32>} : memref<128x128xf32, #tpu.memory_space<vmem>>, vector<1x16xf32>,
        %get3A_1948 = arith.index_cast %add3A_1936 : i32 to index
        %get3A_1949 = arith.constant 16 : index
        %get3A_1950 = tpu.vector_load %arg10[%get3A_1948, %get3A_1949] {strides = array<i32>} : memref<128x128xf32, #tpu.memory_space<vmem>>, vector<1x16xf32>,
        %get3A_1951 = vector.shape_cast %get3A_1950 : vector<1x16xf32> to vector<16xf32>
        %mul3A_1952 = vector.broadcast %squeeze3A_1932 : f32 to vector<16xf32>
        %mul3A_1953 = arith.mulf %get3A_1951, %mul3A_1952 : vector<16xf32>
        %swap3A_1954 = arith.index_cast %add3A_1936 : i32 to index
        %swap3A_1955 = arith.constant 16 : index
        %swap3A_1956 = tpu.vector_load %arg10[%swap3A_1954, %swap3A_1955] {strides = array<i32>} : memref<128x128xf32, #tpu.memory_space<vmem>>, vector<1x16xf32>,
        %swap3A_1957 = vector.shape_cast %swap3A_1956 : vector<1x16xf32> to vector<16xf32>
        %swap3A_1958 = vector.shape_cast %mul3A_1953 : vector<16xf32> to vector<1x16xf32>
        tpu.vector_store %arg10[%swap3A_1954, %swap3A_1955], %swap3A_1958 {strides = array<i32>} : memref<128x128xf32, #tpu.memory_space<vmem>>, vector<1x16xf32>,
        %get3A_1959 = arith.index_cast %add3A_1936 : i32 to index
        %get3A_1960 = arith.constant 32 : index
        %get3A_1961 = tpu.vector_load %arg10[%get3A_1959, %get3A_1960] {strides = array<i32>} : memref<128x128xf32, #tpu.memory_space<vmem>>, vector<1x16xf32>,
        %get3A_1962 = vector.shape_cast %get3A_1961 : vector<1x16xf32> to vector<16xf32>
        %mul3A_1963 = vector.broadcast %squeeze3A_1932 : f32 to vector<16xf32>
        %mul3A_1964 = arith.mulf %get3A_1962, %mul3A_1963 : vector<16xf32>
        %swap3A_1965 = arith.index_cast %add3A_1936 : i32 to index
        %swap3A_1966 = arith.constant 32 : index
        %swap3A_1967 = tpu.vector_load %arg10[%swap3A_1965, %swap3A_1966] {strides = array<i32>} : memref<128x128xf32, #tpu.memory_space<vmem>>, vector<1x16xf32>,
        %swap3A_1968 = vector.shape_cast %swap3A_1967 : vector<1x16xf32> to vector<16xf32>
        %swap3A_1969 = vector.shape_cast %mul3A_1964 : vector<16xf32> to vector<1x16xf32>
        tpu.vector_store %arg10[%swap3A_1965, %swap3A_1966], %swap3A_1969 {strides = array<i32>} : memref<128x128xf32, #tpu.memory_space<vmem>>, vector<1x16xf32>,
        %get3A_1970 = arith.index_cast %add3A_1936 : i32 to index
        %get3A_1971 = arith.constant 48 : index
        %get3A_1972 = tpu.vector_load %arg10[%get3A_1970, %get3A_1971] {strides = array<i32>} : memref<128x128xf32, #tpu.memory_space<vmem>>, vector<1x16xf32>,
        %get3A_1973 = vector.shape_cast %get3A_1972 : vector<1x16xf32> to vector<16xf32>
        %mul3A_1974 = vector.broadcast %squeeze3A_1932 : f32 to vector<16xf32>
        %mul3A_1975 = arith.mulf %get3A_1973, %mul3A_1974 : vector<16xf32>
        %swap3A_1976 = arith.index_cast %add3A_1936 : i32 to index
        %swap3A_1977 = arith.constant 48 : index
        %swap3A_1978 = tpu.vector_load %arg10[%swap3A_1976, %swap3A_1977] {strides = array<i32>} : memref<128x128xf32, #tpu.memory_space<vmem>>, vector<1x16xf32>,
        %swap3A_1979 = vector.shape_cast %swap3A_1978 : vector<1x16xf32> to vector<16xf32>
        %swap3A_1980 = vector.shape_cast %mul3A_1975 : vector<16xf32> to vector<1x16xf32>
        tpu.vector_store %arg10[%swap3A_1976, %swap3A_1977], %swap3A_1980 {strides = array<i32>} : memref<128x128xf32, #tpu.memory_space<vmem>>, vector<1x16xf32>,
        %get3A_1981 = arith.index_cast %add3A_1936 : i32 to index
        %get3A_1982 = arith.constant 64 : index
        %get3A_1983 = tpu.vector_load %arg10[%get3A_1981, %get3A_1982] {strides = array<i32>} : memref<128x128xf32, #tpu.memory_space<vmem>>, vector<1x16xf32>,
        %get3A_1984 = vector.shape_cast %get3A_1983 : vector<1x16xf32> to vector<16xf32>
        %mul3A_1985 = vector.broadcast %squeeze3A_1932 : f32 to vector<16xf32>
        %mul3A_1986 = arith.mulf %get3A_1984, %mul3A_1985 : vector<16xf32>
        %swap3A_1987 = arith.index_cast %add3A_1936 : i32 to index
        %swap3A_1988 = arith.constant 64 : index
        %swap3A_1989 = tpu.vector_load %arg10[%swap3A_1987, %swap3A_1988] {strides = array<i32>} : memref<128x128xf32, #tpu.memory_space<vmem>>, vector<1x16xf32>,
        %swap3A_1990 = vector.shape_cast %swap3A_1989 : vector<1x16xf32> to vector<16xf32>
        %swap3A_1991 = vector.shape_cast %mul3A_1986 : vector<16xf32> to vector<1x16xf32>
        tpu.vector_store %arg10[%swap3A_1987, %swap3A_1988], %swap3A_1991 {strides = array<i32>} : memref<128x128xf32, #tpu.memory_space<vmem>>, vector<1x16xf32>,
        %get3A_1992 = arith.index_cast %add3A_1936 : i32 to index
        %get3A_1993 = arith.constant 80 : index
        %get3A_1994 = tpu.vector_load %arg10[%get3A_1992, %get3A_1993] {strides = array<i32>} : memref<128x128xf32, #tpu.memory_space<vmem>>, vector<1x16xf32>,
        %get3A_1995 = vector.shape_cast %get3A_1994 : vector<1x16xf32> to vector<16xf32>
        %mul3A_1996 = vector.broadcast %squeeze3A_1932 : f32 to vector<16xf32>
        %mul3A_1997 = arith.mulf %get3A_1995, %mul3A_1996 : vector<16xf32>
        %swap3A_1998 = arith.index_cast %add3A_1936 : i32 to index
        %swap3A_1999 = arith.constant 80 : index
        %swap3A_2000 = tpu.vector_load %arg10[%swap3A_1998, %swap3A_1999] {strides = array<i32>} : memref<128x128xf32, #tpu.memory_space<vmem>>, vector<1x16xf32>,
        %swap3A_2001 = vector.shape_cast %swap3A_2000 : vector<1x16xf32> to vector<16xf32>
        %swap3A_2002 = vector.shape_cast %mul3A_1997 : vector<16xf32> to vector<1x16xf32>
        tpu.vector_store %arg10[%swap3A_1998, %swap3A_1999], %swap3A_2002 {strides = array<i32>} : memref<128x128xf32, #tpu.memory_space<vmem>>, vector<1x16xf32>,
        %get3A_2003 = arith.index_cast %add3A_1936 : i32 to index
        %get3A_2004 = arith.constant 96 : index
        %get3A_2005 = tpu.vector_load %arg10[%get3A_2003, %get3A_2004] {strides = array<i32>} : memref<128x128xf32, #tpu.memory_space<vmem>>, vector<1x16xf32>,
        %get3A_2006 = vector.shape_cast %get3A_2005 : vector<1x16xf32> to vector<16xf32>
        %mul3A_2007 = vector.broadcast %squeeze3A_1932 : f32 to vector<16xf32>
        %mul3A_2008 = arith.mulf %get3A_2006, %mul3A_2007 : vector<16xf32>
        %swap3A_2009 = arith.index_cast %add3A_1936 : i32 to index
        %swap3A_2010 = arith.constant 96 : index
        %swap3A_2011 = tpu.vector_load %arg10[%swap3A_2009, %swap3A_2010] {strides = array<i32>} : memref<128x128xf32, #tpu.memory_space<vmem>>, vector<1x16xf32>,
        %swap3A_2012 = vector.shape_cast %swap3A_2011 : vector<1x16xf32> to vector<16xf32>
        %swap3A_2013 = vector.shape_cast %mul3A_2008 : vector<16xf32> to vector<1x16xf32>
        tpu.vector_store %arg10[%swap3A_2009, %swap3A_2010], %swap3A_2013 {strides = array<i32>} : memref<128x128xf32, #tpu.memory_space<vmem>>, vector<1x16xf32>,
        %get3A_2014 = arith.index_cast %add3A_1936 : i32 to index
        %get3A_2015 = arith.constant 112 : index
        %get3A_2016 = tpu.vector_load %arg10[%get3A_2014, %get3A_2015] {strides = array<i32>} : memref<128x128xf32, #tpu.memory_space<vmem>>, vector<1x16xf32>,
        %get3A_2017 = vector.shape_cast %get3A_2016 : vector<1x16xf32> to vector<16xf32>
        %mul3A_2018 = vector.broadcast %squeeze3A_1932 : f32 to vector<16xf32>
        %mul3A_2019 = arith.mulf %get3A_2017, %mul3A_2018 : vector<16xf32>
        %swap3A_2020 = arith.index_cast %add3A_1936 : i32 to index
        %swap3A_2021 = arith.constant 112 : index
        %swap3A_2022 = tpu.vector_load %arg10[%swap3A_2020, %swap3A_2021] {strides = array<i32>} : memref<128x128xf32, #tpu.memory_space<vmem>>, vector<1x16xf32>,
        %swap3A_2023 = vector.shape_cast %swap3A_2022 : vector<1x16xf32> to vector<16xf32>
        %swap3A_2024 = vector.shape_cast %mul3A_2019 : vector<16xf32> to vector<1x16xf32>
        tpu.vector_store %arg10[%swap3A_2020, %swap3A_2021], %swap3A_2024 {strides = array<i32>} : memref<128x128xf32, #tpu.memory_space<vmem>>, vector<1x16xf32>,
      }
      %scan3A_466 = arith.constant 8 : i32
      %run_scoped3A = arith.constant 0 : i32
      "tpu.region"() ({
        %run_scoped3A_515 = tpu.sem_alloc : memref<!tpu.dma_semaphore, #tpu.memory_space<semaphore_mem>>
        %dma_start3A_516 = arith.constant 0 : i32
        %dma_start3A_517 = tpu.memref_slice %arg8[%run_scoped3A, %dma_start3A_516] : memref<2x128xi32, #tpu.memory_space<vmem>> -> memref<1x128xi32, #tpu.memory_space<vmem>>
        %dma_start3A_518 = tpu.memref_squeeze %dma_start3A_517 : memref<1x128xi32, #tpu.memory_space<vmem>> -> memref<128xi32, #tpu.memory_space<vmem>>
        %dma_start3A_519 = arith.constant 0 : i32
        %dma_start3A_520 = arith.constant 0 : i32
        %dma_start3A_521 = tpu.memref_slice %arg12[%dma_start3A_519, %dma_start3A_520] : memref<10112x128xf32, #tpu.memory_space<vmem_shared>> -> memref<10112x128xf32, #tpu.memory_space<vmem_shared>>
        tpu.enqueue_indirect_dma source(%arg10 : memref<128x128xf32, #tpu.memory_space<vmem>>) target(%dma_start3A_521 : memref<10112x128xf32, #tpu.memory_space<vmem_shared>>) offsets(%dma_start3A_518 : memref<128xi32, #tpu.memory_space<vmem>>) semaphore(%run_scoped3A_515 : memref<!tpu.dma_semaphore, #tpu.memory_space<semaphore_mem>>) {add = true}
        %dma_wait3A_522 = arith.constant 0 : i32
        %dma_wait3A_523 = tpu.memref_slice %arg8[%run_scoped3A, %dma_wait3A_522] : memref<2x128xi32, #tpu.memory_space<vmem>> -> memref<1x128xi32, #tpu.memory_space<vmem>>
        %dma_wait3A_524 = tpu.memref_squeeze %dma_wait3A_523 : memref<1x128xi32, #tpu.memory_space<vmem>> -> memref<128xi32, #tpu.memory_space<vmem>>
        %dma_wait3A_525 = arith.constant 0 : i32
        %dma_wait3A_526 = arith.constant 0 : i32
        %dma_wait3A_527 = tpu.memref_slice %arg12[%dma_wait3A_525, %dma_wait3A_526] : memref<10112x128xf32, #tpu.memory_space<vmem_shared>> -> memref<10112x128xf32, #tpu.memory_space<vmem_shared>>
        tpu.wait_indirect_dma semaphore(%run_scoped3A_515 : memref<!tpu.dma_semaphore, #tpu.memory_space<semaphore_mem>>) src(%arg10 : memref<128x128xf32, #tpu.memory_space<vmem>>) dst(%dma_wait3A_527 : memref<10112x128xf32, #tpu.memory_space<vmem_shared>>)
        tpu.yield
      }) : () -> ()
      %add3A_467 = arith.constant 2 : i32
      %add3A_468 = arith.addi %add3A_433, %add3A_467 : i32
      %lt3A = arith.constant 80 : i32
      %lt3A_469 = arith.cmpi slt, %add3A_468, %lt3A : i32
      %convert_element_type3A = arith.extui %lt3A_469 : i1 to i32
      %cond3A = arith.constant 0 : i32
      %cond3A_470 = arith.cmpi ne, %convert_element_type3A, %cond3A : i32
      scf.if %cond3A_470 {
        %get3A_515 = arith.index_cast %add3A_468 : i32 to index
        %get3A_516 = arith.constant 0 : index
        %get3A_517 = tpu.vector_load %arg6[%get3A_515, %get3A_516] {strides = array<i32>} : memref<80x128xi32, #tpu.memory_space<vmem>>, vector<1x16xi32>,
        %get3A_518 = vector.shape_cast %get3A_517 : vector<1x16xi32> to vector<16xi32>
        %and3A_519 = arith.andi %get3A_518, %broadcast_in_dim3A_28 : vector<16xi32>
        %swap3A_520 = arith.constant 0 : i32
        %swap3A_521 = arith.index_cast %swap3A_520 : i32 to index
        %swap3A_522 = arith.constant 0 : index
        %swap3A_523 = tpu.vector_load %arg7[%swap3A_521, %swap3A_522] {strides = array<i32>} : memref<2x128xi32, #tpu.memory_space<vmem>>, vector<1x16xi32>,
        %swap3A_524 = vector.shape_cast %swap3A_523 : vector<1x16xi32> to vector<16xi32>
        %swap3A_525 = vector.shape_cast %and3A_519 : vector<16xi32> to vector<1x16xi32>
        tpu.vector_store %arg7[%swap3A_521, %swap3A_522], %swap3A_525 {strides = array<i32>} : memref<2x128xi32, #tpu.memory_space<vmem>>, vector<1x16xi32>,
        %shift_right_logical3A_526 = arith.constant 16 : i32
        %shift_right_logical3A_527 = vector.broadcast %shift_right_logical3A_526 : i32 to vector<16xi32>
        %shift_right_logical3A_528 = arith.shrui %get3A_518, %shift_right_logical3A_527 : vector<16xi32>
        %swap3A_529 = arith.constant 0 : i32
        %swap3A_530 = arith.index_cast %swap3A_529 : i32 to index
        %swap3A_531 = arith.constant 0 : index
        %swap3A_532 = tpu.vector_load %arg8[%swap3A_530, %swap3A_531] {strides = array<i32>} : memref<2x128xi32, #tpu.memory_space<vmem>>, vector<1x16xi32>,
        %swap3A_533 = vector.shape_cast %swap3A_532 : vector<1x16xi32> to vector<16xi32>
        %swap3A_534 = vector.shape_cast %shift_right_logical3A_528 : vector<16xi32> to vector<1x16xi32>
        tpu.vector_store %arg8[%swap3A_530, %swap3A_531], %swap3A_534 {strides = array<i32>} : memref<2x128xi32, #tpu.memory_space<vmem>>, vector<1x16xi32>,
        %get3A_535 = arith.index_cast %add3A_468 : i32 to index
        %get3A_536 = arith.constant 16 : index
        %get3A_537 = tpu.vector_load %arg6[%get3A_535, %get3A_536] {strides = array<i32>} : memref<80x128xi32, #tpu.memory_space<vmem>>, vector<1x16xi32>,
        %get3A_538 = vector.shape_cast %get3A_537 : vector<1x16xi32> to vector<16xi32>
        %and3A_539 = arith.andi %get3A_538, %broadcast_in_dim3A_28 : vector<16xi32>
        %swap3A_540 = arith.constant 0 : i32
        %swap3A_541 = arith.index_cast %swap3A_540 : i32 to index
        %swap3A_542 = arith.constant 16 : index
        %swap3A_543 = tpu.vector_load %arg7[%swap3A_541, %swap3A_542] {strides = array<i32>} : memref<2x128xi32, #tpu.memory_space<vmem>>, vector<1x16xi32>,
        %swap3A_544 = vector.shape_cast %swap3A_543 : vector<1x16xi32> to vector<16xi32>
        %swap3A_545 = vector.shape_cast %and3A_539 : vector<16xi32> to vector<1x16xi32>
        tpu.vector_store %arg7[%swap3A_541, %swap3A_542], %swap3A_545 {strides = array<i32>} : memref<2x128xi32, #tpu.memory_space<vmem>>, vector<1x16xi32>,
        %shift_right_logical3A_546 = arith.constant 16 : i32
        %shift_right_logical3A_547 = vector.broadcast %shift_right_logical3A_546 : i32 to vector<16xi32>
        %shift_right_logical3A_548 = arith.shrui %get3A_538, %shift_right_logical3A_547 : vector<16xi32>
        %swap3A_549 = arith.constant 0 : i32
        %swap3A_550 = arith.index_cast %swap3A_549 : i32 to index
        %swap3A_551 = arith.constant 16 : index
        %swap3A_552 = tpu.vector_load %arg8[%swap3A_550, %swap3A_551] {strides = array<i32>} : memref<2x128xi32, #tpu.memory_space<vmem>>, vector<1x16xi32>,
        %swap3A_553 = vector.shape_cast %swap3A_552 : vector<1x16xi32> to vector<16xi32>
        %swap3A_554 = vector.shape_cast %shift_right_logical3A_548 : vector<16xi32> to vector<1x16xi32>
        tpu.vector_store %arg8[%swap3A_550, %swap3A_551], %swap3A_554 {strides = array<i32>} : memref<2x128xi32, #tpu.memory_space<vmem>>, vector<1x16xi32>,
        %get3A_555 = arith.index_cast %add3A_468 : i32 to index
        %get3A_556 = arith.constant 32 : index
        %get3A_557 = tpu.vector_load %arg6[%get3A_555, %get3A_556] {strides = array<i32>} : memref<80x128xi32, #tpu.memory_space<vmem>>, vector<1x16xi32>,
        %get3A_558 = vector.shape_cast %get3A_557 : vector<1x16xi32> to vector<16xi32>
        %and3A_559 = arith.andi %get3A_558, %broadcast_in_dim3A_28 : vector<16xi32>
        %swap3A_560 = arith.constant 0 : i32
        %swap3A_561 = arith.index_cast %swap3A_560 : i32 to index
        %swap3A_562 = arith.constant 32 : index
        %swap3A_563 = tpu.vector_load %arg7[%swap3A_561, %swap3A_562] {strides = array<i32>} : memref<2x128xi32, #tpu.memory_space<vmem>>, vector<1x16xi32>,
        %swap3A_564 = vector.shape_cast %swap3A_563 : vector<1x16xi32> to vector<16xi32>
        %swap3A_565 = vector.shape_cast %and3A_559 : vector<16xi32> to vector<1x16xi32>
        tpu.vector_store %arg7[%swap3A_561, %swap3A_562], %swap3A_565 {strides = array<i32>} : memref<2x128xi32, #tpu.memory_space<vmem>>, vector<1x16xi32>,
        %shift_right_logical3A_566 = arith.constant 16 : i32
        %shift_right_logical3A_567 = vector.broadcast %shift_right_logical3A_566 : i32 to vector<16xi32>
        %shift_right_logical3A_568 = arith.shrui %get3A_558, %shift_right_logical3A_567 : vector<16xi32>
        %swap3A_569 = arith.constant 0 : i32
        %swap3A_570 = arith.index_cast %swap3A_569 : i32 to index
        %swap3A_571 = arith.constant 32 : index
        %swap3A_572 = tpu.vector_load %arg8[%swap3A_570, %swap3A_571] {strides = array<i32>} : memref<2x128xi32, #tpu.memory_space<vmem>>, vector<1x16xi32>,
        %swap3A_573 = vector.shape_cast %swap3A_572 : vector<1x16xi32> to vector<16xi32>
        %swap3A_574 = vector.shape_cast %shift_right_logical3A_568 : vector<16xi32> to vector<1x16xi32>
        tpu.vector_store %arg8[%swap3A_570, %swap3A_571], %swap3A_574 {strides = array<i32>} : memref<2x128xi32, #tpu.memory_space<vmem>>, vector<1x16xi32>,
        %get3A_575 = arith.index_cast %add3A_468 : i32 to index
        %get3A_576 = arith.constant 48 : index
        %get3A_577 = tpu.vector_load %arg6[%get3A_575, %get3A_576] {strides = array<i32>} : memref<80x128xi32, #tpu.memory_space<vmem>>, vector<1x16xi32>,
        %get3A_578 = vector.shape_cast %get3A_577 : vector<1x16xi32> to vector<16xi32>
        %and3A_579 = arith.andi %get3A_578, %broadcast_in_dim3A_28 : vector<16xi32>
        %swap3A_580 = arith.constant 0 : i32
        %swap3A_581 = arith.index_cast %swap3A_580 : i32 to index
        %swap3A_582 = arith.constant 48 : index
        %swap3A_583 = tpu.vector_load %arg7[%swap3A_581, %swap3A_582] {strides = array<i32>} : memref<2x128xi32, #tpu.memory_space<vmem>>, vector<1x16xi32>,
        %swap3A_584 = vector.shape_cast %swap3A_583 : vector<1x16xi32> to vector<16xi32>
        %swap3A_585 = vector.shape_cast %and3A_579 : vector<16xi32> to vector<1x16xi32>
        tpu.vector_store %arg7[%swap3A_581, %swap3A_582], %swap3A_585 {strides = array<i32>} : memref<2x128xi32, #tpu.memory_space<vmem>>, vector<1x16xi32>,
        %shift_right_logical3A_586 = arith.constant 16 : i32
        %shift_right_logical3A_587 = vector.broadcast %shift_right_logical3A_586 : i32 to vector<16xi32>
        %shift_right_logical3A_588 = arith.shrui %get3A_578, %shift_right_logical3A_587 : vector<16xi32>
        %swap3A_589 = arith.constant 0 : i32
        %swap3A_590 = arith.index_cast %swap3A_589 : i32 to index
        %swap3A_591 = arith.constant 48 : index
        %swap3A_592 = tpu.vector_load %arg8[%swap3A_590, %swap3A_591] {strides = array<i32>} : memref<2x128xi32, #tpu.memory_space<vmem>>, vector<1x16xi32>,
        %swap3A_593 = vector.shape_cast %swap3A_592 : vector<1x16xi32> to vector<16xi32>
        %swap3A_594 = vector.shape_cast %shift_right_logical3A_588 : vector<16xi32> to vector<1x16xi32>
        tpu.vector_store %arg8[%swap3A_590, %swap3A_591], %swap3A_594 {strides = array<i32>} : memref<2x128xi32, #tpu.memory_space<vmem>>, vector<1x16xi32>,
        %get3A_595 = arith.index_cast %add3A_468 : i32 to index
        %get3A_596 = arith.constant 64 : index
        %get3A_597 = tpu.vector_load %arg6[%get3A_595, %get3A_596] {strides = array<i32>} : memref<80x128xi32, #tpu.memory_space<vmem>>, vector<1x16xi32>,
        %get3A_598 = vector.shape_cast %get3A_597 : vector<1x16xi32> to vector<16xi32>
        %and3A_599 = arith.andi %get3A_598, %broadcast_in_dim3A_28 : vector<16xi32>
        %swap3A_600 = arith.constant 0 : i32
        %swap3A_601 = arith.index_cast %swap3A_600 : i32 to index
        %swap3A_602 = arith.constant 64 : index
        %swap3A_603 = tpu.vector_load %arg7[%swap3A_601, %swap3A_602] {strides = array<i32>} : memref<2x128xi32, #tpu.memory_space<vmem>>, vector<1x16xi32>,
        %swap3A_604 = vector.shape_cast %swap3A_603 : vector<1x16xi32> to vector<16xi32>
        %swap3A_605 = vector.shape_cast %and3A_599 : vector<16xi32> to vector<1x16xi32>
        tpu.vector_store %arg7[%swap3A_601, %swap3A_602], %swap3A_605 {strides = array<i32>} : memref<2x128xi32, #tpu.memory_space<vmem>>, vector<1x16xi32>,
        %shift_right_logical3A_606 = arith.constant 16 : i32
        %shift_right_logical3A_607 = vector.broadcast %shift_right_logical3A_606 : i32 to vector<16xi32>
        %shift_right_logical3A_608 = arith.shrui %get3A_598, %shift_right_logical3A_607 : vector<16xi32>
        %swap3A_609 = arith.constant 0 : i32
        %swap3A_610 = arith.index_cast %swap3A_609 : i32 to index
        %swap3A_611 = arith.constant 64 : index
        %swap3A_612 = tpu.vector_load %arg8[%swap3A_610, %swap3A_611] {strides = array<i32>} : memref<2x128xi32, #tpu.memory_space<vmem>>, vector<1x16xi32>,
        %swap3A_613 = vector.shape_cast %swap3A_612 : vector<1x16xi32> to vector<16xi32>
        %swap3A_614 = vector.shape_cast %shift_right_logical3A_608 : vector<16xi32> to vector<1x16xi32>
        tpu.vector_store %arg8[%swap3A_610, %swap3A_611], %swap3A_614 {strides = array<i32>} : memref<2x128xi32, #tpu.memory_space<vmem>>, vector<1x16xi32>,
        %get3A_615 = arith.index_cast %add3A_468 : i32 to index
        %get3A_616 = arith.constant 80 : index
        %get3A_617 = tpu.vector_load %arg6[%get3A_615, %get3A_616] {strides = array<i32>} : memref<80x128xi32, #tpu.memory_space<vmem>>, vector<1x16xi32>,
        %get3A_618 = vector.shape_cast %get3A_617 : vector<1x16xi32> to vector<16xi32>
        %and3A_619 = arith.andi %get3A_618, %broadcast_in_dim3A_28 : vector<16xi32>
        %swap3A_620 = arith.constant 0 : i32
        %swap3A_621 = arith.index_cast %swap3A_620 : i32 to index
        %swap3A_622 = arith.constant 80 : index
        %swap3A_623 = tpu.vector_load %arg7[%swap3A_621, %swap3A_622] {strides = array<i32>} : memref<2x128xi32, #tpu.memory_space<vmem>>, vector<1x16xi32>,
        %swap3A_624 = vector.shape_cast %swap3A_623 : vector<1x16xi32> to vector<16xi32>
        %swap3A_625 = vector.shape_cast %and3A_619 : vector<16xi32> to vector<1x16xi32>
        tpu.vector_store %arg7[%swap3A_621, %swap3A_622], %swap3A_625 {strides = array<i32>} : memref<2x128xi32, #tpu.memory_space<vmem>>, vector<1x16xi32>,
        %shift_right_logical3A_626 = arith.constant 16 : i32
        %shift_right_logical3A_627 = vector.broadcast %shift_right_logical3A_626 : i32 to vector<16xi32>
        %shift_right_logical3A_628 = arith.shrui %get3A_618, %shift_right_logical3A_627 : vector<16xi32>
        %swap3A_629 = arith.constant 0 : i32
        %swap3A_630 = arith.index_cast %swap3A_629 : i32 to index
        %swap3A_631 = arith.constant 80 : index
        %swap3A_632 = tpu.vector_load %arg8[%swap3A_630, %swap3A_631] {strides = array<i32>} : memref<2x128xi32, #tpu.memory_space<vmem>>, vector<1x16xi32>,
        %swap3A_633 = vector.shape_cast %swap3A_632 : vector<1x16xi32> to vector<16xi32>
        %swap3A_634 = vector.shape_cast %shift_right_logical3A_628 : vector<16xi32> to vector<1x16xi32>
        tpu.vector_store %arg8[%swap3A_630, %swap3A_631], %swap3A_634 {strides = array<i32>} : memref<2x128xi32, #tpu.memory_space<vmem>>, vector<1x16xi32>,
        %get3A_635 = arith.index_cast %add3A_468 : i32 to index
        %get3A_636 = arith.constant 96 : index
        %get3A_637 = tpu.vector_load %arg6[%get3A_635, %get3A_636] {strides = array<i32>} : memref<80x128xi32, #tpu.memory_space<vmem>>, vector<1x16xi32>,
        %get3A_638 = vector.shape_cast %get3A_637 : vector<1x16xi32> to vector<16xi32>
        %and3A_639 = arith.andi %get3A_638, %broadcast_in_dim3A_28 : vector<16xi32>
        %swap3A_640 = arith.constant 0 : i32
        %swap3A_641 = arith.index_cast %swap3A_640 : i32 to index
        %swap3A_642 = arith.constant 96 : index
        %swap3A_643 = tpu.vector_load %arg7[%swap3A_641, %swap3A_642] {strides = array<i32>} : memref<2x128xi32, #tpu.memory_space<vmem>>, vector<1x16xi32>,
        %swap3A_644 = vector.shape_cast %swap3A_643 : vector<1x16xi32> to vector<16xi32>
        %swap3A_645 = vector.shape_cast %and3A_639 : vector<16xi32> to vector<1x16xi32>
        tpu.vector_store %arg7[%swap3A_641, %swap3A_642], %swap3A_645 {strides = array<i32>} : memref<2x128xi32, #tpu.memory_space<vmem>>, vector<1x16xi32>,
        %shift_right_logical3A_646 = arith.constant 16 : i32
        %shift_right_logical3A_647 = vector.broadcast %shift_right_logical3A_646 : i32 to vector<16xi32>
        %shift_right_logical3A_648 = arith.shrui %get3A_638, %shift_right_logical3A_647 : vector<16xi32>
        %swap3A_649 = arith.constant 0 : i32
        %swap3A_650 = arith.index_cast %swap3A_649 : i32 to index
        %swap3A_651 = arith.constant 96 : index
        %swap3A_652 = tpu.vector_load %arg8[%swap3A_650, %swap3A_651] {strides = array<i32>} : memref<2x128xi32, #tpu.memory_space<vmem>>, vector<1x16xi32>,
        %swap3A_653 = vector.shape_cast %swap3A_652 : vector<1x16xi32> to vector<16xi32>
        %swap3A_654 = vector.shape_cast %shift_right_logical3A_648 : vector<16xi32> to vector<1x16xi32>
        tpu.vector_store %arg8[%swap3A_650, %swap3A_651], %swap3A_654 {strides = array<i32>} : memref<2x128xi32, #tpu.memory_space<vmem>>, vector<1x16xi32>,
        %get3A_655 = arith.index_cast %add3A_468 : i32 to index
        %get3A_656 = arith.constant 112 : index
        %get3A_657 = tpu.vector_load %arg6[%get3A_655, %get3A_656] {strides = array<i32>} : memref<80x128xi32, #tpu.memory_space<vmem>>, vector<1x16xi32>,
        %get3A_658 = vector.shape_cast %get3A_657 : vector<1x16xi32> to vector<16xi32>
        %and3A_659 = arith.andi %get3A_658, %broadcast_in_dim3A_28 : vector<16xi32>
        %swap3A_660 = arith.constant 0 : i32
        %swap3A_661 = arith.index_cast %swap3A_660 : i32 to index
        %swap3A_662 = arith.constant 112 : index
        %swap3A_663 = tpu.vector_load %arg7[%swap3A_661, %swap3A_662] {strides = array<i32>} : memref<2x128xi32, #tpu.memory_space<vmem>>, vector<1x16xi32>,
        %swap3A_664 = vector.shape_cast %swap3A_663 : vector<1x16xi32> to vector<16xi32>
        %swap3A_665 = vector.shape_cast %and3A_659 : vector<16xi32> to vector<1x16xi32>
        tpu.vector_store %arg7[%swap3A_661, %swap3A_662], %swap3A_665 {strides = array<i32>} : memref<2x128xi32, #tpu.memory_space<vmem>>, vector<1x16xi32>,
        %shift_right_logical3A_666 = arith.constant 16 : i32
        %shift_right_logical3A_667 = vector.broadcast %shift_right_logical3A_666 : i32 to vector<16xi32>
        %shift_right_logical3A_668 = arith.shrui %get3A_658, %shift_right_logical3A_667 : vector<16xi32>
        %swap3A_669 = arith.constant 0 : i32
        %swap3A_670 = arith.index_cast %swap3A_669 : i32 to index
        %swap3A_671 = arith.constant 112 : index
        %swap3A_672 = tpu.vector_load %arg8[%swap3A_670, %swap3A_671] {strides = array<i32>} : memref<2x128xi32, #tpu.memory_space<vmem>>, vector<1x16xi32>,
        %swap3A_673 = vector.shape_cast %swap3A_672 : vector<1x16xi32> to vector<16xi32>
        %swap3A_674 = vector.shape_cast %shift_right_logical3A_668 : vector<16xi32> to vector<1x16xi32>
        tpu.vector_store %arg8[%swap3A_670, %swap3A_671], %swap3A_674 {strides = array<i32>} : memref<2x128xi32, #tpu.memory_space<vmem>>, vector<1x16xi32>,
        %dma_start3A_675 = arith.constant 0 : i32
        %dma_start3A_676 = arith.constant 0 : i32
        %dma_start3A_677 = tpu.memref_slice %arg7[%dma_start3A_675, %dma_start3A_676] : memref<2x128xi32, #tpu.memory_space<vmem>> -> memref<1x128xi32, #tpu.memory_space<vmem>>
        %dma_start3A_678 = tpu.memref_squeeze %dma_start3A_677 : memref<1x128xi32, #tpu.memory_space<vmem>> -> memref<128xi32, #tpu.memory_space<vmem>>
        %dma_start3A_679 = arith.constant 0 : i32
        %dma_start3A_680 = arith.constant 0 : i32
        %dma_start3A_681 = tpu.memref_slice %arg2[%dma_start3A_679, %dma_start3A_680] : memref<10000x128xf32, #tpu.memory_space<hbm>> -> memref<10000x128xf32, #tpu.memory_space<hbm>>
        tpu.enqueue_indirect_dma source(%dma_start3A_681 : memref<10000x128xf32, #tpu.memory_space<hbm>>) target(%arg10 : memref<128x128xf32, #tpu.memory_space<vmem>>) offsets(%dma_start3A_678 : memref<128xi32, #tpu.memory_space<vmem>>) semaphore(%arg13 : memref<!tpu.dma_semaphore, #tpu.memory_space<semaphore_mem>>)
        %dma_start3A_682 = arith.constant 0 : i32
        %dma_start3A_683 = arith.constant 0 : i32
        %dma_start3A_684 = tpu.memref_slice %arg9[%dma_start3A_682, %dma_start3A_683] : memref<2x128xf32, #tpu.memory_space<vmem>> -> memref<1x128xf32, #tpu.memory_space<vmem>>
        %dma_start3A_685 = tpu.memref_squeeze %dma_start3A_684 : memref<1x128xf32, #tpu.memory_space<vmem>> -> memref<128xf32, #tpu.memory_space<vmem>>
        %dma_start3A_686 = arith.constant 0 : i32
        %dma_start3A_687 = arith.constant 0 : i32
        %dma_start3A_688 = tpu.memref_slice %arg4[%add3A, %dma_start3A_686, %dma_start3A_687] : memref<32x80x128xf32, #tpu.memory_space<hbm>> -> memref<1x80x128xf32, #tpu.memory_space<hbm>>
        %dma_start3A_689 = tpu.memref_squeeze %dma_start3A_688 : memref<1x80x128xf32, #tpu.memory_space<hbm>> -> memref<80x128xf32, #tpu.memory_space<hbm>>
        %dma_start3A_690 = arith.constant 0 : i32
        %dma_start3A_691 = tpu.memref_slice %dma_start3A_689[%add3A_468, %dma_start3A_690] : memref<80x128xf32, #tpu.memory_space<hbm>> -> memref<1x128xf32, #tpu.memory_space<hbm>>
        %dma_start3A_692 = tpu.memref_squeeze %dma_start3A_691 : memref<1x128xf32, #tpu.memory_space<hbm>> -> memref<128xf32, #tpu.memory_space<hbm>>
        %dma_start3A_693 = arith.constant 0 : i32
        %dma_start3A_694 = tpu.memref_slice %arg9[%dma_start3A_682, %dma_start3A_693] : memref<2x128xf32, #tpu.memory_space<vmem>> -> memref<1x128xf32, #tpu.memory_space<vmem>>
        %dma_start3A_695 = tpu.memref_squeeze %dma_start3A_694 : memref<1x128xf32, #tpu.memory_space<vmem>> -> memref<128xf32, #tpu.memory_space<vmem>>
        %dma_start3A_696 = arith.constant 0 : i32
        %dma_start3A_697 = arith.constant 0 : i32
        %dma_start3A_698 = tpu.memref_slice %arg4[%add3A, %dma_start3A_696, %dma_start3A_697] : memref<32x80x128xf32, #tpu.memory_space<hbm>> -> memref<1x80x128xf32, #tpu.memory_space<hbm>>
        %dma_start3A_699 = tpu.memref_squeeze %dma_start3A_698 : memref<1x80x128xf32, #tpu.memory_space<hbm>> -> memref<80x128xf32, #tpu.memory_space<hbm>>
        %dma_start3A_700 = arith.constant 0 : i32
        %dma_start3A_701 = tpu.memref_slice %dma_start3A_699[%add3A_468, %dma_start3A_700] : memref<80x128xf32, #tpu.memory_space<hbm>> -> memref<1x128xf32, #tpu.memory_space<hbm>>
        %dma_start3A_702 = tpu.memref_squeeze %dma_start3A_701 : memref<1x128xf32, #tpu.memory_space<hbm>> -> memref<128xf32, #tpu.memory_space<hbm>>
        tpu.enqueue_dma source(%dma_start3A_702 : memref<128xf32, #tpu.memory_space<hbm>>) target(%dma_start3A_695 : memref<128xf32, #tpu.memory_space<vmem>>) target_semaphore(%arg15 : memref<!tpu.dma_semaphore, #tpu.memory_space<semaphore_mem>>)
      } else {
      }
      %add3A_471 = arith.constant 1 : i32
      %add3A_472 = arith.addi %mul3A_431, %add3A_471 : i32
      %dma_wait3A_473 = arith.constant 1 : i32
      %dma_wait3A_474 = arith.constant 0 : i32
      %dma_wait3A_475 = tpu.memref_slice %arg7[%dma_wait3A_473, %dma_wait3A_474] : memref<2x128xi32, #tpu.memory_space<vmem>> -> memref<1x128xi32, #tpu.memory_space<vmem>>
      %dma_wait3A_476 = tpu.memref_squeeze %dma_wait3A_475 : memref<1x128xi32, #tpu.memory_space<vmem>> -> memref<128xi32, #tpu.memory_space<vmem>>
      %dma_wait3A_477 = arith.constant 0 : i32
      %dma_wait3A_478 = arith.constant 0 : i32
      %dma_wait3A_479 = tpu.memref_slice %arg2[%dma_wait3A_477, %dma_wait3A_478] : memref<10000x128xf32, #tpu.memory_space<hbm>> -> memref<10000x128xf32, #tpu.memory_space<hbm>>
      tpu.wait_indirect_dma semaphore(%arg14 : memref<!tpu.dma_semaphore, #tpu.memory_space<semaphore_mem>>) src(%dma_wait3A_479 : memref<10000x128xf32, #tpu.memory_space<hbm>>) dst(%arg11 : memref<128x128xf32, #tpu.memory_space<vmem>>)
      %dma_wait3A_480 = arith.constant 1 : i32
      %dma_wait3A_481 = arith.constant 0 : i32
      %dma_wait3A_482 = tpu.memref_slice %arg9[%dma_wait3A_480, %dma_wait3A_481] : memref<2x128xf32, #tpu.memory_space<vmem>> -> memref<1x128xf32, #tpu.memory_space<vmem>>
      %dma_wait3A_483 = tpu.memref_squeeze %dma_wait3A_482 : memref<1x128xf32, #tpu.memory_space<vmem>> -> memref<128xf32, #tpu.memory_space<vmem>>
      %dma_wait3A_484 = arith.constant 0 : i32
      %dma_wait3A_485 = arith.constant 0 : i32
      %dma_wait3A_486 = tpu.memref_slice %arg4[%add3A, %dma_wait3A_484, %dma_wait3A_485] : memref<32x80x128xf32, #tpu.memory_space<hbm>> -> memref<1x80x128xf32, #tpu.memory_space<hbm>>
      %dma_wait3A_487 = tpu.memref_squeeze %dma_wait3A_486 : memref<1x80x128xf32, #tpu.memory_space<hbm>> -> memref<80x128xf32, #tpu.memory_space<hbm>>
      %dma_wait3A_488 = arith.constant 0 : i32
      %dma_wait3A_489 = tpu.memref_slice %dma_wait3A_487[%add3A_472, %dma_wait3A_488] : memref<80x128xf32, #tpu.memory_space<hbm>> -> memref<1x128xf32, #tpu.memory_space<hbm>>
      %dma_wait3A_490 = tpu.memref_squeeze %dma_wait3A_489 : memref<1x128xf32, #tpu.memory_space<hbm>> -> memref<128xf32, #tpu.memory_space<hbm>>
      %dma_wait3A_491 = arith.constant 0 : i32
      %dma_wait3A_492 = tpu.memref_slice %arg9[%dma_wait3A_480, %dma_wait3A_491] : memref<2x128xf32, #tpu.memory_space<vmem>> -> memref<1x128xf32, #tpu.memory_space<vmem>>
      %dma_wait3A_493 = tpu.memref_squeeze %dma_wait3A_492 : memref<1x128xf32, #tpu.memory_space<vmem>> -> memref<128xf32, #tpu.memory_space<vmem>>
      %dma_wait3A_494 = arith.constant 0 : i32
      %dma_wait3A_495 = arith.constant 0 : i32
      %dma_wait3A_496 = tpu.memref_slice %arg4[%add3A, %dma_wait3A_494, %dma_wait3A_495] : memref<32x80x128xf32, #tpu.memory_space<hbm>> -> memref<1x80x128xf32, #tpu.memory_space<hbm>>
      %dma_wait3A_497 = tpu.memref_squeeze %dma_wait3A_496 : memref<1x80x128xf32, #tpu.memory_space<hbm>> -> memref<80x128xf32, #tpu.memory_space<hbm>>
      %dma_wait3A_498 = arith.constant 0 : i32
      %dma_wait3A_499 = tpu.memref_slice %dma_wait3A_497[%add3A_472, %dma_wait3A_498] : memref<80x128xf32, #tpu.memory_space<hbm>> -> memref<1x128xf32, #tpu.memory_space<hbm>>
      %dma_wait3A_500 = tpu.memref_squeeze %dma_wait3A_499 : memref<1x128xf32, #tpu.memory_space<hbm>> -> memref<128xf32, #tpu.memory_space<hbm>>
      tpu.wait_dma2 semaphore(%arg16 : memref<!tpu.dma_semaphore, #tpu.memory_space<semaphore_mem>>) src(%dma_wait3A_500 : memref<128xf32, #tpu.memory_space<hbm>>) dst(%dma_wait3A_493 : memref<128xf32, #tpu.memory_space<vmem>>)
      %scan3A_501 = arith.constant 0 : i32
      %scan3A_502 = arith.constant 0 : i32
      %scan3A_503 = arith.constant 8 : i32
      %scan3A_504 = arith.addi %scan3A_502, %scan3A_503 : i32
      %scan3A_505 = arith.constant 1 : i32
      scf.for %scan3A_515 = %scan3A_502 to %scan3A_504 step %scan3A_505  : i32 {
        %mul3A_516 = arith.constant 16 : i32
        %mul3A_517 = arith.muli %scan3A_515, %mul3A_516 : i32
        %get3A_518 = arith.constant 1 : i32
        %get3A_519 = arith.index_cast %get3A_518 : i32 to index
        %get3A_520 = arith.index_cast %mul3A_517 : i32 to index
        %get3A_521 = tpu.vector_load %arg9[%get3A_519, %get3A_520] {strides = array<i32>} : memref<2x128xf32, #tpu.memory_space<vmem>>, vector<1x16xf32>,
        %get3A_522 = vector.shape_cast %get3A_521 : vector<1x16xf32> to vector<16xf32>
        %slice3A = vector.extract_strided_slice %get3A_522 {offsets = [0], sizes = [1], strides = [1]} : vector<16xf32> to vector<1xf32>
        %squeeze3A = vector.extract %slice3A[0] : f32 from vector<1xf32>
        %mul3A_523 = arith.constant 16 : i32
        %mul3A_524 = arith.muli %scan3A_515, %mul3A_523 : i32
        %add3A_525 = arith.constant 0 : i32
        %add3A_526 = arith.addi %mul3A_524, %add3A_525 : i32
        %get3A_527 = arith.index_cast %add3A_526 : i32 to index
        %get3A_528 = arith.constant 0 : index
        %get3A_529 = tpu.vector_load %arg11[%get3A_527, %get3A_528] {strides = array<i32>} : memref<128x128xf32, #tpu.memory_space<vmem>>, vector<1x16xf32>,
        %get3A_530 = vector.shape_cast %get3A_529 : vector<1x16xf32> to vector<16xf32>
        %mul3A_531 = vector.broadcast %squeeze3A : f32 to vector<16xf32>
        %mul3A_532 = arith.mulf %get3A_530, %mul3A_531 : vector<16xf32>
        %swap3A_533 = arith.index_cast %add3A_526 : i32 to index
        %swap3A_534 = arith.constant 0 : index
        %swap3A_535 = tpu.vector_load %arg11[%swap3A_533, %swap3A_534] {strides = array<i32>} : memref<128x128xf32, #tpu.memory_space<vmem>>, vector<1x16xf32>,
        %swap3A_536 = vector.shape_cast %swap3A_535 : vector<1x16xf32> to vector<16xf32>
        %swap3A_537 = vector.shape_cast %mul3A_532 : vector<16xf32> to vector<1x16xf32>
        tpu.vector_store %arg11[%swap3A_533, %swap3A_534], %swap3A_537 {strides = array<i32>} : memref<128x128xf32, #tpu.memory_space<vmem>>, vector<1x16xf32>,
        %get3A_538 = arith.index_cast %add3A_526 : i32 to index
        %get3A_539 = arith.constant 16 : index
        %get3A_540 = tpu.vector_load %arg11[%get3A_538, %get3A_539] {strides = array<i32>} : memref<128x128xf32, #tpu.memory_space<vmem>>, vector<1x16xf32>,
        %get3A_541 = vector.shape_cast %get3A_540 : vector<1x16xf32> to vector<16xf32>
        %mul3A_542 = vector.broadcast %squeeze3A : f32 to vector<16xf32>
        %mul3A_543 = arith.mulf %get3A_541, %mul3A_542 : vector<16xf32>
        %swap3A_544 = arith.index_cast %add3A_526 : i32 to index
        %swap3A_545 = arith.constant 16 : index
        %swap3A_546 = tpu.vector_load %arg11[%swap3A_544, %swap3A_545] {strides = array<i32>} : memref<128x128xf32, #tpu.memory_space<vmem>>, vector<1x16xf32>,
        %swap3A_547 = vector.shape_cast %swap3A_546 : vector<1x16xf32> to vector<16xf32>
        %swap3A_548 = vector.shape_cast %mul3A_543 : vector<16xf32> to vector<1x16xf32>
        tpu.vector_store %arg11[%swap3A_544, %swap3A_545], %swap3A_548 {strides = array<i32>} : memref<128x128xf32, #tpu.memory_space<vmem>>, vector<1x16xf32>,
        %get3A_549 = arith.index_cast %add3A_526 : i32 to index
        %get3A_550 = arith.constant 32 : index
        %get3A_551 = tpu.vector_load %arg11[%get3A_549, %get3A_550] {strides = array<i32>} : memref<128x128xf32, #tpu.memory_space<vmem>>, vector<1x16xf32>,
        %get3A_552 = vector.shape_cast %get3A_551 : vector<1x16xf32> to vector<16xf32>
        %mul3A_553 = vector.broadcast %squeeze3A : f32 to vector<16xf32>
        %mul3A_554 = arith.mulf %get3A_552, %mul3A_553 : vector<16xf32>
        %swap3A_555 = arith.index_cast %add3A_526 : i32 to index
        %swap3A_556 = arith.constant 32 : index
        %swap3A_557 = tpu.vector_load %arg11[%swap3A_555, %swap3A_556] {strides = array<i32>} : memref<128x128xf32, #tpu.memory_space<vmem>>, vector<1x16xf32>,
        %swap3A_558 = vector.shape_cast %swap3A_557 : vector<1x16xf32> to vector<16xf32>
        %swap3A_559 = vector.shape_cast %mul3A_554 : vector<16xf32> to vector<1x16xf32>
        tpu.vector_store %arg11[%swap3A_555, %swap3A_556], %swap3A_559 {strides = array<i32>} : memref<128x128xf32, #tpu.memory_space<vmem>>, vector<1x16xf32>,
        %get3A_560 = arith.index_cast %add3A_526 : i32 to index
        %get3A_561 = arith.constant 48 : index
        %get3A_562 = tpu.vector_load %arg11[%get3A_560, %get3A_561] {strides = array<i32>} : memref<128x128xf32, #tpu.memory_space<vmem>>, vector<1x16xf32>,
        %get3A_563 = vector.shape_cast %get3A_562 : vector<1x16xf32> to vector<16xf32>
        %mul3A_564 = vector.broadcast %squeeze3A : f32 to vector<16xf32>
        %mul3A_565 = arith.mulf %get3A_563, %mul3A_564 : vector<16xf32>
        %swap3A_566 = arith.index_cast %add3A_526 : i32 to index
        %swap3A_567 = arith.constant 48 : index
        %swap3A_568 = tpu.vector_load %arg11[%swap3A_566, %swap3A_567] {strides = array<i32>} : memref<128x128xf32, #tpu.memory_space<vmem>>, vector<1x16xf32>,
        %swap3A_569 = vector.shape_cast %swap3A_568 : vector<1x16xf32> to vector<16xf32>
        %swap3A_570 = vector.shape_cast %mul3A_565 : vector<16xf32> to vector<1x16xf32>
        tpu.vector_store %arg11[%swap3A_566, %swap3A_567], %swap3A_570 {strides = array<i32>} : memref<128x128xf32, #tpu.memory_space<vmem>>, vector<1x16xf32>,
        %get3A_571 = arith.index_cast %add3A_526 : i32 to index
        %get3A_572 = arith.constant 64 : index
        %get3A_573 = tpu.vector_load %arg11[%get3A_571, %get3A_572] {strides = array<i32>} : memref<128x128xf32, #tpu.memory_space<vmem>>, vector<1x16xf32>,
        %get3A_574 = vector.shape_cast %get3A_573 : vector<1x16xf32> to vector<16xf32>
        %mul3A_575 = vector.broadcast %squeeze3A : f32 to vector<16xf32>
        %mul3A_576 = arith.mulf %get3A_574, %mul3A_575 : vector<16xf32>
        %swap3A_577 = arith.index_cast %add3A_526 : i32 to index
        %swap3A_578 = arith.constant 64 : index
        %swap3A_579 = tpu.vector_load %arg11[%swap3A_577, %swap3A_578] {strides = array<i32>} : memref<128x128xf32, #tpu.memory_space<vmem>>, vector<1x16xf32>,
        %swap3A_580 = vector.shape_cast %swap3A_579 : vector<1x16xf32> to vector<16xf32>
        %swap3A_581 = vector.shape_cast %mul3A_576 : vector<16xf32> to vector<1x16xf32>
        tpu.vector_store %arg11[%swap3A_577, %swap3A_578], %swap3A_581 {strides = array<i32>} : memref<128x128xf32, #tpu.memory_space<vmem>>, vector<1x16xf32>,
        %get3A_582 = arith.index_cast %add3A_526 : i32 to index
        %get3A_583 = arith.constant 80 : index
        %get3A_584 = tpu.vector_load %arg11[%get3A_582, %get3A_583] {strides = array<i32>} : memref<128x128xf32, #tpu.memory_space<vmem>>, vector<1x16xf32>,
        %get3A_585 = vector.shape_cast %get3A_584 : vector<1x16xf32> to vector<16xf32>
        %mul3A_586 = vector.broadcast %squeeze3A : f32 to vector<16xf32>
        %mul3A_587 = arith.mulf %get3A_585, %mul3A_586 : vector<16xf32>
        %swap3A_588 = arith.index_cast %add3A_526 : i32 to index
        %swap3A_589 = arith.constant 80 : index
        %swap3A_590 = tpu.vector_load %arg11[%swap3A_588, %swap3A_589] {strides = array<i32>} : memref<128x128xf32, #tpu.memory_space<vmem>>, vector<1x16xf32>,
        %swap3A_591 = vector.shape_cast %swap3A_590 : vector<1x16xf32> to vector<16xf32>
        %swap3A_592 = vector.shape_cast %mul3A_587 : vector<16xf32> to vector<1x16xf32>
        tpu.vector_store %arg11[%swap3A_588, %swap3A_589], %swap3A_592 {strides = array<i32>} : memref<128x128xf32, #tpu.memory_space<vmem>>, vector<1x16xf32>,
        %get3A_593 = arith.index_cast %add3A_526 : i32 to index
        %get3A_594 = arith.constant 96 : index
        %get3A_595 = tpu.vector_load %arg11[%get3A_593, %get3A_594] {strides = array<i32>} : memref<128x128xf32, #tpu.memory_space<vmem>>, vector<1x16xf32>,
        %get3A_596 = vector.shape_cast %get3A_595 : vector<1x16xf32> to vector<16xf32>
        %mul3A_597 = vector.broadcast %squeeze3A : f32 to vector<16xf32>
        %mul3A_598 = arith.mulf %get3A_596, %mul3A_597 : vector<16xf32>
        %swap3A_599 = arith.index_cast %add3A_526 : i32 to index
        %swap3A_600 = arith.constant 96 : index
        %swap3A_601 = tpu.vector_load %arg11[%swap3A_599, %swap3A_600] {strides = array<i32>} : memref<128x128xf32, #tpu.memory_space<vmem>>, vector<1x16xf32>,
        %swap3A_602 = vector.shape_cast %swap3A_601 : vector<1x16xf32> to vector<16xf32>
        %swap3A_603 = vector.shape_cast %mul3A_598 : vector<16xf32> to vector<1x16xf32>
        tpu.vector_store %arg11[%swap3A_599, %swap3A_600], %swap3A_603 {strides = array<i32>} : memref<128x128xf32, #tpu.memory_space<vmem>>, vector<1x16xf32>,
        %get3A_604 = arith.index_cast %add3A_526 : i32 to index
        %get3A_605 = arith.constant 112 : index
        %get3A_606 = tpu.vector_load %arg11[%get3A_604, %get3A_605] {strides = array<i32>} : memref<128x128xf32, #tpu.memory_space<vmem>>, vector<1x16xf32>,
        %get3A_607 = vector.shape_cast %get3A_606 : vector<1x16xf32> to vector<16xf32>
        %mul3A_608 = vector.broadcast %squeeze3A : f32 to vector<16xf32>
        %mul3A_609 = arith.mulf %get3A_607, %mul3A_608 : vector<16xf32>
        %swap3A_610 = arith.index_cast %add3A_526 : i32 to index
        %swap3A_611 = arith.constant 112 : index
        %swap3A_612 = tpu.vector_load %arg11[%swap3A_610, %swap3A_611] {strides = array<i32>} : memref<128x128xf32, #tpu.memory_space<vmem>>, vector<1x16xf32>,
        %swap3A_613 = vector.shape_cast %swap3A_612 : vector<1x16xf32> to vector<16xf32>
        %swap3A_614 = vector.shape_cast %mul3A_609 : vector<16xf32> to vector<1x16xf32>
        tpu.vector_store %arg11[%swap3A_610, %swap3A_611], %swap3A_614 {strides = array<i32>} : memref<128x128xf32, #tpu.memory_space<vmem>>, vector<1x16xf32>,
        %slice3A_615 = vector.extract_strided_slice %get3A_522 {offsets = [1], sizes = [1], strides = [1]} : vector<16xf32> to vector<1xf32>
        %squeeze3A_616 = vector.extract %slice3A_615[0] : f32 from vector<1xf32>
        %mul3A_617 = arith.constant 16 : i32
        %mul3A_618 = arith.muli %scan3A_515, %mul3A_617 : i32
        %add3A_619 = arith.constant 1 : i32
        %add3A_620 = arith.addi %mul3A_618, %add3A_619 : i32
        %get3A_621 = arith.index_cast %add3A_620 : i32 to index
        %get3A_622 = arith.constant 0 : index
        %get3A_623 = tpu.vector_load %arg11[%get3A_621, %get3A_622] {strides = array<i32>} : memref<128x128xf32, #tpu.memory_space<vmem>>, vector<1x16xf32>,
        %get3A_624 = vector.shape_cast %get3A_623 : vector<1x16xf32> to vector<16xf32>
        %mul3A_625 = vector.broadcast %squeeze3A_616 : f32 to vector<16xf32>
        %mul3A_626 = arith.mulf %get3A_624, %mul3A_625 : vector<16xf32>
        %swap3A_627 = arith.index_cast %add3A_620 : i32 to index
        %swap3A_628 = arith.constant 0 : index
        %swap3A_629 = tpu.vector_load %arg11[%swap3A_627, %swap3A_628] {strides = array<i32>} : memref<128x128xf32, #tpu.memory_space<vmem>>, vector<1x16xf32>,
        %swap3A_630 = vector.shape_cast %swap3A_629 : vector<1x16xf32> to vector<16xf32>
        %swap3A_631 = vector.shape_cast %mul3A_626 : vector<16xf32> to vector<1x16xf32>
        tpu.vector_store %arg11[%swap3A_627, %swap3A_628], %swap3A_631 {strides = array<i32>} : memref<128x128xf32, #tpu.memory_space<vmem>>, vector<1x16xf32>,
        %get3A_632 = arith.index_cast %add3A_620 : i32 to index
        %get3A_633 = arith.constant 16 : index
        %get3A_634 = tpu.vector_load %arg11[%get3A_632, %get3A_633] {strides = array<i32>} : memref<128x128xf32, #tpu.memory_space<vmem>>, vector<1x16xf32>,
        %get3A_635 = vector.shape_cast %get3A_634 : vector<1x16xf32> to vector<16xf32>
        %mul3A_636 = vector.broadcast %squeeze3A_616 : f32 to vector<16xf32>
        %mul3A_637 = arith.mulf %get3A_635, %mul3A_636 : vector<16xf32>
        %swap3A_638 = arith.index_cast %add3A_620 : i32 to index
        %swap3A_639 = arith.constant 16 : index
        %swap3A_640 = tpu.vector_load %arg11[%swap3A_638, %swap3A_639] {strides = array<i32>} : memref<128x128xf32, #tpu.memory_space<vmem>>, vector<1x16xf32>,
        %swap3A_641 = vector.shape_cast %swap3A_640 : vector<1x16xf32> to vector<16xf32>
        %swap3A_642 = vector.shape_cast %mul3A_637 : vector<16xf32> to vector<1x16xf32>
        tpu.vector_store %arg11[%swap3A_638, %swap3A_639], %swap3A_642 {strides = array<i32>} : memref<128x128xf32, #tpu.memory_space<vmem>>, vector<1x16xf32>,
        %get3A_643 = arith.index_cast %add3A_620 : i32 to index
        %get3A_644 = arith.constant 32 : index
        %get3A_645 = tpu.vector_load %arg11[%get3A_643, %get3A_644] {strides = array<i32>} : memref<128x128xf32, #tpu.memory_space<vmem>>, vector<1x16xf32>,
        %get3A_646 = vector.shape_cast %get3A_645 : vector<1x16xf32> to vector<16xf32>
        %mul3A_647 = vector.broadcast %squeeze3A_616 : f32 to vector<16xf32>
        %mul3A_648 = arith.mulf %get3A_646, %mul3A_647 : vector<16xf32>
        %swap3A_649 = arith.index_cast %add3A_620 : i32 to index
        %swap3A_650 = arith.constant 32 : index
        %swap3A_651 = tpu.vector_load %arg11[%swap3A_649, %swap3A_650] {strides = array<i32>} : memref<128x128xf32, #tpu.memory_space<vmem>>, vector<1x16xf32>,
        %swap3A_652 = vector.shape_cast %swap3A_651 : vector<1x16xf32> to vector<16xf32>
        %swap3A_653 = vector.shape_cast %mul3A_648 : vector<16xf32> to vector<1x16xf32>
        tpu.vector_store %arg11[%swap3A_649, %swap3A_650], %swap3A_653 {strides = array<i32>} : memref<128x128xf32, #tpu.memory_space<vmem>>, vector<1x16xf32>,
        %get3A_654 = arith.index_cast %add3A_620 : i32 to index
        %get3A_655 = arith.constant 48 : index
        %get3A_656 = tpu.vector_load %arg11[%get3A_654, %get3A_655] {strides = array<i32>} : memref<128x128xf32, #tpu.memory_space<vmem>>, vector<1x16xf32>,
        %get3A_657 = vector.shape_cast %get3A_656 : vector<1x16xf32> to vector<16xf32>
        %mul3A_658 = vector.broadcast %squeeze3A_616 : f32 to vector<16xf32>
        %mul3A_659 = arith.mulf %get3A_657, %mul3A_658 : vector<16xf32>
        %swap3A_660 = arith.index_cast %add3A_620 : i32 to index
        %swap3A_661 = arith.constant 48 : index
        %swap3A_662 = tpu.vector_load %arg11[%swap3A_660, %swap3A_661] {strides = array<i32>} : memref<128x128xf32, #tpu.memory_space<vmem>>, vector<1x16xf32>,
        %swap3A_663 = vector.shape_cast %swap3A_662 : vector<1x16xf32> to vector<16xf32>
        %swap3A_664 = vector.shape_cast %mul3A_659 : vector<16xf32> to vector<1x16xf32>
        tpu.vector_store %arg11[%swap3A_660, %swap3A_661], %swap3A_664 {strides = array<i32>} : memref<128x128xf32, #tpu.memory_space<vmem>>, vector<1x16xf32>,
        %get3A_665 = arith.index_cast %add3A_620 : i32 to index
        %get3A_666 = arith.constant 64 : index
        %get3A_667 = tpu.vector_load %arg11[%get3A_665, %get3A_666] {strides = array<i32>} : memref<128x128xf32, #tpu.memory_space<vmem>>, vector<1x16xf32>,
        %get3A_668 = vector.shape_cast %get3A_667 : vector<1x16xf32> to vector<16xf32>
        %mul3A_669 = vector.broadcast %squeeze3A_616 : f32 to vector<16xf32>
        %mul3A_670 = arith.mulf %get3A_668, %mul3A_669 : vector<16xf32>
        %swap3A_671 = arith.index_cast %add3A_620 : i32 to index
        %swap3A_672 = arith.constant 64 : index
        %swap3A_673 = tpu.vector_load %arg11[%swap3A_671, %swap3A_672] {strides = array<i32>} : memref<128x128xf32, #tpu.memory_space<vmem>>, vector<1x16xf32>,
        %swap3A_674 = vector.shape_cast %swap3A_673 : vector<1x16xf32> to vector<16xf32>
        %swap3A_675 = vector.shape_cast %mul3A_670 : vector<16xf32> to vector<1x16xf32>
        tpu.vector_store %arg11[%swap3A_671, %swap3A_672], %swap3A_675 {strides = array<i32>} : memref<128x128xf32, #tpu.memory_space<vmem>>, vector<1x16xf32>,
        %get3A_676 = arith.index_cast %add3A_620 : i32 to index
        %get3A_677 = arith.constant 80 : index
        %get3A_678 = tpu.vector_load %arg11[%get3A_676, %get3A_677] {strides = array<i32>} : memref<128x128xf32, #tpu.memory_space<vmem>>, vector<1x16xf32>,
        %get3A_679 = vector.shape_cast %get3A_678 : vector<1x16xf32> to vector<16xf32>
        %mul3A_680 = vector.broadcast %squeeze3A_616 : f32 to vector<16xf32>
        %mul3A_681 = arith.mulf %get3A_679, %mul3A_680 : vector<16xf32>
        %swap3A_682 = arith.index_cast %add3A_620 : i32 to index
        %swap3A_683 = arith.constant 80 : index
        %swap3A_684 = tpu.vector_load %arg11[%swap3A_682, %swap3A_683] {strides = array<i32>} : memref<128x128xf32, #tpu.memory_space<vmem>>, vector<1x16xf32>,
        %swap3A_685 = vector.shape_cast %swap3A_684 : vector<1x16xf32> to vector<16xf32>
        %swap3A_686 = vector.shape_cast %mul3A_681 : vector<16xf32> to vector<1x16xf32>
        tpu.vector_store %arg11[%swap3A_682, %swap3A_683], %swap3A_686 {strides = array<i32>} : memref<128x128xf32, #tpu.memory_space<vmem>>, vector<1x16xf32>,
        %get3A_687 = arith.index_cast %add3A_620 : i32 to index
        %get3A_688 = arith.constant 96 : index
        %get3A_689 = tpu.vector_load %arg11[%get3A_687, %get3A_688] {strides = array<i32>} : memref<128x128xf32, #tpu.memory_space<vmem>>, vector<1x16xf32>,
        %get3A_690 = vector.shape_cast %get3A_689 : vector<1x16xf32> to vector<16xf32>
        %mul3A_691 = vector.broadcast %squeeze3A_616 : f32 to vector<16xf32>
        %mul3A_692 = arith.mulf %get3A_690, %mul3A_691 : vector<16xf32>
        %swap3A_693 = arith.index_cast %add3A_620 : i32 to index
        %swap3A_694 = arith.constant 96 : index
        %swap3A_695 = tpu.vector_load %arg11[%swap3A_693, %swap3A_694] {strides = array<i32>} : memref<128x128xf32, #tpu.memory_space<vmem>>, vector<1x16xf32>,
        %swap3A_696 = vector.shape_cast %swap3A_695 : vector<1x16xf32> to vector<16xf32>
        %swap3A_697 = vector.shape_cast %mul3A_692 : vector<16xf32> to vector<1x16xf32>
        tpu.vector_store %arg11[%swap3A_693, %swap3A_694], %swap3A_697 {strides = array<i32>} : memref<128x128xf32, #tpu.memory_space<vmem>>, vector<1x16xf32>,
        %get3A_698 = arith.index_cast %add3A_620 : i32 to index
        %get3A_699 = arith.constant 112 : index
        %get3A_700 = tpu.vector_load %arg11[%get3A_698, %get3A_699] {strides = array<i32>} : memref<128x128xf32, #tpu.memory_space<vmem>>, vector<1x16xf32>,
        %get3A_701 = vector.shape_cast %get3A_700 : vector<1x16xf32> to vector<16xf32>
        %mul3A_702 = vector.broadcast %squeeze3A_616 : f32 to vector<16xf32>
        %mul3A_703 = arith.mulf %get3A_701, %mul3A_702 : vector<16xf32>
        %swap3A_704 = arith.index_cast %add3A_620 : i32 to index
        %swap3A_705 = arith.constant 112 : index
        %swap3A_706 = tpu.vector_load %arg11[%swap3A_704, %swap3A_705] {strides = array<i32>} : memref<128x128xf32, #tpu.memory_space<vmem>>, vector<1x16xf32>,
        %swap3A_707 = vector.shape_cast %swap3A_706 : vector<1x16xf32> to vector<16xf32>
        %swap3A_708 = vector.shape_cast %mul3A_703 : vector<16xf32> to vector<1x16xf32>
        tpu.vector_store %arg11[%swap3A_704, %swap3A_705], %swap3A_708 {strides = array<i32>} : memref<128x128xf32, #tpu.memory_space<vmem>>, vector<1x16xf32>,
        %slice3A_709 = vector.extract_strided_slice %get3A_522 {offsets = [2], sizes = [1], strides = [1]} : vector<16xf32> to vector<1xf32>
        %squeeze3A_710 = vector.extract %slice3A_709[0] : f32 from vector<1xf32>
        %mul3A_711 = arith.constant 16 : i32
        %mul3A_712 = arith.muli %scan3A_515, %mul3A_711 : i32
        %add3A_713 = arith.constant 2 : i32
        %add3A_714 = arith.addi %mul3A_712, %add3A_713 : i32
        %get3A_715 = arith.index_cast %add3A_714 : i32 to index
        %get3A_716 = arith.constant 0 : index
        %get3A_717 = tpu.vector_load %arg11[%get3A_715, %get3A_716] {strides = array<i32>} : memref<128x128xf32, #tpu.memory_space<vmem>>, vector<1x16xf32>,
        %get3A_718 = vector.shape_cast %get3A_717 : vector<1x16xf32> to vector<16xf32>
        %mul3A_719 = vector.broadcast %squeeze3A_710 : f32 to vector<16xf32>
        %mul3A_720 = arith.mulf %get3A_718, %mul3A_719 : vector<16xf32>
        %swap3A_721 = arith.index_cast %add3A_714 : i32 to index
        %swap3A_722 = arith.constant 0 : index
        %swap3A_723 = tpu.vector_load %arg11[%swap3A_721, %swap3A_722] {strides = array<i32>} : memref<128x128xf32, #tpu.memory_space<vmem>>, vector<1x16xf32>,
        %swap3A_724 = vector.shape_cast %swap3A_723 : vector<1x16xf32> to vector<16xf32>
        %swap3A_725 = vector.shape_cast %mul3A_720 : vector<16xf32> to vector<1x16xf32>
        tpu.vector_store %arg11[%swap3A_721, %swap3A_722], %swap3A_725 {strides = array<i32>} : memref<128x128xf32, #tpu.memory_space<vmem>>, vector<1x16xf32>,
        %get3A_726 = arith.index_cast %add3A_714 : i32 to index
        %get3A_727 = arith.constant 16 : index
        %get3A_728 = tpu.vector_load %arg11[%get3A_726, %get3A_727] {strides = array<i32>} : memref<128x128xf32, #tpu.memory_space<vmem>>, vector<1x16xf32>,
        %get3A_729 = vector.shape_cast %get3A_728 : vector<1x16xf32> to vector<16xf32>
        %mul3A_730 = vector.broadcast %squeeze3A_710 : f32 to vector<16xf32>
        %mul3A_731 = arith.mulf %get3A_729, %mul3A_730 : vector<16xf32>
        %swap3A_732 = arith.index_cast %add3A_714 : i32 to index
        %swap3A_733 = arith.constant 16 : index
        %swap3A_734 = tpu.vector_load %arg11[%swap3A_732, %swap3A_733] {strides = array<i32>} : memref<128x128xf32, #tpu.memory_space<vmem>>, vector<1x16xf32>,
        %swap3A_735 = vector.shape_cast %swap3A_734 : vector<1x16xf32> to vector<16xf32>
        %swap3A_736 = vector.shape_cast %mul3A_731 : vector<16xf32> to vector<1x16xf32>
        tpu.vector_store %arg11[%swap3A_732, %swap3A_733], %swap3A_736 {strides = array<i32>} : memref<128x128xf32, #tpu.memory_space<vmem>>, vector<1x16xf32>,
        %get3A_737 = arith.index_cast %add3A_714 : i32 to index
        %get3A_738 = arith.constant 32 : index
        %get3A_739 = tpu.vector_load %arg11[%get3A_737, %get3A_738] {strides = array<i32>} : memref<128x128xf32, #tpu.memory_space<vmem>>, vector<1x16xf32>,
        %get3A_740 = vector.shape_cast %get3A_739 : vector<1x16xf32> to vector<16xf32>
        %mul3A_741 = vector.broadcast %squeeze3A_710 : f32 to vector<16xf32>
        %mul3A_742 = arith.mulf %get3A_740, %mul3A_741 : vector<16xf32>
        %swap3A_743 = arith.index_cast %add3A_714 : i32 to index
        %swap3A_744 = arith.constant 32 : index
        %swap3A_745 = tpu.vector_load %arg11[%swap3A_743, %swap3A_744] {strides = array<i32>} : memref<128x128xf32, #tpu.memory_space<vmem>>, vector<1x16xf32>,
        %swap3A_746 = vector.shape_cast %swap3A_745 : vector<1x16xf32> to vector<16xf32>
        %swap3A_747 = vector.shape_cast %mul3A_742 : vector<16xf32> to vector<1x16xf32>
        tpu.vector_store %arg11[%swap3A_743, %swap3A_744], %swap3A_747 {strides = array<i32>} : memref<128x128xf32, #tpu.memory_space<vmem>>, vector<1x16xf32>,
        %get3A_748 = arith.index_cast %add3A_714 : i32 to index
        %get3A_749 = arith.constant 48 : index
        %get3A_750 = tpu.vector_load %arg11[%get3A_748, %get3A_749] {strides = array<i32>} : memref<128x128xf32, #tpu.memory_space<vmem>>, vector<1x16xf32>,
        %get3A_751 = vector.shape_cast %get3A_750 : vector<1x16xf32> to vector<16xf32>
        %mul3A_752 = vector.broadcast %squeeze3A_710 : f32 to vector<16xf32>
        %mul3A_753 = arith.mulf %get3A_751, %mul3A_752 : vector<16xf32>
        %swap3A_754 = arith.index_cast %add3A_714 : i32 to index
        %swap3A_755 = arith.constant 48 : index
        %swap3A_756 = tpu.vector_load %arg11[%swap3A_754, %swap3A_755] {strides = array<i32>} : memref<128x128xf32, #tpu.memory_space<vmem>>, vector<1x16xf32>,
        %swap3A_757 = vector.shape_cast %swap3A_756 : vector<1x16xf32> to vector<16xf32>
        %swap3A_758 = vector.shape_cast %mul3A_753 : vector<16xf32> to vector<1x16xf32>
        tpu.vector_store %arg11[%swap3A_754, %swap3A_755], %swap3A_758 {strides = array<i32>} : memref<128x128xf32, #tpu.memory_space<vmem>>, vector<1x16xf32>,
        %get3A_759 = arith.index_cast %add3A_714 : i32 to index
        %get3A_760 = arith.constant 64 : index
        %get3A_761 = tpu.vector_load %arg11[%get3A_759, %get3A_760] {strides = array<i32>} : memref<128x128xf32, #tpu.memory_space<vmem>>, vector<1x16xf32>,
        %get3A_762 = vector.shape_cast %get3A_761 : vector<1x16xf32> to vector<16xf32>
        %mul3A_763 = vector.broadcast %squeeze3A_710 : f32 to vector<16xf32>
        %mul3A_764 = arith.mulf %get3A_762, %mul3A_763 : vector<16xf32>
        %swap3A_765 = arith.index_cast %add3A_714 : i32 to index
        %swap3A_766 = arith.constant 64 : index
        %swap3A_767 = tpu.vector_load %arg11[%swap3A_765, %swap3A_766] {strides = array<i32>} : memref<128x128xf32, #tpu.memory_space<vmem>>, vector<1x16xf32>,
        %swap3A_768 = vector.shape_cast %swap3A_767 : vector<1x16xf32> to vector<16xf32>
        %swap3A_769 = vector.shape_cast %mul3A_764 : vector<16xf32> to vector<1x16xf32>
        tpu.vector_store %arg11[%swap3A_765, %swap3A_766], %swap3A_769 {strides = array<i32>} : memref<128x128xf32, #tpu.memory_space<vmem>>, vector<1x16xf32>,
        %get3A_770 = arith.index_cast %add3A_714 : i32 to index
        %get3A_771 = arith.constant 80 : index
        %get3A_772 = tpu.vector_load %arg11[%get3A_770, %get3A_771] {strides = array<i32>} : memref<128x128xf32, #tpu.memory_space<vmem>>, vector<1x16xf32>,
        %get3A_773 = vector.shape_cast %get3A_772 : vector<1x16xf32> to vector<16xf32>
        %mul3A_774 = vector.broadcast %squeeze3A_710 : f32 to vector<16xf32>
        %mul3A_775 = arith.mulf %get3A_773, %mul3A_774 : vector<16xf32>
        %swap3A_776 = arith.index_cast %add3A_714 : i32 to index
        %swap3A_777 = arith.constant 80 : index
        %swap3A_778 = tpu.vector_load %arg11[%swap3A_776, %swap3A_777] {strides = array<i32>} : memref<128x128xf32, #tpu.memory_space<vmem>>, vector<1x16xf32>,
        %swap3A_779 = vector.shape_cast %swap3A_778 : vector<1x16xf32> to vector<16xf32>
        %swap3A_780 = vector.shape_cast %mul3A_775 : vector<16xf32> to vector<1x16xf32>
        tpu.vector_store %arg11[%swap3A_776, %swap3A_777], %swap3A_780 {strides = array<i32>} : memref<128x128xf32, #tpu.memory_space<vmem>>, vector<1x16xf32>,
        %get3A_781 = arith.index_cast %add3A_714 : i32 to index
        %get3A_782 = arith.constant 96 : index
        %get3A_783 = tpu.vector_load %arg11[%get3A_781, %get3A_782] {strides = array<i32>} : memref<128x128xf32, #tpu.memory_space<vmem>>, vector<1x16xf32>,
        %get3A_784 = vector.shape_cast %get3A_783 : vector<1x16xf32> to vector<16xf32>
        %mul3A_785 = vector.broadcast %squeeze3A_710 : f32 to vector<16xf32>
        %mul3A_786 = arith.mulf %get3A_784, %mul3A_785 : vector<16xf32>
        %swap3A_787 = arith.index_cast %add3A_714 : i32 to index
        %swap3A_788 = arith.constant 96 : index
        %swap3A_789 = tpu.vector_load %arg11[%swap3A_787, %swap3A_788] {strides = array<i32>} : memref<128x128xf32, #tpu.memory_space<vmem>>, vector<1x16xf32>,
        %swap3A_790 = vector.shape_cast %swap3A_789 : vector<1x16xf32> to vector<16xf32>
        %swap3A_791 = vector.shape_cast %mul3A_786 : vector<16xf32> to vector<1x16xf32>
        tpu.vector_store %arg11[%swap3A_787, %swap3A_788], %swap3A_791 {strides = array<i32>} : memref<128x128xf32, #tpu.memory_space<vmem>>, vector<1x16xf32>,
        %get3A_792 = arith.index_cast %add3A_714 : i32 to index
        %get3A_793 = arith.constant 112 : index
        %get3A_794 = tpu.vector_load %arg11[%get3A_792, %get3A_793] {strides = array<i32>} : memref<128x128xf32, #tpu.memory_space<vmem>>, vector<1x16xf32>,
        %get3A_795 = vector.shape_cast %get3A_794 : vector<1x16xf32> to vector<16xf32>
        %mul3A_796 = vector.broadcast %squeeze3A_710 : f32 to vector<16xf32>
        %mul3A_797 = arith.mulf %get3A_795, %mul3A_796 : vector<16xf32>
        %swap3A_798 = arith.index_cast %add3A_714 : i32 to index
        %swap3A_799 = arith.constant 112 : index
        %swap3A_800 = tpu.vector_load %arg11[%swap3A_798, %swap3A_799] {strides = array<i32>} : memref<128x128xf32, #tpu.memory_space<vmem>>, vector<1x16xf32>,
        %swap3A_801 = vector.shape_cast %swap3A_800 : vector<1x16xf32> to vector<16xf32>
        %swap3A_802 = vector.shape_cast %mul3A_797 : vector<16xf32> to vector<1x16xf32>
        tpu.vector_store %arg11[%swap3A_798, %swap3A_799], %swap3A_802 {strides = array<i32>} : memref<128x128xf32, #tpu.memory_space<vmem>>, vector<1x16xf32>,
        %slice3A_803 = vector.extract_strided_slice %get3A_522 {offsets = [3], sizes = [1], strides = [1]} : vector<16xf32> to vector<1xf32>
        %squeeze3A_804 = vector.extract %slice3A_803[0] : f32 from vector<1xf32>
        %mul3A_805 = arith.constant 16 : i32
        %mul3A_806 = arith.muli %scan3A_515, %mul3A_805 : i32
        %add3A_807 = arith.constant 3 : i32
        %add3A_808 = arith.addi %mul3A_806, %add3A_807 : i32
        %get3A_809 = arith.index_cast %add3A_808 : i32 to index
        %get3A_810 = arith.constant 0 : index
        %get3A_811 = tpu.vector_load %arg11[%get3A_809, %get3A_810] {strides = array<i32>} : memref<128x128xf32, #tpu.memory_space<vmem>>, vector<1x16xf32>,
        %get3A_812 = vector.shape_cast %get3A_811 : vector<1x16xf32> to vector<16xf32>
        %mul3A_813 = vector.broadcast %squeeze3A_804 : f32 to vector<16xf32>
        %mul3A_814 = arith.mulf %get3A_812, %mul3A_813 : vector<16xf32>
        %swap3A_815 = arith.index_cast %add3A_808 : i32 to index
        %swap3A_816 = arith.constant 0 : index
        %swap3A_817 = tpu.vector_load %arg11[%swap3A_815, %swap3A_816] {strides = array<i32>} : memref<128x128xf32, #tpu.memory_space<vmem>>, vector<1x16xf32>,
        %swap3A_818 = vector.shape_cast %swap3A_817 : vector<1x16xf32> to vector<16xf32>
        %swap3A_819 = vector.shape_cast %mul3A_814 : vector<16xf32> to vector<1x16xf32>
        tpu.vector_store %arg11[%swap3A_815, %swap3A_816], %swap3A_819 {strides = array<i32>} : memref<128x128xf32, #tpu.memory_space<vmem>>, vector<1x16xf32>,
        %get3A_820 = arith.index_cast %add3A_808 : i32 to index
        %get3A_821 = arith.constant 16 : index
        %get3A_822 = tpu.vector_load %arg11[%get3A_820, %get3A_821] {strides = array<i32>} : memref<128x128xf32, #tpu.memory_space<vmem>>, vector<1x16xf32>,
        %get3A_823 = vector.shape_cast %get3A_822 : vector<1x16xf32> to vector<16xf32>
        %mul3A_824 = vector.broadcast %squeeze3A_804 : f32 to vector<16xf32>
        %mul3A_825 = arith.mulf %get3A_823, %mul3A_824 : vector<16xf32>
        %swap3A_826 = arith.index_cast %add3A_808 : i32 to index
        %swap3A_827 = arith.constant 16 : index
        %swap3A_828 = tpu.vector_load %arg11[%swap3A_826, %swap3A_827] {strides = array<i32>} : memref<128x128xf32, #tpu.memory_space<vmem>>, vector<1x16xf32>,
        %swap3A_829 = vector.shape_cast %swap3A_828 : vector<1x16xf32> to vector<16xf32>
        %swap3A_830 = vector.shape_cast %mul3A_825 : vector<16xf32> to vector<1x16xf32>
        tpu.vector_store %arg11[%swap3A_826, %swap3A_827], %swap3A_830 {strides = array<i32>} : memref<128x128xf32, #tpu.memory_space<vmem>>, vector<1x16xf32>,
        %get3A_831 = arith.index_cast %add3A_808 : i32 to index
        %get3A_832 = arith.constant 32 : index
        %get3A_833 = tpu.vector_load %arg11[%get3A_831, %get3A_832] {strides = array<i32>} : memref<128x128xf32, #tpu.memory_space<vmem>>, vector<1x16xf32>,
        %get3A_834 = vector.shape_cast %get3A_833 : vector<1x16xf32> to vector<16xf32>
        %mul3A_835 = vector.broadcast %squeeze3A_804 : f32 to vector<16xf32>
        %mul3A_836 = arith.mulf %get3A_834, %mul3A_835 : vector<16xf32>
        %swap3A_837 = arith.index_cast %add3A_808 : i32 to index
        %swap3A_838 = arith.constant 32 : index
        %swap3A_839 = tpu.vector_load %arg11[%swap3A_837, %swap3A_838] {strides = array<i32>} : memref<128x128xf32, #tpu.memory_space<vmem>>, vector<1x16xf32>,
        %swap3A_840 = vector.shape_cast %swap3A_839 : vector<1x16xf32> to vector<16xf32>
        %swap3A_841 = vector.shape_cast %mul3A_836 : vector<16xf32> to vector<1x16xf32>
        tpu.vector_store %arg11[%swap3A_837, %swap3A_838], %swap3A_841 {strides = array<i32>} : memref<128x128xf32, #tpu.memory_space<vmem>>, vector<1x16xf32>,
        %get3A_842 = arith.index_cast %add3A_808 : i32 to index
        %get3A_843 = arith.constant 48 : index
        %get3A_844 = tpu.vector_load %arg11[%get3A_842, %get3A_843] {strides = array<i32>} : memref<128x128xf32, #tpu.memory_space<vmem>>, vector<1x16xf32>,
        %get3A_845 = vector.shape_cast %get3A_844 : vector<1x16xf32> to vector<16xf32>
        %mul3A_846 = vector.broadcast %squeeze3A_804 : f32 to vector<16xf32>
        %mul3A_847 = arith.mulf %get3A_845, %mul3A_846 : vector<16xf32>
        %swap3A_848 = arith.index_cast %add3A_808 : i32 to index
        %swap3A_849 = arith.constant 48 : index
        %swap3A_850 = tpu.vector_load %arg11[%swap3A_848, %swap3A_849] {strides = array<i32>} : memref<128x128xf32, #tpu.memory_space<vmem>>, vector<1x16xf32>,
        %swap3A_851 = vector.shape_cast %swap3A_850 : vector<1x16xf32> to vector<16xf32>
        %swap3A_852 = vector.shape_cast %mul3A_847 : vector<16xf32> to vector<1x16xf32>
        tpu.vector_store %arg11[%swap3A_848, %swap3A_849], %swap3A_852 {strides = array<i32>} : memref<128x128xf32, #tpu.memory_space<vmem>>, vector<1x16xf32>,
        %get3A_853 = arith.index_cast %add3A_808 : i32 to index
        %get3A_854 = arith.constant 64 : index
        %get3A_855 = tpu.vector_load %arg11[%get3A_853, %get3A_854] {strides = array<i32>} : memref<128x128xf32, #tpu.memory_space<vmem>>, vector<1x16xf32>,
        %get3A_856 = vector.shape_cast %get3A_855 : vector<1x16xf32> to vector<16xf32>
        %mul3A_857 = vector.broadcast %squeeze3A_804 : f32 to vector<16xf32>
        %mul3A_858 = arith.mulf %get3A_856, %mul3A_857 : vector<16xf32>
        %swap3A_859 = arith.index_cast %add3A_808 : i32 to index
        %swap3A_860 = arith.constant 64 : index
        %swap3A_861 = tpu.vector_load %arg11[%swap3A_859, %swap3A_860] {strides = array<i32>} : memref<128x128xf32, #tpu.memory_space<vmem>>, vector<1x16xf32>,
        %swap3A_862 = vector.shape_cast %swap3A_861 : vector<1x16xf32> to vector<16xf32>
        %swap3A_863 = vector.shape_cast %mul3A_858 : vector<16xf32> to vector<1x16xf32>
        tpu.vector_store %arg11[%swap3A_859, %swap3A_860], %swap3A_863 {strides = array<i32>} : memref<128x128xf32, #tpu.memory_space<vmem>>, vector<1x16xf32>,
        %get3A_864 = arith.index_cast %add3A_808 : i32 to index
        %get3A_865 = arith.constant 80 : index
        %get3A_866 = tpu.vector_load %arg11[%get3A_864, %get3A_865] {strides = array<i32>} : memref<128x128xf32, #tpu.memory_space<vmem>>, vector<1x16xf32>,
        %get3A_867 = vector.shape_cast %get3A_866 : vector<1x16xf32> to vector<16xf32>
        %mul3A_868 = vector.broadcast %squeeze3A_804 : f32 to vector<16xf32>
        %mul3A_869 = arith.mulf %get3A_867, %mul3A_868 : vector<16xf32>
        %swap3A_870 = arith.index_cast %add3A_808 : i32 to index
        %swap3A_871 = arith.constant 80 : index
        %swap3A_872 = tpu.vector_load %arg11[%swap3A_870, %swap3A_871] {strides = array<i32>} : memref<128x128xf32, #tpu.memory_space<vmem>>, vector<1x16xf32>,
        %swap3A_873 = vector.shape_cast %swap3A_872 : vector<1x16xf32> to vector<16xf32>
        %swap3A_874 = vector.shape_cast %mul3A_869 : vector<16xf32> to vector<1x16xf32>
        tpu.vector_store %arg11[%swap3A_870, %swap3A_871], %swap3A_874 {strides = array<i32>} : memref<128x128xf32, #tpu.memory_space<vmem>>, vector<1x16xf32>,
        %get3A_875 = arith.index_cast %add3A_808 : i32 to index
        %get3A_876 = arith.constant 96 : index
        %get3A_877 = tpu.vector_load %arg11[%get3A_875, %get3A_876] {strides = array<i32>} : memref<128x128xf32, #tpu.memory_space<vmem>>, vector<1x16xf32>,
        %get3A_878 = vector.shape_cast %get3A_877 : vector<1x16xf32> to vector<16xf32>
        %mul3A_879 = vector.broadcast %squeeze3A_804 : f32 to vector<16xf32>
        %mul3A_880 = arith.mulf %get3A_878, %mul3A_879 : vector<16xf32>
        %swap3A_881 = arith.index_cast %add3A_808 : i32 to index
        %swap3A_882 = arith.constant 96 : index
        %swap3A_883 = tpu.vector_load %arg11[%swap3A_881, %swap3A_882] {strides = array<i32>} : memref<128x128xf32, #tpu.memory_space<vmem>>, vector<1x16xf32>,
        %swap3A_884 = vector.shape_cast %swap3A_883 : vector<1x16xf32> to vector<16xf32>
        %swap3A_885 = vector.shape_cast %mul3A_880 : vector<16xf32> to vector<1x16xf32>
        tpu.vector_store %arg11[%swap3A_881, %swap3A_882], %swap3A_885 {strides = array<i32>} : memref<128x128xf32, #tpu.memory_space<vmem>>, vector<1x16xf32>,
        %get3A_886 = arith.index_cast %add3A_808 : i32 to index
        %get3A_887 = arith.constant 112 : index
        %get3A_888 = tpu.vector_load %arg11[%get3A_886, %get3A_887] {strides = array<i32>} : memref<128x128xf32, #tpu.memory_space<vmem>>, vector<1x16xf32>,
        %get3A_889 = vector.shape_cast %get3A_888 : vector<1x16xf32> to vector<16xf32>
        %mul3A_890 = vector.broadcast %squeeze3A_804 : f32 to vector<16xf32>
        %mul3A_891 = arith.mulf %get3A_889, %mul3A_890 : vector<16xf32>
        %swap3A_892 = arith.index_cast %add3A_808 : i32 to index
        %swap3A_893 = arith.constant 112 : index
        %swap3A_894 = tpu.vector_load %arg11[%swap3A_892, %swap3A_893] {strides = array<i32>} : memref<128x128xf32, #tpu.memory_space<vmem>>, vector<1x16xf32>,
        %swap3A_895 = vector.shape_cast %swap3A_894 : vector<1x16xf32> to vector<16xf32>
        %swap3A_896 = vector.shape_cast %mul3A_891 : vector<16xf32> to vector<1x16xf32>
        tpu.vector_store %arg11[%swap3A_892, %swap3A_893], %swap3A_896 {strides = array<i32>} : memref<128x128xf32, #tpu.memory_space<vmem>>, vector<1x16xf32>,
        %slice3A_897 = vector.extract_strided_slice %get3A_522 {offsets = [4], sizes = [1], strides = [1]} : vector<16xf32> to vector<1xf32>
        %squeeze3A_898 = vector.extract %slice3A_897[0] : f32 from vector<1xf32>
        %mul3A_899 = arith.constant 16 : i32
        %mul3A_900 = arith.muli %scan3A_515, %mul3A_899 : i32
        %add3A_901 = arith.constant 4 : i32
        %add3A_902 = arith.addi %mul3A_900, %add3A_901 : i32
        %get3A_903 = arith.index_cast %add3A_902 : i32 to index
        %get3A_904 = arith.constant 0 : index
        %get3A_905 = tpu.vector_load %arg11[%get3A_903, %get3A_904] {strides = array<i32>} : memref<128x128xf32, #tpu.memory_space<vmem>>, vector<1x16xf32>,
        %get3A_906 = vector.shape_cast %get3A_905 : vector<1x16xf32> to vector<16xf32>
        %mul3A_907 = vector.broadcast %squeeze3A_898 : f32 to vector<16xf32>
        %mul3A_908 = arith.mulf %get3A_906, %mul3A_907 : vector<16xf32>
        %swap3A_909 = arith.index_cast %add3A_902 : i32 to index
        %swap3A_910 = arith.constant 0 : index
        %swap3A_911 = tpu.vector_load %arg11[%swap3A_909, %swap3A_910] {strides = array<i32>} : memref<128x128xf32, #tpu.memory_space<vmem>>, vector<1x16xf32>,
        %swap3A_912 = vector.shape_cast %swap3A_911 : vector<1x16xf32> to vector<16xf32>
        %swap3A_913 = vector.shape_cast %mul3A_908 : vector<16xf32> to vector<1x16xf32>
        tpu.vector_store %arg11[%swap3A_909, %swap3A_910], %swap3A_913 {strides = array<i32>} : memref<128x128xf32, #tpu.memory_space<vmem>>, vector<1x16xf32>,
        %get3A_914 = arith.index_cast %add3A_902 : i32 to index
        %get3A_915 = arith.constant 16 : index
        %get3A_916 = tpu.vector_load %arg11[%get3A_914, %get3A_915] {strides = array<i32>} : memref<128x128xf32, #tpu.memory_space<vmem>>, vector<1x16xf32>,
        %get3A_917 = vector.shape_cast %get3A_916 : vector<1x16xf32> to vector<16xf32>
        %mul3A_918 = vector.broadcast %squeeze3A_898 : f32 to vector<16xf32>
        %mul3A_919 = arith.mulf %get3A_917, %mul3A_918 : vector<16xf32>
        %swap3A_920 = arith.index_cast %add3A_902 : i32 to index
        %swap3A_921 = arith.constant 16 : index
        %swap3A_922 = tpu.vector_load %arg11[%swap3A_920, %swap3A_921] {strides = array<i32>} : memref<128x128xf32, #tpu.memory_space<vmem>>, vector<1x16xf32>,
        %swap3A_923 = vector.shape_cast %swap3A_922 : vector<1x16xf32> to vector<16xf32>
        %swap3A_924 = vector.shape_cast %mul3A_919 : vector<16xf32> to vector<1x16xf32>
        tpu.vector_store %arg11[%swap3A_920, %swap3A_921], %swap3A_924 {strides = array<i32>} : memref<128x128xf32, #tpu.memory_space<vmem>>, vector<1x16xf32>,
        %get3A_925 = arith.index_cast %add3A_902 : i32 to index
        %get3A_926 = arith.constant 32 : index
        %get3A_927 = tpu.vector_load %arg11[%get3A_925, %get3A_926] {strides = array<i32>} : memref<128x128xf32, #tpu.memory_space<vmem>>, vector<1x16xf32>,
        %get3A_928 = vector.shape_cast %get3A_927 : vector<1x16xf32> to vector<16xf32>
        %mul3A_929 = vector.broadcast %squeeze3A_898 : f32 to vector<16xf32>
        %mul3A_930 = arith.mulf %get3A_928, %mul3A_929 : vector<16xf32>
        %swap3A_931 = arith.index_cast %add3A_902 : i32 to index
        %swap3A_932 = arith.constant 32 : index
        %swap3A_933 = tpu.vector_load %arg11[%swap3A_931, %swap3A_932] {strides = array<i32>} : memref<128x128xf32, #tpu.memory_space<vmem>>, vector<1x16xf32>,
        %swap3A_934 = vector.shape_cast %swap3A_933 : vector<1x16xf32> to vector<16xf32>
        %swap3A_935 = vector.shape_cast %mul3A_930 : vector<16xf32> to vector<1x16xf32>
        tpu.vector_store %arg11[%swap3A_931, %swap3A_932], %swap3A_935 {strides = array<i32>} : memref<128x128xf32, #tpu.memory_space<vmem>>, vector<1x16xf32>,
        %get3A_936 = arith.index_cast %add3A_902 : i32 to index
        %get3A_937 = arith.constant 48 : index
        %get3A_938 = tpu.vector_load %arg11[%get3A_936, %get3A_937] {strides = array<i32>} : memref<128x128xf32, #tpu.memory_space<vmem>>, vector<1x16xf32>,
        %get3A_939 = vector.shape_cast %get3A_938 : vector<1x16xf32> to vector<16xf32>
        %mul3A_940 = vector.broadcast %squeeze3A_898 : f32 to vector<16xf32>
        %mul3A_941 = arith.mulf %get3A_939, %mul3A_940 : vector<16xf32>
        %swap3A_942 = arith.index_cast %add3A_902 : i32 to index
        %swap3A_943 = arith.constant 48 : index
        %swap3A_944 = tpu.vector_load %arg11[%swap3A_942, %swap3A_943] {strides = array<i32>} : memref<128x128xf32, #tpu.memory_space<vmem>>, vector<1x16xf32>,
        %swap3A_945 = vector.shape_cast %swap3A_944 : vector<1x16xf32> to vector<16xf32>
        %swap3A_946 = vector.shape_cast %mul3A_941 : vector<16xf32> to vector<1x16xf32>
        tpu.vector_store %arg11[%swap3A_942, %swap3A_943], %swap3A_946 {strides = array<i32>} : memref<128x128xf32, #tpu.memory_space<vmem>>, vector<1x16xf32>,
        %get3A_947 = arith.index_cast %add3A_902 : i32 to index
        %get3A_948 = arith.constant 64 : index
        %get3A_949 = tpu.vector_load %arg11[%get3A_947, %get3A_948] {strides = array<i32>} : memref<128x128xf32, #tpu.memory_space<vmem>>, vector<1x16xf32>,
        %get3A_950 = vector.shape_cast %get3A_949 : vector<1x16xf32> to vector<16xf32>
        %mul3A_951 = vector.broadcast %squeeze3A_898 : f32 to vector<16xf32>
        %mul3A_952 = arith.mulf %get3A_950, %mul3A_951 : vector<16xf32>
        %swap3A_953 = arith.index_cast %add3A_902 : i32 to index
        %swap3A_954 = arith.constant 64 : index
        %swap3A_955 = tpu.vector_load %arg11[%swap3A_953, %swap3A_954] {strides = array<i32>} : memref<128x128xf32, #tpu.memory_space<vmem>>, vector<1x16xf32>,
        %swap3A_956 = vector.shape_cast %swap3A_955 : vector<1x16xf32> to vector<16xf32>
        %swap3A_957 = vector.shape_cast %mul3A_952 : vector<16xf32> to vector<1x16xf32>
        tpu.vector_store %arg11[%swap3A_953, %swap3A_954], %swap3A_957 {strides = array<i32>} : memref<128x128xf32, #tpu.memory_space<vmem>>, vector<1x16xf32>,
        %get3A_958 = arith.index_cast %add3A_902 : i32 to index
        %get3A_959 = arith.constant 80 : index
        %get3A_960 = tpu.vector_load %arg11[%get3A_958, %get3A_959] {strides = array<i32>} : memref<128x128xf32, #tpu.memory_space<vmem>>, vector<1x16xf32>,
        %get3A_961 = vector.shape_cast %get3A_960 : vector<1x16xf32> to vector<16xf32>
        %mul3A_962 = vector.broadcast %squeeze3A_898 : f32 to vector<16xf32>
        %mul3A_963 = arith.mulf %get3A_961, %mul3A_962 : vector<16xf32>
        %swap3A_964 = arith.index_cast %add3A_902 : i32 to index
        %swap3A_965 = arith.constant 80 : index
        %swap3A_966 = tpu.vector_load %arg11[%swap3A_964, %swap3A_965] {strides = array<i32>} : memref<128x128xf32, #tpu.memory_space<vmem>>, vector<1x16xf32>,
        %swap3A_967 = vector.shape_cast %swap3A_966 : vector<1x16xf32> to vector<16xf32>
        %swap3A_968 = vector.shape_cast %mul3A_963 : vector<16xf32> to vector<1x16xf32>
        tpu.vector_store %arg11[%swap3A_964, %swap3A_965], %swap3A_968 {strides = array<i32>} : memref<128x128xf32, #tpu.memory_space<vmem>>, vector<1x16xf32>,
        %get3A_969 = arith.index_cast %add3A_902 : i32 to index
        %get3A_970 = arith.constant 96 : index
        %get3A_971 = tpu.vector_load %arg11[%get3A_969, %get3A_970] {strides = array<i32>} : memref<128x128xf32, #tpu.memory_space<vmem>>, vector<1x16xf32>,
        %get3A_972 = vector.shape_cast %get3A_971 : vector<1x16xf32> to vector<16xf32>
        %mul3A_973 = vector.broadcast %squeeze3A_898 : f32 to vector<16xf32>
        %mul3A_974 = arith.mulf %get3A_972, %mul3A_973 : vector<16xf32>
        %swap3A_975 = arith.index_cast %add3A_902 : i32 to index
        %swap3A_976 = arith.constant 96 : index
        %swap3A_977 = tpu.vector_load %arg11[%swap3A_975, %swap3A_976] {strides = array<i32>} : memref<128x128xf32, #tpu.memory_space<vmem>>, vector<1x16xf32>,
        %swap3A_978 = vector.shape_cast %swap3A_977 : vector<1x16xf32> to vector<16xf32>
        %swap3A_979 = vector.shape_cast %mul3A_974 : vector<16xf32> to vector<1x16xf32>
        tpu.vector_store %arg11[%swap3A_975, %swap3A_976], %swap3A_979 {strides = array<i32>} : memref<128x128xf32, #tpu.memory_space<vmem>>, vector<1x16xf32>,
        %get3A_980 = arith.index_cast %add3A_902 : i32 to index
        %get3A_981 = arith.constant 112 : index
        %get3A_982 = tpu.vector_load %arg11[%get3A_980, %get3A_981] {strides = array<i32>} : memref<128x128xf32, #tpu.memory_space<vmem>>, vector<1x16xf32>,
        %get3A_983 = vector.shape_cast %get3A_982 : vector<1x16xf32> to vector<16xf32>
        %mul3A_984 = vector.broadcast %squeeze3A_898 : f32 to vector<16xf32>
        %mul3A_985 = arith.mulf %get3A_983, %mul3A_984 : vector<16xf32>
        %swap3A_986 = arith.index_cast %add3A_902 : i32 to index
        %swap3A_987 = arith.constant 112 : index
        %swap3A_988 = tpu.vector_load %arg11[%swap3A_986, %swap3A_987] {strides = array<i32>} : memref<128x128xf32, #tpu.memory_space<vmem>>, vector<1x16xf32>,
        %swap3A_989 = vector.shape_cast %swap3A_988 : vector<1x16xf32> to vector<16xf32>
        %swap3A_990 = vector.shape_cast %mul3A_985 : vector<16xf32> to vector<1x16xf32>
        tpu.vector_store %arg11[%swap3A_986, %swap3A_987], %swap3A_990 {strides = array<i32>} : memref<128x128xf32, #tpu.memory_space<vmem>>, vector<1x16xf32>,
        %slice3A_991 = vector.extract_strided_slice %get3A_522 {offsets = [5], sizes = [1], strides = [1]} : vector<16xf32> to vector<1xf32>
        %squeeze3A_992 = vector.extract %slice3A_991[0] : f32 from vector<1xf32>
        %mul3A_993 = arith.constant 16 : i32
        %mul3A_994 = arith.muli %scan3A_515, %mul3A_993 : i32
        %add3A_995 = arith.constant 5 : i32
        %add3A_996 = arith.addi %mul3A_994, %add3A_995 : i32
        %get3A_997 = arith.index_cast %add3A_996 : i32 to index
        %get3A_998 = arith.constant 0 : index
        %get3A_999 = tpu.vector_load %arg11[%get3A_997, %get3A_998] {strides = array<i32>} : memref<128x128xf32, #tpu.memory_space<vmem>>, vector<1x16xf32>,
        %get3A_1000 = vector.shape_cast %get3A_999 : vector<1x16xf32> to vector<16xf32>
        %mul3A_1001 = vector.broadcast %squeeze3A_992 : f32 to vector<16xf32>
        %mul3A_1002 = arith.mulf %get3A_1000, %mul3A_1001 : vector<16xf32>
        %swap3A_1003 = arith.index_cast %add3A_996 : i32 to index
        %swap3A_1004 = arith.constant 0 : index
        %swap3A_1005 = tpu.vector_load %arg11[%swap3A_1003, %swap3A_1004] {strides = array<i32>} : memref<128x128xf32, #tpu.memory_space<vmem>>, vector<1x16xf32>,
        %swap3A_1006 = vector.shape_cast %swap3A_1005 : vector<1x16xf32> to vector<16xf32>
        %swap3A_1007 = vector.shape_cast %mul3A_1002 : vector<16xf32> to vector<1x16xf32>
        tpu.vector_store %arg11[%swap3A_1003, %swap3A_1004], %swap3A_1007 {strides = array<i32>} : memref<128x128xf32, #tpu.memory_space<vmem>>, vector<1x16xf32>,
        %get3A_1008 = arith.index_cast %add3A_996 : i32 to index
        %get3A_1009 = arith.constant 16 : index
        %get3A_1010 = tpu.vector_load %arg11[%get3A_1008, %get3A_1009] {strides = array<i32>} : memref<128x128xf32, #tpu.memory_space<vmem>>, vector<1x16xf32>,
        %get3A_1011 = vector.shape_cast %get3A_1010 : vector<1x16xf32> to vector<16xf32>
        %mul3A_1012 = vector.broadcast %squeeze3A_992 : f32 to vector<16xf32>
        %mul3A_1013 = arith.mulf %get3A_1011, %mul3A_1012 : vector<16xf32>
        %swap3A_1014 = arith.index_cast %add3A_996 : i32 to index
        %swap3A_1015 = arith.constant 16 : index
        %swap3A_1016 = tpu.vector_load %arg11[%swap3A_1014, %swap3A_1015] {strides = array<i32>} : memref<128x128xf32, #tpu.memory_space<vmem>>, vector<1x16xf32>,
        %swap3A_1017 = vector.shape_cast %swap3A_1016 : vector<1x16xf32> to vector<16xf32>
        %swap3A_1018 = vector.shape_cast %mul3A_1013 : vector<16xf32> to vector<1x16xf32>
        tpu.vector_store %arg11[%swap3A_1014, %swap3A_1015], %swap3A_1018 {strides = array<i32>} : memref<128x128xf32, #tpu.memory_space<vmem>>, vector<1x16xf32>,
        %get3A_1019 = arith.index_cast %add3A_996 : i32 to index
        %get3A_1020 = arith.constant 32 : index
        %get3A_1021 = tpu.vector_load %arg11[%get3A_1019, %get3A_1020] {strides = array<i32>} : memref<128x128xf32, #tpu.memory_space<vmem>>, vector<1x16xf32>,
        %get3A_1022 = vector.shape_cast %get3A_1021 : vector<1x16xf32> to vector<16xf32>
        %mul3A_1023 = vector.broadcast %squeeze3A_992 : f32 to vector<16xf32>
        %mul3A_1024 = arith.mulf %get3A_1022, %mul3A_1023 : vector<16xf32>
        %swap3A_1025 = arith.index_cast %add3A_996 : i32 to index
        %swap3A_1026 = arith.constant 32 : index
        %swap3A_1027 = tpu.vector_load %arg11[%swap3A_1025, %swap3A_1026] {strides = array<i32>} : memref<128x128xf32, #tpu.memory_space<vmem>>, vector<1x16xf32>,
        %swap3A_1028 = vector.shape_cast %swap3A_1027 : vector<1x16xf32> to vector<16xf32>
        %swap3A_1029 = vector.shape_cast %mul3A_1024 : vector<16xf32> to vector<1x16xf32>
        tpu.vector_store %arg11[%swap3A_1025, %swap3A_1026], %swap3A_1029 {strides = array<i32>} : memref<128x128xf32, #tpu.memory_space<vmem>>, vector<1x16xf32>,
        %get3A_1030 = arith.index_cast %add3A_996 : i32 to index
        %get3A_1031 = arith.constant 48 : index
        %get3A_1032 = tpu.vector_load %arg11[%get3A_1030, %get3A_1031] {strides = array<i32>} : memref<128x128xf32, #tpu.memory_space<vmem>>, vector<1x16xf32>,
        %get3A_1033 = vector.shape_cast %get3A_1032 : vector<1x16xf32> to vector<16xf32>
        %mul3A_1034 = vector.broadcast %squeeze3A_992 : f32 to vector<16xf32>
        %mul3A_1035 = arith.mulf %get3A_1033, %mul3A_1034 : vector<16xf32>
        %swap3A_1036 = arith.index_cast %add3A_996 : i32 to index
        %swap3A_1037 = arith.constant 48 : index
        %swap3A_1038 = tpu.vector_load %arg11[%swap3A_1036, %swap3A_1037] {strides = array<i32>} : memref<128x128xf32, #tpu.memory_space<vmem>>, vector<1x16xf32>,
        %swap3A_1039 = vector.shape_cast %swap3A_1038 : vector<1x16xf32> to vector<16xf32>
        %swap3A_1040 = vector.shape_cast %mul3A_1035 : vector<16xf32> to vector<1x16xf32>
        tpu.vector_store %arg11[%swap3A_1036, %swap3A_1037], %swap3A_1040 {strides = array<i32>} : memref<128x128xf32, #tpu.memory_space<vmem>>, vector<1x16xf32>,
        %get3A_1041 = arith.index_cast %add3A_996 : i32 to index
        %get3A_1042 = arith.constant 64 : index
        %get3A_1043 = tpu.vector_load %arg11[%get3A_1041, %get3A_1042] {strides = array<i32>} : memref<128x128xf32, #tpu.memory_space<vmem>>, vector<1x16xf32>,
        %get3A_1044 = vector.shape_cast %get3A_1043 : vector<1x16xf32> to vector<16xf32>
        %mul3A_1045 = vector.broadcast %squeeze3A_992 : f32 to vector<16xf32>
        %mul3A_1046 = arith.mulf %get3A_1044, %mul3A_1045 : vector<16xf32>
        %swap3A_1047 = arith.index_cast %add3A_996 : i32 to index
        %swap3A_1048 = arith.constant 64 : index
        %swap3A_1049 = tpu.vector_load %arg11[%swap3A_1047, %swap3A_1048] {strides = array<i32>} : memref<128x128xf32, #tpu.memory_space<vmem>>, vector<1x16xf32>,
        %swap3A_1050 = vector.shape_cast %swap3A_1049 : vector<1x16xf32> to vector<16xf32>
        %swap3A_1051 = vector.shape_cast %mul3A_1046 : vector<16xf32> to vector<1x16xf32>
        tpu.vector_store %arg11[%swap3A_1047, %swap3A_1048], %swap3A_1051 {strides = array<i32>} : memref<128x128xf32, #tpu.memory_space<vmem>>, vector<1x16xf32>,
        %get3A_1052 = arith.index_cast %add3A_996 : i32 to index
        %get3A_1053 = arith.constant 80 : index
        %get3A_1054 = tpu.vector_load %arg11[%get3A_1052, %get3A_1053] {strides = array<i32>} : memref<128x128xf32, #tpu.memory_space<vmem>>, vector<1x16xf32>,
        %get3A_1055 = vector.shape_cast %get3A_1054 : vector<1x16xf32> to vector<16xf32>
        %mul3A_1056 = vector.broadcast %squeeze3A_992 : f32 to vector<16xf32>
        %mul3A_1057 = arith.mulf %get3A_1055, %mul3A_1056 : vector<16xf32>
        %swap3A_1058 = arith.index_cast %add3A_996 : i32 to index
        %swap3A_1059 = arith.constant 80 : index
        %swap3A_1060 = tpu.vector_load %arg11[%swap3A_1058, %swap3A_1059] {strides = array<i32>} : memref<128x128xf32, #tpu.memory_space<vmem>>, vector<1x16xf32>,
        %swap3A_1061 = vector.shape_cast %swap3A_1060 : vector<1x16xf32> to vector<16xf32>
        %swap3A_1062 = vector.shape_cast %mul3A_1057 : vector<16xf32> to vector<1x16xf32>
        tpu.vector_store %arg11[%swap3A_1058, %swap3A_1059], %swap3A_1062 {strides = array<i32>} : memref<128x128xf32, #tpu.memory_space<vmem>>, vector<1x16xf32>,
        %get3A_1063 = arith.index_cast %add3A_996 : i32 to index
        %get3A_1064 = arith.constant 96 : index
        %get3A_1065 = tpu.vector_load %arg11[%get3A_1063, %get3A_1064] {strides = array<i32>} : memref<128x128xf32, #tpu.memory_space<vmem>>, vector<1x16xf32>,
        %get3A_1066 = vector.shape_cast %get3A_1065 : vector<1x16xf32> to vector<16xf32>
        %mul3A_1067 = vector.broadcast %squeeze3A_992 : f32 to vector<16xf32>
        %mul3A_1068 = arith.mulf %get3A_1066, %mul3A_1067 : vector<16xf32>
        %swap3A_1069 = arith.index_cast %add3A_996 : i32 to index
        %swap3A_1070 = arith.constant 96 : index
        %swap3A_1071 = tpu.vector_load %arg11[%swap3A_1069, %swap3A_1070] {strides = array<i32>} : memref<128x128xf32, #tpu.memory_space<vmem>>, vector<1x16xf32>,
        %swap3A_1072 = vector.shape_cast %swap3A_1071 : vector<1x16xf32> to vector<16xf32>
        %swap3A_1073 = vector.shape_cast %mul3A_1068 : vector<16xf32> to vector<1x16xf32>
        tpu.vector_store %arg11[%swap3A_1069, %swap3A_1070], %swap3A_1073 {strides = array<i32>} : memref<128x128xf32, #tpu.memory_space<vmem>>, vector<1x16xf32>,
        %get3A_1074 = arith.index_cast %add3A_996 : i32 to index
        %get3A_1075 = arith.constant 112 : index
        %get3A_1076 = tpu.vector_load %arg11[%get3A_1074, %get3A_1075] {strides = array<i32>} : memref<128x128xf32, #tpu.memory_space<vmem>>, vector<1x16xf32>,
        %get3A_1077 = vector.shape_cast %get3A_1076 : vector<1x16xf32> to vector<16xf32>
        %mul3A_1078 = vector.broadcast %squeeze3A_992 : f32 to vector<16xf32>
        %mul3A_1079 = arith.mulf %get3A_1077, %mul3A_1078 : vector<16xf32>
        %swap3A_1080 = arith.index_cast %add3A_996 : i32 to index
        %swap3A_1081 = arith.constant 112 : index
        %swap3A_1082 = tpu.vector_load %arg11[%swap3A_1080, %swap3A_1081] {strides = array<i32>} : memref<128x128xf32, #tpu.memory_space<vmem>>, vector<1x16xf32>,
        %swap3A_1083 = vector.shape_cast %swap3A_1082 : vector<1x16xf32> to vector<16xf32>
        %swap3A_1084 = vector.shape_cast %mul3A_1079 : vector<16xf32> to vector<1x16xf32>
        tpu.vector_store %arg11[%swap3A_1080, %swap3A_1081], %swap3A_1084 {strides = array<i32>} : memref<128x128xf32, #tpu.memory_space<vmem>>, vector<1x16xf32>,
        %slice3A_1085 = vector.extract_strided_slice %get3A_522 {offsets = [6], sizes = [1], strides = [1]} : vector<16xf32> to vector<1xf32>
        %squeeze3A_1086 = vector.extract %slice3A_1085[0] : f32 from vector<1xf32>
        %mul3A_1087 = arith.constant 16 : i32
        %mul3A_1088 = arith.muli %scan3A_515, %mul3A_1087 : i32
        %add3A_1089 = arith.constant 6 : i32
        %add3A_1090 = arith.addi %mul3A_1088, %add3A_1089 : i32
        %get3A_1091 = arith.index_cast %add3A_1090 : i32 to index
        %get3A_1092 = arith.constant 0 : index
        %get3A_1093 = tpu.vector_load %arg11[%get3A_1091, %get3A_1092] {strides = array<i32>} : memref<128x128xf32, #tpu.memory_space<vmem>>, vector<1x16xf32>,
        %get3A_1094 = vector.shape_cast %get3A_1093 : vector<1x16xf32> to vector<16xf32>
        %mul3A_1095 = vector.broadcast %squeeze3A_1086 : f32 to vector<16xf32>
        %mul3A_1096 = arith.mulf %get3A_1094, %mul3A_1095 : vector<16xf32>
        %swap3A_1097 = arith.index_cast %add3A_1090 : i32 to index
        %swap3A_1098 = arith.constant 0 : index
        %swap3A_1099 = tpu.vector_load %arg11[%swap3A_1097, %swap3A_1098] {strides = array<i32>} : memref<128x128xf32, #tpu.memory_space<vmem>>, vector<1x16xf32>,
        %swap3A_1100 = vector.shape_cast %swap3A_1099 : vector<1x16xf32> to vector<16xf32>
        %swap3A_1101 = vector.shape_cast %mul3A_1096 : vector<16xf32> to vector<1x16xf32>
        tpu.vector_store %arg11[%swap3A_1097, %swap3A_1098], %swap3A_1101 {strides = array<i32>} : memref<128x128xf32, #tpu.memory_space<vmem>>, vector<1x16xf32>,
        %get3A_1102 = arith.index_cast %add3A_1090 : i32 to index
        %get3A_1103 = arith.constant 16 : index
        %get3A_1104 = tpu.vector_load %arg11[%get3A_1102, %get3A_1103] {strides = array<i32>} : memref<128x128xf32, #tpu.memory_space<vmem>>, vector<1x16xf32>,
        %get3A_1105 = vector.shape_cast %get3A_1104 : vector<1x16xf32> to vector<16xf32>
        %mul3A_1106 = vector.broadcast %squeeze3A_1086 : f32 to vector<16xf32>
        %mul3A_1107 = arith.mulf %get3A_1105, %mul3A_1106 : vector<16xf32>
        %swap3A_1108 = arith.index_cast %add3A_1090 : i32 to index
        %swap3A_1109 = arith.constant 16 : index
        %swap3A_1110 = tpu.vector_load %arg11[%swap3A_1108, %swap3A_1109] {strides = array<i32>} : memref<128x128xf32, #tpu.memory_space<vmem>>, vector<1x16xf32>,
        %swap3A_1111 = vector.shape_cast %swap3A_1110 : vector<1x16xf32> to vector<16xf32>
        %swap3A_1112 = vector.shape_cast %mul3A_1107 : vector<16xf32> to vector<1x16xf32>
        tpu.vector_store %arg11[%swap3A_1108, %swap3A_1109], %swap3A_1112 {strides = array<i32>} : memref<128x128xf32, #tpu.memory_space<vmem>>, vector<1x16xf32>,
        %get3A_1113 = arith.index_cast %add3A_1090 : i32 to index
        %get3A_1114 = arith.constant 32 : index
        %get3A_1115 = tpu.vector_load %arg11[%get3A_1113, %get3A_1114] {strides = array<i32>} : memref<128x128xf32, #tpu.memory_space<vmem>>, vector<1x16xf32>,
        %get3A_1116 = vector.shape_cast %get3A_1115 : vector<1x16xf32> to vector<16xf32>
        %mul3A_1117 = vector.broadcast %squeeze3A_1086 : f32 to vector<16xf32>
        %mul3A_1118 = arith.mulf %get3A_1116, %mul3A_1117 : vector<16xf32>
        %swap3A_1119 = arith.index_cast %add3A_1090 : i32 to index
        %swap3A_1120 = arith.constant 32 : index
        %swap3A_1121 = tpu.vector_load %arg11[%swap3A_1119, %swap3A_1120] {strides = array<i32>} : memref<128x128xf32, #tpu.memory_space<vmem>>, vector<1x16xf32>,
        %swap3A_1122 = vector.shape_cast %swap3A_1121 : vector<1x16xf32> to vector<16xf32>
        %swap3A_1123 = vector.shape_cast %mul3A_1118 : vector<16xf32> to vector<1x16xf32>
        tpu.vector_store %arg11[%swap3A_1119, %swap3A_1120], %swap3A_1123 {strides = array<i32>} : memref<128x128xf32, #tpu.memory_space<vmem>>, vector<1x16xf32>,
        %get3A_1124 = arith.index_cast %add3A_1090 : i32 to index
        %get3A_1125 = arith.constant 48 : index
        %get3A_1126 = tpu.vector_load %arg11[%get3A_1124, %get3A_1125] {strides = array<i32>} : memref<128x128xf32, #tpu.memory_space<vmem>>, vector<1x16xf32>,
        %get3A_1127 = vector.shape_cast %get3A_1126 : vector<1x16xf32> to vector<16xf32>
        %mul3A_1128 = vector.broadcast %squeeze3A_1086 : f32 to vector<16xf32>
        %mul3A_1129 = arith.mulf %get3A_1127, %mul3A_1128 : vector<16xf32>
        %swap3A_1130 = arith.index_cast %add3A_1090 : i32 to index
        %swap3A_1131 = arith.constant 48 : index
        %swap3A_1132 = tpu.vector_load %arg11[%swap3A_1130, %swap3A_1131] {strides = array<i32>} : memref<128x128xf32, #tpu.memory_space<vmem>>, vector<1x16xf32>,
        %swap3A_1133 = vector.shape_cast %swap3A_1132 : vector<1x16xf32> to vector<16xf32>
        %swap3A_1134 = vector.shape_cast %mul3A_1129 : vector<16xf32> to vector<1x16xf32>
        tpu.vector_store %arg11[%swap3A_1130, %swap3A_1131], %swap3A_1134 {strides = array<i32>} : memref<128x128xf32, #tpu.memory_space<vmem>>, vector<1x16xf32>,
        %get3A_1135 = arith.index_cast %add3A_1090 : i32 to index
        %get3A_1136 = arith.constant 64 : index
        %get3A_1137 = tpu.vector_load %arg11[%get3A_1135, %get3A_1136] {strides = array<i32>} : memref<128x128xf32, #tpu.memory_space<vmem>>, vector<1x16xf32>,
        %get3A_1138 = vector.shape_cast %get3A_1137 : vector<1x16xf32> to vector<16xf32>
        %mul3A_1139 = vector.broadcast %squeeze3A_1086 : f32 to vector<16xf32>
        %mul3A_1140 = arith.mulf %get3A_1138, %mul3A_1139 : vector<16xf32>
        %swap3A_1141 = arith.index_cast %add3A_1090 : i32 to index
        %swap3A_1142 = arith.constant 64 : index
        %swap3A_1143 = tpu.vector_load %arg11[%swap3A_1141, %swap3A_1142] {strides = array<i32>} : memref<128x128xf32, #tpu.memory_space<vmem>>, vector<1x16xf32>,
        %swap3A_1144 = vector.shape_cast %swap3A_1143 : vector<1x16xf32> to vector<16xf32>
        %swap3A_1145 = vector.shape_cast %mul3A_1140 : vector<16xf32> to vector<1x16xf32>
        tpu.vector_store %arg11[%swap3A_1141, %swap3A_1142], %swap3A_1145 {strides = array<i32>} : memref<128x128xf32, #tpu.memory_space<vmem>>, vector<1x16xf32>,
        %get3A_1146 = arith.index_cast %add3A_1090 : i32 to index
        %get3A_1147 = arith.constant 80 : index
        %get3A_1148 = tpu.vector_load %arg11[%get3A_1146, %get3A_1147] {strides = array<i32>} : memref<128x128xf32, #tpu.memory_space<vmem>>, vector<1x16xf32>,
        %get3A_1149 = vector.shape_cast %get3A_1148 : vector<1x16xf32> to vector<16xf32>
        %mul3A_1150 = vector.broadcast %squeeze3A_1086 : f32 to vector<16xf32>
        %mul3A_1151 = arith.mulf %get3A_1149, %mul3A_1150 : vector<16xf32>
        %swap3A_1152 = arith.index_cast %add3A_1090 : i32 to index
        %swap3A_1153 = arith.constant 80 : index
        %swap3A_1154 = tpu.vector_load %arg11[%swap3A_1152, %swap3A_1153] {strides = array<i32>} : memref<128x128xf32, #tpu.memory_space<vmem>>, vector<1x16xf32>,
        %swap3A_1155 = vector.shape_cast %swap3A_1154 : vector<1x16xf32> to vector<16xf32>
        %swap3A_1156 = vector.shape_cast %mul3A_1151 : vector<16xf32> to vector<1x16xf32>
        tpu.vector_store %arg11[%swap3A_1152, %swap3A_1153], %swap3A_1156 {strides = array<i32>} : memref<128x128xf32, #tpu.memory_space<vmem>>, vector<1x16xf32>,
        %get3A_1157 = arith.index_cast %add3A_1090 : i32 to index
        %get3A_1158 = arith.constant 96 : index
        %get3A_1159 = tpu.vector_load %arg11[%get3A_1157, %get3A_1158] {strides = array<i32>} : memref<128x128xf32, #tpu.memory_space<vmem>>, vector<1x16xf32>,
        %get3A_1160 = vector.shape_cast %get3A_1159 : vector<1x16xf32> to vector<16xf32>
        %mul3A_1161 = vector.broadcast %squeeze3A_1086 : f32 to vector<16xf32>
        %mul3A_1162 = arith.mulf %get3A_1160, %mul3A_1161 : vector<16xf32>
        %swap3A_1163 = arith.index_cast %add3A_1090 : i32 to index
        %swap3A_1164 = arith.constant 96 : index
        %swap3A_1165 = tpu.vector_load %arg11[%swap3A_1163, %swap3A_1164] {strides = array<i32>} : memref<128x128xf32, #tpu.memory_space<vmem>>, vector<1x16xf32>,
        %swap3A_1166 = vector.shape_cast %swap3A_1165 : vector<1x16xf32> to vector<16xf32>
        %swap3A_1167 = vector.shape_cast %mul3A_1162 : vector<16xf32> to vector<1x16xf32>
        tpu.vector_store %arg11[%swap3A_1163, %swap3A_1164], %swap3A_1167 {strides = array<i32>} : memref<128x128xf32, #tpu.memory_space<vmem>>, vector<1x16xf32>,
        %get3A_1168 = arith.index_cast %add3A_1090 : i32 to index
        %get3A_1169 = arith.constant 112 : index
        %get3A_1170 = tpu.vector_load %arg11[%get3A_1168, %get3A_1169] {strides = array<i32>} : memref<128x128xf32, #tpu.memory_space<vmem>>, vector<1x16xf32>,
        %get3A_1171 = vector.shape_cast %get3A_1170 : vector<1x16xf32> to vector<16xf32>
        %mul3A_1172 = vector.broadcast %squeeze3A_1086 : f32 to vector<16xf32>
        %mul3A_1173 = arith.mulf %get3A_1171, %mul3A_1172 : vector<16xf32>
        %swap3A_1174 = arith.index_cast %add3A_1090 : i32 to index
        %swap3A_1175 = arith.constant 112 : index
        %swap3A_1176 = tpu.vector_load %arg11[%swap3A_1174, %swap3A_1175] {strides = array<i32>} : memref<128x128xf32, #tpu.memory_space<vmem>>, vector<1x16xf32>,
        %swap3A_1177 = vector.shape_cast %swap3A_1176 : vector<1x16xf32> to vector<16xf32>
        %swap3A_1178 = vector.shape_cast %mul3A_1173 : vector<16xf32> to vector<1x16xf32>
        tpu.vector_store %arg11[%swap3A_1174, %swap3A_1175], %swap3A_1178 {strides = array<i32>} : memref<128x128xf32, #tpu.memory_space<vmem>>, vector<1x16xf32>,
        %slice3A_1179 = vector.extract_strided_slice %get3A_522 {offsets = [7], sizes = [1], strides = [1]} : vector<16xf32> to vector<1xf32>
        %squeeze3A_1180 = vector.extract %slice3A_1179[0] : f32 from vector<1xf32>
        %mul3A_1181 = arith.constant 16 : i32
        %mul3A_1182 = arith.muli %scan3A_515, %mul3A_1181 : i32
        %add3A_1183 = arith.constant 7 : i32
        %add3A_1184 = arith.addi %mul3A_1182, %add3A_1183 : i32
        %get3A_1185 = arith.index_cast %add3A_1184 : i32 to index
        %get3A_1186 = arith.constant 0 : index
        %get3A_1187 = tpu.vector_load %arg11[%get3A_1185, %get3A_1186] {strides = array<i32>} : memref<128x128xf32, #tpu.memory_space<vmem>>, vector<1x16xf32>,
        %get3A_1188 = vector.shape_cast %get3A_1187 : vector<1x16xf32> to vector<16xf32>
        %mul3A_1189 = vector.broadcast %squeeze3A_1180 : f32 to vector<16xf32>
        %mul3A_1190 = arith.mulf %get3A_1188, %mul3A_1189 : vector<16xf32>
        %swap3A_1191 = arith.index_cast %add3A_1184 : i32 to index
        %swap3A_1192 = arith.constant 0 : index
        %swap3A_1193 = tpu.vector_load %arg11[%swap3A_1191, %swap3A_1192] {strides = array<i32>} : memref<128x128xf32, #tpu.memory_space<vmem>>, vector<1x16xf32>,
        %swap3A_1194 = vector.shape_cast %swap3A_1193 : vector<1x16xf32> to vector<16xf32>
        %swap3A_1195 = vector.shape_cast %mul3A_1190 : vector<16xf32> to vector<1x16xf32>
        tpu.vector_store %arg11[%swap3A_1191, %swap3A_1192], %swap3A_1195 {strides = array<i32>} : memref<128x128xf32, #tpu.memory_space<vmem>>, vector<1x16xf32>,
        %get3A_1196 = arith.index_cast %add3A_1184 : i32 to index
        %get3A_1197 = arith.constant 16 : index
        %get3A_1198 = tpu.vector_load %arg11[%get3A_1196, %get3A_1197] {strides = array<i32>} : memref<128x128xf32, #tpu.memory_space<vmem>>, vector<1x16xf32>,
        %get3A_1199 = vector.shape_cast %get3A_1198 : vector<1x16xf32> to vector<16xf32>
        %mul3A_1200 = vector.broadcast %squeeze3A_1180 : f32 to vector<16xf32>
        %mul3A_1201 = arith.mulf %get3A_1199, %mul3A_1200 : vector<16xf32>
        %swap3A_1202 = arith.index_cast %add3A_1184 : i32 to index
        %swap3A_1203 = arith.constant 16 : index
        %swap3A_1204 = tpu.vector_load %arg11[%swap3A_1202, %swap3A_1203] {strides = array<i32>} : memref<128x128xf32, #tpu.memory_space<vmem>>, vector<1x16xf32>,
        %swap3A_1205 = vector.shape_cast %swap3A_1204 : vector<1x16xf32> to vector<16xf32>
        %swap3A_1206 = vector.shape_cast %mul3A_1201 : vector<16xf32> to vector<1x16xf32>
        tpu.vector_store %arg11[%swap3A_1202, %swap3A_1203], %swap3A_1206 {strides = array<i32>} : memref<128x128xf32, #tpu.memory_space<vmem>>, vector<1x16xf32>,
        %get3A_1207 = arith.index_cast %add3A_1184 : i32 to index
        %get3A_1208 = arith.constant 32 : index
        %get3A_1209 = tpu.vector_load %arg11[%get3A_1207, %get3A_1208] {strides = array<i32>} : memref<128x128xf32, #tpu.memory_space<vmem>>, vector<1x16xf32>,
        %get3A_1210 = vector.shape_cast %get3A_1209 : vector<1x16xf32> to vector<16xf32>
        %mul3A_1211 = vector.broadcast %squeeze3A_1180 : f32 to vector<16xf32>
        %mul3A_1212 = arith.mulf %get3A_1210, %mul3A_1211 : vector<16xf32>
        %swap3A_1213 = arith.index_cast %add3A_1184 : i32 to index
        %swap3A_1214 = arith.constant 32 : index
        %swap3A_1215 = tpu.vector_load %arg11[%swap3A_1213, %swap3A_1214] {strides = array<i32>} : memref<128x128xf32, #tpu.memory_space<vmem>>, vector<1x16xf32>,
        %swap3A_1216 = vector.shape_cast %swap3A_1215 : vector<1x16xf32> to vector<16xf32>
        %swap3A_1217 = vector.shape_cast %mul3A_1212 : vector<16xf32> to vector<1x16xf32>
        tpu.vector_store %arg11[%swap3A_1213, %swap3A_1214], %swap3A_1217 {strides = array<i32>} : memref<128x128xf32, #tpu.memory_space<vmem>>, vector<1x16xf32>,
        %get3A_1218 = arith.index_cast %add3A_1184 : i32 to index
        %get3A_1219 = arith.constant 48 : index
        %get3A_1220 = tpu.vector_load %arg11[%get3A_1218, %get3A_1219] {strides = array<i32>} : memref<128x128xf32, #tpu.memory_space<vmem>>, vector<1x16xf32>,
        %get3A_1221 = vector.shape_cast %get3A_1220 : vector<1x16xf32> to vector<16xf32>
        %mul3A_1222 = vector.broadcast %squeeze3A_1180 : f32 to vector<16xf32>
        %mul3A_1223 = arith.mulf %get3A_1221, %mul3A_1222 : vector<16xf32>
        %swap3A_1224 = arith.index_cast %add3A_1184 : i32 to index
        %swap3A_1225 = arith.constant 48 : index
        %swap3A_1226 = tpu.vector_load %arg11[%swap3A_1224, %swap3A_1225] {strides = array<i32>} : memref<128x128xf32, #tpu.memory_space<vmem>>, vector<1x16xf32>,
        %swap3A_1227 = vector.shape_cast %swap3A_1226 : vector<1x16xf32> to vector<16xf32>
        %swap3A_1228 = vector.shape_cast %mul3A_1223 : vector<16xf32> to vector<1x16xf32>
        tpu.vector_store %arg11[%swap3A_1224, %swap3A_1225], %swap3A_1228 {strides = array<i32>} : memref<128x128xf32, #tpu.memory_space<vmem>>, vector<1x16xf32>,
        %get3A_1229 = arith.index_cast %add3A_1184 : i32 to index
        %get3A_1230 = arith.constant 64 : index
        %get3A_1231 = tpu.vector_load %arg11[%get3A_1229, %get3A_1230] {strides = array<i32>} : memref<128x128xf32, #tpu.memory_space<vmem>>, vector<1x16xf32>,
        %get3A_1232 = vector.shape_cast %get3A_1231 : vector<1x16xf32> to vector<16xf32>
        %mul3A_1233 = vector.broadcast %squeeze3A_1180 : f32 to vector<16xf32>
        %mul3A_1234 = arith.mulf %get3A_1232, %mul3A_1233 : vector<16xf32>
        %swap3A_1235 = arith.index_cast %add3A_1184 : i32 to index
        %swap3A_1236 = arith.constant 64 : index
        %swap3A_1237 = tpu.vector_load %arg11[%swap3A_1235, %swap3A_1236] {strides = array<i32>} : memref<128x128xf32, #tpu.memory_space<vmem>>, vector<1x16xf32>,
        %swap3A_1238 = vector.shape_cast %swap3A_1237 : vector<1x16xf32> to vector<16xf32>
        %swap3A_1239 = vector.shape_cast %mul3A_1234 : vector<16xf32> to vector<1x16xf32>
        tpu.vector_store %arg11[%swap3A_1235, %swap3A_1236], %swap3A_1239 {strides = array<i32>} : memref<128x128xf32, #tpu.memory_space<vmem>>, vector<1x16xf32>,
        %get3A_1240 = arith.index_cast %add3A_1184 : i32 to index
        %get3A_1241 = arith.constant 80 : index
        %get3A_1242 = tpu.vector_load %arg11[%get3A_1240, %get3A_1241] {strides = array<i32>} : memref<128x128xf32, #tpu.memory_space<vmem>>, vector<1x16xf32>,
        %get3A_1243 = vector.shape_cast %get3A_1242 : vector<1x16xf32> to vector<16xf32>
        %mul3A_1244 = vector.broadcast %squeeze3A_1180 : f32 to vector<16xf32>
        %mul3A_1245 = arith.mulf %get3A_1243, %mul3A_1244 : vector<16xf32>
        %swap3A_1246 = arith.index_cast %add3A_1184 : i32 to index
        %swap3A_1247 = arith.constant 80 : index
        %swap3A_1248 = tpu.vector_load %arg11[%swap3A_1246, %swap3A_1247] {strides = array<i32>} : memref<128x128xf32, #tpu.memory_space<vmem>>, vector<1x16xf32>,
        %swap3A_1249 = vector.shape_cast %swap3A_1248 : vector<1x16xf32> to vector<16xf32>
        %swap3A_1250 = vector.shape_cast %mul3A_1245 : vector<16xf32> to vector<1x16xf32>
        tpu.vector_store %arg11[%swap3A_1246, %swap3A_1247], %swap3A_1250 {strides = array<i32>} : memref<128x128xf32, #tpu.memory_space<vmem>>, vector<1x16xf32>,
        %get3A_1251 = arith.index_cast %add3A_1184 : i32 to index
        %get3A_1252 = arith.constant 96 : index
        %get3A_1253 = tpu.vector_load %arg11[%get3A_1251, %get3A_1252] {strides = array<i32>} : memref<128x128xf32, #tpu.memory_space<vmem>>, vector<1x16xf32>,
        %get3A_1254 = vector.shape_cast %get3A_1253 : vector<1x16xf32> to vector<16xf32>
        %mul3A_1255 = vector.broadcast %squeeze3A_1180 : f32 to vector<16xf32>
        %mul3A_1256 = arith.mulf %get3A_1254, %mul3A_1255 : vector<16xf32>
        %swap3A_1257 = arith.index_cast %add3A_1184 : i32 to index
        %swap3A_1258 = arith.constant 96 : index
        %swap3A_1259 = tpu.vector_load %arg11[%swap3A_1257, %swap3A_1258] {strides = array<i32>} : memref<128x128xf32, #tpu.memory_space<vmem>>, vector<1x16xf32>,
        %swap3A_1260 = vector.shape_cast %swap3A_1259 : vector<1x16xf32> to vector<16xf32>
        %swap3A_1261 = vector.shape_cast %mul3A_1256 : vector<16xf32> to vector<1x16xf32>
        tpu.vector_store %arg11[%swap3A_1257, %swap3A_1258], %swap3A_1261 {strides = array<i32>} : memref<128x128xf32, #tpu.memory_space<vmem>>, vector<1x16xf32>,
        %get3A_1262 = arith.index_cast %add3A_1184 : i32 to index
        %get3A_1263 = arith.constant 112 : index
        %get3A_1264 = tpu.vector_load %arg11[%get3A_1262, %get3A_1263] {strides = array<i32>} : memref<128x128xf32, #tpu.memory_space<vmem>>, vector<1x16xf32>,
        %get3A_1265 = vector.shape_cast %get3A_1264 : vector<1x16xf32> to vector<16xf32>
        %mul3A_1266 = vector.broadcast %squeeze3A_1180 : f32 to vector<16xf32>
        %mul3A_1267 = arith.mulf %get3A_1265, %mul3A_1266 : vector<16xf32>
        %swap3A_1268 = arith.index_cast %add3A_1184 : i32 to index
        %swap3A_1269 = arith.constant 112 : index
        %swap3A_1270 = tpu.vector_load %arg11[%swap3A_1268, %swap3A_1269] {strides = array<i32>} : memref<128x128xf32, #tpu.memory_space<vmem>>, vector<1x16xf32>,
        %swap3A_1271 = vector.shape_cast %swap3A_1270 : vector<1x16xf32> to vector<16xf32>
        %swap3A_1272 = vector.shape_cast %mul3A_1267 : vector<16xf32> to vector<1x16xf32>
        tpu.vector_store %arg11[%swap3A_1268, %swap3A_1269], %swap3A_1272 {strides = array<i32>} : memref<128x128xf32, #tpu.memory_space<vmem>>, vector<1x16xf32>,
        %slice3A_1273 = vector.extract_strided_slice %get3A_522 {offsets = [8], sizes = [1], strides = [1]} : vector<16xf32> to vector<1xf32>
        %squeeze3A_1274 = vector.extract %slice3A_1273[0] : f32 from vector<1xf32>
        %mul3A_1275 = arith.constant 16 : i32
        %mul3A_1276 = arith.muli %scan3A_515, %mul3A_1275 : i32
        %add3A_1277 = arith.constant 8 : i32
        %add3A_1278 = arith.addi %mul3A_1276, %add3A_1277 : i32
        %get3A_1279 = arith.index_cast %add3A_1278 : i32 to index
        %get3A_1280 = arith.constant 0 : index
        %get3A_1281 = tpu.vector_load %arg11[%get3A_1279, %get3A_1280] {strides = array<i32>} : memref<128x128xf32, #tpu.memory_space<vmem>>, vector<1x16xf32>,
        %get3A_1282 = vector.shape_cast %get3A_1281 : vector<1x16xf32> to vector<16xf32>
        %mul3A_1283 = vector.broadcast %squeeze3A_1274 : f32 to vector<16xf32>
        %mul3A_1284 = arith.mulf %get3A_1282, %mul3A_1283 : vector<16xf32>
        %swap3A_1285 = arith.index_cast %add3A_1278 : i32 to index
        %swap3A_1286 = arith.constant 0 : index
        %swap3A_1287 = tpu.vector_load %arg11[%swap3A_1285, %swap3A_1286] {strides = array<i32>} : memref<128x128xf32, #tpu.memory_space<vmem>>, vector<1x16xf32>,
        %swap3A_1288 = vector.shape_cast %swap3A_1287 : vector<1x16xf32> to vector<16xf32>
        %swap3A_1289 = vector.shape_cast %mul3A_1284 : vector<16xf32> to vector<1x16xf32>
        tpu.vector_store %arg11[%swap3A_1285, %swap3A_1286], %swap3A_1289 {strides = array<i32>} : memref<128x128xf32, #tpu.memory_space<vmem>>, vector<1x16xf32>,
        %get3A_1290 = arith.index_cast %add3A_1278 : i32 to index
        %get3A_1291 = arith.constant 16 : index
        %get3A_1292 = tpu.vector_load %arg11[%get3A_1290, %get3A_1291] {strides = array<i32>} : memref<128x128xf32, #tpu.memory_space<vmem>>, vector<1x16xf32>,
        %get3A_1293 = vector.shape_cast %get3A_1292 : vector<1x16xf32> to vector<16xf32>
        %mul3A_1294 = vector.broadcast %squeeze3A_1274 : f32 to vector<16xf32>
        %mul3A_1295 = arith.mulf %get3A_1293, %mul3A_1294 : vector<16xf32>
        %swap3A_1296 = arith.index_cast %add3A_1278 : i32 to index
        %swap3A_1297 = arith.constant 16 : index
        %swap3A_1298 = tpu.vector_load %arg11[%swap3A_1296, %swap3A_1297] {strides = array<i32>} : memref<128x128xf32, #tpu.memory_space<vmem>>, vector<1x16xf32>,
        %swap3A_1299 = vector.shape_cast %swap3A_1298 : vector<1x16xf32> to vector<16xf32>
        %swap3A_1300 = vector.shape_cast %mul3A_1295 : vector<16xf32> to vector<1x16xf32>
        tpu.vector_store %arg11[%swap3A_1296, %swap3A_1297], %swap3A_1300 {strides = array<i32>} : memref<128x128xf32, #tpu.memory_space<vmem>>, vector<1x16xf32>,
        %get3A_1301 = arith.index_cast %add3A_1278 : i32 to index
        %get3A_1302 = arith.constant 32 : index
        %get3A_1303 = tpu.vector_load %arg11[%get3A_1301, %get3A_1302] {strides = array<i32>} : memref<128x128xf32, #tpu.memory_space<vmem>>, vector<1x16xf32>,
        %get3A_1304 = vector.shape_cast %get3A_1303 : vector<1x16xf32> to vector<16xf32>
        %mul3A_1305 = vector.broadcast %squeeze3A_1274 : f32 to vector<16xf32>
        %mul3A_1306 = arith.mulf %get3A_1304, %mul3A_1305 : vector<16xf32>
        %swap3A_1307 = arith.index_cast %add3A_1278 : i32 to index
        %swap3A_1308 = arith.constant 32 : index
        %swap3A_1309 = tpu.vector_load %arg11[%swap3A_1307, %swap3A_1308] {strides = array<i32>} : memref<128x128xf32, #tpu.memory_space<vmem>>, vector<1x16xf32>,
        %swap3A_1310 = vector.shape_cast %swap3A_1309 : vector<1x16xf32> to vector<16xf32>
        %swap3A_1311 = vector.shape_cast %mul3A_1306 : vector<16xf32> to vector<1x16xf32>
        tpu.vector_store %arg11[%swap3A_1307, %swap3A_1308], %swap3A_1311 {strides = array<i32>} : memref<128x128xf32, #tpu.memory_space<vmem>>, vector<1x16xf32>,
        %get3A_1312 = arith.index_cast %add3A_1278 : i32 to index
        %get3A_1313 = arith.constant 48 : index
        %get3A_1314 = tpu.vector_load %arg11[%get3A_1312, %get3A_1313] {strides = array<i32>} : memref<128x128xf32, #tpu.memory_space<vmem>>, vector<1x16xf32>,
        %get3A_1315 = vector.shape_cast %get3A_1314 : vector<1x16xf32> to vector<16xf32>
        %mul3A_1316 = vector.broadcast %squeeze3A_1274 : f32 to vector<16xf32>
        %mul3A_1317 = arith.mulf %get3A_1315, %mul3A_1316 : vector<16xf32>
        %swap3A_1318 = arith.index_cast %add3A_1278 : i32 to index
        %swap3A_1319 = arith.constant 48 : index
        %swap3A_1320 = tpu.vector_load %arg11[%swap3A_1318, %swap3A_1319] {strides = array<i32>} : memref<128x128xf32, #tpu.memory_space<vmem>>, vector<1x16xf32>,
        %swap3A_1321 = vector.shape_cast %swap3A_1320 : vector<1x16xf32> to vector<16xf32>
        %swap3A_1322 = vector.shape_cast %mul3A_1317 : vector<16xf32> to vector<1x16xf32>
        tpu.vector_store %arg11[%swap3A_1318, %swap3A_1319], %swap3A_1322 {strides = array<i32>} : memref<128x128xf32, #tpu.memory_space<vmem>>, vector<1x16xf32>,
        %get3A_1323 = arith.index_cast %add3A_1278 : i32 to index
        %get3A_1324 = arith.constant 64 : index
        %get3A_1325 = tpu.vector_load %arg11[%get3A_1323, %get3A_1324] {strides = array<i32>} : memref<128x128xf32, #tpu.memory_space<vmem>>, vector<1x16xf32>,
        %get3A_1326 = vector.shape_cast %get3A_1325 : vector<1x16xf32> to vector<16xf32>
        %mul3A_1327 = vector.broadcast %squeeze3A_1274 : f32 to vector<16xf32>
        %mul3A_1328 = arith.mulf %get3A_1326, %mul3A_1327 : vector<16xf32>
        %swap3A_1329 = arith.index_cast %add3A_1278 : i32 to index
        %swap3A_1330 = arith.constant 64 : index
        %swap3A_1331 = tpu.vector_load %arg11[%swap3A_1329, %swap3A_1330] {strides = array<i32>} : memref<128x128xf32, #tpu.memory_space<vmem>>, vector<1x16xf32>,
        %swap3A_1332 = vector.shape_cast %swap3A_1331 : vector<1x16xf32> to vector<16xf32>
        %swap3A_1333 = vector.shape_cast %mul3A_1328 : vector<16xf32> to vector<1x16xf32>
        tpu.vector_store %arg11[%swap3A_1329, %swap3A_1330], %swap3A_1333 {strides = array<i32>} : memref<128x128xf32, #tpu.memory_space<vmem>>, vector<1x16xf32>,
        %get3A_1334 = arith.index_cast %add3A_1278 : i32 to index
        %get3A_1335 = arith.constant 80 : index
        %get3A_1336 = tpu.vector_load %arg11[%get3A_1334, %get3A_1335] {strides = array<i32>} : memref<128x128xf32, #tpu.memory_space<vmem>>, vector<1x16xf32>,
        %get3A_1337 = vector.shape_cast %get3A_1336 : vector<1x16xf32> to vector<16xf32>
        %mul3A_1338 = vector.broadcast %squeeze3A_1274 : f32 to vector<16xf32>
        %mul3A_1339 = arith.mulf %get3A_1337, %mul3A_1338 : vector<16xf32>
        %swap3A_1340 = arith.index_cast %add3A_1278 : i32 to index
        %swap3A_1341 = arith.constant 80 : index
        %swap3A_1342 = tpu.vector_load %arg11[%swap3A_1340, %swap3A_1341] {strides = array<i32>} : memref<128x128xf32, #tpu.memory_space<vmem>>, vector<1x16xf32>,
        %swap3A_1343 = vector.shape_cast %swap3A_1342 : vector<1x16xf32> to vector<16xf32>
        %swap3A_1344 = vector.shape_cast %mul3A_1339 : vector<16xf32> to vector<1x16xf32>
        tpu.vector_store %arg11[%swap3A_1340, %swap3A_1341], %swap3A_1344 {strides = array<i32>} : memref<128x128xf32, #tpu.memory_space<vmem>>, vector<1x16xf32>,
        %get3A_1345 = arith.index_cast %add3A_1278 : i32 to index
        %get3A_1346 = arith.constant 96 : index
        %get3A_1347 = tpu.vector_load %arg11[%get3A_1345, %get3A_1346] {strides = array<i32>} : memref<128x128xf32, #tpu.memory_space<vmem>>, vector<1x16xf32>,
        %get3A_1348 = vector.shape_cast %get3A_1347 : vector<1x16xf32> to vector<16xf32>
        %mul3A_1349 = vector.broadcast %squeeze3A_1274 : f32 to vector<16xf32>
        %mul3A_1350 = arith.mulf %get3A_1348, %mul3A_1349 : vector<16xf32>
        %swap3A_1351 = arith.index_cast %add3A_1278 : i32 to index
        %swap3A_1352 = arith.constant 96 : index
        %swap3A_1353 = tpu.vector_load %arg11[%swap3A_1351, %swap3A_1352] {strides = array<i32>} : memref<128x128xf32, #tpu.memory_space<vmem>>, vector<1x16xf32>,
        %swap3A_1354 = vector.shape_cast %swap3A_1353 : vector<1x16xf32> to vector<16xf32>
        %swap3A_1355 = vector.shape_cast %mul3A_1350 : vector<16xf32> to vector<1x16xf32>
        tpu.vector_store %arg11[%swap3A_1351, %swap3A_1352], %swap3A_1355 {strides = array<i32>} : memref<128x128xf32, #tpu.memory_space<vmem>>, vector<1x16xf32>,
        %get3A_1356 = arith.index_cast %add3A_1278 : i32 to index
        %get3A_1357 = arith.constant 112 : index
        %get3A_1358 = tpu.vector_load %arg11[%get3A_1356, %get3A_1357] {strides = array<i32>} : memref<128x128xf32, #tpu.memory_space<vmem>>, vector<1x16xf32>,
        %get3A_1359 = vector.shape_cast %get3A_1358 : vector<1x16xf32> to vector<16xf32>
        %mul3A_1360 = vector.broadcast %squeeze3A_1274 : f32 to vector<16xf32>
        %mul3A_1361 = arith.mulf %get3A_1359, %mul3A_1360 : vector<16xf32>
        %swap3A_1362 = arith.index_cast %add3A_1278 : i32 to index
        %swap3A_1363 = arith.constant 112 : index
        %swap3A_1364 = tpu.vector_load %arg11[%swap3A_1362, %swap3A_1363] {strides = array<i32>} : memref<128x128xf32, #tpu.memory_space<vmem>>, vector<1x16xf32>,
        %swap3A_1365 = vector.shape_cast %swap3A_1364 : vector<1x16xf32> to vector<16xf32>
        %swap3A_1366 = vector.shape_cast %mul3A_1361 : vector<16xf32> to vector<1x16xf32>
        tpu.vector_store %arg11[%swap3A_1362, %swap3A_1363], %swap3A_1366 {strides = array<i32>} : memref<128x128xf32, #tpu.memory_space<vmem>>, vector<1x16xf32>,
        %slice3A_1367 = vector.extract_strided_slice %get3A_522 {offsets = [9], sizes = [1], strides = [1]} : vector<16xf32> to vector<1xf32>
        %squeeze3A_1368 = vector.extract %slice3A_1367[0] : f32 from vector<1xf32>
        %mul3A_1369 = arith.constant 16 : i32
        %mul3A_1370 = arith.muli %scan3A_515, %mul3A_1369 : i32
        %add3A_1371 = arith.constant 9 : i32
        %add3A_1372 = arith.addi %mul3A_1370, %add3A_1371 : i32
        %get3A_1373 = arith.index_cast %add3A_1372 : i32 to index
        %get3A_1374 = arith.constant 0 : index
        %get3A_1375 = tpu.vector_load %arg11[%get3A_1373, %get3A_1374] {strides = array<i32>} : memref<128x128xf32, #tpu.memory_space<vmem>>, vector<1x16xf32>,
        %get3A_1376 = vector.shape_cast %get3A_1375 : vector<1x16xf32> to vector<16xf32>
        %mul3A_1377 = vector.broadcast %squeeze3A_1368 : f32 to vector<16xf32>
        %mul3A_1378 = arith.mulf %get3A_1376, %mul3A_1377 : vector<16xf32>
        %swap3A_1379 = arith.index_cast %add3A_1372 : i32 to index
        %swap3A_1380 = arith.constant 0 : index
        %swap3A_1381 = tpu.vector_load %arg11[%swap3A_1379, %swap3A_1380] {strides = array<i32>} : memref<128x128xf32, #tpu.memory_space<vmem>>, vector<1x16xf32>,
        %swap3A_1382 = vector.shape_cast %swap3A_1381 : vector<1x16xf32> to vector<16xf32>
        %swap3A_1383 = vector.shape_cast %mul3A_1378 : vector<16xf32> to vector<1x16xf32>
        tpu.vector_store %arg11[%swap3A_1379, %swap3A_1380], %swap3A_1383 {strides = array<i32>} : memref<128x128xf32, #tpu.memory_space<vmem>>, vector<1x16xf32>,
        %get3A_1384 = arith.index_cast %add3A_1372 : i32 to index
        %get3A_1385 = arith.constant 16 : index
        %get3A_1386 = tpu.vector_load %arg11[%get3A_1384, %get3A_1385] {strides = array<i32>} : memref<128x128xf32, #tpu.memory_space<vmem>>, vector<1x16xf32>,
        %get3A_1387 = vector.shape_cast %get3A_1386 : vector<1x16xf32> to vector<16xf32>
        %mul3A_1388 = vector.broadcast %squeeze3A_1368 : f32 to vector<16xf32>
        %mul3A_1389 = arith.mulf %get3A_1387, %mul3A_1388 : vector<16xf32>
        %swap3A_1390 = arith.index_cast %add3A_1372 : i32 to index
        %swap3A_1391 = arith.constant 16 : index
        %swap3A_1392 = tpu.vector_load %arg11[%swap3A_1390, %swap3A_1391] {strides = array<i32>} : memref<128x128xf32, #tpu.memory_space<vmem>>, vector<1x16xf32>,
        %swap3A_1393 = vector.shape_cast %swap3A_1392 : vector<1x16xf32> to vector<16xf32>
        %swap3A_1394 = vector.shape_cast %mul3A_1389 : vector<16xf32> to vector<1x16xf32>
        tpu.vector_store %arg11[%swap3A_1390, %swap3A_1391], %swap3A_1394 {strides = array<i32>} : memref<128x128xf32, #tpu.memory_space<vmem>>, vector<1x16xf32>,
        %get3A_1395 = arith.index_cast %add3A_1372 : i32 to index
        %get3A_1396 = arith.constant 32 : index
        %get3A_1397 = tpu.vector_load %arg11[%get3A_1395, %get3A_1396] {strides = array<i32>} : memref<128x128xf32, #tpu.memory_space<vmem>>, vector<1x16xf32>,
        %get3A_1398 = vector.shape_cast %get3A_1397 : vector<1x16xf32> to vector<16xf32>
        %mul3A_1399 = vector.broadcast %squeeze3A_1368 : f32 to vector<16xf32>
        %mul3A_1400 = arith.mulf %get3A_1398, %mul3A_1399 : vector<16xf32>
        %swap3A_1401 = arith.index_cast %add3A_1372 : i32 to index
        %swap3A_1402 = arith.constant 32 : index
        %swap3A_1403 = tpu.vector_load %arg11[%swap3A_1401, %swap3A_1402] {strides = array<i32>} : memref<128x128xf32, #tpu.memory_space<vmem>>, vector<1x16xf32>,
        %swap3A_1404 = vector.shape_cast %swap3A_1403 : vector<1x16xf32> to vector<16xf32>
        %swap3A_1405 = vector.shape_cast %mul3A_1400 : vector<16xf32> to vector<1x16xf32>
        tpu.vector_store %arg11[%swap3A_1401, %swap3A_1402], %swap3A_1405 {strides = array<i32>} : memref<128x128xf32, #tpu.memory_space<vmem>>, vector<1x16xf32>,
        %get3A_1406 = arith.index_cast %add3A_1372 : i32 to index
        %get3A_1407 = arith.constant 48 : index
        %get3A_1408 = tpu.vector_load %arg11[%get3A_1406, %get3A_1407] {strides = array<i32>} : memref<128x128xf32, #tpu.memory_space<vmem>>, vector<1x16xf32>,
        %get3A_1409 = vector.shape_cast %get3A_1408 : vector<1x16xf32> to vector<16xf32>
        %mul3A_1410 = vector.broadcast %squeeze3A_1368 : f32 to vector<16xf32>
        %mul3A_1411 = arith.mulf %get3A_1409, %mul3A_1410 : vector<16xf32>
        %swap3A_1412 = arith.index_cast %add3A_1372 : i32 to index
        %swap3A_1413 = arith.constant 48 : index
        %swap3A_1414 = tpu.vector_load %arg11[%swap3A_1412, %swap3A_1413] {strides = array<i32>} : memref<128x128xf32, #tpu.memory_space<vmem>>, vector<1x16xf32>,
        %swap3A_1415 = vector.shape_cast %swap3A_1414 : vector<1x16xf32> to vector<16xf32>
        %swap3A_1416 = vector.shape_cast %mul3A_1411 : vector<16xf32> to vector<1x16xf32>
        tpu.vector_store %arg11[%swap3A_1412, %swap3A_1413], %swap3A_1416 {strides = array<i32>} : memref<128x128xf32, #tpu.memory_space<vmem>>, vector<1x16xf32>,
        %get3A_1417 = arith.index_cast %add3A_1372 : i32 to index
        %get3A_1418 = arith.constant 64 : index
        %get3A_1419 = tpu.vector_load %arg11[%get3A_1417, %get3A_1418] {strides = array<i32>} : memref<128x128xf32, #tpu.memory_space<vmem>>, vector<1x16xf32>,
        %get3A_1420 = vector.shape_cast %get3A_1419 : vector<1x16xf32> to vector<16xf32>
        %mul3A_1421 = vector.broadcast %squeeze3A_1368 : f32 to vector<16xf32>
        %mul3A_1422 = arith.mulf %get3A_1420, %mul3A_1421 : vector<16xf32>
        %swap3A_1423 = arith.index_cast %add3A_1372 : i32 to index
        %swap3A_1424 = arith.constant 64 : index
        %swap3A_1425 = tpu.vector_load %arg11[%swap3A_1423, %swap3A_1424] {strides = array<i32>} : memref<128x128xf32, #tpu.memory_space<vmem>>, vector<1x16xf32>,
        %swap3A_1426 = vector.shape_cast %swap3A_1425 : vector<1x16xf32> to vector<16xf32>
        %swap3A_1427 = vector.shape_cast %mul3A_1422 : vector<16xf32> to vector<1x16xf32>
        tpu.vector_store %arg11[%swap3A_1423, %swap3A_1424], %swap3A_1427 {strides = array<i32>} : memref<128x128xf32, #tpu.memory_space<vmem>>, vector<1x16xf32>,
        %get3A_1428 = arith.index_cast %add3A_1372 : i32 to index
        %get3A_1429 = arith.constant 80 : index
        %get3A_1430 = tpu.vector_load %arg11[%get3A_1428, %get3A_1429] {strides = array<i32>} : memref<128x128xf32, #tpu.memory_space<vmem>>, vector<1x16xf32>,
        %get3A_1431 = vector.shape_cast %get3A_1430 : vector<1x16xf32> to vector<16xf32>
        %mul3A_1432 = vector.broadcast %squeeze3A_1368 : f32 to vector<16xf32>
        %mul3A_1433 = arith.mulf %get3A_1431, %mul3A_1432 : vector<16xf32>
        %swap3A_1434 = arith.index_cast %add3A_1372 : i32 to index
        %swap3A_1435 = arith.constant 80 : index
        %swap3A_1436 = tpu.vector_load %arg11[%swap3A_1434, %swap3A_1435] {strides = array<i32>} : memref<128x128xf32, #tpu.memory_space<vmem>>, vector<1x16xf32>,
        %swap3A_1437 = vector.shape_cast %swap3A_1436 : vector<1x16xf32> to vector<16xf32>
        %swap3A_1438 = vector.shape_cast %mul3A_1433 : vector<16xf32> to vector<1x16xf32>
        tpu.vector_store %arg11[%swap3A_1434, %swap3A_1435], %swap3A_1438 {strides = array<i32>} : memref<128x128xf32, #tpu.memory_space<vmem>>, vector<1x16xf32>,
        %get3A_1439 = arith.index_cast %add3A_1372 : i32 to index
        %get3A_1440 = arith.constant 96 : index
        %get3A_1441 = tpu.vector_load %arg11[%get3A_1439, %get3A_1440] {strides = array<i32>} : memref<128x128xf32, #tpu.memory_space<vmem>>, vector<1x16xf32>,
        %get3A_1442 = vector.shape_cast %get3A_1441 : vector<1x16xf32> to vector<16xf32>
        %mul3A_1443 = vector.broadcast %squeeze3A_1368 : f32 to vector<16xf32>
        %mul3A_1444 = arith.mulf %get3A_1442, %mul3A_1443 : vector<16xf32>
        %swap3A_1445 = arith.index_cast %add3A_1372 : i32 to index
        %swap3A_1446 = arith.constant 96 : index
        %swap3A_1447 = tpu.vector_load %arg11[%swap3A_1445, %swap3A_1446] {strides = array<i32>} : memref<128x128xf32, #tpu.memory_space<vmem>>, vector<1x16xf32>,
        %swap3A_1448 = vector.shape_cast %swap3A_1447 : vector<1x16xf32> to vector<16xf32>
        %swap3A_1449 = vector.shape_cast %mul3A_1444 : vector<16xf32> to vector<1x16xf32>
        tpu.vector_store %arg11[%swap3A_1445, %swap3A_1446], %swap3A_1449 {strides = array<i32>} : memref<128x128xf32, #tpu.memory_space<vmem>>, vector<1x16xf32>,
        %get3A_1450 = arith.index_cast %add3A_1372 : i32 to index
        %get3A_1451 = arith.constant 112 : index
        %get3A_1452 = tpu.vector_load %arg11[%get3A_1450, %get3A_1451] {strides = array<i32>} : memref<128x128xf32, #tpu.memory_space<vmem>>, vector<1x16xf32>,
        %get3A_1453 = vector.shape_cast %get3A_1452 : vector<1x16xf32> to vector<16xf32>
        %mul3A_1454 = vector.broadcast %squeeze3A_1368 : f32 to vector<16xf32>
        %mul3A_1455 = arith.mulf %get3A_1453, %mul3A_1454 : vector<16xf32>
        %swap3A_1456 = arith.index_cast %add3A_1372 : i32 to index
        %swap3A_1457 = arith.constant 112 : index
        %swap3A_1458 = tpu.vector_load %arg11[%swap3A_1456, %swap3A_1457] {strides = array<i32>} : memref<128x128xf32, #tpu.memory_space<vmem>>, vector<1x16xf32>,
        %swap3A_1459 = vector.shape_cast %swap3A_1458 : vector<1x16xf32> to vector<16xf32>
        %swap3A_1460 = vector.shape_cast %mul3A_1455 : vector<16xf32> to vector<1x16xf32>
        tpu.vector_store %arg11[%swap3A_1456, %swap3A_1457], %swap3A_1460 {strides = array<i32>} : memref<128x128xf32, #tpu.memory_space<vmem>>, vector<1x16xf32>,
        %slice3A_1461 = vector.extract_strided_slice %get3A_522 {offsets = [10], sizes = [1], strides = [1]} : vector<16xf32> to vector<1xf32>
        %squeeze3A_1462 = vector.extract %slice3A_1461[0] : f32 from vector<1xf32>
        %mul3A_1463 = arith.constant 16 : i32
        %mul3A_1464 = arith.muli %scan3A_515, %mul3A_1463 : i32
        %add3A_1465 = arith.constant 10 : i32
        %add3A_1466 = arith.addi %mul3A_1464, %add3A_1465 : i32
        %get3A_1467 = arith.index_cast %add3A_1466 : i32 to index
        %get3A_1468 = arith.constant 0 : index
        %get3A_1469 = tpu.vector_load %arg11[%get3A_1467, %get3A_1468] {strides = array<i32>} : memref<128x128xf32, #tpu.memory_space<vmem>>, vector<1x16xf32>,
        %get3A_1470 = vector.shape_cast %get3A_1469 : vector<1x16xf32> to vector<16xf32>
        %mul3A_1471 = vector.broadcast %squeeze3A_1462 : f32 to vector<16xf32>
        %mul3A_1472 = arith.mulf %get3A_1470, %mul3A_1471 : vector<16xf32>
        %swap3A_1473 = arith.index_cast %add3A_1466 : i32 to index
        %swap3A_1474 = arith.constant 0 : index
        %swap3A_1475 = tpu.vector_load %arg11[%swap3A_1473, %swap3A_1474] {strides = array<i32>} : memref<128x128xf32, #tpu.memory_space<vmem>>, vector<1x16xf32>,
        %swap3A_1476 = vector.shape_cast %swap3A_1475 : vector<1x16xf32> to vector<16xf32>
        %swap3A_1477 = vector.shape_cast %mul3A_1472 : vector<16xf32> to vector<1x16xf32>
        tpu.vector_store %arg11[%swap3A_1473, %swap3A_1474], %swap3A_1477 {strides = array<i32>} : memref<128x128xf32, #tpu.memory_space<vmem>>, vector<1x16xf32>,
        %get3A_1478 = arith.index_cast %add3A_1466 : i32 to index
        %get3A_1479 = arith.constant 16 : index
        %get3A_1480 = tpu.vector_load %arg11[%get3A_1478, %get3A_1479] {strides = array<i32>} : memref<128x128xf32, #tpu.memory_space<vmem>>, vector<1x16xf32>,
        %get3A_1481 = vector.shape_cast %get3A_1480 : vector<1x16xf32> to vector<16xf32>
        %mul3A_1482 = vector.broadcast %squeeze3A_1462 : f32 to vector<16xf32>
        %mul3A_1483 = arith.mulf %get3A_1481, %mul3A_1482 : vector<16xf32>
        %swap3A_1484 = arith.index_cast %add3A_1466 : i32 to index
        %swap3A_1485 = arith.constant 16 : index
        %swap3A_1486 = tpu.vector_load %arg11[%swap3A_1484, %swap3A_1485] {strides = array<i32>} : memref<128x128xf32, #tpu.memory_space<vmem>>, vector<1x16xf32>,
        %swap3A_1487 = vector.shape_cast %swap3A_1486 : vector<1x16xf32> to vector<16xf32>
        %swap3A_1488 = vector.shape_cast %mul3A_1483 : vector<16xf32> to vector<1x16xf32>
        tpu.vector_store %arg11[%swap3A_1484, %swap3A_1485], %swap3A_1488 {strides = array<i32>} : memref<128x128xf32, #tpu.memory_space<vmem>>, vector<1x16xf32>,
        %get3A_1489 = arith.index_cast %add3A_1466 : i32 to index
        %get3A_1490 = arith.constant 32 : index
        %get3A_1491 = tpu.vector_load %arg11[%get3A_1489, %get3A_1490] {strides = array<i32>} : memref<128x128xf32, #tpu.memory_space<vmem>>, vector<1x16xf32>,
        %get3A_1492 = vector.shape_cast %get3A_1491 : vector<1x16xf32> to vector<16xf32>
        %mul3A_1493 = vector.broadcast %squeeze3A_1462 : f32 to vector<16xf32>
        %mul3A_1494 = arith.mulf %get3A_1492, %mul3A_1493 : vector<16xf32>
        %swap3A_1495 = arith.index_cast %add3A_1466 : i32 to index
        %swap3A_1496 = arith.constant 32 : index
        %swap3A_1497 = tpu.vector_load %arg11[%swap3A_1495, %swap3A_1496] {strides = array<i32>} : memref<128x128xf32, #tpu.memory_space<vmem>>, vector<1x16xf32>,
        %swap3A_1498 = vector.shape_cast %swap3A_1497 : vector<1x16xf32> to vector<16xf32>
        %swap3A_1499 = vector.shape_cast %mul3A_1494 : vector<16xf32> to vector<1x16xf32>
        tpu.vector_store %arg11[%swap3A_1495, %swap3A_1496], %swap3A_1499 {strides = array<i32>} : memref<128x128xf32, #tpu.memory_space<vmem>>, vector<1x16xf32>,
        %get3A_1500 = arith.index_cast %add3A_1466 : i32 to index
        %get3A_1501 = arith.constant 48 : index
        %get3A_1502 = tpu.vector_load %arg11[%get3A_1500, %get3A_1501] {strides = array<i32>} : memref<128x128xf32, #tpu.memory_space<vmem>>, vector<1x16xf32>,
        %get3A_1503 = vector.shape_cast %get3A_1502 : vector<1x16xf32> to vector<16xf32>
        %mul3A_1504 = vector.broadcast %squeeze3A_1462 : f32 to vector<16xf32>
        %mul3A_1505 = arith.mulf %get3A_1503, %mul3A_1504 : vector<16xf32>
        %swap3A_1506 = arith.index_cast %add3A_1466 : i32 to index
        %swap3A_1507 = arith.constant 48 : index
        %swap3A_1508 = tpu.vector_load %arg11[%swap3A_1506, %swap3A_1507] {strides = array<i32>} : memref<128x128xf32, #tpu.memory_space<vmem>>, vector<1x16xf32>,
        %swap3A_1509 = vector.shape_cast %swap3A_1508 : vector<1x16xf32> to vector<16xf32>
        %swap3A_1510 = vector.shape_cast %mul3A_1505 : vector<16xf32> to vector<1x16xf32>
        tpu.vector_store %arg11[%swap3A_1506, %swap3A_1507], %swap3A_1510 {strides = array<i32>} : memref<128x128xf32, #tpu.memory_space<vmem>>, vector<1x16xf32>,
        %get3A_1511 = arith.index_cast %add3A_1466 : i32 to index
        %get3A_1512 = arith.constant 64 : index
        %get3A_1513 = tpu.vector_load %arg11[%get3A_1511, %get3A_1512] {strides = array<i32>} : memref<128x128xf32, #tpu.memory_space<vmem>>, vector<1x16xf32>,
        %get3A_1514 = vector.shape_cast %get3A_1513 : vector<1x16xf32> to vector<16xf32>
        %mul3A_1515 = vector.broadcast %squeeze3A_1462 : f32 to vector<16xf32>
        %mul3A_1516 = arith.mulf %get3A_1514, %mul3A_1515 : vector<16xf32>
        %swap3A_1517 = arith.index_cast %add3A_1466 : i32 to index
        %swap3A_1518 = arith.constant 64 : index
        %swap3A_1519 = tpu.vector_load %arg11[%swap3A_1517, %swap3A_1518] {strides = array<i32>} : memref<128x128xf32, #tpu.memory_space<vmem>>, vector<1x16xf32>,
        %swap3A_1520 = vector.shape_cast %swap3A_1519 : vector<1x16xf32> to vector<16xf32>
        %swap3A_1521 = vector.shape_cast %mul3A_1516 : vector<16xf32> to vector<1x16xf32>
        tpu.vector_store %arg11[%swap3A_1517, %swap3A_1518], %swap3A_1521 {strides = array<i32>} : memref<128x128xf32, #tpu.memory_space<vmem>>, vector<1x16xf32>,
        %get3A_1522 = arith.index_cast %add3A_1466 : i32 to index
        %get3A_1523 = arith.constant 80 : index
        %get3A_1524 = tpu.vector_load %arg11[%get3A_1522, %get3A_1523] {strides = array<i32>} : memref<128x128xf32, #tpu.memory_space<vmem>>, vector<1x16xf32>,
        %get3A_1525 = vector.shape_cast %get3A_1524 : vector<1x16xf32> to vector<16xf32>
        %mul3A_1526 = vector.broadcast %squeeze3A_1462 : f32 to vector<16xf32>
        %mul3A_1527 = arith.mulf %get3A_1525, %mul3A_1526 : vector<16xf32>
        %swap3A_1528 = arith.index_cast %add3A_1466 : i32 to index
        %swap3A_1529 = arith.constant 80 : index
        %swap3A_1530 = tpu.vector_load %arg11[%swap3A_1528, %swap3A_1529] {strides = array<i32>} : memref<128x128xf32, #tpu.memory_space<vmem>>, vector<1x16xf32>,
        %swap3A_1531 = vector.shape_cast %swap3A_1530 : vector<1x16xf32> to vector<16xf32>
        %swap3A_1532 = vector.shape_cast %mul3A_1527 : vector<16xf32> to vector<1x16xf32>
        tpu.vector_store %arg11[%swap3A_1528, %swap3A_1529], %swap3A_1532 {strides = array<i32>} : memref<128x128xf32, #tpu.memory_space<vmem>>, vector<1x16xf32>,
        %get3A_1533 = arith.index_cast %add3A_1466 : i32 to index
        %get3A_1534 = arith.constant 96 : index
        %get3A_1535 = tpu.vector_load %arg11[%get3A_1533, %get3A_1534] {strides = array<i32>} : memref<128x128xf32, #tpu.memory_space<vmem>>, vector<1x16xf32>,
        %get3A_1536 = vector.shape_cast %get3A_1535 : vector<1x16xf32> to vector<16xf32>
        %mul3A_1537 = vector.broadcast %squeeze3A_1462 : f32 to vector<16xf32>
        %mul3A_1538 = arith.mulf %get3A_1536, %mul3A_1537 : vector<16xf32>
        %swap3A_1539 = arith.index_cast %add3A_1466 : i32 to index
        %swap3A_1540 = arith.constant 96 : index
        %swap3A_1541 = tpu.vector_load %arg11[%swap3A_1539, %swap3A_1540] {strides = array<i32>} : memref<128x128xf32, #tpu.memory_space<vmem>>, vector<1x16xf32>,
        %swap3A_1542 = vector.shape_cast %swap3A_1541 : vector<1x16xf32> to vector<16xf32>
        %swap3A_1543 = vector.shape_cast %mul3A_1538 : vector<16xf32> to vector<1x16xf32>
        tpu.vector_store %arg11[%swap3A_1539, %swap3A_1540], %swap3A_1543 {strides = array<i32>} : memref<128x128xf32, #tpu.memory_space<vmem>>, vector<1x16xf32>,
        %get3A_1544 = arith.index_cast %add3A_1466 : i32 to index
        %get3A_1545 = arith.constant 112 : index
        %get3A_1546 = tpu.vector_load %arg11[%get3A_1544, %get3A_1545] {strides = array<i32>} : memref<128x128xf32, #tpu.memory_space<vmem>>, vector<1x16xf32>,
        %get3A_1547 = vector.shape_cast %get3A_1546 : vector<1x16xf32> to vector<16xf32>
        %mul3A_1548 = vector.broadcast %squeeze3A_1462 : f32 to vector<16xf32>
        %mul3A_1549 = arith.mulf %get3A_1547, %mul3A_1548 : vector<16xf32>
        %swap3A_1550 = arith.index_cast %add3A_1466 : i32 to index
        %swap3A_1551 = arith.constant 112 : index
        %swap3A_1552 = tpu.vector_load %arg11[%swap3A_1550, %swap3A_1551] {strides = array<i32>} : memref<128x128xf32, #tpu.memory_space<vmem>>, vector<1x16xf32>,
        %swap3A_1553 = vector.shape_cast %swap3A_1552 : vector<1x16xf32> to vector<16xf32>
        %swap3A_1554 = vector.shape_cast %mul3A_1549 : vector<16xf32> to vector<1x16xf32>
        tpu.vector_store %arg11[%swap3A_1550, %swap3A_1551], %swap3A_1554 {strides = array<i32>} : memref<128x128xf32, #tpu.memory_space<vmem>>, vector<1x16xf32>,
        %slice3A_1555 = vector.extract_strided_slice %get3A_522 {offsets = [11], sizes = [1], strides = [1]} : vector<16xf32> to vector<1xf32>
        %squeeze3A_1556 = vector.extract %slice3A_1555[0] : f32 from vector<1xf32>
        %mul3A_1557 = arith.constant 16 : i32
        %mul3A_1558 = arith.muli %scan3A_515, %mul3A_1557 : i32
        %add3A_1559 = arith.constant 11 : i32
        %add3A_1560 = arith.addi %mul3A_1558, %add3A_1559 : i32
        %get3A_1561 = arith.index_cast %add3A_1560 : i32 to index
        %get3A_1562 = arith.constant 0 : index
        %get3A_1563 = tpu.vector_load %arg11[%get3A_1561, %get3A_1562] {strides = array<i32>} : memref<128x128xf32, #tpu.memory_space<vmem>>, vector<1x16xf32>,
        %get3A_1564 = vector.shape_cast %get3A_1563 : vector<1x16xf32> to vector<16xf32>
        %mul3A_1565 = vector.broadcast %squeeze3A_1556 : f32 to vector<16xf32>
        %mul3A_1566 = arith.mulf %get3A_1564, %mul3A_1565 : vector<16xf32>
        %swap3A_1567 = arith.index_cast %add3A_1560 : i32 to index
        %swap3A_1568 = arith.constant 0 : index
        %swap3A_1569 = tpu.vector_load %arg11[%swap3A_1567, %swap3A_1568] {strides = array<i32>} : memref<128x128xf32, #tpu.memory_space<vmem>>, vector<1x16xf32>,
        %swap3A_1570 = vector.shape_cast %swap3A_1569 : vector<1x16xf32> to vector<16xf32>
        %swap3A_1571 = vector.shape_cast %mul3A_1566 : vector<16xf32> to vector<1x16xf32>
        tpu.vector_store %arg11[%swap3A_1567, %swap3A_1568], %swap3A_1571 {strides = array<i32>} : memref<128x128xf32, #tpu.memory_space<vmem>>, vector<1x16xf32>,
        %get3A_1572 = arith.index_cast %add3A_1560 : i32 to index
        %get3A_1573 = arith.constant 16 : index
        %get3A_1574 = tpu.vector_load %arg11[%get3A_1572, %get3A_1573] {strides = array<i32>} : memref<128x128xf32, #tpu.memory_space<vmem>>, vector<1x16xf32>,
        %get3A_1575 = vector.shape_cast %get3A_1574 : vector<1x16xf32> to vector<16xf32>
        %mul3A_1576 = vector.broadcast %squeeze3A_1556 : f32 to vector<16xf32>
        %mul3A_1577 = arith.mulf %get3A_1575, %mul3A_1576 : vector<16xf32>
        %swap3A_1578 = arith.index_cast %add3A_1560 : i32 to index
        %swap3A_1579 = arith.constant 16 : index
        %swap3A_1580 = tpu.vector_load %arg11[%swap3A_1578, %swap3A_1579] {strides = array<i32>} : memref<128x128xf32, #tpu.memory_space<vmem>>, vector<1x16xf32>,
        %swap3A_1581 = vector.shape_cast %swap3A_1580 : vector<1x16xf32> to vector<16xf32>
        %swap3A_1582 = vector.shape_cast %mul3A_1577 : vector<16xf32> to vector<1x16xf32>
        tpu.vector_store %arg11[%swap3A_1578, %swap3A_1579], %swap3A_1582 {strides = array<i32>} : memref<128x128xf32, #tpu.memory_space<vmem>>, vector<1x16xf32>,
        %get3A_1583 = arith.index_cast %add3A_1560 : i32 to index
        %get3A_1584 = arith.constant 32 : index
        %get3A_1585 = tpu.vector_load %arg11[%get3A_1583, %get3A_1584] {strides = array<i32>} : memref<128x128xf32, #tpu.memory_space<vmem>>, vector<1x16xf32>,
        %get3A_1586 = vector.shape_cast %get3A_1585 : vector<1x16xf32> to vector<16xf32>
        %mul3A_1587 = vector.broadcast %squeeze3A_1556 : f32 to vector<16xf32>
        %mul3A_1588 = arith.mulf %get3A_1586, %mul3A_1587 : vector<16xf32>
        %swap3A_1589 = arith.index_cast %add3A_1560 : i32 to index
        %swap3A_1590 = arith.constant 32 : index
        %swap3A_1591 = tpu.vector_load %arg11[%swap3A_1589, %swap3A_1590] {strides = array<i32>} : memref<128x128xf32, #tpu.memory_space<vmem>>, vector<1x16xf32>,
        %swap3A_1592 = vector.shape_cast %swap3A_1591 : vector<1x16xf32> to vector<16xf32>
        %swap3A_1593 = vector.shape_cast %mul3A_1588 : vector<16xf32> to vector<1x16xf32>
        tpu.vector_store %arg11[%swap3A_1589, %swap3A_1590], %swap3A_1593 {strides = array<i32>} : memref<128x128xf32, #tpu.memory_space<vmem>>, vector<1x16xf32>,
        %get3A_1594 = arith.index_cast %add3A_1560 : i32 to index
        %get3A_1595 = arith.constant 48 : index
        %get3A_1596 = tpu.vector_load %arg11[%get3A_1594, %get3A_1595] {strides = array<i32>} : memref<128x128xf32, #tpu.memory_space<vmem>>, vector<1x16xf32>,
        %get3A_1597 = vector.shape_cast %get3A_1596 : vector<1x16xf32> to vector<16xf32>
        %mul3A_1598 = vector.broadcast %squeeze3A_1556 : f32 to vector<16xf32>
        %mul3A_1599 = arith.mulf %get3A_1597, %mul3A_1598 : vector<16xf32>
        %swap3A_1600 = arith.index_cast %add3A_1560 : i32 to index
        %swap3A_1601 = arith.constant 48 : index
        %swap3A_1602 = tpu.vector_load %arg11[%swap3A_1600, %swap3A_1601] {strides = array<i32>} : memref<128x128xf32, #tpu.memory_space<vmem>>, vector<1x16xf32>,
        %swap3A_1603 = vector.shape_cast %swap3A_1602 : vector<1x16xf32> to vector<16xf32>
        %swap3A_1604 = vector.shape_cast %mul3A_1599 : vector<16xf32> to vector<1x16xf32>
        tpu.vector_store %arg11[%swap3A_1600, %swap3A_1601], %swap3A_1604 {strides = array<i32>} : memref<128x128xf32, #tpu.memory_space<vmem>>, vector<1x16xf32>,
        %get3A_1605 = arith.index_cast %add3A_1560 : i32 to index
        %get3A_1606 = arith.constant 64 : index
        %get3A_1607 = tpu.vector_load %arg11[%get3A_1605, %get3A_1606] {strides = array<i32>} : memref<128x128xf32, #tpu.memory_space<vmem>>, vector<1x16xf32>,
        %get3A_1608 = vector.shape_cast %get3A_1607 : vector<1x16xf32> to vector<16xf32>
        %mul3A_1609 = vector.broadcast %squeeze3A_1556 : f32 to vector<16xf32>
        %mul3A_1610 = arith.mulf %get3A_1608, %mul3A_1609 : vector<16xf32>
        %swap3A_1611 = arith.index_cast %add3A_1560 : i32 to index
        %swap3A_1612 = arith.constant 64 : index
        %swap3A_1613 = tpu.vector_load %arg11[%swap3A_1611, %swap3A_1612] {strides = array<i32>} : memref<128x128xf32, #tpu.memory_space<vmem>>, vector<1x16xf32>,
        %swap3A_1614 = vector.shape_cast %swap3A_1613 : vector<1x16xf32> to vector<16xf32>
        %swap3A_1615 = vector.shape_cast %mul3A_1610 : vector<16xf32> to vector<1x16xf32>
        tpu.vector_store %arg11[%swap3A_1611, %swap3A_1612], %swap3A_1615 {strides = array<i32>} : memref<128x128xf32, #tpu.memory_space<vmem>>, vector<1x16xf32>,
        %get3A_1616 = arith.index_cast %add3A_1560 : i32 to index
        %get3A_1617 = arith.constant 80 : index
        %get3A_1618 = tpu.vector_load %arg11[%get3A_1616, %get3A_1617] {strides = array<i32>} : memref<128x128xf32, #tpu.memory_space<vmem>>, vector<1x16xf32>,
        %get3A_1619 = vector.shape_cast %get3A_1618 : vector<1x16xf32> to vector<16xf32>
        %mul3A_1620 = vector.broadcast %squeeze3A_1556 : f32 to vector<16xf32>
        %mul3A_1621 = arith.mulf %get3A_1619, %mul3A_1620 : vector<16xf32>
        %swap3A_1622 = arith.index_cast %add3A_1560 : i32 to index
        %swap3A_1623 = arith.constant 80 : index
        %swap3A_1624 = tpu.vector_load %arg11[%swap3A_1622, %swap3A_1623] {strides = array<i32>} : memref<128x128xf32, #tpu.memory_space<vmem>>, vector<1x16xf32>,
        %swap3A_1625 = vector.shape_cast %swap3A_1624 : vector<1x16xf32> to vector<16xf32>
        %swap3A_1626 = vector.shape_cast %mul3A_1621 : vector<16xf32> to vector<1x16xf32>
        tpu.vector_store %arg11[%swap3A_1622, %swap3A_1623], %swap3A_1626 {strides = array<i32>} : memref<128x128xf32, #tpu.memory_space<vmem>>, vector<1x16xf32>,
        %get3A_1627 = arith.index_cast %add3A_1560 : i32 to index
        %get3A_1628 = arith.constant 96 : index
        %get3A_1629 = tpu.vector_load %arg11[%get3A_1627, %get3A_1628] {strides = array<i32>} : memref<128x128xf32, #tpu.memory_space<vmem>>, vector<1x16xf32>,
        %get3A_1630 = vector.shape_cast %get3A_1629 : vector<1x16xf32> to vector<16xf32>
        %mul3A_1631 = vector.broadcast %squeeze3A_1556 : f32 to vector<16xf32>
        %mul3A_1632 = arith.mulf %get3A_1630, %mul3A_1631 : vector<16xf32>
        %swap3A_1633 = arith.index_cast %add3A_1560 : i32 to index
        %swap3A_1634 = arith.constant 96 : index
        %swap3A_1635 = tpu.vector_load %arg11[%swap3A_1633, %swap3A_1634] {strides = array<i32>} : memref<128x128xf32, #tpu.memory_space<vmem>>, vector<1x16xf32>,
        %swap3A_1636 = vector.shape_cast %swap3A_1635 : vector<1x16xf32> to vector<16xf32>
        %swap3A_1637 = vector.shape_cast %mul3A_1632 : vector<16xf32> to vector<1x16xf32>
        tpu.vector_store %arg11[%swap3A_1633, %swap3A_1634], %swap3A_1637 {strides = array<i32>} : memref<128x128xf32, #tpu.memory_space<vmem>>, vector<1x16xf32>,
        %get3A_1638 = arith.index_cast %add3A_1560 : i32 to index
        %get3A_1639 = arith.constant 112 : index
        %get3A_1640 = tpu.vector_load %arg11[%get3A_1638, %get3A_1639] {strides = array<i32>} : memref<128x128xf32, #tpu.memory_space<vmem>>, vector<1x16xf32>,
        %get3A_1641 = vector.shape_cast %get3A_1640 : vector<1x16xf32> to vector<16xf32>
        %mul3A_1642 = vector.broadcast %squeeze3A_1556 : f32 to vector<16xf32>
        %mul3A_1643 = arith.mulf %get3A_1641, %mul3A_1642 : vector<16xf32>
        %swap3A_1644 = arith.index_cast %add3A_1560 : i32 to index
        %swap3A_1645 = arith.constant 112 : index
        %swap3A_1646 = tpu.vector_load %arg11[%swap3A_1644, %swap3A_1645] {strides = array<i32>} : memref<128x128xf32, #tpu.memory_space<vmem>>, vector<1x16xf32>,
        %swap3A_1647 = vector.shape_cast %swap3A_1646 : vector<1x16xf32> to vector<16xf32>
        %swap3A_1648 = vector.shape_cast %mul3A_1643 : vector<16xf32> to vector<1x16xf32>
        tpu.vector_store %arg11[%swap3A_1644, %swap3A_1645], %swap3A_1648 {strides = array<i32>} : memref<128x128xf32, #tpu.memory_space<vmem>>, vector<1x16xf32>,
        %slice3A_1649 = vector.extract_strided_slice %get3A_522 {offsets = [12], sizes = [1], strides = [1]} : vector<16xf32> to vector<1xf32>
        %squeeze3A_1650 = vector.extract %slice3A_1649[0] : f32 from vector<1xf32>
        %mul3A_1651 = arith.constant 16 : i32
        %mul3A_1652 = arith.muli %scan3A_515, %mul3A_1651 : i32
        %add3A_1653 = arith.constant 12 : i32
        %add3A_1654 = arith.addi %mul3A_1652, %add3A_1653 : i32
        %get3A_1655 = arith.index_cast %add3A_1654 : i32 to index
        %get3A_1656 = arith.constant 0 : index
        %get3A_1657 = tpu.vector_load %arg11[%get3A_1655, %get3A_1656] {strides = array<i32>} : memref<128x128xf32, #tpu.memory_space<vmem>>, vector<1x16xf32>,
        %get3A_1658 = vector.shape_cast %get3A_1657 : vector<1x16xf32> to vector<16xf32>
        %mul3A_1659 = vector.broadcast %squeeze3A_1650 : f32 to vector<16xf32>
        %mul3A_1660 = arith.mulf %get3A_1658, %mul3A_1659 : vector<16xf32>
        %swap3A_1661 = arith.index_cast %add3A_1654 : i32 to index
        %swap3A_1662 = arith.constant 0 : index
        %swap3A_1663 = tpu.vector_load %arg11[%swap3A_1661, %swap3A_1662] {strides = array<i32>} : memref<128x128xf32, #tpu.memory_space<vmem>>, vector<1x16xf32>,
        %swap3A_1664 = vector.shape_cast %swap3A_1663 : vector<1x16xf32> to vector<16xf32>
        %swap3A_1665 = vector.shape_cast %mul3A_1660 : vector<16xf32> to vector<1x16xf32>
        tpu.vector_store %arg11[%swap3A_1661, %swap3A_1662], %swap3A_1665 {strides = array<i32>} : memref<128x128xf32, #tpu.memory_space<vmem>>, vector<1x16xf32>,
        %get3A_1666 = arith.index_cast %add3A_1654 : i32 to index
        %get3A_1667 = arith.constant 16 : index
        %get3A_1668 = tpu.vector_load %arg11[%get3A_1666, %get3A_1667] {strides = array<i32>} : memref<128x128xf32, #tpu.memory_space<vmem>>, vector<1x16xf32>,
        %get3A_1669 = vector.shape_cast %get3A_1668 : vector<1x16xf32> to vector<16xf32>
        %mul3A_1670 = vector.broadcast %squeeze3A_1650 : f32 to vector<16xf32>
        %mul3A_1671 = arith.mulf %get3A_1669, %mul3A_1670 : vector<16xf32>
        %swap3A_1672 = arith.index_cast %add3A_1654 : i32 to index
        %swap3A_1673 = arith.constant 16 : index
        %swap3A_1674 = tpu.vector_load %arg11[%swap3A_1672, %swap3A_1673] {strides = array<i32>} : memref<128x128xf32, #tpu.memory_space<vmem>>, vector<1x16xf32>,
        %swap3A_1675 = vector.shape_cast %swap3A_1674 : vector<1x16xf32> to vector<16xf32>
        %swap3A_1676 = vector.shape_cast %mul3A_1671 : vector<16xf32> to vector<1x16xf32>
        tpu.vector_store %arg11[%swap3A_1672, %swap3A_1673], %swap3A_1676 {strides = array<i32>} : memref<128x128xf32, #tpu.memory_space<vmem>>, vector<1x16xf32>,
        %get3A_1677 = arith.index_cast %add3A_1654 : i32 to index
        %get3A_1678 = arith.constant 32 : index
        %get3A_1679 = tpu.vector_load %arg11[%get3A_1677, %get3A_1678] {strides = array<i32>} : memref<128x128xf32, #tpu.memory_space<vmem>>, vector<1x16xf32>,
        %get3A_1680 = vector.shape_cast %get3A_1679 : vector<1x16xf32> to vector<16xf32>
        %mul3A_1681 = vector.broadcast %squeeze3A_1650 : f32 to vector<16xf32>
        %mul3A_1682 = arith.mulf %get3A_1680, %mul3A_1681 : vector<16xf32>
        %swap3A_1683 = arith.index_cast %add3A_1654 : i32 to index
        %swap3A_1684 = arith.constant 32 : index
        %swap3A_1685 = tpu.vector_load %arg11[%swap3A_1683, %swap3A_1684] {strides = array<i32>} : memref<128x128xf32, #tpu.memory_space<vmem>>, vector<1x16xf32>,
        %swap3A_1686 = vector.shape_cast %swap3A_1685 : vector<1x16xf32> to vector<16xf32>
        %swap3A_1687 = vector.shape_cast %mul3A_1682 : vector<16xf32> to vector<1x16xf32>
        tpu.vector_store %arg11[%swap3A_1683, %swap3A_1684], %swap3A_1687 {strides = array<i32>} : memref<128x128xf32, #tpu.memory_space<vmem>>, vector<1x16xf32>,
        %get3A_1688 = arith.index_cast %add3A_1654 : i32 to index
        %get3A_1689 = arith.constant 48 : index
        %get3A_1690 = tpu.vector_load %arg11[%get3A_1688, %get3A_1689] {strides = array<i32>} : memref<128x128xf32, #tpu.memory_space<vmem>>, vector<1x16xf32>,
        %get3A_1691 = vector.shape_cast %get3A_1690 : vector<1x16xf32> to vector<16xf32>
        %mul3A_1692 = vector.broadcast %squeeze3A_1650 : f32 to vector<16xf32>
        %mul3A_1693 = arith.mulf %get3A_1691, %mul3A_1692 : vector<16xf32>
        %swap3A_1694 = arith.index_cast %add3A_1654 : i32 to index
        %swap3A_1695 = arith.constant 48 : index
        %swap3A_1696 = tpu.vector_load %arg11[%swap3A_1694, %swap3A_1695] {strides = array<i32>} : memref<128x128xf32, #tpu.memory_space<vmem>>, vector<1x16xf32>,
        %swap3A_1697 = vector.shape_cast %swap3A_1696 : vector<1x16xf32> to vector<16xf32>
        %swap3A_1698 = vector.shape_cast %mul3A_1693 : vector<16xf32> to vector<1x16xf32>
        tpu.vector_store %arg11[%swap3A_1694, %swap3A_1695], %swap3A_1698 {strides = array<i32>} : memref<128x128xf32, #tpu.memory_space<vmem>>, vector<1x16xf32>,
        %get3A_1699 = arith.index_cast %add3A_1654 : i32 to index
        %get3A_1700 = arith.constant 64 : index
        %get3A_1701 = tpu.vector_load %arg11[%get3A_1699, %get3A_1700] {strides = array<i32>} : memref<128x128xf32, #tpu.memory_space<vmem>>, vector<1x16xf32>,
        %get3A_1702 = vector.shape_cast %get3A_1701 : vector<1x16xf32> to vector<16xf32>
        %mul3A_1703 = vector.broadcast %squeeze3A_1650 : f32 to vector<16xf32>
        %mul3A_1704 = arith.mulf %get3A_1702, %mul3A_1703 : vector<16xf32>
        %swap3A_1705 = arith.index_cast %add3A_1654 : i32 to index
        %swap3A_1706 = arith.constant 64 : index
        %swap3A_1707 = tpu.vector_load %arg11[%swap3A_1705, %swap3A_1706] {strides = array<i32>} : memref<128x128xf32, #tpu.memory_space<vmem>>, vector<1x16xf32>,
        %swap3A_1708 = vector.shape_cast %swap3A_1707 : vector<1x16xf32> to vector<16xf32>
        %swap3A_1709 = vector.shape_cast %mul3A_1704 : vector<16xf32> to vector<1x16xf32>
        tpu.vector_store %arg11[%swap3A_1705, %swap3A_1706], %swap3A_1709 {strides = array<i32>} : memref<128x128xf32, #tpu.memory_space<vmem>>, vector<1x16xf32>,
        %get3A_1710 = arith.index_cast %add3A_1654 : i32 to index
        %get3A_1711 = arith.constant 80 : index
        %get3A_1712 = tpu.vector_load %arg11[%get3A_1710, %get3A_1711] {strides = array<i32>} : memref<128x128xf32, #tpu.memory_space<vmem>>, vector<1x16xf32>,
        %get3A_1713 = vector.shape_cast %get3A_1712 : vector<1x16xf32> to vector<16xf32>
        %mul3A_1714 = vector.broadcast %squeeze3A_1650 : f32 to vector<16xf32>
        %mul3A_1715 = arith.mulf %get3A_1713, %mul3A_1714 : vector<16xf32>
        %swap3A_1716 = arith.index_cast %add3A_1654 : i32 to index
        %swap3A_1717 = arith.constant 80 : index
        %swap3A_1718 = tpu.vector_load %arg11[%swap3A_1716, %swap3A_1717] {strides = array<i32>} : memref<128x128xf32, #tpu.memory_space<vmem>>, vector<1x16xf32>,
        %swap3A_1719 = vector.shape_cast %swap3A_1718 : vector<1x16xf32> to vector<16xf32>
        %swap3A_1720 = vector.shape_cast %mul3A_1715 : vector<16xf32> to vector<1x16xf32>
        tpu.vector_store %arg11[%swap3A_1716, %swap3A_1717], %swap3A_1720 {strides = array<i32>} : memref<128x128xf32, #tpu.memory_space<vmem>>, vector<1x16xf32>,
        %get3A_1721 = arith.index_cast %add3A_1654 : i32 to index
        %get3A_1722 = arith.constant 96 : index
        %get3A_1723 = tpu.vector_load %arg11[%get3A_1721, %get3A_1722] {strides = array<i32>} : memref<128x128xf32, #tpu.memory_space<vmem>>, vector<1x16xf32>,
        %get3A_1724 = vector.shape_cast %get3A_1723 : vector<1x16xf32> to vector<16xf32>
        %mul3A_1725 = vector.broadcast %squeeze3A_1650 : f32 to vector<16xf32>
        %mul3A_1726 = arith.mulf %get3A_1724, %mul3A_1725 : vector<16xf32>
        %swap3A_1727 = arith.index_cast %add3A_1654 : i32 to index
        %swap3A_1728 = arith.constant 96 : index
        %swap3A_1729 = tpu.vector_load %arg11[%swap3A_1727, %swap3A_1728] {strides = array<i32>} : memref<128x128xf32, #tpu.memory_space<vmem>>, vector<1x16xf32>,
        %swap3A_1730 = vector.shape_cast %swap3A_1729 : vector<1x16xf32> to vector<16xf32>
        %swap3A_1731 = vector.shape_cast %mul3A_1726 : vector<16xf32> to vector<1x16xf32>
        tpu.vector_store %arg11[%swap3A_1727, %swap3A_1728], %swap3A_1731 {strides = array<i32>} : memref<128x128xf32, #tpu.memory_space<vmem>>, vector<1x16xf32>,
        %get3A_1732 = arith.index_cast %add3A_1654 : i32 to index
        %get3A_1733 = arith.constant 112 : index
        %get3A_1734 = tpu.vector_load %arg11[%get3A_1732, %get3A_1733] {strides = array<i32>} : memref<128x128xf32, #tpu.memory_space<vmem>>, vector<1x16xf32>,
        %get3A_1735 = vector.shape_cast %get3A_1734 : vector<1x16xf32> to vector<16xf32>
        %mul3A_1736 = vector.broadcast %squeeze3A_1650 : f32 to vector<16xf32>
        %mul3A_1737 = arith.mulf %get3A_1735, %mul3A_1736 : vector<16xf32>
        %swap3A_1738 = arith.index_cast %add3A_1654 : i32 to index
        %swap3A_1739 = arith.constant 112 : index
        %swap3A_1740 = tpu.vector_load %arg11[%swap3A_1738, %swap3A_1739] {strides = array<i32>} : memref<128x128xf32, #tpu.memory_space<vmem>>, vector<1x16xf32>,
        %swap3A_1741 = vector.shape_cast %swap3A_1740 : vector<1x16xf32> to vector<16xf32>
        %swap3A_1742 = vector.shape_cast %mul3A_1737 : vector<16xf32> to vector<1x16xf32>
        tpu.vector_store %arg11[%swap3A_1738, %swap3A_1739], %swap3A_1742 {strides = array<i32>} : memref<128x128xf32, #tpu.memory_space<vmem>>, vector<1x16xf32>,
        %slice3A_1743 = vector.extract_strided_slice %get3A_522 {offsets = [13], sizes = [1], strides = [1]} : vector<16xf32> to vector<1xf32>
        %squeeze3A_1744 = vector.extract %slice3A_1743[0] : f32 from vector<1xf32>
        %mul3A_1745 = arith.constant 16 : i32
        %mul3A_1746 = arith.muli %scan3A_515, %mul3A_1745 : i32
        %add3A_1747 = arith.constant 13 : i32
        %add3A_1748 = arith.addi %mul3A_1746, %add3A_1747 : i32
        %get3A_1749 = arith.index_cast %add3A_1748 : i32 to index
        %get3A_1750 = arith.constant 0 : index
        %get3A_1751 = tpu.vector_load %arg11[%get3A_1749, %get3A_1750] {strides = array<i32>} : memref<128x128xf32, #tpu.memory_space<vmem>>, vector<1x16xf32>,
        %get3A_1752 = vector.shape_cast %get3A_1751 : vector<1x16xf32> to vector<16xf32>
        %mul3A_1753 = vector.broadcast %squeeze3A_1744 : f32 to vector<16xf32>
        %mul3A_1754 = arith.mulf %get3A_1752, %mul3A_1753 : vector<16xf32>
        %swap3A_1755 = arith.index_cast %add3A_1748 : i32 to index
        %swap3A_1756 = arith.constant 0 : index
        %swap3A_1757 = tpu.vector_load %arg11[%swap3A_1755, %swap3A_1756] {strides = array<i32>} : memref<128x128xf32, #tpu.memory_space<vmem>>, vector<1x16xf32>,
        %swap3A_1758 = vector.shape_cast %swap3A_1757 : vector<1x16xf32> to vector<16xf32>
        %swap3A_1759 = vector.shape_cast %mul3A_1754 : vector<16xf32> to vector<1x16xf32>
        tpu.vector_store %arg11[%swap3A_1755, %swap3A_1756], %swap3A_1759 {strides = array<i32>} : memref<128x128xf32, #tpu.memory_space<vmem>>, vector<1x16xf32>,
        %get3A_1760 = arith.index_cast %add3A_1748 : i32 to index
        %get3A_1761 = arith.constant 16 : index
        %get3A_1762 = tpu.vector_load %arg11[%get3A_1760, %get3A_1761] {strides = array<i32>} : memref<128x128xf32, #tpu.memory_space<vmem>>, vector<1x16xf32>,
        %get3A_1763 = vector.shape_cast %get3A_1762 : vector<1x16xf32> to vector<16xf32>
        %mul3A_1764 = vector.broadcast %squeeze3A_1744 : f32 to vector<16xf32>
        %mul3A_1765 = arith.mulf %get3A_1763, %mul3A_1764 : vector<16xf32>
        %swap3A_1766 = arith.index_cast %add3A_1748 : i32 to index
        %swap3A_1767 = arith.constant 16 : index
        %swap3A_1768 = tpu.vector_load %arg11[%swap3A_1766, %swap3A_1767] {strides = array<i32>} : memref<128x128xf32, #tpu.memory_space<vmem>>, vector<1x16xf32>,
        %swap3A_1769 = vector.shape_cast %swap3A_1768 : vector<1x16xf32> to vector<16xf32>
        %swap3A_1770 = vector.shape_cast %mul3A_1765 : vector<16xf32> to vector<1x16xf32>
        tpu.vector_store %arg11[%swap3A_1766, %swap3A_1767], %swap3A_1770 {strides = array<i32>} : memref<128x128xf32, #tpu.memory_space<vmem>>, vector<1x16xf32>,
        %get3A_1771 = arith.index_cast %add3A_1748 : i32 to index
        %get3A_1772 = arith.constant 32 : index
        %get3A_1773 = tpu.vector_load %arg11[%get3A_1771, %get3A_1772] {strides = array<i32>} : memref<128x128xf32, #tpu.memory_space<vmem>>, vector<1x16xf32>,
        %get3A_1774 = vector.shape_cast %get3A_1773 : vector<1x16xf32> to vector<16xf32>
        %mul3A_1775 = vector.broadcast %squeeze3A_1744 : f32 to vector<16xf32>
        %mul3A_1776 = arith.mulf %get3A_1774, %mul3A_1775 : vector<16xf32>
        %swap3A_1777 = arith.index_cast %add3A_1748 : i32 to index
        %swap3A_1778 = arith.constant 32 : index
        %swap3A_1779 = tpu.vector_load %arg11[%swap3A_1777, %swap3A_1778] {strides = array<i32>} : memref<128x128xf32, #tpu.memory_space<vmem>>, vector<1x16xf32>,
        %swap3A_1780 = vector.shape_cast %swap3A_1779 : vector<1x16xf32> to vector<16xf32>
        %swap3A_1781 = vector.shape_cast %mul3A_1776 : vector<16xf32> to vector<1x16xf32>
        tpu.vector_store %arg11[%swap3A_1777, %swap3A_1778], %swap3A_1781 {strides = array<i32>} : memref<128x128xf32, #tpu.memory_space<vmem>>, vector<1x16xf32>,
        %get3A_1782 = arith.index_cast %add3A_1748 : i32 to index
        %get3A_1783 = arith.constant 48 : index
        %get3A_1784 = tpu.vector_load %arg11[%get3A_1782, %get3A_1783] {strides = array<i32>} : memref<128x128xf32, #tpu.memory_space<vmem>>, vector<1x16xf32>,
        %get3A_1785 = vector.shape_cast %get3A_1784 : vector<1x16xf32> to vector<16xf32>
        %mul3A_1786 = vector.broadcast %squeeze3A_1744 : f32 to vector<16xf32>
        %mul3A_1787 = arith.mulf %get3A_1785, %mul3A_1786 : vector<16xf32>
        %swap3A_1788 = arith.index_cast %add3A_1748 : i32 to index
        %swap3A_1789 = arith.constant 48 : index
        %swap3A_1790 = tpu.vector_load %arg11[%swap3A_1788, %swap3A_1789] {strides = array<i32>} : memref<128x128xf32, #tpu.memory_space<vmem>>, vector<1x16xf32>,
        %swap3A_1791 = vector.shape_cast %swap3A_1790 : vector<1x16xf32> to vector<16xf32>
        %swap3A_1792 = vector.shape_cast %mul3A_1787 : vector<16xf32> to vector<1x16xf32>
        tpu.vector_store %arg11[%swap3A_1788, %swap3A_1789], %swap3A_1792 {strides = array<i32>} : memref<128x128xf32, #tpu.memory_space<vmem>>, vector<1x16xf32>,
        %get3A_1793 = arith.index_cast %add3A_1748 : i32 to index
        %get3A_1794 = arith.constant 64 : index
        %get3A_1795 = tpu.vector_load %arg11[%get3A_1793, %get3A_1794] {strides = array<i32>} : memref<128x128xf32, #tpu.memory_space<vmem>>, vector<1x16xf32>,
        %get3A_1796 = vector.shape_cast %get3A_1795 : vector<1x16xf32> to vector<16xf32>
        %mul3A_1797 = vector.broadcast %squeeze3A_1744 : f32 to vector<16xf32>
        %mul3A_1798 = arith.mulf %get3A_1796, %mul3A_1797 : vector<16xf32>
        %swap3A_1799 = arith.index_cast %add3A_1748 : i32 to index
        %swap3A_1800 = arith.constant 64 : index
        %swap3A_1801 = tpu.vector_load %arg11[%swap3A_1799, %swap3A_1800] {strides = array<i32>} : memref<128x128xf32, #tpu.memory_space<vmem>>, vector<1x16xf32>,
        %swap3A_1802 = vector.shape_cast %swap3A_1801 : vector<1x16xf32> to vector<16xf32>
        %swap3A_1803 = vector.shape_cast %mul3A_1798 : vector<16xf32> to vector<1x16xf32>
        tpu.vector_store %arg11[%swap3A_1799, %swap3A_1800], %swap3A_1803 {strides = array<i32>} : memref<128x128xf32, #tpu.memory_space<vmem>>, vector<1x16xf32>,
        %get3A_1804 = arith.index_cast %add3A_1748 : i32 to index
        %get3A_1805 = arith.constant 80 : index
        %get3A_1806 = tpu.vector_load %arg11[%get3A_1804, %get3A_1805] {strides = array<i32>} : memref<128x128xf32, #tpu.memory_space<vmem>>, vector<1x16xf32>,
        %get3A_1807 = vector.shape_cast %get3A_1806 : vector<1x16xf32> to vector<16xf32>
        %mul3A_1808 = vector.broadcast %squeeze3A_1744 : f32 to vector<16xf32>
        %mul3A_1809 = arith.mulf %get3A_1807, %mul3A_1808 : vector<16xf32>
        %swap3A_1810 = arith.index_cast %add3A_1748 : i32 to index
        %swap3A_1811 = arith.constant 80 : index
        %swap3A_1812 = tpu.vector_load %arg11[%swap3A_1810, %swap3A_1811] {strides = array<i32>} : memref<128x128xf32, #tpu.memory_space<vmem>>, vector<1x16xf32>,
        %swap3A_1813 = vector.shape_cast %swap3A_1812 : vector<1x16xf32> to vector<16xf32>
        %swap3A_1814 = vector.shape_cast %mul3A_1809 : vector<16xf32> to vector<1x16xf32>
        tpu.vector_store %arg11[%swap3A_1810, %swap3A_1811], %swap3A_1814 {strides = array<i32>} : memref<128x128xf32, #tpu.memory_space<vmem>>, vector<1x16xf32>,
        %get3A_1815 = arith.index_cast %add3A_1748 : i32 to index
        %get3A_1816 = arith.constant 96 : index
        %get3A_1817 = tpu.vector_load %arg11[%get3A_1815, %get3A_1816] {strides = array<i32>} : memref<128x128xf32, #tpu.memory_space<vmem>>, vector<1x16xf32>,
        %get3A_1818 = vector.shape_cast %get3A_1817 : vector<1x16xf32> to vector<16xf32>
        %mul3A_1819 = vector.broadcast %squeeze3A_1744 : f32 to vector<16xf32>
        %mul3A_1820 = arith.mulf %get3A_1818, %mul3A_1819 : vector<16xf32>
        %swap3A_1821 = arith.index_cast %add3A_1748 : i32 to index
        %swap3A_1822 = arith.constant 96 : index
        %swap3A_1823 = tpu.vector_load %arg11[%swap3A_1821, %swap3A_1822] {strides = array<i32>} : memref<128x128xf32, #tpu.memory_space<vmem>>, vector<1x16xf32>,
        %swap3A_1824 = vector.shape_cast %swap3A_1823 : vector<1x16xf32> to vector<16xf32>
        %swap3A_1825 = vector.shape_cast %mul3A_1820 : vector<16xf32> to vector<1x16xf32>
        tpu.vector_store %arg11[%swap3A_1821, %swap3A_1822], %swap3A_1825 {strides = array<i32>} : memref<128x128xf32, #tpu.memory_space<vmem>>, vector<1x16xf32>,
        %get3A_1826 = arith.index_cast %add3A_1748 : i32 to index
        %get3A_1827 = arith.constant 112 : index
        %get3A_1828 = tpu.vector_load %arg11[%get3A_1826, %get3A_1827] {strides = array<i32>} : memref<128x128xf32, #tpu.memory_space<vmem>>, vector<1x16xf32>,
        %get3A_1829 = vector.shape_cast %get3A_1828 : vector<1x16xf32> to vector<16xf32>
        %mul3A_1830 = vector.broadcast %squeeze3A_1744 : f32 to vector<16xf32>
        %mul3A_1831 = arith.mulf %get3A_1829, %mul3A_1830 : vector<16xf32>
        %swap3A_1832 = arith.index_cast %add3A_1748 : i32 to index
        %swap3A_1833 = arith.constant 112 : index
        %swap3A_1834 = tpu.vector_load %arg11[%swap3A_1832, %swap3A_1833] {strides = array<i32>} : memref<128x128xf32, #tpu.memory_space<vmem>>, vector<1x16xf32>,
        %swap3A_1835 = vector.shape_cast %swap3A_1834 : vector<1x16xf32> to vector<16xf32>
        %swap3A_1836 = vector.shape_cast %mul3A_1831 : vector<16xf32> to vector<1x16xf32>
        tpu.vector_store %arg11[%swap3A_1832, %swap3A_1833], %swap3A_1836 {strides = array<i32>} : memref<128x128xf32, #tpu.memory_space<vmem>>, vector<1x16xf32>,
        %slice3A_1837 = vector.extract_strided_slice %get3A_522 {offsets = [14], sizes = [1], strides = [1]} : vector<16xf32> to vector<1xf32>
        %squeeze3A_1838 = vector.extract %slice3A_1837[0] : f32 from vector<1xf32>
        %mul3A_1839 = arith.constant 16 : i32
        %mul3A_1840 = arith.muli %scan3A_515, %mul3A_1839 : i32
        %add3A_1841 = arith.constant 14 : i32
        %add3A_1842 = arith.addi %mul3A_1840, %add3A_1841 : i32
        %get3A_1843 = arith.index_cast %add3A_1842 : i32 to index
        %get3A_1844 = arith.constant 0 : index
        %get3A_1845 = tpu.vector_load %arg11[%get3A_1843, %get3A_1844] {strides = array<i32>} : memref<128x128xf32, #tpu.memory_space<vmem>>, vector<1x16xf32>,
        %get3A_1846 = vector.shape_cast %get3A_1845 : vector<1x16xf32> to vector<16xf32>
        %mul3A_1847 = vector.broadcast %squeeze3A_1838 : f32 to vector<16xf32>
        %mul3A_1848 = arith.mulf %get3A_1846, %mul3A_1847 : vector<16xf32>
        %swap3A_1849 = arith.index_cast %add3A_1842 : i32 to index
        %swap3A_1850 = arith.constant 0 : index
        %swap3A_1851 = tpu.vector_load %arg11[%swap3A_1849, %swap3A_1850] {strides = array<i32>} : memref<128x128xf32, #tpu.memory_space<vmem>>, vector<1x16xf32>,
        %swap3A_1852 = vector.shape_cast %swap3A_1851 : vector<1x16xf32> to vector<16xf32>
        %swap3A_1853 = vector.shape_cast %mul3A_1848 : vector<16xf32> to vector<1x16xf32>
        tpu.vector_store %arg11[%swap3A_1849, %swap3A_1850], %swap3A_1853 {strides = array<i32>} : memref<128x128xf32, #tpu.memory_space<vmem>>, vector<1x16xf32>,
        %get3A_1854 = arith.index_cast %add3A_1842 : i32 to index
        %get3A_1855 = arith.constant 16 : index
        %get3A_1856 = tpu.vector_load %arg11[%get3A_1854, %get3A_1855] {strides = array<i32>} : memref<128x128xf32, #tpu.memory_space<vmem>>, vector<1x16xf32>,
        %get3A_1857 = vector.shape_cast %get3A_1856 : vector<1x16xf32> to vector<16xf32>
        %mul3A_1858 = vector.broadcast %squeeze3A_1838 : f32 to vector<16xf32>
        %mul3A_1859 = arith.mulf %get3A_1857, %mul3A_1858 : vector<16xf32>
        %swap3A_1860 = arith.index_cast %add3A_1842 : i32 to index
        %swap3A_1861 = arith.constant 16 : index
        %swap3A_1862 = tpu.vector_load %arg11[%swap3A_1860, %swap3A_1861] {strides = array<i32>} : memref<128x128xf32, #tpu.memory_space<vmem>>, vector<1x16xf32>,
        %swap3A_1863 = vector.shape_cast %swap3A_1862 : vector<1x16xf32> to vector<16xf32>
        %swap3A_1864 = vector.shape_cast %mul3A_1859 : vector<16xf32> to vector<1x16xf32>
        tpu.vector_store %arg11[%swap3A_1860, %swap3A_1861], %swap3A_1864 {strides = array<i32>} : memref<128x128xf32, #tpu.memory_space<vmem>>, vector<1x16xf32>,
        %get3A_1865 = arith.index_cast %add3A_1842 : i32 to index
        %get3A_1866 = arith.constant 32 : index
        %get3A_1867 = tpu.vector_load %arg11[%get3A_1865, %get3A_1866] {strides = array<i32>} : memref<128x128xf32, #tpu.memory_space<vmem>>, vector<1x16xf32>,
        %get3A_1868 = vector.shape_cast %get3A_1867 : vector<1x16xf32> to vector<16xf32>
        %mul3A_1869 = vector.broadcast %squeeze3A_1838 : f32 to vector<16xf32>
        %mul3A_1870 = arith.mulf %get3A_1868, %mul3A_1869 : vector<16xf32>
        %swap3A_1871 = arith.index_cast %add3A_1842 : i32 to index
        %swap3A_1872 = arith.constant 32 : index
        %swap3A_1873 = tpu.vector_load %arg11[%swap3A_1871, %swap3A_1872] {strides = array<i32>} : memref<128x128xf32, #tpu.memory_space<vmem>>, vector<1x16xf32>,
        %swap3A_1874 = vector.shape_cast %swap3A_1873 : vector<1x16xf32> to vector<16xf32>
        %swap3A_1875 = vector.shape_cast %mul3A_1870 : vector<16xf32> to vector<1x16xf32>
        tpu.vector_store %arg11[%swap3A_1871, %swap3A_1872], %swap3A_1875 {strides = array<i32>} : memref<128x128xf32, #tpu.memory_space<vmem>>, vector<1x16xf32>,
        %get3A_1876 = arith.index_cast %add3A_1842 : i32 to index
        %get3A_1877 = arith.constant 48 : index
        %get3A_1878 = tpu.vector_load %arg11[%get3A_1876, %get3A_1877] {strides = array<i32>} : memref<128x128xf32, #tpu.memory_space<vmem>>, vector<1x16xf32>,
        %get3A_1879 = vector.shape_cast %get3A_1878 : vector<1x16xf32> to vector<16xf32>
        %mul3A_1880 = vector.broadcast %squeeze3A_1838 : f32 to vector<16xf32>
        %mul3A_1881 = arith.mulf %get3A_1879, %mul3A_1880 : vector<16xf32>
        %swap3A_1882 = arith.index_cast %add3A_1842 : i32 to index
        %swap3A_1883 = arith.constant 48 : index
        %swap3A_1884 = tpu.vector_load %arg11[%swap3A_1882, %swap3A_1883] {strides = array<i32>} : memref<128x128xf32, #tpu.memory_space<vmem>>, vector<1x16xf32>,
        %swap3A_1885 = vector.shape_cast %swap3A_1884 : vector<1x16xf32> to vector<16xf32>
        %swap3A_1886 = vector.shape_cast %mul3A_1881 : vector<16xf32> to vector<1x16xf32>
        tpu.vector_store %arg11[%swap3A_1882, %swap3A_1883], %swap3A_1886 {strides = array<i32>} : memref<128x128xf32, #tpu.memory_space<vmem>>, vector<1x16xf32>,
        %get3A_1887 = arith.index_cast %add3A_1842 : i32 to index
        %get3A_1888 = arith.constant 64 : index
        %get3A_1889 = tpu.vector_load %arg11[%get3A_1887, %get3A_1888] {strides = array<i32>} : memref<128x128xf32, #tpu.memory_space<vmem>>, vector<1x16xf32>,
        %get3A_1890 = vector.shape_cast %get3A_1889 : vector<1x16xf32> to vector<16xf32>
        %mul3A_1891 = vector.broadcast %squeeze3A_1838 : f32 to vector<16xf32>
        %mul3A_1892 = arith.mulf %get3A_1890, %mul3A_1891 : vector<16xf32>
        %swap3A_1893 = arith.index_cast %add3A_1842 : i32 to index
        %swap3A_1894 = arith.constant 64 : index
        %swap3A_1895 = tpu.vector_load %arg11[%swap3A_1893, %swap3A_1894] {strides = array<i32>} : memref<128x128xf32, #tpu.memory_space<vmem>>, vector<1x16xf32>,
        %swap3A_1896 = vector.shape_cast %swap3A_1895 : vector<1x16xf32> to vector<16xf32>
        %swap3A_1897 = vector.shape_cast %mul3A_1892 : vector<16xf32> to vector<1x16xf32>
        tpu.vector_store %arg11[%swap3A_1893, %swap3A_1894], %swap3A_1897 {strides = array<i32>} : memref<128x128xf32, #tpu.memory_space<vmem>>, vector<1x16xf32>,
        %get3A_1898 = arith.index_cast %add3A_1842 : i32 to index
        %get3A_1899 = arith.constant 80 : index
        %get3A_1900 = tpu.vector_load %arg11[%get3A_1898, %get3A_1899] {strides = array<i32>} : memref<128x128xf32, #tpu.memory_space<vmem>>, vector<1x16xf32>,
        %get3A_1901 = vector.shape_cast %get3A_1900 : vector<1x16xf32> to vector<16xf32>
        %mul3A_1902 = vector.broadcast %squeeze3A_1838 : f32 to vector<16xf32>
        %mul3A_1903 = arith.mulf %get3A_1901, %mul3A_1902 : vector<16xf32>
        %swap3A_1904 = arith.index_cast %add3A_1842 : i32 to index
        %swap3A_1905 = arith.constant 80 : index
        %swap3A_1906 = tpu.vector_load %arg11[%swap3A_1904, %swap3A_1905] {strides = array<i32>} : memref<128x128xf32, #tpu.memory_space<vmem>>, vector<1x16xf32>,
        %swap3A_1907 = vector.shape_cast %swap3A_1906 : vector<1x16xf32> to vector<16xf32>
        %swap3A_1908 = vector.shape_cast %mul3A_1903 : vector<16xf32> to vector<1x16xf32>
        tpu.vector_store %arg11[%swap3A_1904, %swap3A_1905], %swap3A_1908 {strides = array<i32>} : memref<128x128xf32, #tpu.memory_space<vmem>>, vector<1x16xf32>,
        %get3A_1909 = arith.index_cast %add3A_1842 : i32 to index
        %get3A_1910 = arith.constant 96 : index
        %get3A_1911 = tpu.vector_load %arg11[%get3A_1909, %get3A_1910] {strides = array<i32>} : memref<128x128xf32, #tpu.memory_space<vmem>>, vector<1x16xf32>,
        %get3A_1912 = vector.shape_cast %get3A_1911 : vector<1x16xf32> to vector<16xf32>
        %mul3A_1913 = vector.broadcast %squeeze3A_1838 : f32 to vector<16xf32>
        %mul3A_1914 = arith.mulf %get3A_1912, %mul3A_1913 : vector<16xf32>
        %swap3A_1915 = arith.index_cast %add3A_1842 : i32 to index
        %swap3A_1916 = arith.constant 96 : index
        %swap3A_1917 = tpu.vector_load %arg11[%swap3A_1915, %swap3A_1916] {strides = array<i32>} : memref<128x128xf32, #tpu.memory_space<vmem>>, vector<1x16xf32>,
        %swap3A_1918 = vector.shape_cast %swap3A_1917 : vector<1x16xf32> to vector<16xf32>
        %swap3A_1919 = vector.shape_cast %mul3A_1914 : vector<16xf32> to vector<1x16xf32>
        tpu.vector_store %arg11[%swap3A_1915, %swap3A_1916], %swap3A_1919 {strides = array<i32>} : memref<128x128xf32, #tpu.memory_space<vmem>>, vector<1x16xf32>,
        %get3A_1920 = arith.index_cast %add3A_1842 : i32 to index
        %get3A_1921 = arith.constant 112 : index
        %get3A_1922 = tpu.vector_load %arg11[%get3A_1920, %get3A_1921] {strides = array<i32>} : memref<128x128xf32, #tpu.memory_space<vmem>>, vector<1x16xf32>,
        %get3A_1923 = vector.shape_cast %get3A_1922 : vector<1x16xf32> to vector<16xf32>
        %mul3A_1924 = vector.broadcast %squeeze3A_1838 : f32 to vector<16xf32>
        %mul3A_1925 = arith.mulf %get3A_1923, %mul3A_1924 : vector<16xf32>
        %swap3A_1926 = arith.index_cast %add3A_1842 : i32 to index
        %swap3A_1927 = arith.constant 112 : index
        %swap3A_1928 = tpu.vector_load %arg11[%swap3A_1926, %swap3A_1927] {strides = array<i32>} : memref<128x128xf32, #tpu.memory_space<vmem>>, vector<1x16xf32>,
        %swap3A_1929 = vector.shape_cast %swap3A_1928 : vector<1x16xf32> to vector<16xf32>
        %swap3A_1930 = vector.shape_cast %mul3A_1925 : vector<16xf32> to vector<1x16xf32>
        tpu.vector_store %arg11[%swap3A_1926, %swap3A_1927], %swap3A_1930 {strides = array<i32>} : memref<128x128xf32, #tpu.memory_space<vmem>>, vector<1x16xf32>,
        %slice3A_1931 = vector.extract_strided_slice %get3A_522 {offsets = [15], sizes = [1], strides = [1]} : vector<16xf32> to vector<1xf32>
        %squeeze3A_1932 = vector.extract %slice3A_1931[0] : f32 from vector<1xf32>
        %mul3A_1933 = arith.constant 16 : i32
        %mul3A_1934 = arith.muli %scan3A_515, %mul3A_1933 : i32
        %add3A_1935 = arith.constant 15 : i32
        %add3A_1936 = arith.addi %mul3A_1934, %add3A_1935 : i32
        %get3A_1937 = arith.index_cast %add3A_1936 : i32 to index
        %get3A_1938 = arith.constant 0 : index
        %get3A_1939 = tpu.vector_load %arg11[%get3A_1937, %get3A_1938] {strides = array<i32>} : memref<128x128xf32, #tpu.memory_space<vmem>>, vector<1x16xf32>,
        %get3A_1940 = vector.shape_cast %get3A_1939 : vector<1x16xf32> to vector<16xf32>
        %mul3A_1941 = vector.broadcast %squeeze3A_1932 : f32 to vector<16xf32>
        %mul3A_1942 = arith.mulf %get3A_1940, %mul3A_1941 : vector<16xf32>
        %swap3A_1943 = arith.index_cast %add3A_1936 : i32 to index
        %swap3A_1944 = arith.constant 0 : index
        %swap3A_1945 = tpu.vector_load %arg11[%swap3A_1943, %swap3A_1944] {strides = array<i32>} : memref<128x128xf32, #tpu.memory_space<vmem>>, vector<1x16xf32>,
        %swap3A_1946 = vector.shape_cast %swap3A_1945 : vector<1x16xf32> to vector<16xf32>
        %swap3A_1947 = vector.shape_cast %mul3A_1942 : vector<16xf32> to vector<1x16xf32>
        tpu.vector_store %arg11[%swap3A_1943, %swap3A_1944], %swap3A_1947 {strides = array<i32>} : memref<128x128xf32, #tpu.memory_space<vmem>>, vector<1x16xf32>,
        %get3A_1948 = arith.index_cast %add3A_1936 : i32 to index
        %get3A_1949 = arith.constant 16 : index
        %get3A_1950 = tpu.vector_load %arg11[%get3A_1948, %get3A_1949] {strides = array<i32>} : memref<128x128xf32, #tpu.memory_space<vmem>>, vector<1x16xf32>,
        %get3A_1951 = vector.shape_cast %get3A_1950 : vector<1x16xf32> to vector<16xf32>
        %mul3A_1952 = vector.broadcast %squeeze3A_1932 : f32 to vector<16xf32>
        %mul3A_1953 = arith.mulf %get3A_1951, %mul3A_1952 : vector<16xf32>
        %swap3A_1954 = arith.index_cast %add3A_1936 : i32 to index
        %swap3A_1955 = arith.constant 16 : index
        %swap3A_1956 = tpu.vector_load %arg11[%swap3A_1954, %swap3A_1955] {strides = array<i32>} : memref<128x128xf32, #tpu.memory_space<vmem>>, vector<1x16xf32>,
        %swap3A_1957 = vector.shape_cast %swap3A_1956 : vector<1x16xf32> to vector<16xf32>
        %swap3A_1958 = vector.shape_cast %mul3A_1953 : vector<16xf32> to vector<1x16xf32>
        tpu.vector_store %arg11[%swap3A_1954, %swap3A_1955], %swap3A_1958 {strides = array<i32>} : memref<128x128xf32, #tpu.memory_space<vmem>>, vector<1x16xf32>,
        %get3A_1959 = arith.index_cast %add3A_1936 : i32 to index
        %get3A_1960 = arith.constant 32 : index
        %get3A_1961 = tpu.vector_load %arg11[%get3A_1959, %get3A_1960] {strides = array<i32>} : memref<128x128xf32, #tpu.memory_space<vmem>>, vector<1x16xf32>,
        %get3A_1962 = vector.shape_cast %get3A_1961 : vector<1x16xf32> to vector<16xf32>
        %mul3A_1963 = vector.broadcast %squeeze3A_1932 : f32 to vector<16xf32>
        %mul3A_1964 = arith.mulf %get3A_1962, %mul3A_1963 : vector<16xf32>
        %swap3A_1965 = arith.index_cast %add3A_1936 : i32 to index
        %swap3A_1966 = arith.constant 32 : index
        %swap3A_1967 = tpu.vector_load %arg11[%swap3A_1965, %swap3A_1966] {strides = array<i32>} : memref<128x128xf32, #tpu.memory_space<vmem>>, vector<1x16xf32>,
        %swap3A_1968 = vector.shape_cast %swap3A_1967 : vector<1x16xf32> to vector<16xf32>
        %swap3A_1969 = vector.shape_cast %mul3A_1964 : vector<16xf32> to vector<1x16xf32>
        tpu.vector_store %arg11[%swap3A_1965, %swap3A_1966], %swap3A_1969 {strides = array<i32>} : memref<128x128xf32, #tpu.memory_space<vmem>>, vector<1x16xf32>,
        %get3A_1970 = arith.index_cast %add3A_1936 : i32 to index
        %get3A_1971 = arith.constant 48 : index
        %get3A_1972 = tpu.vector_load %arg11[%get3A_1970, %get3A_1971] {strides = array<i32>} : memref<128x128xf32, #tpu.memory_space<vmem>>, vector<1x16xf32>,
        %get3A_1973 = vector.shape_cast %get3A_1972 : vector<1x16xf32> to vector<16xf32>
        %mul3A_1974 = vector.broadcast %squeeze3A_1932 : f32 to vector<16xf32>
        %mul3A_1975 = arith.mulf %get3A_1973, %mul3A_1974 : vector<16xf32>
        %swap3A_1976 = arith.index_cast %add3A_1936 : i32 to index
        %swap3A_1977 = arith.constant 48 : index
        %swap3A_1978 = tpu.vector_load %arg11[%swap3A_1976, %swap3A_1977] {strides = array<i32>} : memref<128x128xf32, #tpu.memory_space<vmem>>, vector<1x16xf32>,
        %swap3A_1979 = vector.shape_cast %swap3A_1978 : vector<1x16xf32> to vector<16xf32>
        %swap3A_1980 = vector.shape_cast %mul3A_1975 : vector<16xf32> to vector<1x16xf32>
        tpu.vector_store %arg11[%swap3A_1976, %swap3A_1977], %swap3A_1980 {strides = array<i32>} : memref<128x128xf32, #tpu.memory_space<vmem>>, vector<1x16xf32>,
        %get3A_1981 = arith.index_cast %add3A_1936 : i32 to index
        %get3A_1982 = arith.constant 64 : index
        %get3A_1983 = tpu.vector_load %arg11[%get3A_1981, %get3A_1982] {strides = array<i32>} : memref<128x128xf32, #tpu.memory_space<vmem>>, vector<1x16xf32>,
        %get3A_1984 = vector.shape_cast %get3A_1983 : vector<1x16xf32> to vector<16xf32>
        %mul3A_1985 = vector.broadcast %squeeze3A_1932 : f32 to vector<16xf32>
        %mul3A_1986 = arith.mulf %get3A_1984, %mul3A_1985 : vector<16xf32>
        %swap3A_1987 = arith.index_cast %add3A_1936 : i32 to index
        %swap3A_1988 = arith.constant 64 : index
        %swap3A_1989 = tpu.vector_load %arg11[%swap3A_1987, %swap3A_1988] {strides = array<i32>} : memref<128x128xf32, #tpu.memory_space<vmem>>, vector<1x16xf32>,
        %swap3A_1990 = vector.shape_cast %swap3A_1989 : vector<1x16xf32> to vector<16xf32>
        %swap3A_1991 = vector.shape_cast %mul3A_1986 : vector<16xf32> to vector<1x16xf32>
        tpu.vector_store %arg11[%swap3A_1987, %swap3A_1988], %swap3A_1991 {strides = array<i32>} : memref<128x128xf32, #tpu.memory_space<vmem>>, vector<1x16xf32>,
        %get3A_1992 = arith.index_cast %add3A_1936 : i32 to index
        %get3A_1993 = arith.constant 80 : index
        %get3A_1994 = tpu.vector_load %arg11[%get3A_1992, %get3A_1993] {strides = array<i32>} : memref<128x128xf32, #tpu.memory_space<vmem>>, vector<1x16xf32>,
        %get3A_1995 = vector.shape_cast %get3A_1994 : vector<1x16xf32> to vector<16xf32>
        %mul3A_1996 = vector.broadcast %squeeze3A_1932 : f32 to vector<16xf32>
        %mul3A_1997 = arith.mulf %get3A_1995, %mul3A_1996 : vector<16xf32>
        %swap3A_1998 = arith.index_cast %add3A_1936 : i32 to index
        %swap3A_1999 = arith.constant 80 : index
        %swap3A_2000 = tpu.vector_load %arg11[%swap3A_1998, %swap3A_1999] {strides = array<i32>} : memref<128x128xf32, #tpu.memory_space<vmem>>, vector<1x16xf32>,
        %swap3A_2001 = vector.shape_cast %swap3A_2000 : vector<1x16xf32> to vector<16xf32>
        %swap3A_2002 = vector.shape_cast %mul3A_1997 : vector<16xf32> to vector<1x16xf32>
        tpu.vector_store %arg11[%swap3A_1998, %swap3A_1999], %swap3A_2002 {strides = array<i32>} : memref<128x128xf32, #tpu.memory_space<vmem>>, vector<1x16xf32>,
        %get3A_2003 = arith.index_cast %add3A_1936 : i32 to index
        %get3A_2004 = arith.constant 96 : index
        %get3A_2005 = tpu.vector_load %arg11[%get3A_2003, %get3A_2004] {strides = array<i32>} : memref<128x128xf32, #tpu.memory_space<vmem>>, vector<1x16xf32>,
        %get3A_2006 = vector.shape_cast %get3A_2005 : vector<1x16xf32> to vector<16xf32>
        %mul3A_2007 = vector.broadcast %squeeze3A_1932 : f32 to vector<16xf32>
        %mul3A_2008 = arith.mulf %get3A_2006, %mul3A_2007 : vector<16xf32>
        %swap3A_2009 = arith.index_cast %add3A_1936 : i32 to index
        %swap3A_2010 = arith.constant 96 : index
        %swap3A_2011 = tpu.vector_load %arg11[%swap3A_2009, %swap3A_2010] {strides = array<i32>} : memref<128x128xf32, #tpu.memory_space<vmem>>, vector<1x16xf32>,
        %swap3A_2012 = vector.shape_cast %swap3A_2011 : vector<1x16xf32> to vector<16xf32>
        %swap3A_2013 = vector.shape_cast %mul3A_2008 : vector<16xf32> to vector<1x16xf32>
        tpu.vector_store %arg11[%swap3A_2009, %swap3A_2010], %swap3A_2013 {strides = array<i32>} : memref<128x128xf32, #tpu.memory_space<vmem>>, vector<1x16xf32>,
        %get3A_2014 = arith.index_cast %add3A_1936 : i32 to index
        %get3A_2015 = arith.constant 112 : index
        %get3A_2016 = tpu.vector_load %arg11[%get3A_2014, %get3A_2015] {strides = array<i32>} : memref<128x128xf32, #tpu.memory_space<vmem>>, vector<1x16xf32>,
        %get3A_2017 = vector.shape_cast %get3A_2016 : vector<1x16xf32> to vector<16xf32>
        %mul3A_2018 = vector.broadcast %squeeze3A_1932 : f32 to vector<16xf32>
        %mul3A_2019 = arith.mulf %get3A_2017, %mul3A_2018 : vector<16xf32>
        %swap3A_2020 = arith.index_cast %add3A_1936 : i32 to index
        %swap3A_2021 = arith.constant 112 : index
        %swap3A_2022 = tpu.vector_load %arg11[%swap3A_2020, %swap3A_2021] {strides = array<i32>} : memref<128x128xf32, #tpu.memory_space<vmem>>, vector<1x16xf32>,
        %swap3A_2023 = vector.shape_cast %swap3A_2022 : vector<1x16xf32> to vector<16xf32>
        %swap3A_2024 = vector.shape_cast %mul3A_2019 : vector<16xf32> to vector<1x16xf32>
        tpu.vector_store %arg11[%swap3A_2020, %swap3A_2021], %swap3A_2024 {strides = array<i32>} : memref<128x128xf32, #tpu.memory_space<vmem>>, vector<1x16xf32>,
      }
      %scan3A_506 = arith.constant 8 : i32
      %run_scoped3A_507 = arith.constant 1 : i32
      "tpu.region"() ({
        %run_scoped3A_515 = tpu.sem_alloc : memref<!tpu.dma_semaphore, #tpu.memory_space<semaphore_mem>>
        %dma_start3A_516 = arith.constant 0 : i32
        %dma_start3A_517 = tpu.memref_slice %arg8[%run_scoped3A_507, %dma_start3A_516] : memref<2x128xi32, #tpu.memory_space<vmem>> -> memref<1x128xi32, #tpu.memory_space<vmem>>
        %dma_start3A_518 = tpu.memref_squeeze %dma_start3A_517 : memref<1x128xi32, #tpu.memory_space<vmem>> -> memref<128xi32, #tpu.memory_space<vmem>>
        %dma_start3A_519 = arith.constant 0 : i32
        %dma_start3A_520 = arith.constant 0 : i32
        %dma_start3A_521 = tpu.memref_slice %arg12[%dma_start3A_519, %dma_start3A_520] : memref<10112x128xf32, #tpu.memory_space<vmem_shared>> -> memref<10112x128xf32, #tpu.memory_space<vmem_shared>>
        tpu.enqueue_indirect_dma source(%arg11 : memref<128x128xf32, #tpu.memory_space<vmem>>) target(%dma_start3A_521 : memref<10112x128xf32, #tpu.memory_space<vmem_shared>>) offsets(%dma_start3A_518 : memref<128xi32, #tpu.memory_space<vmem>>) semaphore(%run_scoped3A_515 : memref<!tpu.dma_semaphore, #tpu.memory_space<semaphore_mem>>) {add = true}
        %dma_wait3A_522 = arith.constant 0 : i32
        %dma_wait3A_523 = tpu.memref_slice %arg8[%run_scoped3A_507, %dma_wait3A_522] : memref<2x128xi32, #tpu.memory_space<vmem>> -> memref<1x128xi32, #tpu.memory_space<vmem>>
        %dma_wait3A_524 = tpu.memref_squeeze %dma_wait3A_523 : memref<1x128xi32, #tpu.memory_space<vmem>> -> memref<128xi32, #tpu.memory_space<vmem>>
        %dma_wait3A_525 = arith.constant 0 : i32
        %dma_wait3A_526 = arith.constant 0 : i32
        %dma_wait3A_527 = tpu.memref_slice %arg12[%dma_wait3A_525, %dma_wait3A_526] : memref<10112x128xf32, #tpu.memory_space<vmem_shared>> -> memref<10112x128xf32, #tpu.memory_space<vmem_shared>>
        tpu.wait_indirect_dma semaphore(%run_scoped3A_515 : memref<!tpu.dma_semaphore, #tpu.memory_space<semaphore_mem>>) src(%arg11 : memref<128x128xf32, #tpu.memory_space<vmem>>) dst(%dma_wait3A_527 : memref<10112x128xf32, #tpu.memory_space<vmem_shared>>)
        tpu.yield
      }) : () -> ()
      %add3A_508 = arith.constant 2 : i32
      %add3A_509 = arith.addi %add3A_472, %add3A_508 : i32
      %lt3A_510 = arith.constant 80 : i32
      %lt3A_511 = arith.cmpi slt, %add3A_509, %lt3A_510 : i32
      %convert_element_type3A_512 = arith.extui %lt3A_511 : i1 to i32
      %cond3A_513 = arith.constant 0 : i32
      %cond3A_514 = arith.cmpi ne, %convert_element_type3A_512, %cond3A_513 : i32
      scf.if %cond3A_514 {
        %get3A_515 = arith.index_cast %add3A_509 : i32 to index
        %get3A_516 = arith.constant 0 : index
        %get3A_517 = tpu.vector_load %arg6[%get3A_515, %get3A_516] {strides = array<i32>} : memref<80x128xi32, #tpu.memory_space<vmem>>, vector<1x16xi32>,
        %get3A_518 = vector.shape_cast %get3A_517 : vector<1x16xi32> to vector<16xi32>
        %and3A_519 = arith.andi %get3A_518, %broadcast_in_dim3A_28 : vector<16xi32>
        %swap3A_520 = arith.constant 1 : i32
        %swap3A_521 = arith.index_cast %swap3A_520 : i32 to index
        %swap3A_522 = arith.constant 0 : index
        %swap3A_523 = tpu.vector_load %arg7[%swap3A_521, %swap3A_522] {strides = array<i32>} : memref<2x128xi32, #tpu.memory_space<vmem>>, vector<1x16xi32>,
        %swap3A_524 = vector.shape_cast %swap3A_523 : vector<1x16xi32> to vector<16xi32>
        %swap3A_525 = vector.shape_cast %and3A_519 : vector<16xi32> to vector<1x16xi32>
        tpu.vector_store %arg7[%swap3A_521, %swap3A_522], %swap3A_525 {strides = array<i32>} : memref<2x128xi32, #tpu.memory_space<vmem>>, vector<1x16xi32>,
        %shift_right_logical3A_526 = arith.constant 16 : i32
        %shift_right_logical3A_527 = vector.broadcast %shift_right_logical3A_526 : i32 to vector<16xi32>
        %shift_right_logical3A_528 = arith.shrui %get3A_518, %shift_right_logical3A_527 : vector<16xi32>
        %swap3A_529 = arith.constant 1 : i32
        %swap3A_530 = arith.index_cast %swap3A_529 : i32 to index
        %swap3A_531 = arith.constant 0 : index
        %swap3A_532 = tpu.vector_load %arg8[%swap3A_530, %swap3A_531] {strides = array<i32>} : memref<2x128xi32, #tpu.memory_space<vmem>>, vector<1x16xi32>,
        %swap3A_533 = vector.shape_cast %swap3A_532 : vector<1x16xi32> to vector<16xi32>
        %swap3A_534 = vector.shape_cast %shift_right_logical3A_528 : vector<16xi32> to vector<1x16xi32>
        tpu.vector_store %arg8[%swap3A_530, %swap3A_531], %swap3A_534 {strides = array<i32>} : memref<2x128xi32, #tpu.memory_space<vmem>>, vector<1x16xi32>,
        %get3A_535 = arith.index_cast %add3A_509 : i32 to index
        %get3A_536 = arith.constant 16 : index
        %get3A_537 = tpu.vector_load %arg6[%get3A_535, %get3A_536] {strides = array<i32>} : memref<80x128xi32, #tpu.memory_space<vmem>>, vector<1x16xi32>,
        %get3A_538 = vector.shape_cast %get3A_537 : vector<1x16xi32> to vector<16xi32>
        %and3A_539 = arith.andi %get3A_538, %broadcast_in_dim3A_28 : vector<16xi32>
        %swap3A_540 = arith.constant 1 : i32
        %swap3A_541 = arith.index_cast %swap3A_540 : i32 to index
        %swap3A_542 = arith.constant 16 : index
        %swap3A_543 = tpu.vector_load %arg7[%swap3A_541, %swap3A_542] {strides = array<i32>} : memref<2x128xi32, #tpu.memory_space<vmem>>, vector<1x16xi32>,
        %swap3A_544 = vector.shape_cast %swap3A_543 : vector<1x16xi32> to vector<16xi32>
        %swap3A_545 = vector.shape_cast %and3A_539 : vector<16xi32> to vector<1x16xi32>
        tpu.vector_store %arg7[%swap3A_541, %swap3A_542], %swap3A_545 {strides = array<i32>} : memref<2x128xi32, #tpu.memory_space<vmem>>, vector<1x16xi32>,
        %shift_right_logical3A_546 = arith.constant 16 : i32
        %shift_right_logical3A_547 = vector.broadcast %shift_right_logical3A_546 : i32 to vector<16xi32>
        %shift_right_logical3A_548 = arith.shrui %get3A_538, %shift_right_logical3A_547 : vector<16xi32>
        %swap3A_549 = arith.constant 1 : i32
        %swap3A_550 = arith.index_cast %swap3A_549 : i32 to index
        %swap3A_551 = arith.constant 16 : index
        %swap3A_552 = tpu.vector_load %arg8[%swap3A_550, %swap3A_551] {strides = array<i32>} : memref<2x128xi32, #tpu.memory_space<vmem>>, vector<1x16xi32>,
        %swap3A_553 = vector.shape_cast %swap3A_552 : vector<1x16xi32> to vector<16xi32>
        %swap3A_554 = vector.shape_cast %shift_right_logical3A_548 : vector<16xi32> to vector<1x16xi32>
        tpu.vector_store %arg8[%swap3A_550, %swap3A_551], %swap3A_554 {strides = array<i32>} : memref<2x128xi32, #tpu.memory_space<vmem>>, vector<1x16xi32>,
        %get3A_555 = arith.index_cast %add3A_509 : i32 to index
        %get3A_556 = arith.constant 32 : index
        %get3A_557 = tpu.vector_load %arg6[%get3A_555, %get3A_556] {strides = array<i32>} : memref<80x128xi32, #tpu.memory_space<vmem>>, vector<1x16xi32>,
        %get3A_558 = vector.shape_cast %get3A_557 : vector<1x16xi32> to vector<16xi32>
        %and3A_559 = arith.andi %get3A_558, %broadcast_in_dim3A_28 : vector<16xi32>
        %swap3A_560 = arith.constant 1 : i32
        %swap3A_561 = arith.index_cast %swap3A_560 : i32 to index
        %swap3A_562 = arith.constant 32 : index
        %swap3A_563 = tpu.vector_load %arg7[%swap3A_561, %swap3A_562] {strides = array<i32>} : memref<2x128xi32, #tpu.memory_space<vmem>>, vector<1x16xi32>,
        %swap3A_564 = vector.shape_cast %swap3A_563 : vector<1x16xi32> to vector<16xi32>
        %swap3A_565 = vector.shape_cast %and3A_559 : vector<16xi32> to vector<1x16xi32>
        tpu.vector_store %arg7[%swap3A_561, %swap3A_562], %swap3A_565 {strides = array<i32>} : memref<2x128xi32, #tpu.memory_space<vmem>>, vector<1x16xi32>,
        %shift_right_logical3A_566 = arith.constant 16 : i32
        %shift_right_logical3A_567 = vector.broadcast %shift_right_logical3A_566 : i32 to vector<16xi32>
        %shift_right_logical3A_568 = arith.shrui %get3A_558, %shift_right_logical3A_567 : vector<16xi32>
        %swap3A_569 = arith.constant 1 : i32
        %swap3A_570 = arith.index_cast %swap3A_569 : i32 to index
        %swap3A_571 = arith.constant 32 : index
        %swap3A_572 = tpu.vector_load %arg8[%swap3A_570, %swap3A_571] {strides = array<i32>} : memref<2x128xi32, #tpu.memory_space<vmem>>, vector<1x16xi32>,
        %swap3A_573 = vector.shape_cast %swap3A_572 : vector<1x16xi32> to vector<16xi32>
        %swap3A_574 = vector.shape_cast %shift_right_logical3A_568 : vector<16xi32> to vector<1x16xi32>
        tpu.vector_store %arg8[%swap3A_570, %swap3A_571], %swap3A_574 {strides = array<i32>} : memref<2x128xi32, #tpu.memory_space<vmem>>, vector<1x16xi32>,
        %get3A_575 = arith.index_cast %add3A_509 : i32 to index
        %get3A_576 = arith.constant 48 : index
        %get3A_577 = tpu.vector_load %arg6[%get3A_575, %get3A_576] {strides = array<i32>} : memref<80x128xi32, #tpu.memory_space<vmem>>, vector<1x16xi32>,
        %get3A_578 = vector.shape_cast %get3A_577 : vector<1x16xi32> to vector<16xi32>
        %and3A_579 = arith.andi %get3A_578, %broadcast_in_dim3A_28 : vector<16xi32>
        %swap3A_580 = arith.constant 1 : i32
        %swap3A_581 = arith.index_cast %swap3A_580 : i32 to index
        %swap3A_582 = arith.constant 48 : index
        %swap3A_583 = tpu.vector_load %arg7[%swap3A_581, %swap3A_582] {strides = array<i32>} : memref<2x128xi32, #tpu.memory_space<vmem>>, vector<1x16xi32>,
        %swap3A_584 = vector.shape_cast %swap3A_583 : vector<1x16xi32> to vector<16xi32>
        %swap3A_585 = vector.shape_cast %and3A_579 : vector<16xi32> to vector<1x16xi32>
        tpu.vector_store %arg7[%swap3A_581, %swap3A_582], %swap3A_585 {strides = array<i32>} : memref<2x128xi32, #tpu.memory_space<vmem>>, vector<1x16xi32>,
        %shift_right_logical3A_586 = arith.constant 16 : i32
        %shift_right_logical3A_587 = vector.broadcast %shift_right_logical3A_586 : i32 to vector<16xi32>
        %shift_right_logical3A_588 = arith.shrui %get3A_578, %shift_right_logical3A_587 : vector<16xi32>
        %swap3A_589 = arith.constant 1 : i32
        %swap3A_590 = arith.index_cast %swap3A_589 : i32 to index
        %swap3A_591 = arith.constant 48 : index
        %swap3A_592 = tpu.vector_load %arg8[%swap3A_590, %swap3A_591] {strides = array<i32>} : memref<2x128xi32, #tpu.memory_space<vmem>>, vector<1x16xi32>,
        %swap3A_593 = vector.shape_cast %swap3A_592 : vector<1x16xi32> to vector<16xi32>
        %swap3A_594 = vector.shape_cast %shift_right_logical3A_588 : vector<16xi32> to vector<1x16xi32>
        tpu.vector_store %arg8[%swap3A_590, %swap3A_591], %swap3A_594 {strides = array<i32>} : memref<2x128xi32, #tpu.memory_space<vmem>>, vector<1x16xi32>,
        %get3A_595 = arith.index_cast %add3A_509 : i32 to index
        %get3A_596 = arith.constant 64 : index
        %get3A_597 = tpu.vector_load %arg6[%get3A_595, %get3A_596] {strides = array<i32>} : memref<80x128xi32, #tpu.memory_space<vmem>>, vector<1x16xi32>,
        %get3A_598 = vector.shape_cast %get3A_597 : vector<1x16xi32> to vector<16xi32>
        %and3A_599 = arith.andi %get3A_598, %broadcast_in_dim3A_28 : vector<16xi32>
        %swap3A_600 = arith.constant 1 : i32
        %swap3A_601 = arith.index_cast %swap3A_600 : i32 to index
        %swap3A_602 = arith.constant 64 : index
        %swap3A_603 = tpu.vector_load %arg7[%swap3A_601, %swap3A_602] {strides = array<i32>} : memref<2x128xi32, #tpu.memory_space<vmem>>, vector<1x16xi32>,
        %swap3A_604 = vector.shape_cast %swap3A_603 : vector<1x16xi32> to vector<16xi32>
        %swap3A_605 = vector.shape_cast %and3A_599 : vector<16xi32> to vector<1x16xi32>
        tpu.vector_store %arg7[%swap3A_601, %swap3A_602], %swap3A_605 {strides = array<i32>} : memref<2x128xi32, #tpu.memory_space<vmem>>, vector<1x16xi32>,
        %shift_right_logical3A_606 = arith.constant 16 : i32
        %shift_right_logical3A_607 = vector.broadcast %shift_right_logical3A_606 : i32 to vector<16xi32>
        %shift_right_logical3A_608 = arith.shrui %get3A_598, %shift_right_logical3A_607 : vector<16xi32>
        %swap3A_609 = arith.constant 1 : i32
        %swap3A_610 = arith.index_cast %swap3A_609 : i32 to index
        %swap3A_611 = arith.constant 64 : index
        %swap3A_612 = tpu.vector_load %arg8[%swap3A_610, %swap3A_611] {strides = array<i32>} : memref<2x128xi32, #tpu.memory_space<vmem>>, vector<1x16xi32>,
        %swap3A_613 = vector.shape_cast %swap3A_612 : vector<1x16xi32> to vector<16xi32>
        %swap3A_614 = vector.shape_cast %shift_right_logical3A_608 : vector<16xi32> to vector<1x16xi32>
        tpu.vector_store %arg8[%swap3A_610, %swap3A_611], %swap3A_614 {strides = array<i32>} : memref<2x128xi32, #tpu.memory_space<vmem>>, vector<1x16xi32>,
        %get3A_615 = arith.index_cast %add3A_509 : i32 to index
        %get3A_616 = arith.constant 80 : index
        %get3A_617 = tpu.vector_load %arg6[%get3A_615, %get3A_616] {strides = array<i32>} : memref<80x128xi32, #tpu.memory_space<vmem>>, vector<1x16xi32>,
        %get3A_618 = vector.shape_cast %get3A_617 : vector<1x16xi32> to vector<16xi32>
        %and3A_619 = arith.andi %get3A_618, %broadcast_in_dim3A_28 : vector<16xi32>
        %swap3A_620 = arith.constant 1 : i32
        %swap3A_621 = arith.index_cast %swap3A_620 : i32 to index
        %swap3A_622 = arith.constant 80 : index
        %swap3A_623 = tpu.vector_load %arg7[%swap3A_621, %swap3A_622] {strides = array<i32>} : memref<2x128xi32, #tpu.memory_space<vmem>>, vector<1x16xi32>,
        %swap3A_624 = vector.shape_cast %swap3A_623 : vector<1x16xi32> to vector<16xi32>
        %swap3A_625 = vector.shape_cast %and3A_619 : vector<16xi32> to vector<1x16xi32>
        tpu.vector_store %arg7[%swap3A_621, %swap3A_622], %swap3A_625 {strides = array<i32>} : memref<2x128xi32, #tpu.memory_space<vmem>>, vector<1x16xi32>,
        %shift_right_logical3A_626 = arith.constant 16 : i32
        %shift_right_logical3A_627 = vector.broadcast %shift_right_logical3A_626 : i32 to vector<16xi32>
        %shift_right_logical3A_628 = arith.shrui %get3A_618, %shift_right_logical3A_627 : vector<16xi32>
        %swap3A_629 = arith.constant 1 : i32
        %swap3A_630 = arith.index_cast %swap3A_629 : i32 to index
        %swap3A_631 = arith.constant 80 : index
        %swap3A_632 = tpu.vector_load %arg8[%swap3A_630, %swap3A_631] {strides = array<i32>} : memref<2x128xi32, #tpu.memory_space<vmem>>, vector<1x16xi32>,
        %swap3A_633 = vector.shape_cast %swap3A_632 : vector<1x16xi32> to vector<16xi32>
        %swap3A_634 = vector.shape_cast %shift_right_logical3A_628 : vector<16xi32> to vector<1x16xi32>
        tpu.vector_store %arg8[%swap3A_630, %swap3A_631], %swap3A_634 {strides = array<i32>} : memref<2x128xi32, #tpu.memory_space<vmem>>, vector<1x16xi32>,
        %get3A_635 = arith.index_cast %add3A_509 : i32 to index
        %get3A_636 = arith.constant 96 : index
        %get3A_637 = tpu.vector_load %arg6[%get3A_635, %get3A_636] {strides = array<i32>} : memref<80x128xi32, #tpu.memory_space<vmem>>, vector<1x16xi32>,
        %get3A_638 = vector.shape_cast %get3A_637 : vector<1x16xi32> to vector<16xi32>
        %and3A_639 = arith.andi %get3A_638, %broadcast_in_dim3A_28 : vector<16xi32>
        %swap3A_640 = arith.constant 1 : i32
        %swap3A_641 = arith.index_cast %swap3A_640 : i32 to index
        %swap3A_642 = arith.constant 96 : index
        %swap3A_643 = tpu.vector_load %arg7[%swap3A_641, %swap3A_642] {strides = array<i32>} : memref<2x128xi32, #tpu.memory_space<vmem>>, vector<1x16xi32>,
        %swap3A_644 = vector.shape_cast %swap3A_643 : vector<1x16xi32> to vector<16xi32>
        %swap3A_645 = vector.shape_cast %and3A_639 : vector<16xi32> to vector<1x16xi32>
        tpu.vector_store %arg7[%swap3A_641, %swap3A_642], %swap3A_645 {strides = array<i32>} : memref<2x128xi32, #tpu.memory_space<vmem>>, vector<1x16xi32>,
        %shift_right_logical3A_646 = arith.constant 16 : i32
        %shift_right_logical3A_647 = vector.broadcast %shift_right_logical3A_646 : i32 to vector<16xi32>
        %shift_right_logical3A_648 = arith.shrui %get3A_638, %shift_right_logical3A_647 : vector<16xi32>
        %swap3A_649 = arith.constant 1 : i32
        %swap3A_650 = arith.index_cast %swap3A_649 : i32 to index
        %swap3A_651 = arith.constant 96 : index
        %swap3A_652 = tpu.vector_load %arg8[%swap3A_650, %swap3A_651] {strides = array<i32>} : memref<2x128xi32, #tpu.memory_space<vmem>>, vector<1x16xi32>,
        %swap3A_653 = vector.shape_cast %swap3A_652 : vector<1x16xi32> to vector<16xi32>
        %swap3A_654 = vector.shape_cast %shift_right_logical3A_648 : vector<16xi32> to vector<1x16xi32>
        tpu.vector_store %arg8[%swap3A_650, %swap3A_651], %swap3A_654 {strides = array<i32>} : memref<2x128xi32, #tpu.memory_space<vmem>>, vector<1x16xi32>,
        %get3A_655 = arith.index_cast %add3A_509 : i32 to index
        %get3A_656 = arith.constant 112 : index
        %get3A_657 = tpu.vector_load %arg6[%get3A_655, %get3A_656] {strides = array<i32>} : memref<80x128xi32, #tpu.memory_space<vmem>>, vector<1x16xi32>,
        %get3A_658 = vector.shape_cast %get3A_657 : vector<1x16xi32> to vector<16xi32>
        %and3A_659 = arith.andi %get3A_658, %broadcast_in_dim3A_28 : vector<16xi32>
        %swap3A_660 = arith.constant 1 : i32
        %swap3A_661 = arith.index_cast %swap3A_660 : i32 to index
        %swap3A_662 = arith.constant 112 : index
        %swap3A_663 = tpu.vector_load %arg7[%swap3A_661, %swap3A_662] {strides = array<i32>} : memref<2x128xi32, #tpu.memory_space<vmem>>, vector<1x16xi32>,
        %swap3A_664 = vector.shape_cast %swap3A_663 : vector<1x16xi32> to vector<16xi32>
        %swap3A_665 = vector.shape_cast %and3A_659 : vector<16xi32> to vector<1x16xi32>
        tpu.vector_store %arg7[%swap3A_661, %swap3A_662], %swap3A_665 {strides = array<i32>} : memref<2x128xi32, #tpu.memory_space<vmem>>, vector<1x16xi32>,
        %shift_right_logical3A_666 = arith.constant 16 : i32
        %shift_right_logical3A_667 = vector.broadcast %shift_right_logical3A_666 : i32 to vector<16xi32>
        %shift_right_logical3A_668 = arith.shrui %get3A_658, %shift_right_logical3A_667 : vector<16xi32>
        %swap3A_669 = arith.constant 1 : i32
        %swap3A_670 = arith.index_cast %swap3A_669 : i32 to index
        %swap3A_671 = arith.constant 112 : index
        %swap3A_672 = tpu.vector_load %arg8[%swap3A_670, %swap3A_671] {strides = array<i32>} : memref<2x128xi32, #tpu.memory_space<vmem>>, vector<1x16xi32>,
        %swap3A_673 = vector.shape_cast %swap3A_672 : vector<1x16xi32> to vector<16xi32>
        %swap3A_674 = vector.shape_cast %shift_right_logical3A_668 : vector<16xi32> to vector<1x16xi32>
        tpu.vector_store %arg8[%swap3A_670, %swap3A_671], %swap3A_674 {strides = array<i32>} : memref<2x128xi32, #tpu.memory_space<vmem>>, vector<1x16xi32>,
        %dma_start3A_675 = arith.constant 1 : i32
        %dma_start3A_676 = arith.constant 0 : i32
        %dma_start3A_677 = tpu.memref_slice %arg7[%dma_start3A_675, %dma_start3A_676] : memref<2x128xi32, #tpu.memory_space<vmem>> -> memref<1x128xi32, #tpu.memory_space<vmem>>
        %dma_start3A_678 = tpu.memref_squeeze %dma_start3A_677 : memref<1x128xi32, #tpu.memory_space<vmem>> -> memref<128xi32, #tpu.memory_space<vmem>>
        %dma_start3A_679 = arith.constant 0 : i32
        %dma_start3A_680 = arith.constant 0 : i32
        %dma_start3A_681 = tpu.memref_slice %arg2[%dma_start3A_679, %dma_start3A_680] : memref<10000x128xf32, #tpu.memory_space<hbm>> -> memref<10000x128xf32, #tpu.memory_space<hbm>>
        tpu.enqueue_indirect_dma source(%dma_start3A_681 : memref<10000x128xf32, #tpu.memory_space<hbm>>) target(%arg11 : memref<128x128xf32, #tpu.memory_space<vmem>>) offsets(%dma_start3A_678 : memref<128xi32, #tpu.memory_space<vmem>>) semaphore(%arg14 : memref<!tpu.dma_semaphore, #tpu.memory_space<semaphore_mem>>)
        %dma_start3A_682 = arith.constant 1 : i32
        %dma_start3A_683 = arith.constant 0 : i32
        %dma_start3A_684 = tpu.memref_slice %arg9[%dma_start3A_682, %dma_start3A_683] : memref<2x128xf32, #tpu.memory_space<vmem>> -> memref<1x128xf32, #tpu.memory_space<vmem>>
        %dma_start3A_685 = tpu.memref_squeeze %dma_start3A_684 : memref<1x128xf32, #tpu.memory_space<vmem>> -> memref<128xf32, #tpu.memory_space<vmem>>
        %dma_start3A_686 = arith.constant 0 : i32
        %dma_start3A_687 = arith.constant 0 : i32
        %dma_start3A_688 = tpu.memref_slice %arg4[%add3A, %dma_start3A_686, %dma_start3A_687] : memref<32x80x128xf32, #tpu.memory_space<hbm>> -> memref<1x80x128xf32, #tpu.memory_space<hbm>>
        %dma_start3A_689 = tpu.memref_squeeze %dma_start3A_688 : memref<1x80x128xf32, #tpu.memory_space<hbm>> -> memref<80x128xf32, #tpu.memory_space<hbm>>
        %dma_start3A_690 = arith.constant 0 : i32
        %dma_start3A_691 = tpu.memref_slice %dma_start3A_689[%add3A_509, %dma_start3A_690] : memref<80x128xf32, #tpu.memory_space<hbm>> -> memref<1x128xf32, #tpu.memory_space<hbm>>
        %dma_start3A_692 = tpu.memref_squeeze %dma_start3A_691 : memref<1x128xf32, #tpu.memory_space<hbm>> -> memref<128xf32, #tpu.memory_space<hbm>>
        %dma_start3A_693 = arith.constant 0 : i32
        %dma_start3A_694 = tpu.memref_slice %arg9[%dma_start3A_682, %dma_start3A_693] : memref<2x128xf32, #tpu.memory_space<vmem>> -> memref<1x128xf32, #tpu.memory_space<vmem>>
        %dma_start3A_695 = tpu.memref_squeeze %dma_start3A_694 : memref<1x128xf32, #tpu.memory_space<vmem>> -> memref<128xf32, #tpu.memory_space<vmem>>
        %dma_start3A_696 = arith.constant 0 : i32
        %dma_start3A_697 = arith.constant 0 : i32
        %dma_start3A_698 = tpu.memref_slice %arg4[%add3A, %dma_start3A_696, %dma_start3A_697] : memref<32x80x128xf32, #tpu.memory_space<hbm>> -> memref<1x80x128xf32, #tpu.memory_space<hbm>>
        %dma_start3A_699 = tpu.memref_squeeze %dma_start3A_698 : memref<1x80x128xf32, #tpu.memory_space<hbm>> -> memref<80x128xf32, #tpu.memory_space<hbm>>
        %dma_start3A_700 = arith.constant 0 : i32
        %dma_start3A_701 = tpu.memref_slice %dma_start3A_699[%add3A_509, %dma_start3A_700] : memref<80x128xf32, #tpu.memory_space<hbm>> -> memref<1x128xf32, #tpu.memory_space<hbm>>
        %dma_start3A_702 = tpu.memref_squeeze %dma_start3A_701 : memref<1x128xf32, #tpu.memory_space<hbm>> -> memref<128xf32, #tpu.memory_space<hbm>>
        tpu.enqueue_dma source(%dma_start3A_702 : memref<128xf32, #tpu.memory_space<hbm>>) target(%dma_start3A_695 : memref<128xf32, #tpu.memory_space<vmem>>) target_semaphore(%arg16 : memref<!tpu.dma_semaphore, #tpu.memory_space<semaphore_mem>>)
      } else {
      }
    }
    %scan3A_423 = arith.constant 40 : i32
    %barrier3A_424 = arith.constant 0 : index
    tpu.barrier barrier_id(%barrier3A_424)
    %mul3A_425 = arith.constant 632 : i32
    %mul3A_426 = arith.muli %arg1, %mul3A_425 : i32
    %mul3A_427 = arith.constant 632 : i32
    %mul3A_428 = arith.muli %arg1, %mul3A_427 : i32
    "tpu.region"() ({
      %run_scoped3A = tpu.sem_alloc : memref<!tpu.dma_semaphore, #tpu.memory_space<semaphore_mem>>
      %dma_start3A_429 = arith.constant 0 : i32
      %dma_start3A_430 = arith.constant 0 : i32
      %dma_start3A_431 = tpu.memref_slice %arg5[%arg0, %dma_start3A_429, %dma_start3A_430] : memref<2x10112x128xf32, #tpu.memory_space<hbm>> -> memref<1x10112x128xf32, #tpu.memory_space<hbm>>
      %dma_start3A_432 = tpu.memref_squeeze %dma_start3A_431 : memref<1x10112x128xf32, #tpu.memory_space<hbm>> -> memref<10112x128xf32, #tpu.memory_space<hbm>>
      %dma_start3A_433 = arith.constant 0 : i32
      %dma_start3A_434 = tpu.memref_slice %dma_start3A_432[%mul3A_428, %dma_start3A_433] : memref<10112x128xf32, #tpu.memory_space<hbm>> -> memref<632x128xf32, #tpu.memory_space<hbm>>
      %dma_start3A_435 = arith.constant 0 : i32
      %dma_start3A_436 = tpu.memref_slice %arg12[%mul3A_426, %dma_start3A_435] : memref<10112x128xf32, #tpu.memory_space<vmem_shared>> -> memref<632x128xf32, #tpu.memory_space<vmem_shared>>
      tpu.enqueue_dma source(%dma_start3A_436 : memref<632x128xf32, #tpu.memory_space<vmem_shared>>) target(%dma_start3A_434 : memref<632x128xf32, #tpu.memory_space<hbm>>) target_semaphore(%run_scoped3A : memref<!tpu.dma_semaphore, #tpu.memory_space<semaphore_mem>>)
      %dma_wait3A = arith.constant 0 : i32
      %dma_wait3A_437 = arith.constant 0 : i32
      %dma_wait3A_438 = tpu.memref_slice %arg5[%arg0, %dma_wait3A, %dma_wait3A_437] : memref<2x10112x128xf32, #tpu.memory_space<hbm>> -> memref<1x10112x128xf32, #tpu.memory_space<hbm>>
      %dma_wait3A_439 = tpu.memref_squeeze %dma_wait3A_438 : memref<1x10112x128xf32, #tpu.memory_space<hbm>> -> memref<10112x128xf32, #tpu.memory_space<hbm>>
      %dma_wait3A_440 = arith.constant 0 : i32
      %dma_wait3A_441 = tpu.memref_slice %dma_wait3A_439[%mul3A_428, %dma_wait3A_440] : memref<10112x128xf32, #tpu.memory_space<hbm>> -> memref<632x128xf32, #tpu.memory_space<hbm>>
      %dma_wait3A_442 = arith.constant 0 : i32
      %dma_wait3A_443 = tpu.memref_slice %arg12[%mul3A_426, %dma_wait3A_442] : memref<10112x128xf32, #tpu.memory_space<vmem_shared>> -> memref<632x128xf32, #tpu.memory_space<vmem_shared>>
      tpu.wait_dma2 semaphore(%run_scoped3A : memref<!tpu.dma_semaphore, #tpu.memory_space<semaphore_mem>>) src(%dma_wait3A_443 : memref<632x128xf32, #tpu.memory_space<vmem_shared>>) dst(%dma_wait3A_441 : memref<632x128xf32, #tpu.memory_space<hbm>>)
      tpu.yield
    }) : () -> ()
    return
  }
}

module attributes {stable_mosaic.version = 14 : i64} {
  func.func @_finish_kernel(%arg0: i32, %arg1: memref<2x1000x128xf32, #tpu.memory_space<vmem>>, %arg2: memref<128x128xf32, #tpu.memory_space<vmem>>, %arg3: memref<1x128xf32, #tpu.memory_space<vmem>>, %arg4: memref<1000x128xf32, #tpu.memory_space<vmem>>) attributes {dimension_semantics = [#tpu.dimension_semantics<arbitrary>], iteration_bounds = array<i64: 10>, scalar_prefetch = 0 : i64, scratch_operands = 0 : i64, tpu.core_type = #tpu.core_type<tc>, window_params = [{transform_indices = @transform_0, window_bounds = array<i64: 2, 1000, 128>}, {pipeline_mode = #tpu.pipeline_mode<synchronous>, transform_indices = @transform_1, window_bounds = array<i64: 128, 128>}, {pipeline_mode = #tpu.pipeline_mode<synchronous>, transform_indices = @transform_2, window_bounds = array<i64: 1, 128>}, {transform_indices = @transform_3, window_bounds = array<i64: 1000, 128>}]} {
    %get3A = arith.constant 0 : index
    %get3A_0 = arith.constant 0 : index
    %get3A_1 = arith.constant 0 : index
    %get3A_2 = vector.load %arg1[%get3A, %get3A_0, %get3A_1] : memref<2x1000x128xf32, #tpu.memory_space<vmem>>, vector<1x1000x128xf32>
    %get3A_3 = vector.shape_cast %get3A_2 : vector<1x1000x128xf32> to vector<1000x128xf32>
    %get3A_4 = arith.constant 1 : index
    %get3A_5 = arith.constant 0 : index
    %get3A_6 = arith.constant 0 : index
    %get3A_7 = vector.load %arg1[%get3A_4, %get3A_5, %get3A_6] : memref<2x1000x128xf32, #tpu.memory_space<vmem>>, vector<1x1000x128xf32>
    %get3A_8 = vector.shape_cast %get3A_7 : vector<1x1000x128xf32> to vector<1000x128xf32>
    %add3A = arith.addf %get3A_3, %get3A_8 : vector<1000x128xf32>
    %get3A_9 = arith.constant 0 : index
    %get3A_10 = arith.constant 0 : index
    %get3A_11 = vector.load %arg2[%get3A_9, %get3A_10] : memref<128x128xf32, #tpu.memory_space<vmem>>, vector<128x128xf32>
    %dot_general3A = arith.constant dense<0.000000e+00> : vector<1000x128xf32>
    %dot_general3A_12 = tpu.matmul %add3A, %get3A_11, %dot_general3A {dimension_numbers = #tpu.dot_dimension_numbers<[1], [0], [0], [1], [0, 0, 1, 1], [], []>, transpose_lhs_hint = false} : vector<1000x128xf32>, vector<128x128xf32>, vector<1000x128xf32> -> vector<1000x128xf32>
    %get3A_13 = arith.constant 0 : index
    %get3A_14 = arith.constant 0 : index
    %get3A_15 = vector.load %arg3[%get3A_13, %get3A_14] : memref<1x128xf32, #tpu.memory_space<vmem>>, vector<1x128xf32>
    %add3A_16 = vector.broadcast %get3A_15 : vector<1x128xf32> to vector<1000x128xf32>
    %add3A_17 = arith.addf %dot_general3A_12, %add3A_16 : vector<1000x128xf32>
    %max3A = arith.constant 0.000000e+00 : f32
    %max3A_18 = vector.broadcast %max3A : f32 to vector<1000x128xf32>
    %max3A_19 = arith.maximumf %add3A_17, %max3A_18 : vector<1000x128xf32>
    %swap3A = arith.constant 0 : index
    %swap3A_20 = arith.constant 0 : index
    %swap3A_21 = vector.load %arg4[%swap3A, %swap3A_20] : memref<1000x128xf32, #tpu.memory_space<vmem>>, vector<1000x128xf32>
    tpu.vector_store %arg4[%swap3A, %swap3A_20], %max3A_19 {strides = array<i32>} : memref<1000x128xf32, #tpu.memory_space<vmem>>, vector<1000x128xf32>,
    return
  }
  func.func @transform_0(%arg0: i32) -> (i32, i32, i32) {
    %c0_i32 = arith.constant 0 : i32
    %c0_i32_0 = arith.constant 0 : i32
    %c0_i32_1 = arith.constant 0 : i32
    return %c0_i32, %arg0, %c0_i32_0 : i32, i32, i32
  }
  func.func @transform_1(%arg0: i32) -> (i32, i32) {
    %c0_i32 = arith.constant 0 : i32
    %c0_i32_0 = arith.constant 0 : i32
    %c0_i32_1 = arith.constant 0 : i32
    return %c0_i32, %c0_i32_0 : i32, i32
  }
  func.func @transform_2(%arg0: i32) -> (i32, i32) {
    %c0_i32 = arith.constant 0 : i32
    %c0_i32_0 = arith.constant 0 : i32
    %c0_i32_1 = arith.constant 0 : i32
    return %c0_i32, %c0_i32_0 : i32, i32
  }
  func.func @transform_3(%arg0: i32) -> (i32, i32) {
    %c0_i32 = arith.constant 0 : i32
    %c0_i32_0 = arith.constant 0 : i32
    return %arg0, %c0_i32 : i32, i32
  }
}

</mosaic_0001>

<sc_bundles>
// kernel: kernel.4.cloned.1.call-start
scs
__scs_entry_jumppad:
0x0: {  	(pc) =	sbr.rel $0x88, $3  }
0x1: {  	(tag) =	ssettag $0x0;
	lr =	simm.s32 $0x1  }
0x2: {  	[smem:$0x3F9C] =	sst lr;
	_ =	strace $0xD0000000  }
0x3: {  	_ = 	snop  }
0x4: {  	_ = 	snop  }
0x5: {  	_ = 	snop  }
0x6: {  	_ = 	snop  }
0x7: {  	_ = 	snop  }
__scs_overlays_trampoline_lowered:
0x8: {  	[smem:$0x3FAB] =	sst s0  }
0x9: {  	[smem:$0x3FAC] =	sst s1  }
0xa: {  	[smem:$0x3FAD] =	sst s2  }
0xb: {  	[smem:$0x3FAE] =	sst s3  }
0xc: {  	[smem:$0x3FAF] =	sst s4  }
0xd: {  	[smem:$0x3FB0] =	sst s5  }
0xe: {  	[smem:$0x3FB1] =	sst s6  }
0xf: {  	[smem:$0x3FB2] =	sst s7  }
0x10: {  	[smem:$0x3FB3] =	sst s8  }
0x11: {  	[smem:$0x3FB4] =	sst s9;
	s0 =	simm.s32 @!p0 $0x0  }
0x12: {  	s1 =	sld [smem:$0x3F9A];
	s0 =	simm.s32 @p0 $0x1  }
0x13: {  	[smem:$0x3FB5] =	sst s0;
	s0 =	simm.s32 @!p1 $0x0  }
0x14: {  	s2 =	sld [smem:$0x3F99];
	s0 =	simm.s32 @p1 $0x1  }
0x15: {  	[smem:$0x3FB6] =	sst s0;
	s0 =	simm.s32 @!p2 $0x0  }
0x16: {  	s3 =	sld [smem:$0x3FDB];
	s0 =	simm.s32 @p2 $0x1  }
0x17: {  	s4 =	simm.s32 $0x1BF5;
	[smem:$0x3FB8] =	sst s0  }
0x18: {  	s0 =	sld [smem:$0x3F9B];
	_ =	swait.ge [sflag:s4], $0x0  }
0x19: {  	s7 =	sld [smem:$0x3F9C]  }
0x1a: {  	s8 =	sadd.s32 $0xFFFFE003, lr  }
0x1b: {  	s9 =	sadd.s32 $0xFFFFFEF7, lr;
	s5 =	simm.s32 $0xFFFFFFFF;
	p2 =	slt.u32 s8, $0xFFFFF086  }
0x1c: {  	p1 =	slt.u32 s9, $0xF7A;
	s5 =	simm.s32 @!p2 $0x0  }
0x1d: {  	s5 =	simm.s32 @p1 $0x1;
	p0 =	seq.s32 s7, s2  }
0x1e: {  	s7 =	smul.u32 @!p0 $0xF7A, s2;
	p2 =	seq.s32 @!p0 s5, $0x0  }
0x1f: {  	s9 =	smul.u32 $0xF7A, s1;
	s8 =	simm.s32 @!p0 $0x1BF5;
	p2 =	por !p2, p0  }
0x20: {  	[sflag:s8] =	ssyncset.s32 @!p0 $0xFFFFF086;
	s6 =	sadd.s32 @!p0 s3, s7;
	s7 =	simm.s32 @!p0 $0x108  }
0x21: {  	s3 =	sadd.s32 s3, s9;
	s6 =	sadd.s32 @!p0 $0x88, s6;
	s7 =	simm.s32 @p2 $0x1082  }
0x22: {  	[simem:s7], [sflag:s8] =	dma.local @!p0 [hbm:s6], $0xF7A  }
0x23: {  	s9 =	sor.u32 $0xD0000000, s2;
	s6 =	simm.s32 $0x108;
	_ =	swait.ge @!p0 [sflag:s8], $0x0  }
0x24: {  	s3 =	sadd.s32 $0x88, s3;
	s6 =	simm.s32 @!p1 $0x1082;
	[sflag:s4] =	ssyncset.s32 $0xFFFFF086  }
0x25: {  	[simem:s6], [sflag:s4] =	dma.local [hbm:s3], $0xF7A  }
0x26: {  	[smem:$0x3F9C] =	sst s1;
	(tag) =	ssettag s2;
	_ =	strace s9  }
0x27: {  	s1 =	sld [smem:$0x3FAC]  }
0x28: {  	s2 =	sld [smem:$0x3FAD]  }
0x29: {  	s4 =	sld [smem:$0x3FAF]  }
0x2a: {  	p0 =	seq.s32 s5, $0x0;
	s5 =	sld [smem:$0x3FB0]  }
0x2b: {  	s6 =	sld [smem:$0x3FB1]  }
0x2c: {  	s7 =	sld [smem:$0x3FB2]  }
0x2d: {  	s3 =	simm.s32 $0x108;
	s8 =	sld [smem:$0x3FB3]  }
0x2e: {  	s3 =	simm.s32 @!p0 $0x1082;
	s9 =	sld [smem:$0x3FB4]  }
0x2f: {  	lr =	sadd.s32 s0, s3;
	s0 =	sld [smem:$0x3FAB]  }
0x30: {  	s3 =	sld [smem:$0x3FAE]  }
0x31: {  	[smem:$0x3FB7] =	sst s10  }
0x32: {  	s10 =	sld [smem:$0x3FB5];
	_ =	sdelay $0x3  }
0x33: {  	p0 =	seq.s32 s10, $0x1;
	s10 =	sld [smem:$0x3FB7];
	_ =	sdelay $0x3  }
0x34: {  	[smem:$0x3FB7] =	sst s10  }
0x35: {  	s10 =	sld [smem:$0x3FB6];
	_ =	sdelay $0x3  }
0x36: {  	p1 =	seq.s32 s10, $0x1;
	s10 =	sld [smem:$0x3FB7];
	_ =	sdelay $0x3  }
0x37: {  	[smem:$0x3FB7] =	sst s10  }
0x38: {  	s10 =	sld [smem:$0x3FB8]  }
0x39: {  	_ = 	snop;
	(pc) =	sbr.ind lr, $3  }
0x3a: {  	_ = 	snop  }
0x3b: {  	_ = 	snop  }
0x3c: {  	p2 =	seq.s32 s10, $0x1;
	s10 =	sld [smem:$0x3FB7]  }
0x3d: {  	_ =	shalt  }
0x3e: {  	_ =	shalt  }
0x3f: {  	_ =	shalt  }
0x40: {  	_ =	shalt  }
0x41: {  	_ =	shalt  }
0x42: {  	_ =	shalt  }
0x43: {  	_ =	shalt  }
0x44: {  	_ =	shalt  }
0x45: {  	_ =	shalt  }
0x46: {  	_ =	shalt  }
0x47: {  	_ =	shalt  }
0x48: {  	_ =	shalt  }
0x49: {  	_ =	shalt  }
0x4a: {  	_ =	shalt  }
0x4b: {  	_ =	shalt  }
0x4c: {  	_ =	shalt  }
0x4d: {  	_ =	shalt  }
0x4e: {  	_ =	shalt  }
0x4f: {  	_ =	shalt  }
0x50: {  	_ =	shalt  }
0x51: {  	_ =	shalt  }
0x52: {  	_ =	shalt  }
0x53: {  	_ =	shalt  }
0x54: {  	_ =	shalt  }
0x55: {  	_ =	shalt  }
0x56: {  	_ =	shalt  }
0x57: {  	_ =	shalt  }
0x58: {  	_ =	shalt  }
0x59: {  	_ =	shalt  }
0x5a: {  	_ =	shalt  }
0x5b: {  	_ =	shalt  }
0x5c: {  	_ =	shalt  }
0x5d: {  	_ =	shalt  }
0x5e: {  	_ =	shalt  }
0x5f: {  	_ =	shalt  }
0x60: {  	_ =	shalt  }
0x61: {  	_ =	shalt  }
0x62: {  	_ =	shalt  }
0x63: {  	_ =	shalt  }
0x64: {  	_ =	shalt  }
0x65: {  	_ =	shalt  }
0x66: {  	_ =	shalt  }
0x67: {  	_ =	shalt  }
0x68: {  	_ =	shalt  }
0x69: {  	_ =	shalt  }
0x6a: {  	_ =	shalt  }
0x6b: {  	_ =	shalt  }
0x6c: {  	_ =	shalt  }
0x6d: {  	_ =	shalt  }
0x6e: {  	_ =	shalt  }
0x6f: {  	_ =	shalt  }
0x70: {  	_ =	shalt  }
0x71: {  	_ =	shalt  }
0x72: {  	_ =	shalt  }
0x73: {  	_ =	shalt  }
0x74: {  	_ =	shalt  }
0x75: {  	_ =	shalt  }
0x76: {  	_ =	shalt  }
0x77: {  	_ =	shalt  }
0x78: {  	_ =	shalt  }
0x79: {  	_ =	shalt  }
0x7a: {  	_ =	shalt  }
0x7b: {  	_ =	shalt  }
0x7c: {  	_ =	shalt  }
0x7d: {  	_ =	shalt  }
0x7e: {  	_ =	shalt  }
0x7f: {  	_ =	shalt  }
0x80: {  	_ =	shalt  }
0x81: {  	_ =	shalt  }
0x82: {  	_ =	shalt  }
0x83: {  	_ =	shalt  }
0x84: {  	_ =	shalt  }
0x85: {  	_ =	shalt  }
0x86: {  	_ =	shalt  }
0x87: {  	_ =	shalt  }
.Lfunc_end0:
.L_simem_size_0:
called_computation_lowered:
.L_overlay_start_0:
0x88: {  	s2 =	sld [smem:$0x3FD9]  }
0x89: {  	s3 =	sld [smem:$0x3FFE];
	_ =	sdelay $0x1  }
0x8a: {  	s1 =	srdreg.scid  }
0x8b: {  	s0 =	sand.u32 $0x1, s1  }
0x8c: {  	s17 =	sshll.u32 s0, $0xA;
	s2 =	sadd.s32 s3, s2  }
0x8d: {  	s2 =	sadd.s32 s2, s17  }
0x8e: {  	[smem:$0x3FC3] =	sst s2  }
0x8f: {  	_ = 	snop  }
0x90: {  	s2 =	sld [smem:$0x3FC9]  }
0x91: {  	s18 =	sld [smem:$0x3FD0];
	(tm) =	ssettm $0x1  }
0x92: {  	s4 =	sld [smem:$0x3FFB];
	_ =	sdelay $0x3  }
0x93: {  	_ =	strace s4  }
0x94: {  	s4 =	sld [smem:$0x3FFC];
	_ =	sdelay $0x3  }
0x95: {  	_ =	strace s4  }
0x96: {  	s4 =	sld [smem:$0x3FFD];
	_ =	sdelay $0x3  }
0x97: {  	_ =	strace s4  }
0x98: {  	_ =	strace $0x8FFFFFFF  }
0x99: {  	s19 =	sld [smem:$0x3FDB];
	_ =	sdelay $0x1  }
0x9a: {  	s5 =	simm.s32 $_scs_section_size  }
0x9b: {  	s6 =	simm.s32 $_size__tile_overlayer_lowered;
	s7 =	simm.s32 $_tile_overlayer_lowered  }
0x9c: {  	s22 =	simm.s32 $0x1BFF;
	s21 =	sshll.u32 s7, $0x1;
	s4 =	sadd.s32 s5, s19  }
0x9d: {  	s8 =	simm.s32 $0x0;
	s20 =	sshll.u32 s6, $0x1;
	s6 =	sadd.s32 s21, s4  }
0x9e: {  	[timem:s8], [sflag:s22] =	dma.local [hbm:s6], s20  }
0x9f: {  	_ =	swait.ge [sflag:s22], s20  }
0xa0: {  	s5 =	ssub.s32 $0x0, s20;
	[sflag:s22] =	ssyncset.done $0x0  }
0xa1: {  	[sflag:s22] =	ssyncadd.s32 s5;
	_ =	sdelay $0x1  }
0xa2: {  	s23 =	simm.s32 $0x1B8B  }
0xa3: {  	_ =	swait.ge [sflag:s23], $0x1  }
0xa4: {  	[sflag:s23] =	ssyncset.done $0x0  }
0xa5: {  	s25 =	simm.s32 $0x1B8E;
	s24 =	sld [smem:$0x3FFE];
	[sflag:s23] =	ssyncadd.s32 $0xFFFFFFFF  }
0xa6: {  	s26 =	simm.s32 $execute0_lowered;
	[smem:$0x3FD2] =	sst s25  }
0xa7: {  	s6 =	sshll.u32 s26, $0x1;
	_ =	strace $0x80000046;
	[dreg:$0x1] =	wrdreg $0xFFFFFFFF  }
0xa8: {  	s28 =	simm.s32 $_size_execute0_lowered;
	s4 =	sadd.s32 s4, s6;
	[dreg:$0x0] =	wrdreg $0x0  }
0xa9: {  	s6 =	sshll.u32 s28, $0x1;
	[dreg:$0x2] =	wrdreg s4  }
0xaa: {  	[dreg:$0x3] =	wrdreg s6  }
0xab: {  	[dreg:$0x4] =	wrdreg $0xC0  }
0xac: {  	_ =	task [dreg:s8], $0x5FFFF  }
0xad: {  	[dreg:$0x1] =	wrdreg $0xFFFFFFFF  }
0xae: {  	[dreg:$0x0] =	wrdreg $0x60  }
0xaf: {  	[dreg:$0x2] =	wrdreg s2  }
0xb0: {  	[dreg:$0x3] =	wrdreg s18  }
0xb1: {  	[dreg:$0x4] =	wrdreg s24  }
0xb2: {  	[dreg:$0x5] =	wrdreg $0xAB000  }
0xb3: {  	[dreg:$0x6] =	wrdreg $0x9  }
0xb4: {  	_ =	task.clear_ibuf [dreg:s8], $0x7FFFF;
	_ =	strace $0x90000046  }
0xb5: {  	s29 =	simm.s32 $0x9;
	_ =	strace $0x80000048  }
0xb6: {  	_ =	swait.ge [sflag:s29], $0x1  }
0xb7: {  	[sflag:s29] =	ssyncadd.s32 $0xFFFFFFFF  }
0xb8: {  	_ =	strace $0x90000048  }
0xb9: {  	_ =	sfence  }
0xba: {  	s30 =	sld [smem:$0x0];
	_ =	sdelay $0x2  }
0xbb: {  	s31 =	sshll.u32 s1, $0xD;
	s1 =	sshrl.u32 s1, $0x2  }
0xbc: {  	s3 =	sand.u32 $0x4000, s31;
	s1 =	sadd.s32 s1, s30  }
0xbd: {  	s0 =	sor.u32 s3, s0;
	s1 =	sshll.u32 s1, $0x11  }
0xbe: {  	s0 =	sor.u32 s1, s0  }
0xbf: {  	s0 =	sadd.s32 $0x8F2B, s0  }
0xc0: {  	[sflag:s0] =	ssyncadd.remote.s32 $0x1  }
0xc1: {  	_ =	sfence.sel $0xFFFF  }
0xc2: {  	[dreg:$0x0] =	wrdreg $0xFFFFFFFF;
	(pc) =	sbr.abs _section_cstart, $3  }
0xc3: {  	[dreg:$0x1] =	wrdreg $0xFFFFFFFF  }
0xc4: {  	_ =	task.clear_ibuf [dreg:s8], $0x2FFFF;
	_ =	strace $0x9FFFFFFF  }
0xc5: {  	(tm) =	ssettm $0x7FFFFFFF  }
tec
execute0_lowered:
.L_overlay_start_1:
0x0: {  	(tag) =	ssettag $0x1  }
0x1: {  	s1 =	rddreg [dreg:$0x0]  }
0x2: {  	s2 =	rddreg [dreg:$0x1];
	s3 =	srdreg.scid  }
0x3: {  	s0 =	stileid.u32;
	s5 =	rddreg [dreg:$0x2];
	s14 =	simm.s32 $0x2B00  }
0x4: {  	s15 =	simm.s32 $0x80;
	s18 =	simm.s32 $0x2880;
	s19 =	simm.s32 $0x6B00  }
0x5: {  	s21 =	simm.s32 $0x2A80;
	s22 =	simm.s32 $0x1;
	s23 =	simm.s32 $0x3  }
0x6: {  	s25 =	simm.s32 $0x2900;
	s28 =	simm.s32 $0x4;
	s29 =	simm.s32 $0x2980  }
0x7: {  	s30 =	simm.s32 $0x0;
	s6 =	sand.u32 $0x1, s3;
	s8 =	smul.u32 $0x4F000, s0  }
0x8: {  	s4 =	sshll.u32 s0, $0x1;
	s3 =	rddreg [dreg:$0x3];
	s16 =	smul.u32 $0x2780, s0  }
0x9: {  	s7 =	sor.u32 s6, s4;
	s4 =	simm.s32 $0x0;
	s9 =	smul.u32 $0x27800, s6  }
0xa: {  	s6 =	ssub.s32 $0x2, s6;
	s7 =	smul.u32 $0x500, s7;
	[smem:$0x7FF] =	sst s4  }
0xb: {  	s8 =	sshrl.u32 s8, $0x2;
	s26 =	sshrl.u32 s6, $0x1;
	_ =	strace $0x80000047  }
0xc: {  	s12 =	sadd.s32 s9, s5;
	s13 =	ssub.s32 s6, s26;
	s26 =	simm.s32 $0x2  }
.Ltmp0:
0xd: {  	s11 =	sadd.s32 s7, s5;
	s5 =	sadd.s32 s8, s3;
	(pc) =	sbr.rel .LBB2_1-.Ltmp0, $4  }
0xe: {  	s2 =	sadd.s32 s2, s7;
	s31 =	sadd.s32 $0xA400, s12;
	s12 =	smax.u32 s13, $0x1  }
0xf: {  	s13 =	simm.s32 $0x5;
	[dreg:$0x5] =	wrdreg s2;
	s7 =	sadd.s32 $0x4000, s5  }
0x10: {  	s8 =	sadd.s32 $0x8000, s5;
	s9 =	sadd.s32 $0xC000, s5;
	s11 =	sadd.s32 $0x400, s11  }
0x11: {  	v0 =	vimm.f32 $0.0e+00;
	s10 =	sadd.s32 $0x10000, s5;
	s24 =	sadd.s32 s16, s31;
	s20 =	sadd.s32 $0x10, s11  }
.LBB2_10:
0x12: {  	s0 =	stileid.u32;
	s30 =	sadd.s32 $0x1, s30  }
0x13: {  	[bflag:$0x0] =	sbarrier.arrive $0xFFFF;
	s0 =	sshll.u32 s0, $0x6;
	p0 =	sne.s32 s30, s12  }
.Ltmp1:
0x14: {  	s2 =	sshrl.u32 s5, $0x3;
	s0 =	sor.u32 $0x1C05, s0;
	(pc) =	sbr.rel @!p0 .LBB2_11-.Ltmp1, $4  }
0x15: {  	[hbm:s24], [sflag:s0] =	dma.local [spmem:s2], $0x2780  }
0x16: {  	_ =	swait.ge [sflag:s13], $0x2780  }
0x17: {  	[sflag:s13] =	ssyncset.done $0x0  }
0x18: {  	[sflag:s13] =	ssyncadd.s32 $0xFFFFD880  }
.LBB2_1:
0x19: {  	s0 =	rddreg [dreg:$0x5]  }
0x1a: {  	[tilespmem:s4], [sflag:$0x5] =	stream.linear.gather [hbm4b:s0+s4], $0x2800, $0x38;
	[tilespmem:$0x1E700] =	vst v63  }
0x1b: {  	_ =	swait.ge [sflag:s13], $0x2800  }
0x1c: {  	[sflag:s13] =	ssyncset.done $0x0  }
0x1d: {  	s2 =	simm.s32 $0x0;
	s16 =	simm.s32 $0x200;
	[sflag:s13] =	ssyncadd.s32 $0xFFFFD800  }
.LBB2_2:
0x1e: {  	p0 =	sne.s32 s16, $0xFE00;
	[tilespmem:s2+$0x2B70] =	vst v0  }
0x1f: {  	[tilespmem:s2+$0x2B00] =	vst v0  }
0x20: {  	[tilespmem:s2+$0x2B10] =	vst v0  }
.Ltmp2:
0x21: {  	[tilespmem:s2+$0x2B20] =	vst v0;
	(pc) =	sbr.rel @p0 .LBB2_2-.Ltmp2, $4  }
0x22: {  	[tilespmem:s2+$0x2B30] =	vst v0  }
0x23: {  	[tilespmem:s2+$0x2B40] =	vst v0  }
0x24: {  	[tilespmem:s2+$0x2B50] =	vst v0  }
0x25: {  	[tilespmem:s2+$0x2B60] =	vst v0;
	s2 =	sshra.s32 s16, $0x2;
	s16 =	sadd.s32 $0x200, s16  }
0x26: {  	[tilespmem:s2+$0x2B70] =	vst v0  }
0x27: {  	[tilespmem:s2+$0x2B00] =	vst v0  }
0x28: {  	[tilespmem:s2+$0x2B10] =	vst v0  }
0x29: {  	[tilespmem:s2+$0x2B20] =	vst v0  }
0x2a: {  	[tilespmem:s2+$0x2B30] =	vst v0  }
0x2b: {  	[tilespmem:s2+$0x2B40] =	vst v0  }
0x2c: {  	[tilespmem:s2+$0x2B50] =	vst v0  }
0x2d: {  	[tilespmem:s2+$0x2B60] =	vst v0  }
0x2e: {  	[spmem:s5] =	stream.linear.scatter [tilespmem:s14], [sflag:$0x5], $0x4000, $0x38;
	[tilespmem:$0x1E700] =	vst v63  }
0x2f: {  	_ =	swait.ge [sflag:s13], $0x4000  }
0x30: {  	[sflag:s13] =	ssyncset.done $0x0  }
0x31: {  	[sflag:s13] =	ssyncadd.s32 $0xFFFFC000  }
0x32: {  	[spmem:s7] =	stream.linear.scatter [tilespmem:s14], [sflag:$0x5], $0x4000, $0x38;
	[tilespmem:$0x1E700] =	vst v63  }
0x33: {  	_ =	swait.ge [sflag:s13], $0x4000  }
0x34: {  	[sflag:s13] =	ssyncset.done $0x0  }
0x35: {  	[sflag:s13] =	ssyncadd.s32 $0xFFFFC000  }
0x36: {  	[spmem:s8] =	stream.linear.scatter [tilespmem:s14], [sflag:$0x5], $0x4000, $0x38;
	[tilespmem:$0x1E700] =	vst v63  }
0x37: {  	_ =	swait.ge [sflag:s13], $0x4000  }
0x38: {  	[sflag:s13] =	ssyncset.done $0x0  }
0x39: {  	[sflag:s13] =	ssyncadd.s32 $0xFFFFC000  }
0x3a: {  	[spmem:s9] =	stream.linear.scatter [tilespmem:s14], [sflag:$0x5], $0x4000, $0x38;
	[tilespmem:$0x1E700] =	vst v63  }
0x3b: {  	_ =	swait.ge [sflag:s13], $0x4000  }
0x3c: {  	[sflag:s13] =	ssyncset.done $0x0  }
0x3d: {  	[sflag:s13] =	ssyncadd.s32 $0xFFFFC000  }
0x3e: {  	[spmem:s10] =	stream.linear.scatter [tilespmem:s14], [sflag:$0x5], $0x3C00, $0x38;
	[tilespmem:$0x1E700] =	vst v63  }
0x3f: {  	_ =	swait.ge [sflag:s13], $0x3C00  }
0x40: {  	[sflag:s13] =	ssyncset.done $0x0  }
0x41: {  	[sflag:s13] =	ssyncadd.s32 $0xFFFFC400  }
0x42: {  	[bflag:$0x0] =	sbarrier.arrive $0xFFFF  }
0x43: {  	v1 =	vld [tilespmem:$0x0];
	_ =	sdelay $0x1  }
0x44: {  	v2 =	vld [tilespmem:$0x10];
	_ =	sdelay $0x1  }
0x45: {  	v3 =	vld [tilespmem:$0x20]  }
0x46: {  	v4 =	vand.u32 $0xFFFF, v1  }
0x47: {  	v59 =	vld [tilespmem:$0x30];
	v1 =	vshrl.u32 v1, $0x10;
	[tilespmem:$0x2800] =	vst v4  }
0x48: {  	[tilespmem:$0x2900] =	vst v1;
	v1 =	vand.u32 $0xFFFF, v2  }
0x49: {  	[tilespmem:$0x2810] =	vst v1;
	v1 =	vshrl.u32 v2, $0x10;
	v2 =	vld [tilespmem:$0x40]  }
0x4a: {  	[tilespmem:$0x2910] =	vst v1;
	v1 =	vand.u32 $0xFFFF, v3  }
0x4b: {  	[tilespmem:$0x2820] =	vst v1;
	v1 =	vshrl.u32 v3, $0x10;
	v3 =	vld [tilespmem:$0x50]  }
0x4c: {  	[tilespmem:$0x2920] =	vst v1;
	v1 =	vand.u32 $0xFFFF, v59  }
0x4d: {  	v60 =	vld [tilespmem:$0x60];
	[tilespmem:$0x2830] =	vst v1;
	v1 =	vshrl.u32 v59, $0x10  }
0x4e: {  	[tilespmem:$0x2930] =	vst v1;
	v1 =	vand.u32 $0xFFFF, v2  }
0x4f: {  	[tilespmem:$0x2840] =	vst v1;
	v1 =	vshrl.u32 v2, $0x10;
	v2 =	vld [tilespmem:$0x70]  }
0x50: {  	[tilespmem:$0x2940] =	vst v1;
	v1 =	vand.u32 $0xFFFF, v3  }
0x51: {  	[tilespmem:$0x2850] =	vst v1;
	v1 =	vshrl.u32 v3, $0x10  }
0x52: {  	[tilespmem:$0x2950] =	vst v1;
	v1 =	vand.u32 $0xFFFF, v60  }
0x53: {  	[tilespmem:$0x2860] =	vst v1;
	v1 =	vshrl.u32 v60, $0x10  }
0x54: {  	[tilespmem:$0x2960] =	vst v1;
	v1 =	vand.u32 $0xFFFF, v2  }
0x55: {  	[tilespmem:$0x2870] =	vst v1;
	v1 =	vshrl.u32 v2, $0x10  }
0x56: {  	s0 =	simm.s32 $0x2800;
	[tilespmem:$0x2970] =	vst v1  }
0x57: {  	[tilespmem:s14], [sflag:$0x1] =	stream.indirect.gather [hbm4b:s1+s15], $0x80, s0, s15, $0xb8;
	[tilespmem:$0x1E700] =	vst v63  }
0x58: {  	s31 =	simm.s32 $0x0;
	s17 =	simm.s32 $0x2A00  }
0x59: {  	[tilespmem:s17], [sflag:$0x3] =	stream.linear.gather [hbm4b:s11+s31], $0x80, $0x38;
	[tilespmem:$0x1E700] =	vst v63  }
0x5a: {  	v1 =	vld [tilespmem:$0x80];
	_ =	sdelay $0x1  }
0x5b: {  	v2 =	vld [tilespmem:$0x90];
	_ =	sdelay $0x1  }
0x5c: {  	v3 =	vld [tilespmem:$0xA0]  }
0x5d: {  	v61 =	vand.u32 $0xFFFF, v1  }
0x5e: {  	v62 =	vld [tilespmem:$0xB0];
	v1 =	vshrl.u32 v1, $0x10;
	[tilespmem:$0x2880] =	vst v61  }
0x5f: {  	[tilespmem:$0x2980] =	vst v1;
	v1 =	vand.u32 $0xFFFF, v2  }
0x60: {  	[tilespmem:$0x2890] =	vst v1;
	v1 =	vshrl.u32 v2, $0x10;
	v2 =	vld [tilespmem:$0xC0]  }
0x61: {  	[tilespmem:$0x2990] =	vst v1;
	v1 =	vand.u32 $0xFFFF, v3  }
0x62: {  	[tilespmem:$0x28A0] =	vst v1;
	v1 =	vshrl.u32 v3, $0x10;
	v3 =	vld [tilespmem:$0xD0]  }
0x63: {  	[tilespmem:$0x29A0] =	vst v1;
	v1 =	vand.u32 $0xFFFF, v62  }
0x64: {  	v63 =	vld [tilespmem:$0xE0];
	[tilespmem:$0x28B0] =	vst v1;
	v1 =	vshrl.u32 v62, $0x10  }
0x65: {  	[tilespmem:$0x29B0] =	vst v1;
	v1 =	vand.u32 $0xFFFF, v2  }
0x66: {  	[tilespmem:$0x28C0] =	vst v1;
	v1 =	vshrl.u32 v2, $0x10;
	v2 =	vld [tilespmem:$0xF0]  }
0x67: {  	[tilespmem:$0x29C0] =	vst v1;
	v1 =	vand.u32 $0xFFFF, v3  }
0x68: {  	[tilespmem:$0x28D0] =	vst v1;
	v1 =	vshrl.u32 v3, $0x10  }
0x69: {  	[tilespmem:$0x29D0] =	vst v1;
	v1 =	vand.u32 $0xFFFF, v63  }
0x6a: {  	[tilespmem:$0x28E0] =	vst v1;
	v1 =	vshrl.u32 v63, $0x10  }
0x6b: {  	[tilespmem:$0x29E0] =	vst v1;
	v1 =	vand.u32 $0xFFFF, v2  }
0x6c: {  	[tilespmem:$0x28F0] =	vst v1;
	v1 =	vshrl.u32 v2, $0x10  }
0x6d: {  	[tilespmem:$0x29F0] =	vst v1  }
0x6e: {  	[tilespmem:s19], [sflag:$0x2] =	stream.indirect.gather [hbm4b:s1+s15], $0x80, s18, s15, $0xb8;
	[tilespmem:$0x1E700] =	vst v63  }
0x6f: {  	_ = 	snop  }
0x70: {  	[tilespmem:s21], [sflag:$0x4] =	stream.linear.gather [hbm4b:s20+s31], $0x80, $0x38;
	[tilespmem:$0x1E700] =	vst v63  }
.LBB2_4:
0x71: {  	_ =	swait.ge [sflag:s22], $0x4000  }
0x72: {  	[sflag:s22] =	ssyncset.done $0x0  }
0x73: {  	[sflag:s22] =	ssyncadd.s32 $0xFFFFC000  }
0x74: {  	_ =	swait.ge [sflag:s23], $0x80  }
0x75: {  	s2 =	simm.s32 $0x0;
	[sflag:s23] =	ssyncset.done $0x0  }
0x76: {  	s2 =	sand.u32 $0x3FFFFFF0, s2;
	[sflag:s23] =	ssyncadd.s32 $0xFFFFFF80  }
0x77: {  	s16 =	simm.s32 $0x0;
	v1 =	vld [tilespmem:s2+$0x2A00]  }
0x78: {  	s2 =	sand.u32 $0x3FFFF800, s16  }
0x79: {  	v3 =	vld [tilespmem:s2+$0x2B20]  }
0x7a: {  	v4 =	vld [tilespmem:s2+$0x2B30]  }
0x7b: {  	v10 =	vld [tilespmem:s2+$0x2B60]  }
0x7c: {  	v11 =	vld [tilespmem:s2+$0x2B70];
	v2 =	vbroadcast v1, $0x0  }
0x7d: {  	v12 =	vld [tilespmem:s2+$0x2B80]  }
0x7e: {  	v13 =	vld [tilespmem:s2+$0x2B90];
	v3 =	vmul.f32 v3, v2  }
0x7f: {  	v14 =	vld [tilespmem:s2+$0x2BA0];
	v4 =	vmul.f32 v4, v2  }
0x80: {  	v9 =	vld [tilespmem:s2+$0x2BB0];
	v23 =	vbroadcast v1, $0x1;
	v22 =	vmul.f32 v10, v2;
	[tilespmem:s2+$0x2B20] =	vst v3  }
0x81: {  	v7 =	vld [tilespmem:s2+$0x2BC0];
	v11 =	vmul.f32 v11, v2;
	[tilespmem:s2+$0x2B30] =	vst v4  }
0x82: {  	v8 =	vld [tilespmem:s2+$0x2BD0];
	v12 =	vmul.f32 v12, v23;
	[tilespmem:s2+$0x2B60] =	vst v22  }
0x83: {  	v25 =	vld [tilespmem:s2+$0x2BF0];
	v13 =	vmul.f32 v13, v23;
	[tilespmem:s2+$0x2B70] =	vst v11  }
0x84: {  	v26 =	vld [tilespmem:s2+$0x2C00];
	v14 =	vmul.f32 v14, v23;
	[tilespmem:s2+$0x2B80] =	vst v12  }
0x85: {  	v27 =	vld [tilespmem:s2+$0x2C10];
	v9 =	vmul.f32 v9, v23;
	[tilespmem:s2+$0x2B90] =	vst v13  }
0x86: {  	v6 =	vld [tilespmem:s2+$0x3070];
	v7 =	vmul.f32 v7, v23;
	[tilespmem:s2+$0x2BA0] =	vst v14  }
0x87: {  	v24 =	vld [tilespmem:s2+$0x2BE0];
	v15 =	vbroadcast v1, $0x2;
	v8 =	vmul.f32 v8, v23;
	[tilespmem:s2+$0x2BB0] =	vst v9  }
0x88: {  	v28 =	vld [tilespmem:s2+$0x2C20];
	v10 =	vmul.f32 v25, v23;
	[tilespmem:s2+$0x2BC0] =	vst v7  }
0x89: {  	v29 =	vld [tilespmem:s2+$0x2C30];
	v5 =	vbroadcast v1, $0xA;
	v32 =	vmul.f32 v26, v15;
	[tilespmem:s2+$0x2BD0] =	vst v8  }
0x8a: {  	v30 =	vld [tilespmem:s2+$0x2C40];
	v34 =	vmul.f32 v27, v15;
	[tilespmem:s2+$0x2BF0] =	vst v10  }
0x8b: {  	v33 =	vld [tilespmem:s2+$0x2C60];
	v3 =	vmul.f32 v6, v5;
	[tilespmem:s2+$0x2C00] =	vst v32  }
0x8c: {  	v35 =	vld [tilespmem:s2+$0x2C70];
	v11 =	vmul.f32 v24, v23;
	[tilespmem:s2+$0x2C10] =	vst v34  }
0x8d: {  	v36 =	vld [tilespmem:s2+$0x2C80];
	v9 =	vmul.f32 v28, v15;
	[tilespmem:s2+$0x3070] =	vst v3  }
0x8e: {  	v31 =	vld [tilespmem:s2+$0x2C50];
	v7 =	vmul.f32 v29, v15;
	[tilespmem:s2+$0x2BE0] =	vst v11  }
0x8f: {  	v37 =	vld [tilespmem:s2+$0x2C90];
	v8 =	vmul.f32 v30, v15;
	[tilespmem:s2+$0x2C20] =	vst v9  }
0x90: {  	v38 =	vld [tilespmem:s2+$0x2CA0];
	v41 =	vbroadcast v1, $0x3;
	v10 =	vmul.f32 v33, v15;
	[tilespmem:s2+$0x2C30] =	vst v7  }
0x91: {  	v39 =	vld [tilespmem:s2+$0x2CB0];
	v12 =	vmul.f32 v35, v15;
	[tilespmem:s2+$0x2C40] =	vst v8  }
0x92: {  	v42 =	vld [tilespmem:s2+$0x2CD0];
	v13 =	vmul.f32 v36, v41;
	[tilespmem:s2+$0x2C60] =	vst v10  }
0x93: {  	v43 =	vld [tilespmem:s2+$0x2CE0];
	v11 =	vmul.f32 v31, v15;
	[tilespmem:s2+$0x2C70] =	vst v12  }
0x94: {  	v44 =	vld [tilespmem:s2+$0x2CF0];
	v9 =	vmul.f32 v37, v41;
	[tilespmem:s2+$0x2C80] =	vst v13  }
0x95: {  	v40 =	vld [tilespmem:s2+$0x2CC0];
	v7 =	vmul.f32 v38, v41;
	[tilespmem:s2+$0x2C50] =	vst v11  }
0x96: {  	v45 =	vld [tilespmem:s2+$0x2D00];
	v8 =	vmul.f32 v39, v41;
	[tilespmem:s2+$0x2C90] =	vst v9  }
0x97: {  	v46 =	vld [tilespmem:s2+$0x2D10];
	v10 =	vmul.f32 v42, v41;
	[tilespmem:s2+$0x2CA0] =	vst v7  }
0x98: {  	v47 =	vld [tilespmem:s2+$0x2D20];
	v12 =	vmul.f32 v43, v41;
	[tilespmem:s2+$0x2CB0] =	vst v8  }
0x99: {  	v49 =	vld [tilespmem:s2+$0x2D40];
	v50 =	vbroadcast v1, $0x4;
	v13 =	vmul.f32 v44, v41;
	[tilespmem:s2+$0x2CD0] =	vst v10  }
0x9a: {  	v51 =	vld [tilespmem:s2+$0x2D50];
	v11 =	vmul.f32 v40, v41;
	[tilespmem:s2+$0x2CE0] =	vst v12  }
0x9b: {  	v52 =	vld [tilespmem:s2+$0x2D60];
	v9 =	vmul.f32 v45, v50;
	[tilespmem:s2+$0x2CF0] =	vst v13  }
0x9c: {  	v48 =	vld [tilespmem:s2+$0x2D30];
	v7 =	vmul.f32 v46, v50;
	[tilespmem:s2+$0x2CC0] =	vst v11  }
0x9d: {  	v53 =	vld [tilespmem:s2+$0x2D70];
	v8 =	vmul.f32 v47, v50;
	[tilespmem:s2+$0x2D00] =	vst v9  }
0x9e: {  	v54 =	vld [tilespmem:s2+$0x2D80];
	v10 =	vmul.f32 v49, v50;
	[tilespmem:s2+$0x2D10] =	vst v7  }
0x9f: {  	v55 =	vld [tilespmem:s2+$0x2D90];
	v12 =	vmul.f32 v51, v50;
	[tilespmem:s2+$0x2D20] =	vst v8  }
0xa0: {  	v57 =	vld [tilespmem:s2+$0x2DB0];
	v13 =	vmul.f32 v52, v50;
	[tilespmem:s2+$0x2D40] =	vst v10  }
0xa1: {  	v58 =	vld [tilespmem:s2+$0x2DC0];
	v59 =	vbroadcast v1, $0x5;
	v11 =	vmul.f32 v48, v50;
	[tilespmem:s2+$0x2D50] =	vst v12  }
0xa2: {  	v60 =	vld [tilespmem:s2+$0x2DD0];
	v9 =	vmul.f32 v53, v50;
	[tilespmem:s2+$0x2D60] =	vst v13  }
0xa3: {  	v56 =	vld [tilespmem:s2+$0x2DA0];
	v7 =	vmul.f32 v54, v59;
	[tilespmem:s2+$0x2D30] =	vst v11  }
0xa4: {  	v61 =	vld [tilespmem:s2+$0x2DE0];
	v8 =	vmul.f32 v55, v59;
	[tilespmem:s2+$0x2D70] =	vst v9  }
0xa5: {  	v62 =	vld [tilespmem:s2+$0x2DF0];
	v10 =	vmul.f32 v57, v59;
	[tilespmem:s2+$0x2D80] =	vst v7  }
0xa6: {  	v63 =	vld [tilespmem:s2+$0x2E00];
	v12 =	vmul.f32 v58, v59;
	[tilespmem:s2+$0x2D90] =	vst v8  }
0xa7: {  	v19 =	vld [tilespmem:s2+$0x2E20];
	v13 =	vmul.f32 v60, v59;
	[tilespmem:s2+$0x2DB0] =	vst v10  }
0xa8: {  	v20 =	vld [tilespmem:s2+$0x2E30];
	v11 =	vmul.f32 v56, v59;
	[tilespmem:s2+$0x2DC0] =	vst v12  }
0xa9: {  	v21 =	vld [tilespmem:s2+$0x2E40];
	v22 =	vbroadcast v1, $0x6;
	v9 =	vmul.f32 v61, v59;
	[tilespmem:s2+$0x2DD0] =	vst v13  }
0xaa: {  	v18 =	vld [tilespmem:s2+$0x2E10];
	v7 =	vmul.f32 v62, v59;
	[tilespmem:s2+$0x2DA0] =	vst v11  }
0xab: {  	v23 =	vld [tilespmem:s2+$0x2E50];
	v8 =	vmul.f32 v63, v22;
	[tilespmem:s2+$0x2DE0] =	vst v9  }
0xac: {  	v24 =	vld [tilespmem:s2+$0x2E60];
	v10 =	vmul.f32 v19, v22;
	[tilespmem:s2+$0x2DF0] =	vst v7  }
0xad: {  	v25 =	vld [tilespmem:s2+$0x2E70];
	v12 =	vmul.f32 v20, v22;
	[tilespmem:s2+$0x2E00] =	vst v8  }
0xae: {  	v27 =	vld [tilespmem:s2+$0x2E90];
	v13 =	vmul.f32 v21, v22;
	[tilespmem:s2+$0x2E20] =	vst v10  }
0xaf: {  	v28 =	vld [tilespmem:s2+$0x2EA0];
	v11 =	vmul.f32 v18, v22;
	[tilespmem:s2+$0x2E30] =	vst v12  }
0xb0: {  	v29 =	vld [tilespmem:s2+$0x2EB0];
	v9 =	vmul.f32 v23, v22;
	[tilespmem:s2+$0x2E40] =	vst v13  }
0xb1: {  	v31 =	vbroadcast v1, $0x7;
	v53 =	vld [tilespmem:s2+$0x3000];
	v7 =	vmul.f32 v24, v22;
	[tilespmem:s2+$0x2E10] =	vst v11  }
0xb2: {  	v57 =	vld [tilespmem:s2+$0x3040];
	v8 =	vmul.f32 v25, v22;
	[tilespmem:s2+$0x2E50] =	vst v9  }
0xb3: {  	v58 =	vld [tilespmem:s2+$0x3050];
	v10 =	vmul.f32 v27, v31;
	[tilespmem:s2+$0x2E60] =	vst v7  }
0xb4: {  	v26 =	vld [tilespmem:s2+$0x2E80];
	v12 =	vmul.f32 v28, v31;
	[tilespmem:s2+$0x2E70] =	vst v8  }
0xb5: {  	v30 =	vld [tilespmem:s2+$0x2EC0];
	v13 =	vmul.f32 v29, v31;
	[tilespmem:s2+$0x2E90] =	vst v10  }
0xb6: {  	v32 =	vld [tilespmem:s2+$0x2ED0];
	v59 =	vmul.f32 v53, v5;
	[tilespmem:s2+$0x2EA0] =	vst v12  }
0xb7: {  	v33 =	vld [tilespmem:s2+$0x2EE0];
	v18 =	vmul.f32 v57, v5;
	[tilespmem:s2+$0x2EB0] =	vst v13  }
0xb8: {  	v35 =	vld [tilespmem:s2+$0x2F00];
	v20 =	vmul.f32 v58, v5;
	[tilespmem:s2+$0x3000] =	vst v59  }
0xb9: {  	v36 =	vld [tilespmem:s2+$0x2F10];
	v11 =	vmul.f32 v26, v31;
	[tilespmem:s2+$0x3040] =	vst v18  }
0xba: {  	v37 =	vld [tilespmem:s2+$0x2F20];
	v9 =	vmul.f32 v30, v31;
	[tilespmem:s2+$0x3050] =	vst v20  }
0xbb: {  	v4 =	vld [tilespmem:s2+$0x3080];
	v40 =	vbroadcast v1, $0x8;
	v7 =	vmul.f32 v32, v31;
	[tilespmem:s2+$0x2E80] =	vst v11  }
0xbc: {  	v6 =	vld [tilespmem:s2+$0x3090];
	v8 =	vmul.f32 v33, v31;
	[tilespmem:s2+$0x2EC0] =	vst v9  }
0xbd: {  	v3 =	vld [tilespmem:s2+$0x32D0];
	v10 =	vmul.f32 v35, v40;
	[tilespmem:s2+$0x2ED0] =	vst v7  }
0xbe: {  	v61 =	vld [tilespmem:s2+$0x2B00];
	v23 =	vbroadcast v1, $0xB;
	v12 =	vmul.f32 v36, v40;
	[tilespmem:s2+$0x2EE0] =	vst v8  }
0xbf: {  	v34 =	vld [tilespmem:s2+$0x2EF0];
	v13 =	vmul.f32 v37, v40;
	[tilespmem:s2+$0x2F00] =	vst v10  }
0xc0: {  	v38 =	vld [tilespmem:s2+$0x2F30];
	v27 =	vbroadcast v1, $0xF;
	v4 =	vmul.f32 v4, v23;
	[tilespmem:s2+$0x2F10] =	vst v12  }
0xc1: {  	v39 =	vld [tilespmem:s2+$0x2F40];
	v6 =	vmul.f32 v6, v23;
	[tilespmem:s2+$0x2F20] =	vst v13  }
0xc2: {  	v41 =	vld [tilespmem:s2+$0x2F50];
	v3 =	vmul.f32 v3, v27;
	[tilespmem:s2+$0x3080] =	vst v4  }
0xc3: {  	v43 =	vld [tilespmem:s2+$0x2F70];
	v24 =	vmul.f32 v2, v61;
	[tilespmem:s2+$0x3090] =	vst v6  }
0xc4: {  	v44 =	vld [tilespmem:s2+$0x2F80];
	v11 =	vmul.f32 v34, v31;
	[tilespmem:s2+$0x32D0] =	vst v3  }
0xc5: {  	v45 =	vld [tilespmem:s2+$0x2F90];
	v9 =	vmul.f32 v38, v40;
	[tilespmem:s2+$0x2B00] =	vst v24  }
0xc6: {  	v63 =	vld [tilespmem:s2+$0x2B40];
	v7 =	vmul.f32 v39, v40;
	[tilespmem:s2+$0x2EF0] =	vst v11  }
0xc7: {  	v49 =	vbroadcast v1, $0x9;
	v29 =	vld [tilespmem:s2+$0x30F0];
	v8 =	vmul.f32 v41, v40;
	[tilespmem:s2+$0x2F30] =	vst v9  }
0xc8: {  	v42 =	vld [tilespmem:s2+$0x2F60];
	v10 =	vmul.f32 v43, v40;
	[tilespmem:s2+$0x2F40] =	vst v7  }
0xc9: {  	v46 =	vld [tilespmem:s2+$0x2FA0];
	v12 =	vmul.f32 v44, v49;
	[tilespmem:s2+$0x2F50] =	vst v8  }
0xca: {  	v47 =	vld [tilespmem:s2+$0x2FB0];
	v13 =	vmul.f32 v45, v49;
	[tilespmem:s2+$0x2F70] =	vst v10  }
0xcb: {  	v48 =	vld [tilespmem:s2+$0x2FC0];
	v3 =	vmul.f32 v63, v2;
	[tilespmem:s2+$0x2F80] =	vst v12  }
0xcc: {  	v51 =	vld [tilespmem:s2+$0x2FE0];
	v6 =	vmul.f32 v29, v23;
	[tilespmem:s2+$0x2F90] =	vst v13  }
0xcd: {  	v52 =	vld [tilespmem:s2+$0x2FF0];
	v11 =	vmul.f32 v42, v40;
	[tilespmem:s2+$0x2B40] =	vst v3  }
0xce: {  	v28 =	vld [tilespmem:s2+$0x30E0];
	v9 =	vmul.f32 v46, v49;
	[tilespmem:s2+$0x30F0] =	vst v6  }
0xcf: {  	v26 =	vld [tilespmem:s2+$0x30D0];
	v7 =	vmul.f32 v47, v49;
	[tilespmem:s2+$0x2F60] =	vst v11  }
0xd0: {  	v30 =	vld [tilespmem:s2+$0x3100];
	v8 =	vmul.f32 v48, v49;
	[tilespmem:s2+$0x2FA0] =	vst v9  }
0xd1: {  	v50 =	vld [tilespmem:s2+$0x2FD0];
	v10 =	vmul.f32 v51, v49;
	[tilespmem:s2+$0x2FB0] =	vst v7  }
0xd2: {  	v54 =	vld [tilespmem:s2+$0x3010];
	v12 =	vmul.f32 v52, v49;
	[tilespmem:s2+$0x2FC0] =	vst v8  }
0xd3: {  	v55 =	vld [tilespmem:s2+$0x3020];
	v35 =	vbroadcast v1, $0xC;
	v40 =	vmul.f32 v28, v23;
	[tilespmem:s2+$0x2FE0] =	vst v10  }
0xd4: {  	v56 =	vld [tilespmem:s2+$0x3030];
	v32 =	vmul.f32 v26, v23;
	[tilespmem:s2+$0x2FF0] =	vst v12  }
0xd5: {  	v60 =	vld [tilespmem:s2+$0x3060];
	v15 =	vmul.f32 v30, v35;
	[tilespmem:s2+$0x30E0] =	vst v40  }
0xd6: {  	v62 =	vld [tilespmem:s2+$0x2B10];
	v11 =	vmul.f32 v50, v49;
	[tilespmem:s2+$0x30D0] =	vst v32  }
0xd7: {  	v19 =	vld [tilespmem:s2+$0x2B50];
	v9 =	vmul.f32 v54, v5;
	[tilespmem:s2+$0x3100] =	vst v15  }
0xd8: {  	v33 =	vld [tilespmem:s2+$0x3130];
	v7 =	vmul.f32 v55, v5;
	[tilespmem:s2+$0x2FD0] =	vst v11  }
0xd9: {  	v61 =	vld [tilespmem:s2+$0x32F0];
	v8 =	vmul.f32 v56, v5;
	[tilespmem:s2+$0x3010] =	vst v9  }
0xda: {  	v38 =	vld [tilespmem:s2+$0x3170];
	v5 =	vmul.f32 v60, v5;
	[tilespmem:s2+$0x3020] =	vst v7  }
0xdb: {  	v21 =	vld [tilespmem:s2+$0x30A0];
	v12 =	vmul.f32 v62, v2;
	[tilespmem:s2+$0x3030] =	vst v8  }
0xdc: {  	v22 =	vld [tilespmem:s2+$0x30B0];
	v2 =	vmul.f32 v19, v2;
	[tilespmem:s2+$0x3060] =	vst v5  }
0xdd: {  	v25 =	vld [tilespmem:s2+$0x30C0];
	v62 =	vmul.f32 v33, v35;
	[tilespmem:s2+$0x2B10] =	vst v12  }
0xde: {  	v31 =	vld [tilespmem:s2+$0x3110];
	v63 =	vmul.f32 v61, v27;
	[tilespmem:s2+$0x2B50] =	vst v2  }
0xdf: {  	v34 =	vld [tilespmem:s2+$0x3140];
	v15 =	vmul.f32 v38, v35;
	[tilespmem:s2+$0x3130] =	vst v62  }
0xe0: {  	v41 =	vld [tilespmem:s2+$0x31A0];
	v7 =	vmul.f32 v21, v23;
	[tilespmem:s2+$0x32F0] =	vst v63  }
0xe1: {  	v46 =	vld [tilespmem:s2+$0x31E0];
	v8 =	vmul.f32 v22, v23;
	[tilespmem:s2+$0x3170] =	vst v15  }
0xe2: {  	v36 =	vld [tilespmem:s2+$0x3150];
	v5 =	vmul.f32 v25, v23;
	[tilespmem:s2+$0x30A0] =	vst v7  }
0xe3: {  	v44 =	vbroadcast v1, $0xD;
	v9 =	vmul.f32 v31, v35;
	v2 =	vld [tilespmem:s2+$0x3190];
	[tilespmem:s2+$0x30B0] =	vst v8  }
0xe4: {  	v37 =	vld [tilespmem:s2+$0x3160];
	v12 =	vmul.f32 v34, v35;
	[tilespmem:s2+$0x30C0] =	vst v5  }
0xe5: {  	v39 =	vld [tilespmem:s2+$0x3180];
	v11 =	vmul.f32 v41, v44;
	[tilespmem:s2+$0x3110] =	vst v9  }
0xe6: {  	v42 =	vld [tilespmem:s2+$0x31B0];
	v51 =	vmul.f32 v46, v44;
	[tilespmem:s2+$0x3140] =	vst v12  }
0xe7: {  	v48 =	vld [tilespmem:s2+$0x3210];
	v8 =	vmul.f32 v36, v35;
	[tilespmem:s2+$0x31A0] =	vst v11  }
0xe8: {  	v49 =	vld [tilespmem:s2+$0x3220];
	[tilespmem:s2+$0x31E0] =	vst v51;
	v2 =	vmul.f32 v2, v44  }
0xe9: {  	v50 =	vld [tilespmem:s2+$0x3230];
	v5 =	vmul.f32 v37, v35;
	[tilespmem:s2+$0x3150] =	vst v8  }
0xea: {  	v1 =	vbroadcast v1, $0xE;
	v9 =	vmul.f32 v39, v44;
	[tilespmem:s2+$0x3190] =	vst v2;
	v2 =	vld [tilespmem:s2+$0x3200]  }
0xeb: {  	v60 =	vld [tilespmem:s2+$0x32E0];
	v12 =	vmul.f32 v42, v44;
	[tilespmem:s2+$0x3160] =	vst v5  }
0xec: {  	v45 =	vld [tilespmem:s2+$0x31D0];
	v11 =	vmul.f32 v48, v1;
	[tilespmem:s2+$0x3180] =	vst v9  }
0xed: {  	v47 =	vld [tilespmem:s2+$0x31F0];
	v10 =	vmul.f32 v49, v1;
	[tilespmem:s2+$0x31B0] =	vst v12  }
0xee: {  	v43 =	vld [tilespmem:s2+$0x31C0];
	v6 =	vmul.f32 v50, v1;
	[tilespmem:s2+$0x3210] =	vst v11  }
0xef: {  	v55 =	vld [tilespmem:s2+$0x3280];
	[tilespmem:s2+$0x3220] =	vst v10;
	v2 =	vmul.f32 v2, v1  }
0xf0: {  	v57 =	vld [tilespmem:s2+$0x32A0];
	v4 =	vmul.f32 v60, v27;
	[tilespmem:s2+$0x3230] =	vst v6  }
0xf1: {  	v5 =	vmul.f32 v45, v44;
	[tilespmem:s2+$0x3200] =	vst v2;
	v2 =	vld [tilespmem:s2+$0x3270]  }
0xf2: {  	v52 =	vld [tilespmem:s2+$0x3240];
	v9 =	vmul.f32 v47, v44;
	[tilespmem:s2+$0x32E0] =	vst v4  }
0xf3: {  	v56 =	vld [tilespmem:s2+$0x3290];
	v8 =	vmul.f32 v43, v44;
	[tilespmem:s2+$0x31D0] =	vst v5  }
0xf4: {  	v54 =	vld [tilespmem:s2+$0x3260];
	v11 =	vmul.f32 v55, v27;
	[tilespmem:s2+$0x31F0] =	vst v9  }
0xf5: {  	v58 =	vld [tilespmem:s2+$0x32B0];
	v6 =	vmul.f32 v57, v27;
	[tilespmem:s2+$0x31C0] =	vst v8  }
0xf6: {  	v53 =	vld [tilespmem:s2+$0x3250];
	[tilespmem:s2+$0x3280] =	vst v11;
	v2 =	vmul.f32 v2, v1  }
0xf7: {  	v59 =	vld [tilespmem:s2+$0x32C0];
	v5 =	vmul.f32 v52, v1;
	[tilespmem:s2+$0x32A0] =	vst v6  }
0xf8: {  	[tilespmem:s2+$0x3270] =	vst v2;
	v2 =	vmul.f32 v56, v27  }
0xf9: {  	v3 =	vld [tilespmem:s2+$0x3120];
	v9 =	vmul.f32 v54, v1;
	[tilespmem:s2+$0x3240] =	vst v5  }
0xfa: {  	[tilespmem:s2+$0x3290] =	vst v2;
	v2 =	vmul.f32 v58, v27  }
0xfb: {  	[tilespmem:s2+$0x3260] =	vst v9;
	v1 =	vmul.f32 v53, v1  }
0xfc: {  	[tilespmem:s2+$0x32B0] =	vst v2;
	v2 =	vmul.f32 v59, v27  }
0xfd: {  	[tilespmem:s2+$0x3250] =	vst v1  }
0xfe: {  	s16 =	simm.s32 $0x1;
	[tilespmem:s2+$0x32C0] =	vst v2;
	v2 =	vmul.f32 v3, v35  }
.LBB2_5:
0xff: {  	s17 =	sshll.u32 s16, $0x4  }
0x100: {  	p0 =	sne.s32 s16, $0x7;
	[tilespmem:s2+$0x3120] =	vst v2;
	s2 =	smov.u32 s16;
	s16 =	sadd.s32 $0x1, s16  }
0x101: {  	s17 =	sand.u32 $0x3FFFFFF0, s17  }
0x102: {  	s2 =	sshll.u32 s2, $0xB;
	v1 =	vld [tilespmem:s17+$0x2A00]  }
0x103: {  	s2 =	sand.u32 $0x3FFFF800, s2  }
0x104: {  	v8 =	vld [tilespmem:s2+$0x2BC0]  }
0x105: {  	v9 =	vld [tilespmem:s2+$0x2BD0]  }
0x106: {  	v10 =	vld [tilespmem:s2+$0x2BB0]  }
0x107: {  	v2 =	vbroadcast v1, $0x0;
	v3 =	vld [tilespmem:s2+$0x2B20];
	v7 =	vbroadcast v1, $0x4  }
0x108: {  	v5 =	vld [tilespmem:s2+$0x2B30]  }
0x109: {  	v6 =	vld [tilespmem:s2+$0x3070]  }
0x10a: {  	v11 =	vld [tilespmem:s2+$0x2B60]  }
0x10b: {  	v12 =	vld [tilespmem:s2+$0x2B70]  }
0x10c: {  	v4 =	vbroadcast v1, $0xA;
	v3 =	vmul.f32 v3, v2;
	v13 =	vld [tilespmem:s2+$0x2B80]  }
0x10d: {  	v5 =	vmul.f32 v5, v2;
	v14 =	vld [tilespmem:s2+$0x2B90]  }
0x10e: {  	[tilespmem:s2+$0x2B20] =	vst v3;
	v15 =	vld [tilespmem:s2+$0x2BA0];
	v3 =	vmul.f32 v6, v4  }
0x10f: {  	[tilespmem:s2+$0x2B30] =	vst v5;
	v6 =	vmul.f32 v11, v2;
	v11 =	vbroadcast v1, $0x1;
	v5 =	vld [tilespmem:s2+$0x3080]  }
0x110: {  	v12 =	vmul.f32 v12, v2;
	[tilespmem:s2+$0x3070] =	vst v3;
	v3 =	vld [tilespmem:s2+$0x32D0]  }
0x111: {  	[tilespmem:s2+$0x2B60] =	vst v6;
	v13 =	vmul.f32 v13, v11;
	v6 =	vld [tilespmem:s2+$0x3090]  }
0x112: {  	[tilespmem:s2+$0x2B70] =	vst v12;
	v12 =	vmul.f32 v14, v11;
	v14 =	vld [tilespmem:s2+$0x2BE0]  }
0x113: {  	[tilespmem:s2+$0x2B80] =	vst v13;
	v13 =	vmul.f32 v15, v11;
	v15 =	vld [tilespmem:s2+$0x2BF0]  }
0x114: {  	v10 =	vmul.f32 v10, v11;
	[tilespmem:s2+$0x2B90] =	vst v12;
	v12 =	vld [tilespmem:s2+$0x2C00]  }
0x115: {  	v8 =	vmul.f32 v8, v11;
	[tilespmem:s2+$0x2BA0] =	vst v13;
	v13 =	vld [tilespmem:s2+$0x2C10]  }
0x116: {  	v9 =	vmul.f32 v9, v11;
	[tilespmem:s2+$0x2BB0] =	vst v10;
	v10 =	vld [tilespmem:s2+$0x2C20]  }
0x117: {  	[tilespmem:s2+$0x2BC0] =	vst v8;
	v8 =	vmul.f32 v14, v11;
	v14 =	vbroadcast v1, $0x2;
	v16 =	vld [tilespmem:s2+$0x2C30]  }
0x118: {  	[tilespmem:s2+$0x2BD0] =	vst v9;
	v9 =	vmul.f32 v15, v11;
	v11 =	vld [tilespmem:s2+$0x2C40]  }
0x119: {  	[tilespmem:s2+$0x2BE0] =	vst v8;
	v8 =	vmul.f32 v12, v14;
	v12 =	vld [tilespmem:s2+$0x2C50]  }
0x11a: {  	[tilespmem:s2+$0x2BF0] =	vst v9;
	v9 =	vmul.f32 v13, v14;
	v13 =	vld [tilespmem:s2+$0x2C60]  }
0x11b: {  	[tilespmem:s2+$0x2C00] =	vst v8;
	v8 =	vmul.f32 v10, v14;
	v10 =	vld [tilespmem:s2+$0x2C70]  }
0x11c: {  	[tilespmem:s2+$0x2C10] =	vst v9;
	v9 =	vmul.f32 v16, v14;
	v15 =	vld [tilespmem:s2+$0x2C80]  }
0x11d: {  	[tilespmem:s2+$0x2C20] =	vst v8;
	v8 =	vmul.f32 v11, v14;
	v11 =	vld [tilespmem:s2+$0x2C90]  }
0x11e: {  	[tilespmem:s2+$0x2C30] =	vst v9;
	v9 =	vmul.f32 v12, v14;
	v12 =	vld [tilespmem:s2+$0x2CA0]  }
0x11f: {  	[tilespmem:s2+$0x2C40] =	vst v8;
	v8 =	vmul.f32 v13, v14;
	v13 =	vbroadcast v1, $0x3;
	v16 =	vld [tilespmem:s2+$0x2CB0]  }
0x120: {  	[tilespmem:s2+$0x2C50] =	vst v9;
	v9 =	vmul.f32 v10, v14;
	v10 =	vld [tilespmem:s2+$0x2CC0]  }
0x121: {  	[tilespmem:s2+$0x2C60] =	vst v8;
	v8 =	vmul.f32 v15, v13;
	v14 =	vld [tilespmem:s2+$0x2CD0]  }
0x122: {  	[tilespmem:s2+$0x2C70] =	vst v9;
	v9 =	vmul.f32 v11, v13;
	v11 =	vld [tilespmem:s2+$0x2CE0]  }
0x123: {  	[tilespmem:s2+$0x2C80] =	vst v8;
	v8 =	vmul.f32 v12, v13;
	v12 =	vld [tilespmem:s2+$0x2CF0]  }
0x124: {  	[tilespmem:s2+$0x2C90] =	vst v9;
	v9 =	vmul.f32 v16, v13;
	v15 =	vld [tilespmem:s2+$0x2D00]  }
0x125: {  	[tilespmem:s2+$0x2CA0] =	vst v8;
	v8 =	vmul.f32 v10, v13;
	v10 =	vld [tilespmem:s2+$0x2D10]  }
0x126: {  	[tilespmem:s2+$0x2CB0] =	vst v9;
	v9 =	vmul.f32 v14, v13;
	v14 =	vld [tilespmem:s2+$0x2D20]  }
0x127: {  	[tilespmem:s2+$0x2CC0] =	vst v8;
	v8 =	vmul.f32 v11, v13;
	v11 =	vld [tilespmem:s2+$0x2D30]  }
0x128: {  	[tilespmem:s2+$0x2CD0] =	vst v9;
	v9 =	vmul.f32 v12, v13;
	v12 =	vld [tilespmem:s2+$0x2D40]  }
0x129: {  	[tilespmem:s2+$0x2CE0] =	vst v8;
	v8 =	vmul.f32 v15, v7;
	v13 =	vld [tilespmem:s2+$0x2D50]  }
0x12a: {  	[tilespmem:s2+$0x2CF0] =	vst v9;
	v9 =	vmul.f32 v10, v7;
	v10 =	vld [tilespmem:s2+$0x2D60]  }
0x12b: {  	[tilespmem:s2+$0x2D00] =	vst v8;
	v8 =	vmul.f32 v14, v7;
	v14 =	vld [tilespmem:s2+$0x2D70]  }
0x12c: {  	[tilespmem:s2+$0x2D10] =	vst v9;
	v9 =	vmul.f32 v11, v7;
	v11 =	vld [tilespmem:s2+$0x2D80]  }
0x12d: {  	[tilespmem:s2+$0x2D20] =	vst v8;
	v8 =	vmul.f32 v12, v7;
	v12 =	vld [tilespmem:s2+$0x2D90]  }
0x12e: {  	[tilespmem:s2+$0x2D30] =	vst v9;
	v9 =	vmul.f32 v13, v7;
	v13 =	vld [tilespmem:s2+$0x2DA0]  }
0x12f: {  	[tilespmem:s2+$0x2D40] =	vst v8;
	v8 =	vmul.f32 v10, v7;
	v10 =	vbroadcast v1, $0x5;
	v15 =	vld [tilespmem:s2+$0x2DB0]  }
0x130: {  	[tilespmem:s2+$0x2D50] =	vst v9;
	v7 =	vmul.f32 v14, v7;
	v9 =	vld [tilespmem:s2+$0x2DC0]  }
0x131: {  	[tilespmem:s2+$0x2D60] =	vst v8;
	v8 =	vmul.f32 v11, v10;
	v11 =	vld [tilespmem:s2+$0x2DD0]  }
0x132: {  	[tilespmem:s2+$0x2D70] =	vst v7;
	v7 =	vmul.f32 v12, v10;
	v12 =	vld [tilespmem:s2+$0x2DE0]  }
0x133: {  	[tilespmem:s2+$0x2D80] =	vst v8;
	v8 =	vmul.f32 v13, v10;
	v13 =	vld [tilespmem:s2+$0x2DF0]  }
0x134: {  	[tilespmem:s2+$0x2D90] =	vst v7;
	v7 =	vmul.f32 v15, v10;
	v14 =	vld [tilespmem:s2+$0x2E00]  }
0x135: {  	[tilespmem:s2+$0x2DA0] =	vst v8;
	v8 =	vmul.f32 v9, v10;
	v9 =	vld [tilespmem:s2+$0x2E10]  }
0x136: {  	[tilespmem:s2+$0x2DB0] =	vst v7;
	v7 =	vmul.f32 v11, v10;
	v11 =	vld [tilespmem:s2+$0x2E20]  }
0x137: {  	[tilespmem:s2+$0x2DC0] =	vst v8;
	v8 =	vmul.f32 v12, v10;
	v12 =	vbroadcast v1, $0x6;
	v15 =	vld [tilespmem:s2+$0x2E30]  }
0x138: {  	[tilespmem:s2+$0x2DD0] =	vst v7;
	v7 =	vmul.f32 v13, v10;
	v10 =	vld [tilespmem:s2+$0x2E40]  }
0x139: {  	[tilespmem:s2+$0x2DE0] =	vst v8;
	v8 =	vmul.f32 v14, v12;
	v13 =	vld [tilespmem:s2+$0x2E50]  }
0x13a: {  	[tilespmem:s2+$0x2DF0] =	vst v7;
	v7 =	vmul.f32 v9, v12;
	v9 =	vld [tilespmem:s2+$0x2E60]  }
0x13b: {  	[tilespmem:s2+$0x2E00] =	vst v8;
	v8 =	vmul.f32 v11, v12;
	v11 =	vld [tilespmem:s2+$0x2E70]  }
0x13c: {  	[tilespmem:s2+$0x2E10] =	vst v7;
	v7 =	vmul.f32 v15, v12;
	v14 =	vld [tilespmem:s2+$0x2E80]  }
0x13d: {  	[tilespmem:s2+$0x2E20] =	vst v8;
	v8 =	vmul.f32 v10, v12;
	v10 =	vld [tilespmem:s2+$0x2E90]  }
0x13e: {  	[tilespmem:s2+$0x2E30] =	vst v7;
	v7 =	vmul.f32 v13, v12;
	v13 =	vld [tilespmem:s2+$0x2EA0]  }
0x13f: {  	[tilespmem:s2+$0x2E40] =	vst v8;
	v8 =	vmul.f32 v9, v12;
	v9 =	vbroadcast v1, $0x7;
	v15 =	vld [tilespmem:s2+$0x2EB0]  }
0x140: {  	[tilespmem:s2+$0x2E50] =	vst v7;
	v7 =	vmul.f32 v11, v12;
	v11 =	vld [tilespmem:s2+$0x2EC0]  }
0x141: {  	[tilespmem:s2+$0x2E60] =	vst v8;
	v8 =	vmul.f32 v14, v9;
	v12 =	vld [tilespmem:s2+$0x2ED0]  }
0x142: {  	[tilespmem:s2+$0x2E70] =	vst v7;
	v7 =	vmul.f32 v10, v9;
	v10 =	vld [tilespmem:s2+$0x2EE0]  }
0x143: {  	[tilespmem:s2+$0x2E80] =	vst v8;
	v8 =	vmul.f32 v13, v9;
	v13 =	vld [tilespmem:s2+$0x2EF0]  }
0x144: {  	[tilespmem:s2+$0x2E90] =	vst v7;
	v7 =	vmul.f32 v15, v9;
	v14 =	vld [tilespmem:s2+$0x2F00]  }
0x145: {  	[tilespmem:s2+$0x2EA0] =	vst v8;
	v8 =	vmul.f32 v11, v9;
	v11 =	vld [tilespmem:s2+$0x2F10]  }
0x146: {  	[tilespmem:s2+$0x2EB0] =	vst v7;
	v7 =	vmul.f32 v12, v9;
	v12 =	vld [tilespmem:s2+$0x2F20]  }
0x147: {  	[tilespmem:s2+$0x2EC0] =	vst v8;
	v8 =	vmul.f32 v10, v9;
	v10 =	vbroadcast v1, $0x8;
	v15 =	vld [tilespmem:s2+$0x2F30]  }
0x148: {  	[tilespmem:s2+$0x2ED0] =	vst v7;
	v7 =	vmul.f32 v13, v9;
	v9 =	vld [tilespmem:s2+$0x2F40]  }
0x149: {  	[tilespmem:s2+$0x2EE0] =	vst v8;
	v8 =	vmul.f32 v14, v10;
	v13 =	vld [tilespmem:s2+$0x2F50]  }
0x14a: {  	[tilespmem:s2+$0x2EF0] =	vst v7;
	v7 =	vmul.f32 v11, v10;
	v11 =	vld [tilespmem:s2+$0x2F60]  }
0x14b: {  	[tilespmem:s2+$0x2F00] =	vst v8;
	v8 =	vmul.f32 v12, v10;
	v12 =	vld [tilespmem:s2+$0x2F70]  }
0x14c: {  	[tilespmem:s2+$0x2F10] =	vst v7;
	v7 =	vmul.f32 v15, v10;
	v14 =	vld [tilespmem:s2+$0x2F80]  }
0x14d: {  	[tilespmem:s2+$0x2F20] =	vst v8;
	v8 =	vmul.f32 v9, v10;
	v9 =	vld [tilespmem:s2+$0x2F90]  }
0x14e: {  	[tilespmem:s2+$0x2F30] =	vst v7;
	v7 =	vmul.f32 v13, v10;
	v13 =	vld [tilespmem:s2+$0x2FA0]  }
0x14f: {  	[tilespmem:s2+$0x2F40] =	vst v8;
	v8 =	vmul.f32 v11, v10;
	v11 =	vbroadcast v1, $0x9;
	v15 =	vld [tilespmem:s2+$0x2FB0]  }
0x150: {  	[tilespmem:s2+$0x2F50] =	vst v7;
	v7 =	vmul.f32 v12, v10;
	v10 =	vld [tilespmem:s2+$0x2FC0]  }
0x151: {  	[tilespmem:s2+$0x2F60] =	vst v8;
	v8 =	vmul.f32 v14, v11;
	v12 =	vld [tilespmem:s2+$0x2FD0]  }
0x152: {  	[tilespmem:s2+$0x2F70] =	vst v7;
	v7 =	vmul.f32 v9, v11;
	v9 =	vld [tilespmem:s2+$0x2FE0]  }
0x153: {  	[tilespmem:s2+$0x2F80] =	vst v8;
	v8 =	vmul.f32 v13, v11;
	v13 =	vld [tilespmem:s2+$0x2FF0]  }
0x154: {  	[tilespmem:s2+$0x2F90] =	vst v7;
	v7 =	vmul.f32 v15, v11;
	v14 =	vld [tilespmem:s2+$0x3000]  }
0x155: {  	[tilespmem:s2+$0x2FA0] =	vst v8;
	v8 =	vmul.f32 v10, v11;
	v10 =	vld [tilespmem:s2+$0x3010]  }
0x156: {  	[tilespmem:s2+$0x2FB0] =	vst v7;
	v7 =	vmul.f32 v12, v11;
	v12 =	vld [tilespmem:s2+$0x3020]  }
0x157: {  	[tilespmem:s2+$0x2FC0] =	vst v8;
	v8 =	vmul.f32 v9, v11;
	v9 =	vld [tilespmem:s2+$0x3030]  }
0x158: {  	[tilespmem:s2+$0x2FD0] =	vst v7;
	v7 =	vmul.f32 v13, v11;
	v11 =	vld [tilespmem:s2+$0x3040]  }
0x159: {  	[tilespmem:s2+$0x2FE0] =	vst v8;
	v8 =	vmul.f32 v14, v4;
	v13 =	vld [tilespmem:s2+$0x3050]  }
0x15a: {  	[tilespmem:s2+$0x2FF0] =	vst v7;
	v7 =	vmul.f32 v10, v4;
	v10 =	vld [tilespmem:s2+$0x3060]  }
0x15b: {  	v14 =	vld [tilespmem:s2+$0x2B00];
	[tilespmem:s2+$0x3000] =	vst v8;
	v8 =	vmul.f32 v12, v4  }
0x15c: {  	v12 =	vld [tilespmem:s2+$0x2B10];
	[tilespmem:s2+$0x3010] =	vst v7;
	v7 =	vmul.f32 v9, v4  }
0x15d: {  	v9 =	vld [tilespmem:s2+$0x2B40];
	[tilespmem:s2+$0x3020] =	vst v8;
	v8 =	vmul.f32 v11, v4  }
0x15e: {  	v11 =	vld [tilespmem:s2+$0x2B50];
	[tilespmem:s2+$0x3030] =	vst v7;
	v7 =	vmul.f32 v13, v4  }
0x15f: {  	[tilespmem:s2+$0x3040] =	vst v8;
	v8 =	vmul.f32 v10, v4;
	v10 =	vbroadcast v1, $0xB;
	v13 =	vld [tilespmem:s2+$0x30A0]  }
0x160: {  	v4 =	vbroadcast v1, $0xF;
	v14 =	vmul.f32 v2, v14;
	[tilespmem:s2+$0x3050] =	vst v7;
	v7 =	vld [tilespmem:s2+$0x30B0]  }
0x161: {  	v12 =	vmul.f32 v12, v2;
	[tilespmem:s2+$0x3060] =	vst v8;
	v5 =	vmul.f32 v5, v10;
	v8 =	vld [tilespmem:s2+$0x30C0]  }
0x162: {  	v6 =	vmul.f32 v6, v10;
	[tilespmem:s2+$0x2B00] =	vst v14;
	v9 =	vmul.f32 v9, v2;
	v14 =	vld [tilespmem:s2+$0x30D0]  }
0x163: {  	v3 =	vmul.f32 v3, v4;
	v11 =	vmul.f32 v11, v2;
	[tilespmem:s2+$0x3080] =	vst v5;
	v2 =	vld [tilespmem:s2+$0x30E0]  }
0x164: {  	[tilespmem:s2+$0x3090] =	vst v6;
	v5 =	vmul.f32 v13, v10;
	v6 =	vld [tilespmem:s2+$0x30F0]  }
0x165: {  	v7 =	vmul.f32 v7, v10;
	v13 =	vld [tilespmem:s2+$0x3100];
	[tilespmem:s2+$0x32D0] =	vst v3  }
0x166: {  	[tilespmem:s2+$0x2B10] =	vst v12;
	v3 =	vmul.f32 v8, v10;
	v8 =	vld [tilespmem:s2+$0x3110]  }
0x167: {  	[tilespmem:s2+$0x2B40] =	vst v9;
	v9 =	vmul.f32 v14, v10;
	v12 =	vld [tilespmem:s2+$0x3120]  }
0x168: {  	v14 =	vbroadcast v1, $0xC;
	[tilespmem:s2+$0x30A0] =	vst v5;
	v5 =	vmul.f32 v2, v10;
	v15 =	vld [tilespmem:s2+$0x3130]  }
0x169: {  	[tilespmem:s2+$0x30D0] =	vst v9;
	v6 =	vmul.f32 v6, v10;
	v9 =	vld [tilespmem:s2+$0x3140]  }
0x16a: {  	[tilespmem:s2+$0x30B0] =	vst v7;
	v2 =	vmul.f32 v13, v14;
	v7 =	vld [tilespmem:s2+$0x3150]  }
0x16b: {  	[tilespmem:s2+$0x30C0] =	vst v3;
	v3 =	vmul.f32 v8, v14;
	v8 =	vld [tilespmem:s2+$0x3160]  }
0x16c: {  	[tilespmem:s2+$0x3100] =	vst v2;
	v2 =	vmul.f32 v12, v14;
	v10 =	vld [tilespmem:s2+$0x3170]  }
0x16d: {  	[tilespmem:s2+$0x3110] =	vst v3;
	v3 =	vld [tilespmem:s2+$0x3180]  }
0x16e: {  	[tilespmem:s2+$0x2B50] =	vst v11;
	v9 =	vmul.f32 v9, v14;
	v11 =	vld [tilespmem:s2+$0x3190]  }
0x16f: {  	[tilespmem:s2+$0x30E0] =	vst v5;
	v5 =	vmul.f32 v7, v14;
	v7 =	vld [tilespmem:s2+$0x31A0]  }
0x170: {  	[tilespmem:s2+$0x3140] =	vst v9;
	v8 =	vmul.f32 v8, v14;
	v9 =	vbroadcast v1, $0xD;
	v12 =	vld [tilespmem:s2+$0x31B0]  }
0x171: {  	[tilespmem:s2+$0x3150] =	vst v5;
	v5 =	vmul.f32 v10, v14;
	v10 =	vld [tilespmem:s2+$0x31C0]  }
0x172: {  	[tilespmem:s2+$0x3160] =	vst v8;
	v3 =	vmul.f32 v3, v9;
	v8 =	vld [tilespmem:s2+$0x31D0]  }
0x173: {  	[tilespmem:s2+$0x3170] =	vst v5;
	v5 =	vmul.f32 v11, v9;
	v11 =	vld [tilespmem:s2+$0x31E0]  }
0x174: {  	[tilespmem:s2+$0x3180] =	vst v3;
	v3 =	vmul.f32 v7, v9;
	v7 =	vld [tilespmem:s2+$0x31F0]  }
0x175: {  	[tilespmem:s2+$0x3190] =	vst v5;
	v5 =	vmul.f32 v12, v9;
	v12 =	vld [tilespmem:s2+$0x3200]  }
0x176: {  	[tilespmem:s2+$0x31A0] =	vst v3;
	v3 =	vmul.f32 v10, v9;
	v10 =	vld [tilespmem:s2+$0x3210]  }
0x177: {  	[tilespmem:s2+$0x31B0] =	vst v5;
	v5 =	vmul.f32 v8, v9;
	v8 =	vld [tilespmem:s2+$0x3220]  }
0x178: {  	v1 =	vbroadcast v1, $0xE;
	[tilespmem:s2+$0x30F0] =	vst v6;
	v6 =	vmul.f32 v11, v9;
	v11 =	vld [tilespmem:s2+$0x3230]  }
0x179: {  	[tilespmem:s2+$0x31D0] =	vst v5;
	v5 =	vmul.f32 v7, v9;
	v7 =	vld [tilespmem:s2+$0x3240]  }
0x17a: {  	[tilespmem:s2+$0x31E0] =	vst v6;
	v6 =	vmul.f32 v12, v1;
	v9 =	vld [tilespmem:s2+$0x3250]  }
0x17b: {  	[tilespmem:s2+$0x31F0] =	vst v5;
	v5 =	vmul.f32 v10, v1;
	v10 =	vld [tilespmem:s2+$0x3260]  }
0x17c: {  	[tilespmem:s2+$0x3200] =	vst v6;
	v6 =	vmul.f32 v8, v1;
	v8 =	vld [tilespmem:s2+$0x3270]  }
0x17d: {  	[tilespmem:s2+$0x3210] =	vst v5;
	v5 =	vmul.f32 v11, v1;
	v11 =	vld [tilespmem:s2+$0x3280]  }
0x17e: {  	[tilespmem:s2+$0x3220] =	vst v6;
	v6 =	vmul.f32 v7, v1;
	v7 =	vld [tilespmem:s2+$0x3290]  }
0x17f: {  	[tilespmem:s2+$0x3230] =	vst v5;
	v5 =	vmul.f32 v9, v1;
	v9 =	vld [tilespmem:s2+$0x32A0]  }
0x180: {  	[tilespmem:s2+$0x3240] =	vst v6;
	v6 =	vmul.f32 v10, v1;
	v10 =	vld [tilespmem:s2+$0x32B0]  }
0x181: {  	[tilespmem:s2+$0x31C0] =	vst v3;
	v1 =	vmul.f32 v8, v1;
	v3 =	vld [tilespmem:s2+$0x32C0]  }
0x182: {  	[tilespmem:s2+$0x3260] =	vst v6;
	v6 =	vmul.f32 v11, v4;
	v8 =	vld [tilespmem:s2+$0x32E0]  }
0x183: {  	[tilespmem:s2+$0x3270] =	vst v1;
	v1 =	vmul.f32 v7, v4;
	v7 =	vld [tilespmem:s2+$0x32F0]  }
0x184: {  	[tilespmem:s2+$0x3280] =	vst v6;
	v6 =	vmul.f32 v9, v4  }
0x185: {  	[tilespmem:s2+$0x3290] =	vst v1;
	v1 =	vmul.f32 v10, v4  }
0x186: {  	v9 =	vmul.f32 v15, v14;
	[tilespmem:s2+$0x32A0] =	vst v6  }
0x187: {  	[tilespmem:s2+$0x32B0] =	vst v1;
	v1 =	vmul.f32 v3, v4  }
.Ltmp3:
0x188: {  	[tilespmem:s2+$0x3130] =	vst v9;
	v3 =	vmul.f32 v7, v4;
	(pc) =	sbr.rel @p0 .LBB2_5-.Ltmp3, $4  }
0x189: {  	[tilespmem:s2+$0x32C0] =	vst v1  }
0x18a: {  	v1 =	vmul.f32 v8, v4;
	[tilespmem:s2+$0x32F0] =	vst v3  }
0x18b: {  	[tilespmem:s2+$0x3250] =	vst v5  }
0x18c: {  	[tilespmem:s2+$0x32E0] =	vst v1  }
0x18d: {  	[tilespmem:s2+$0x3120] =	vst v2;
	s2 =	sshll.u32 s31, $0x1;
	p0 =	seq.s32 s31, $0x27  }
0x18e: {  	[spmem:s3] =	stream.indirect.scatter.add.f32 [tilespmem:s14], [sflag:$0x5], $0x80, s25, s15, $0xb8;
	[tilespmem:$0x1E700] =	vst v63  }
0x18f: {  	s16 =	sadd.s32 @!p0 $0x2, s2;
	_ =	swait.ge [sflag:s13], $0x4000  }
0x190: {  	s17 =	sshll.u32 @!p0 s16, $0x7;
	[sflag:s13] =	ssyncset.done $0x0  }
0x191: {  	s17 =	sand.u32 @!p0 $0x3FFFFF80, s17;
	[sflag:s13] =	ssyncadd.s32 $0xFFFFC000  }
0x192: {  	v1 =	vld @!p0 [tilespmem:s17+$0x0];
	_ =	sdelay $0x4  }
0x193: {  	v2 =	vand.u32 @!p0 $0xFFFF, v1  }
0x194: {  	v1 =	vshrl.u32 @!p0 v1, $0x10;
	[tilespmem:$0x2800] =	vst @!p0 v2  }
0x195: {  	[tilespmem:$0x2900] =	vst @!p0 v1  }
0x196: {  	v1 =	vld @!p0 [tilespmem:s17+$0x10];
	_ =	sdelay $0x4  }
0x197: {  	v2 =	vand.u32 @!p0 $0xFFFF, v1  }
0x198: {  	v1 =	vshrl.u32 @!p0 v1, $0x10;
	[tilespmem:$0x2810] =	vst @!p0 v2  }
0x199: {  	[tilespmem:$0x2910] =	vst @!p0 v1  }
0x19a: {  	v1 =	vld @!p0 [tilespmem:s17+$0x20];
	_ =	sdelay $0x4  }
0x19b: {  	v2 =	vand.u32 @!p0 $0xFFFF, v1  }
0x19c: {  	v1 =	vshrl.u32 @!p0 v1, $0x10;
	[tilespmem:$0x2820] =	vst @!p0 v2  }
0x19d: {  	[tilespmem:$0x2920] =	vst @!p0 v1  }
0x19e: {  	v1 =	vld @!p0 [tilespmem:s17+$0x30];
	_ =	sdelay $0x4  }
0x19f: {  	v2 =	vand.u32 @!p0 $0xFFFF, v1  }
0x1a0: {  	v1 =	vshrl.u32 @!p0 v1, $0x10;
	[tilespmem:$0x2830] =	vst @!p0 v2  }
0x1a1: {  	[tilespmem:$0x2930] =	vst @!p0 v1  }
0x1a2: {  	v1 =	vld @!p0 [tilespmem:s17+$0x40];
	_ =	sdelay $0x4  }
0x1a3: {  	v2 =	vand.u32 @!p0 $0xFFFF, v1  }
0x1a4: {  	v1 =	vshrl.u32 @!p0 v1, $0x10;
	[tilespmem:$0x2840] =	vst @!p0 v2  }
0x1a5: {  	[tilespmem:$0x2940] =	vst @!p0 v1  }
0x1a6: {  	v1 =	vld @!p0 [tilespmem:s17+$0x50];
	_ =	sdelay $0x4  }
0x1a7: {  	v2 =	vand.u32 @!p0 $0xFFFF, v1  }
0x1a8: {  	v1 =	vshrl.u32 @!p0 v1, $0x10;
	[tilespmem:$0x2850] =	vst @!p0 v2  }
0x1a9: {  	[tilespmem:$0x2950] =	vst @!p0 v1  }
0x1aa: {  	v1 =	vld @!p0 [tilespmem:s17+$0x60];
	_ =	sdelay $0x4  }
0x1ab: {  	v2 =	vand.u32 @!p0 $0xFFFF, v1  }
0x1ac: {  	v1 =	vshrl.u32 @!p0 v1, $0x10;
	[tilespmem:$0x2860] =	vst @!p0 v2  }
0x1ad: {  	[tilespmem:$0x2960] =	vst @!p0 v1  }
0x1ae: {  	v1 =	vld @!p0 [tilespmem:s17+$0x70];
	_ =	sdelay $0x4  }
0x1af: {  	v2 =	vand.u32 @!p0 $0xFFFF, v1  }
0x1b0: {  	v1 =	vshrl.u32 @!p0 v1, $0x10;
	[tilespmem:$0x2870] =	vst @!p0 v2  }
0x1b1: {  	s0 =	simm.s32 @!p0 $0x2800;
	s6 =	simm.s32 @!p0 $0x2B00;
	s17 =	simm.s32 @!p0 $0x80;
	[tilespmem:$0x2970] =	vst @!p0 v1  }
0x1b2: {  	[tilespmem:s6], [sflag:$0x1] =	stream.indirect.gather @!p0 [hbm4b:s1+s17], $0x80, s0, s17, $0xb8;
	[tilespmem:$0x1E700] =	vst v63  }
0x1b3: {  	s0 =	sshll.u32 @!p0 s16, $0x4  }
0x1b4: {  	s6 =	simm.s32 @!p0 $0x0;
	s16 =	simm.s32 @!p0 $0x2A00;
	s0 =	sadd.s32 @!p0 s11, s0  }
0x1b5: {  	[tilespmem:s16], [sflag:$0x3] =	stream.linear.gather @!p0 [hbm4b:s0+s6], $0x80, $0x38;
	[tilespmem:$0x1E700] =	vst v63  }
0x1b6: {  	_ =	swait.ge [sflag:s26], $0x4000  }
0x1b7: {  	[sflag:s26] =	ssyncset.done $0x0  }
0x1b8: {  	[sflag:s26] =	ssyncadd.s32 $0xFFFFC000  }
0x1b9: {  	_ =	swait.ge [sflag:s28], $0x80  }
0x1ba: {  	s16 =	simm.s32 $0x0;
	[sflag:s28] =	ssyncset.done $0x0  }
0x1bb: {  	s0 =	sand.u32 $0x3FFFFFF0, s16;
	[sflag:s28] =	ssyncadd.s32 $0xFFFFFF80  }
0x1bc: {  	s17 =	simm.s32 $0x0;
	v1 =	vld [tilespmem:s0+$0x2A80]  }
0x1bd: {  	s16 =	sand.u32 $0x3FFFF800, s17  }
0x1be: {  	v3 =	vld [tilespmem:s16+$0x6B20]  }
0x1bf: {  	v4 =	vld [tilespmem:s16+$0x6B30]  }
0x1c0: {  	v10 =	vld [tilespmem:s16+$0x6B60]  }
0x1c1: {  	v11 =	vld [tilespmem:s16+$0x6B70];
	v2 =	vbroadcast v1, $0x0  }
0x1c2: {  	v12 =	vld [tilespmem:s16+$0x6B80]  }
0x1c3: {  	v13 =	vld [tilespmem:s16+$0x6B90];
	v3 =	vmul.f32 v3, v2  }
0x1c4: {  	v14 =	vld [tilespmem:s16+$0x6BA0];
	v4 =	vmul.f32 v4, v2  }
0x1c5: {  	v9 =	vld [tilespmem:s16+$0x6BB0];
	v23 =	vbroadcast v1, $0x1;
	v22 =	vmul.f32 v10, v2;
	[tilespmem:s16+$0x6B20] =	vst v3  }
0x1c6: {  	v7 =	vld [tilespmem:s16+$0x6BC0];
	v11 =	vmul.f32 v11, v2;
	[tilespmem:s16+$0x6B30] =	vst v4  }
0x1c7: {  	v8 =	vld [tilespmem:s16+$0x6BD0];
	v12 =	vmul.f32 v12, v23;
	[tilespmem:s16+$0x6B60] =	vst v22  }
0x1c8: {  	v25 =	vld [tilespmem:s16+$0x6BF0];
	v13 =	vmul.f32 v13, v23;
	[tilespmem:s16+$0x6B70] =	vst v11  }
0x1c9: {  	v26 =	vld [tilespmem:s16+$0x6C00];
	v14 =	vmul.f32 v14, v23;
	[tilespmem:s16+$0x6B80] =	vst v12  }
0x1ca: {  	v27 =	vld [tilespmem:s16+$0x6C10];
	v9 =	vmul.f32 v9, v23;
	[tilespmem:s16+$0x6B90] =	vst v13  }
0x1cb: {  	v6 =	vld [tilespmem:s16+$0x7070];
	v7 =	vmul.f32 v7, v23;
	[tilespmem:s16+$0x6BA0] =	vst v14  }
0x1cc: {  	v24 =	vld [tilespmem:s16+$0x6BE0];
	v15 =	vbroadcast v1, $0x2;
	v8 =	vmul.f32 v8, v23;
	[tilespmem:s16+$0x6BB0] =	vst v9  }
0x1cd: {  	v28 =	vld [tilespmem:s16+$0x6C20];
	v10 =	vmul.f32 v25, v23;
	[tilespmem:s16+$0x6BC0] =	vst v7  }
0x1ce: {  	v29 =	vld [tilespmem:s16+$0x6C30];
	v5 =	vbroadcast v1, $0xA;
	v32 =	vmul.f32 v26, v15;
	[tilespmem:s16+$0x6BD0] =	vst v8  }
0x1cf: {  	v30 =	vld [tilespmem:s16+$0x6C40];
	v34 =	vmul.f32 v27, v15;
	[tilespmem:s16+$0x6BF0] =	vst v10  }
0x1d0: {  	v33 =	vld [tilespmem:s16+$0x6C60];
	v3 =	vmul.f32 v6, v5;
	[tilespmem:s16+$0x6C00] =	vst v32  }
0x1d1: {  	v35 =	vld [tilespmem:s16+$0x6C70];
	v11 =	vmul.f32 v24, v23;
	[tilespmem:s16+$0x6C10] =	vst v34  }
0x1d2: {  	v36 =	vld [tilespmem:s16+$0x6C80];
	v9 =	vmul.f32 v28, v15;
	[tilespmem:s16+$0x7070] =	vst v3  }
0x1d3: {  	v31 =	vld [tilespmem:s16+$0x6C50];
	v7 =	vmul.f32 v29, v15;
	[tilespmem:s16+$0x6BE0] =	vst v11  }
0x1d4: {  	v37 =	vld [tilespmem:s16+$0x6C90];
	v8 =	vmul.f32 v30, v15;
	[tilespmem:s16+$0x6C20] =	vst v9  }
0x1d5: {  	v38 =	vld [tilespmem:s16+$0x6CA0];
	v41 =	vbroadcast v1, $0x3;
	v10 =	vmul.f32 v33, v15;
	[tilespmem:s16+$0x6C30] =	vst v7  }
0x1d6: {  	v39 =	vld [tilespmem:s16+$0x6CB0];
	v12 =	vmul.f32 v35, v15;
	[tilespmem:s16+$0x6C40] =	vst v8  }
0x1d7: {  	v42 =	vld [tilespmem:s16+$0x6CD0];
	v13 =	vmul.f32 v36, v41;
	[tilespmem:s16+$0x6C60] =	vst v10  }
0x1d8: {  	v43 =	vld [tilespmem:s16+$0x6CE0];
	v11 =	vmul.f32 v31, v15;
	[tilespmem:s16+$0x6C70] =	vst v12  }
0x1d9: {  	v44 =	vld [tilespmem:s16+$0x6CF0];
	v9 =	vmul.f32 v37, v41;
	[tilespmem:s16+$0x6C80] =	vst v13  }
0x1da: {  	v40 =	vld [tilespmem:s16+$0x6CC0];
	v7 =	vmul.f32 v38, v41;
	[tilespmem:s16+$0x6C50] =	vst v11  }
0x1db: {  	v45 =	vld [tilespmem:s16+$0x6D00];
	v8 =	vmul.f32 v39, v41;
	[tilespmem:s16+$0x6C90] =	vst v9  }
0x1dc: {  	v46 =	vld [tilespmem:s16+$0x6D10];
	v10 =	vmul.f32 v42, v41;
	[tilespmem:s16+$0x6CA0] =	vst v7  }
0x1dd: {  	v47 =	vld [tilespmem:s16+$0x6D20];
	v12 =	vmul.f32 v43, v41;
	[tilespmem:s16+$0x6CB0] =	vst v8  }
0x1de: {  	v49 =	vld [tilespmem:s16+$0x6D40];
	v50 =	vbroadcast v1, $0x4;
	v13 =	vmul.f32 v44, v41;
	[tilespmem:s16+$0x6CD0] =	vst v10  }
0x1df: {  	v51 =	vld [tilespmem:s16+$0x6D50];
	v11 =	vmul.f32 v40, v41;
	[tilespmem:s16+$0x6CE0] =	vst v12  }
0x1e0: {  	v52 =	vld [tilespmem:s16+$0x6D60];
	v9 =	vmul.f32 v45, v50;
	[tilespmem:s16+$0x6CF0] =	vst v13  }
0x1e1: {  	v48 =	vld [tilespmem:s16+$0x6D30];
	v7 =	vmul.f32 v46, v50;
	[tilespmem:s16+$0x6CC0] =	vst v11  }
0x1e2: {  	v53 =	vld [tilespmem:s16+$0x6D70];
	v8 =	vmul.f32 v47, v50;
	[tilespmem:s16+$0x6D00] =	vst v9  }
0x1e3: {  	v54 =	vld [tilespmem:s16+$0x6D80];
	v10 =	vmul.f32 v49, v50;
	[tilespmem:s16+$0x6D10] =	vst v7  }
0x1e4: {  	v55 =	vld [tilespmem:s16+$0x6D90];
	v12 =	vmul.f32 v51, v50;
	[tilespmem:s16+$0x6D20] =	vst v8  }
0x1e5: {  	v57 =	vld [tilespmem:s16+$0x6DB0];
	v13 =	vmul.f32 v52, v50;
	[tilespmem:s16+$0x6D40] =	vst v10  }
0x1e6: {  	v58 =	vld [tilespmem:s16+$0x6DC0];
	v59 =	vbroadcast v1, $0x5;
	v11 =	vmul.f32 v48, v50;
	[tilespmem:s16+$0x6D50] =	vst v12  }
0x1e7: {  	v60 =	vld [tilespmem:s16+$0x6DD0];
	v9 =	vmul.f32 v53, v50;
	[tilespmem:s16+$0x6D60] =	vst v13  }
0x1e8: {  	v56 =	vld [tilespmem:s16+$0x6DA0];
	v7 =	vmul.f32 v54, v59;
	[tilespmem:s16+$0x6D30] =	vst v11  }
0x1e9: {  	v61 =	vld [tilespmem:s16+$0x6DE0];
	v8 =	vmul.f32 v55, v59;
	[tilespmem:s16+$0x6D70] =	vst v9  }
0x1ea: {  	v62 =	vld [tilespmem:s16+$0x6DF0];
	v10 =	vmul.f32 v57, v59;
	[tilespmem:s16+$0x6D80] =	vst v7  }
0x1eb: {  	v63 =	vld [tilespmem:s16+$0x6E00];
	v12 =	vmul.f32 v58, v59;
	[tilespmem:s16+$0x6D90] =	vst v8  }
0x1ec: {  	v19 =	vld [tilespmem:s16+$0x6E20];
	v13 =	vmul.f32 v60, v59;
	[tilespmem:s16+$0x6DB0] =	vst v10  }
0x1ed: {  	v20 =	vld [tilespmem:s16+$0x6E30];
	v11 =	vmul.f32 v56, v59;
	[tilespmem:s16+$0x6DC0] =	vst v12  }
0x1ee: {  	v21 =	vld [tilespmem:s16+$0x6E40];
	v22 =	vbroadcast v1, $0x6;
	v9 =	vmul.f32 v61, v59;
	[tilespmem:s16+$0x6DD0] =	vst v13  }
0x1ef: {  	v18 =	vld [tilespmem:s16+$0x6E10];
	v7 =	vmul.f32 v62, v59;
	[tilespmem:s16+$0x6DA0] =	vst v11  }
0x1f0: {  	v23 =	vld [tilespmem:s16+$0x6E50];
	v8 =	vmul.f32 v63, v22;
	[tilespmem:s16+$0x6DE0] =	vst v9  }
0x1f1: {  	v24 =	vld [tilespmem:s16+$0x6E60];
	v10 =	vmul.f32 v19, v22;
	[tilespmem:s16+$0x6DF0] =	vst v7  }
0x1f2: {  	v25 =	vld [tilespmem:s16+$0x6E70];
	v12 =	vmul.f32 v20, v22;
	[tilespmem:s16+$0x6E00] =	vst v8  }
0x1f3: {  	v27 =	vld [tilespmem:s16+$0x6E90];
	v13 =	vmul.f32 v21, v22;
	[tilespmem:s16+$0x6E20] =	vst v10  }
0x1f4: {  	v28 =	vld [tilespmem:s16+$0x6EA0];
	v11 =	vmul.f32 v18, v22;
	[tilespmem:s16+$0x6E30] =	vst v12  }
0x1f5: {  	v29 =	vld [tilespmem:s16+$0x6EB0];
	v9 =	vmul.f32 v23, v22;
	[tilespmem:s16+$0x6E40] =	vst v13  }
0x1f6: {  	v31 =	vbroadcast v1, $0x7;
	v53 =	vld [tilespmem:s16+$0x7000];
	v7 =	vmul.f32 v24, v22;
	[tilespmem:s16+$0x6E10] =	vst v11  }
0x1f7: {  	v57 =	vld [tilespmem:s16+$0x7040];
	v8 =	vmul.f32 v25, v22;
	[tilespmem:s16+$0x6E50] =	vst v9  }
0x1f8: {  	v58 =	vld [tilespmem:s16+$0x7050];
	v10 =	vmul.f32 v27, v31;
	[tilespmem:s16+$0x6E60] =	vst v7  }
0x1f9: {  	v26 =	vld [tilespmem:s16+$0x6E80];
	v12 =	vmul.f32 v28, v31;
	[tilespmem:s16+$0x6E70] =	vst v8  }
0x1fa: {  	v30 =	vld [tilespmem:s16+$0x6EC0];
	v13 =	vmul.f32 v29, v31;
	[tilespmem:s16+$0x6E90] =	vst v10  }
0x1fb: {  	v32 =	vld [tilespmem:s16+$0x6ED0];
	v59 =	vmul.f32 v53, v5;
	[tilespmem:s16+$0x6EA0] =	vst v12  }
0x1fc: {  	v33 =	vld [tilespmem:s16+$0x6EE0];
	v18 =	vmul.f32 v57, v5;
	[tilespmem:s16+$0x6EB0] =	vst v13  }
0x1fd: {  	v35 =	vld [tilespmem:s16+$0x6F00];
	v20 =	vmul.f32 v58, v5;
	[tilespmem:s16+$0x7000] =	vst v59  }
0x1fe: {  	v36 =	vld [tilespmem:s16+$0x6F10];
	v11 =	vmul.f32 v26, v31;
	[tilespmem:s16+$0x7040] =	vst v18  }
0x1ff: {  	v37 =	vld [tilespmem:s16+$0x6F20];
	v9 =	vmul.f32 v30, v31;
	[tilespmem:s16+$0x7050] =	vst v20  }
0x200: {  	v4 =	vld [tilespmem:s16+$0x7080];
	v40 =	vbroadcast v1, $0x8;
	v7 =	vmul.f32 v32, v31;
	[tilespmem:s16+$0x6E80] =	vst v11  }
0x201: {  	v6 =	vld [tilespmem:s16+$0x7090];
	v8 =	vmul.f32 v33, v31;
	[tilespmem:s16+$0x6EC0] =	vst v9  }
0x202: {  	v3 =	vld [tilespmem:s16+$0x72D0];
	v10 =	vmul.f32 v35, v40;
	[tilespmem:s16+$0x6ED0] =	vst v7  }
0x203: {  	v61 =	vld [tilespmem:s16+$0x6B00];
	v23 =	vbroadcast v1, $0xB;
	v12 =	vmul.f32 v36, v40;
	[tilespmem:s16+$0x6EE0] =	vst v8  }
0x204: {  	v34 =	vld [tilespmem:s16+$0x6EF0];
	v13 =	vmul.f32 v37, v40;
	[tilespmem:s16+$0x6F00] =	vst v10  }
0x205: {  	v38 =	vld [tilespmem:s16+$0x6F30];
	v27 =	vbroadcast v1, $0xF;
	v4 =	vmul.f32 v4, v23;
	[tilespmem:s16+$0x6F10] =	vst v12  }
0x206: {  	v39 =	vld [tilespmem:s16+$0x6F40];
	v6 =	vmul.f32 v6, v23;
	[tilespmem:s16+$0x6F20] =	vst v13  }
0x207: {  	v41 =	vld [tilespmem:s16+$0x6F50];
	v3 =	vmul.f32 v3, v27;
	[tilespmem:s16+$0x7080] =	vst v4  }
0x208: {  	v43 =	vld [tilespmem:s16+$0x6F70];
	v24 =	vmul.f32 v2, v61;
	[tilespmem:s16+$0x7090] =	vst v6  }
0x209: {  	v44 =	vld [tilespmem:s16+$0x6F80];
	v11 =	vmul.f32 v34, v31;
	[tilespmem:s16+$0x72D0] =	vst v3  }
0x20a: {  	v45 =	vld [tilespmem:s16+$0x6F90];
	v9 =	vmul.f32 v38, v40;
	[tilespmem:s16+$0x6B00] =	vst v24  }
0x20b: {  	v63 =	vld [tilespmem:s16+$0x6B40];
	v7 =	vmul.f32 v39, v40;
	[tilespmem:s16+$0x6EF0] =	vst v11  }
0x20c: {  	v49 =	vbroadcast v1, $0x9;
	v29 =	vld [tilespmem:s16+$0x70F0];
	v8 =	vmul.f32 v41, v40;
	[tilespmem:s16+$0x6F30] =	vst v9  }
0x20d: {  	v42 =	vld [tilespmem:s16+$0x6F60];
	v10 =	vmul.f32 v43, v40;
	[tilespmem:s16+$0x6F40] =	vst v7  }
0x20e: {  	v46 =	vld [tilespmem:s16+$0x6FA0];
	v12 =	vmul.f32 v44, v49;
	[tilespmem:s16+$0x6F50] =	vst v8  }
0x20f: {  	v47 =	vld [tilespmem:s16+$0x6FB0];
	v13 =	vmul.f32 v45, v49;
	[tilespmem:s16+$0x6F70] =	vst v10  }
0x210: {  	v48 =	vld [tilespmem:s16+$0x6FC0];
	v3 =	vmul.f32 v63, v2;
	[tilespmem:s16+$0x6F80] =	vst v12  }
0x211: {  	v51 =	vld [tilespmem:s16+$0x6FE0];
	v6 =	vmul.f32 v29, v23;
	[tilespmem:s16+$0x6F90] =	vst v13  }
0x212: {  	v52 =	vld [tilespmem:s16+$0x6FF0];
	v11 =	vmul.f32 v42, v40;
	[tilespmem:s16+$0x6B40] =	vst v3  }
0x213: {  	v28 =	vld [tilespmem:s16+$0x70E0];
	v9 =	vmul.f32 v46, v49;
	[tilespmem:s16+$0x70F0] =	vst v6  }
0x214: {  	v26 =	vld [tilespmem:s16+$0x70D0];
	v7 =	vmul.f32 v47, v49;
	[tilespmem:s16+$0x6F60] =	vst v11  }
0x215: {  	v30 =	vld [tilespmem:s16+$0x7100];
	v8 =	vmul.f32 v48, v49;
	[tilespmem:s16+$0x6FA0] =	vst v9  }
0x216: {  	v50 =	vld [tilespmem:s16+$0x6FD0];
	v10 =	vmul.f32 v51, v49;
	[tilespmem:s16+$0x6FB0] =	vst v7  }
0x217: {  	v54 =	vld [tilespmem:s16+$0x7010];
	v12 =	vmul.f32 v52, v49;
	[tilespmem:s16+$0x6FC0] =	vst v8  }
0x218: {  	v55 =	vld [tilespmem:s16+$0x7020];
	v35 =	vbroadcast v1, $0xC;
	v40 =	vmul.f32 v28, v23;
	[tilespmem:s16+$0x6FE0] =	vst v10  }
0x219: {  	v56 =	vld [tilespmem:s16+$0x7030];
	v32 =	vmul.f32 v26, v23;
	[tilespmem:s16+$0x6FF0] =	vst v12  }
0x21a: {  	v60 =	vld [tilespmem:s16+$0x7060];
	v15 =	vmul.f32 v30, v35;
	[tilespmem:s16+$0x70E0] =	vst v40  }
0x21b: {  	v62 =	vld [tilespmem:s16+$0x6B10];
	v11 =	vmul.f32 v50, v49;
	[tilespmem:s16+$0x70D0] =	vst v32  }
0x21c: {  	v19 =	vld [tilespmem:s16+$0x6B50];
	v9 =	vmul.f32 v54, v5;
	[tilespmem:s16+$0x7100] =	vst v15  }
0x21d: {  	v33 =	vld [tilespmem:s16+$0x7130];
	v7 =	vmul.f32 v55, v5;
	[tilespmem:s16+$0x6FD0] =	vst v11  }
0x21e: {  	v61 =	vld [tilespmem:s16+$0x72F0];
	v8 =	vmul.f32 v56, v5;
	[tilespmem:s16+$0x7010] =	vst v9  }
0x21f: {  	v38 =	vld [tilespmem:s16+$0x7170];
	v5 =	vmul.f32 v60, v5;
	[tilespmem:s16+$0x7020] =	vst v7  }
0x220: {  	v21 =	vld [tilespmem:s16+$0x70A0];
	v12 =	vmul.f32 v62, v2;
	[tilespmem:s16+$0x7030] =	vst v8  }
0x221: {  	v22 =	vld [tilespmem:s16+$0x70B0];
	v2 =	vmul.f32 v19, v2;
	[tilespmem:s16+$0x7060] =	vst v5  }
0x222: {  	v25 =	vld [tilespmem:s16+$0x70C0];
	v62 =	vmul.f32 v33, v35;
	[tilespmem:s16+$0x6B10] =	vst v12  }
0x223: {  	v31 =	vld [tilespmem:s16+$0x7110];
	v63 =	vmul.f32 v61, v27;
	[tilespmem:s16+$0x6B50] =	vst v2  }
0x224: {  	v34 =	vld [tilespmem:s16+$0x7140];
	v15 =	vmul.f32 v38, v35;
	[tilespmem:s16+$0x7130] =	vst v62  }
0x225: {  	v41 =	vld [tilespmem:s16+$0x71A0];
	v7 =	vmul.f32 v21, v23;
	[tilespmem:s16+$0x72F0] =	vst v63  }
0x226: {  	v46 =	vld [tilespmem:s16+$0x71E0];
	v8 =	vmul.f32 v22, v23;
	[tilespmem:s16+$0x7170] =	vst v15  }
0x227: {  	v36 =	vld [tilespmem:s16+$0x7150];
	v5 =	vmul.f32 v25, v23;
	[tilespmem:s16+$0x70A0] =	vst v7  }
0x228: {  	v44 =	vbroadcast v1, $0xD;
	v9 =	vmul.f32 v31, v35;
	v2 =	vld [tilespmem:s16+$0x7190];
	[tilespmem:s16+$0x70B0] =	vst v8  }
0x229: {  	v37 =	vld [tilespmem:s16+$0x7160];
	v12 =	vmul.f32 v34, v35;
	[tilespmem:s16+$0x70C0] =	vst v5  }
0x22a: {  	v39 =	vld [tilespmem:s16+$0x7180];
	v11 =	vmul.f32 v41, v44;
	[tilespmem:s16+$0x7110] =	vst v9  }
0x22b: {  	v42 =	vld [tilespmem:s16+$0x71B0];
	v51 =	vmul.f32 v46, v44;
	[tilespmem:s16+$0x7140] =	vst v12  }
0x22c: {  	v48 =	vld [tilespmem:s16+$0x7210];
	v8 =	vmul.f32 v36, v35;
	[tilespmem:s16+$0x71A0] =	vst v11  }
0x22d: {  	v49 =	vld [tilespmem:s16+$0x7220];
	[tilespmem:s16+$0x71E0] =	vst v51;
	v2 =	vmul.f32 v2, v44  }
0x22e: {  	v50 =	vld [tilespmem:s16+$0x7230];
	v5 =	vmul.f32 v37, v35;
	[tilespmem:s16+$0x7150] =	vst v8  }
0x22f: {  	v1 =	vbroadcast v1, $0xE;
	v9 =	vmul.f32 v39, v44;
	[tilespmem:s16+$0x7190] =	vst v2;
	v2 =	vld [tilespmem:s16+$0x7200]  }
0x230: {  	v60 =	vld [tilespmem:s16+$0x72E0];
	v12 =	vmul.f32 v42, v44;
	[tilespmem:s16+$0x7160] =	vst v5  }
0x231: {  	v45 =	vld [tilespmem:s16+$0x71D0];
	v11 =	vmul.f32 v48, v1;
	[tilespmem:s16+$0x7180] =	vst v9  }
0x232: {  	v47 =	vld [tilespmem:s16+$0x71F0];
	v10 =	vmul.f32 v49, v1;
	[tilespmem:s16+$0x71B0] =	vst v12  }
0x233: {  	v43 =	vld [tilespmem:s16+$0x71C0];
	v6 =	vmul.f32 v50, v1;
	[tilespmem:s16+$0x7210] =	vst v11  }
0x234: {  	v55 =	vld [tilespmem:s16+$0x7280];
	[tilespmem:s16+$0x7220] =	vst v10;
	v2 =	vmul.f32 v2, v1  }
0x235: {  	v57 =	vld [tilespmem:s16+$0x72A0];
	v4 =	vmul.f32 v60, v27;
	[tilespmem:s16+$0x7230] =	vst v6  }
0x236: {  	v5 =	vmul.f32 v45, v44;
	[tilespmem:s16+$0x7200] =	vst v2;
	v2 =	vld [tilespmem:s16+$0x7270]  }
0x237: {  	v52 =	vld [tilespmem:s16+$0x7240];
	v9 =	vmul.f32 v47, v44;
	[tilespmem:s16+$0x72E0] =	vst v4  }
0x238: {  	v56 =	vld [tilespmem:s16+$0x7290];
	v8 =	vmul.f32 v43, v44;
	[tilespmem:s16+$0x71D0] =	vst v5  }
0x239: {  	v54 =	vld [tilespmem:s16+$0x7260];
	v11 =	vmul.f32 v55, v27;
	[tilespmem:s16+$0x71F0] =	vst v9  }
0x23a: {  	v58 =	vld [tilespmem:s16+$0x72B0];
	v6 =	vmul.f32 v57, v27;
	[tilespmem:s16+$0x71C0] =	vst v8  }
0x23b: {  	v53 =	vld [tilespmem:s16+$0x7250];
	[tilespmem:s16+$0x7280] =	vst v11;
	v2 =	vmul.f32 v2, v1  }
0x23c: {  	v59 =	vld [tilespmem:s16+$0x72C0];
	v5 =	vmul.f32 v52, v1;
	[tilespmem:s16+$0x72A0] =	vst v6  }
0x23d: {  	[tilespmem:s16+$0x7270] =	vst v2;
	v2 =	vmul.f32 v56, v27  }
0x23e: {  	v3 =	vld [tilespmem:s16+$0x7120];
	v9 =	vmul.f32 v54, v1;
	[tilespmem:s16+$0x7240] =	vst v5  }
0x23f: {  	[tilespmem:s16+$0x7290] =	vst v2;
	v2 =	vmul.f32 v58, v27  }
0x240: {  	[tilespmem:s16+$0x7260] =	vst v9;
	v1 =	vmul.f32 v53, v1  }
0x241: {  	[tilespmem:s16+$0x72B0] =	vst v2;
	v2 =	vmul.f32 v59, v27  }
0x242: {  	[tilespmem:s16+$0x7250] =	vst v1  }
0x243: {  	s17 =	simm.s32 $0x1;
	[tilespmem:s16+$0x72C0] =	vst v2;
	v2 =	vmul.f32 v3, v35  }
.LBB2_7:
0x244: {  	s0 =	sshll.u32 s17, $0x4  }
0x245: {  	p1 =	sne.s32 s17, $0x7;
	[tilespmem:s16+$0x7120] =	vst v2;
	s6 =	smov.u32 s17;
	s17 =	sadd.s32 $0x1, s17  }
0x246: {  	s0 =	sand.u32 $0x3FFFFFF0, s0  }
0x247: {  	v1 =	vld [tilespmem:s0+$0x2A80];
	s0 =	sshll.u32 s6, $0xB  }
0x248: {  	s16 =	sand.u32 $0x3FFFF800, s0  }
0x249: {  	v8 =	vld [tilespmem:s16+$0x6BC0]  }
0x24a: {  	v9 =	vld [tilespmem:s16+$0x6BD0]  }
0x24b: {  	v10 =	vld [tilespmem:s16+$0x6BB0]  }
0x24c: {  	v2 =	vbroadcast v1, $0x0;
	v3 =	vld [tilespmem:s16+$0x6B20];
	v7 =	vbroadcast v1, $0x4  }
0x24d: {  	v5 =	vld [tilespmem:s16+$0x6B30]  }
0x24e: {  	v6 =	vld [tilespmem:s16+$0x7070]  }
0x24f: {  	v11 =	vld [tilespmem:s16+$0x6B60]  }
0x250: {  	v12 =	vld [tilespmem:s16+$0x6B70]  }
0x251: {  	v4 =	vbroadcast v1, $0xA;
	v3 =	vmul.f32 v3, v2;
	v13 =	vld [tilespmem:s16+$0x6B80]  }
0x252: {  	v5 =	vmul.f32 v5, v2;
	v14 =	vld [tilespmem:s16+$0x6B90]  }
0x253: {  	[tilespmem:s16+$0x6B20] =	vst v3;
	v15 =	vld [tilespmem:s16+$0x6BA0];
	v3 =	vmul.f32 v6, v4  }
0x254: {  	[tilespmem:s16+$0x6B30] =	vst v5;
	v6 =	vmul.f32 v11, v2;
	v11 =	vbroadcast v1, $0x1;
	v5 =	vld [tilespmem:s16+$0x7080]  }
0x255: {  	v12 =	vmul.f32 v12, v2;
	[tilespmem:s16+$0x7070] =	vst v3;
	v3 =	vld [tilespmem:s16+$0x72D0]  }
0x256: {  	[tilespmem:s16+$0x6B60] =	vst v6;
	v13 =	vmul.f32 v13, v11;
	v6 =	vld [tilespmem:s16+$0x7090]  }
0x257: {  	[tilespmem:s16+$0x6B70] =	vst v12;
	v12 =	vmul.f32 v14, v11;
	v14 =	vld [tilespmem:s16+$0x6BE0]  }
0x258: {  	[tilespmem:s16+$0x6B80] =	vst v13;
	v13 =	vmul.f32 v15, v11;
	v15 =	vld [tilespmem:s16+$0x6BF0]  }
0x259: {  	v10 =	vmul.f32 v10, v11;
	[tilespmem:s16+$0x6B90] =	vst v12;
	v12 =	vld [tilespmem:s16+$0x6C00]  }
0x25a: {  	v8 =	vmul.f32 v8, v11;
	[tilespmem:s16+$0x6BA0] =	vst v13;
	v13 =	vld [tilespmem:s16+$0x6C10]  }
0x25b: {  	v9 =	vmul.f32 v9, v11;
	[tilespmem:s16+$0x6BB0] =	vst v10;
	v10 =	vld [tilespmem:s16+$0x6C20]  }
0x25c: {  	[tilespmem:s16+$0x6BC0] =	vst v8;
	v8 =	vmul.f32 v14, v11;
	v14 =	vbroadcast v1, $0x2;
	v16 =	vld [tilespmem:s16+$0x6C30]  }
0x25d: {  	[tilespmem:s16+$0x6BD0] =	vst v9;
	v9 =	vmul.f32 v15, v11;
	v11 =	vld [tilespmem:s16+$0x6C40]  }
0x25e: {  	[tilespmem:s16+$0x6BE0] =	vst v8;
	v8 =	vmul.f32 v12, v14;
	v12 =	vld [tilespmem:s16+$0x6C50]  }
0x25f: {  	[tilespmem:s16+$0x6BF0] =	vst v9;
	v9 =	vmul.f32 v13, v14;
	v13 =	vld [tilespmem:s16+$0x6C60]  }
0x260: {  	[tilespmem:s16+$0x6C00] =	vst v8;
	v8 =	vmul.f32 v10, v14;
	v10 =	vld [tilespmem:s16+$0x6C70]  }
0x261: {  	[tilespmem:s16+$0x6C10] =	vst v9;
	v9 =	vmul.f32 v16, v14;
	v15 =	vld [tilespmem:s16+$0x6C80]  }
0x262: {  	[tilespmem:s16+$0x6C20] =	vst v8;
	v8 =	vmul.f32 v11, v14;
	v11 =	vld [tilespmem:s16+$0x6C90]  }
0x263: {  	[tilespmem:s16+$0x6C30] =	vst v9;
	v9 =	vmul.f32 v12, v14;
	v12 =	vld [tilespmem:s16+$0x6CA0]  }
0x264: {  	[tilespmem:s16+$0x6C40] =	vst v8;
	v8 =	vmul.f32 v13, v14;
	v13 =	vbroadcast v1, $0x3;
	v16 =	vld [tilespmem:s16+$0x6CB0]  }
0x265: {  	[tilespmem:s16+$0x6C50] =	vst v9;
	v9 =	vmul.f32 v10, v14;
	v10 =	vld [tilespmem:s16+$0x6CC0]  }
0x266: {  	[tilespmem:s16+$0x6C60] =	vst v8;
	v8 =	vmul.f32 v15, v13;
	v14 =	vld [tilespmem:s16+$0x6CD0]  }
0x267: {  	[tilespmem:s16+$0x6C70] =	vst v9;
	v9 =	vmul.f32 v11, v13;
	v11 =	vld [tilespmem:s16+$0x6CE0]  }
0x268: {  	[tilespmem:s16+$0x6C80] =	vst v8;
	v8 =	vmul.f32 v12, v13;
	v12 =	vld [tilespmem:s16+$0x6CF0]  }
0x269: {  	[tilespmem:s16+$0x6C90] =	vst v9;
	v9 =	vmul.f32 v16, v13;
	v15 =	vld [tilespmem:s16+$0x6D00]  }
0x26a: {  	[tilespmem:s16+$0x6CA0] =	vst v8;
	v8 =	vmul.f32 v10, v13;
	v10 =	vld [tilespmem:s16+$0x6D10]  }
0x26b: {  	[tilespmem:s16+$0x6CB0] =	vst v9;
	v9 =	vmul.f32 v14, v13;
	v14 =	vld [tilespmem:s16+$0x6D20]  }
0x26c: {  	[tilespmem:s16+$0x6CC0] =	vst v8;
	v8 =	vmul.f32 v11, v13;
	v11 =	vld [tilespmem:s16+$0x6D30]  }
0x26d: {  	[tilespmem:s16+$0x6CD0] =	vst v9;
	v9 =	vmul.f32 v12, v13;
	v12 =	vld [tilespmem:s16+$0x6D40]  }
0x26e: {  	[tilespmem:s16+$0x6CE0] =	vst v8;
	v8 =	vmul.f32 v15, v7;
	v13 =	vld [tilespmem:s16+$0x6D50]  }
0x26f: {  	[tilespmem:s16+$0x6CF0] =	vst v9;
	v9 =	vmul.f32 v10, v7;
	v10 =	vld [tilespmem:s16+$0x6D60]  }
0x270: {  	[tilespmem:s16+$0x6D00] =	vst v8;
	v8 =	vmul.f32 v14, v7;
	v14 =	vld [tilespmem:s16+$0x6D70]  }
0x271: {  	[tilespmem:s16+$0x6D10] =	vst v9;
	v9 =	vmul.f32 v11, v7;
	v11 =	vld [tilespmem:s16+$0x6D80]  }
0x272: {  	[tilespmem:s16+$0x6D20] =	vst v8;
	v8 =	vmul.f32 v12, v7;
	v12 =	vld [tilespmem:s16+$0x6D90]  }
0x273: {  	[tilespmem:s16+$0x6D30] =	vst v9;
	v9 =	vmul.f32 v13, v7;
	v13 =	vld [tilespmem:s16+$0x6DA0]  }
0x274: {  	[tilespmem:s16+$0x6D40] =	vst v8;
	v8 =	vmul.f32 v10, v7;
	v10 =	vbroadcast v1, $0x5;
	v15 =	vld [tilespmem:s16+$0x6DB0]  }
0x275: {  	[tilespmem:s16+$0x6D50] =	vst v9;
	v7 =	vmul.f32 v14, v7;
	v9 =	vld [tilespmem:s16+$0x6DC0]  }
0x276: {  	[tilespmem:s16+$0x6D60] =	vst v8;
	v8 =	vmul.f32 v11, v10;
	v11 =	vld [tilespmem:s16+$0x6DD0]  }
0x277: {  	[tilespmem:s16+$0x6D70] =	vst v7;
	v7 =	vmul.f32 v12, v10;
	v12 =	vld [tilespmem:s16+$0x6DE0]  }
0x278: {  	[tilespmem:s16+$0x6D80] =	vst v8;
	v8 =	vmul.f32 v13, v10;
	v13 =	vld [tilespmem:s16+$0x6DF0]  }
0x279: {  	[tilespmem:s16+$0x6D90] =	vst v7;
	v7 =	vmul.f32 v15, v10;
	v14 =	vld [tilespmem:s16+$0x6E00]  }
0x27a: {  	[tilespmem:s16+$0x6DA0] =	vst v8;
	v8 =	vmul.f32 v9, v10;
	v9 =	vld [tilespmem:s16+$0x6E10]  }
0x27b: {  	[tilespmem:s16+$0x6DB0] =	vst v7;
	v7 =	vmul.f32 v11, v10;
	v11 =	vld [tilespmem:s16+$0x6E20]  }
0x27c: {  	[tilespmem:s16+$0x6DC0] =	vst v8;
	v8 =	vmul.f32 v12, v10;
	v12 =	vbroadcast v1, $0x6;
	v15 =	vld [tilespmem:s16+$0x6E30]  }
0x27d: {  	[tilespmem:s16+$0x6DD0] =	vst v7;
	v7 =	vmul.f32 v13, v10;
	v10 =	vld [tilespmem:s16+$0x6E40]  }
0x27e: {  	[tilespmem:s16+$0x6DE0] =	vst v8;
	v8 =	vmul.f32 v14, v12;
	v13 =	vld [tilespmem:s16+$0x6E50]  }
0x27f: {  	[tilespmem:s16+$0x6DF0] =	vst v7;
	v7 =	vmul.f32 v9, v12;
	v9 =	vld [tilespmem:s16+$0x6E60]  }
0x280: {  	[tilespmem:s16+$0x6E00] =	vst v8;
	v8 =	vmul.f32 v11, v12;
	v11 =	vld [tilespmem:s16+$0x6E70]  }
0x281: {  	[tilespmem:s16+$0x6E10] =	vst v7;
	v7 =	vmul.f32 v15, v12;
	v14 =	vld [tilespmem:s16+$0x6E80]  }
0x282: {  	[tilespmem:s16+$0x6E20] =	vst v8;
	v8 =	vmul.f32 v10, v12;
	v10 =	vld [tilespmem:s16+$0x6E90]  }
0x283: {  	[tilespmem:s16+$0x6E30] =	vst v7;
	v7 =	vmul.f32 v13, v12;
	v13 =	vld [tilespmem:s16+$0x6EA0]  }
0x284: {  	[tilespmem:s16+$0x6E40] =	vst v8;
	v8 =	vmul.f32 v9, v12;
	v9 =	vbroadcast v1, $0x7;
	v15 =	vld [tilespmem:s16+$0x6EB0]  }
0x285: {  	[tilespmem:s16+$0x6E50] =	vst v7;
	v7 =	vmul.f32 v11, v12;
	v11 =	vld [tilespmem:s16+$0x6EC0]  }
0x286: {  	[tilespmem:s16+$0x6E60] =	vst v8;
	v8 =	vmul.f32 v14, v9;
	v12 =	vld [tilespmem:s16+$0x6ED0]  }
0x287: {  	[tilespmem:s16+$0x6E70] =	vst v7;
	v7 =	vmul.f32 v10, v9;
	v10 =	vld [tilespmem:s16+$0x6EE0]  }
0x288: {  	[tilespmem:s16+$0x6E80] =	vst v8;
	v8 =	vmul.f32 v13, v9;
	v13 =	vld [tilespmem:s16+$0x6EF0]  }
0x289: {  	[tilespmem:s16+$0x6E90] =	vst v7;
	v7 =	vmul.f32 v15, v9;
	v14 =	vld [tilespmem:s16+$0x6F00]  }
0x28a: {  	[tilespmem:s16+$0x6EA0] =	vst v8;
	v8 =	vmul.f32 v11, v9;
	v11 =	vld [tilespmem:s16+$0x6F10]  }
0x28b: {  	[tilespmem:s16+$0x6EB0] =	vst v7;
	v7 =	vmul.f32 v12, v9;
	v12 =	vld [tilespmem:s16+$0x6F20]  }
0x28c: {  	[tilespmem:s16+$0x6EC0] =	vst v8;
	v8 =	vmul.f32 v10, v9;
	v10 =	vbroadcast v1, $0x8;
	v15 =	vld [tilespmem:s16+$0x6F30]  }
0x28d: {  	[tilespmem:s16+$0x6ED0] =	vst v7;
	v7 =	vmul.f32 v13, v9;
	v9 =	vld [tilespmem:s16+$0x6F40]  }
0x28e: {  	[tilespmem:s16+$0x6EE0] =	vst v8;
	v8 =	vmul.f32 v14, v10;
	v13 =	vld [tilespmem:s16+$0x6F50]  }
0x28f: {  	[tilespmem:s16+$0x6EF0] =	vst v7;
	v7 =	vmul.f32 v11, v10;
	v11 =	vld [tilespmem:s16+$0x6F60]  }
0x290: {  	[tilespmem:s16+$0x6F00] =	vst v8;
	v8 =	vmul.f32 v12, v10;
	v12 =	vld [tilespmem:s16+$0x6F70]  }
0x291: {  	[tilespmem:s16+$0x6F10] =	vst v7;
	v7 =	vmul.f32 v15, v10;
	v14 =	vld [tilespmem:s16+$0x6F80]  }
0x292: {  	[tilespmem:s16+$0x6F20] =	vst v8;
	v8 =	vmul.f32 v9, v10;
	v9 =	vld [tilespmem:s16+$0x6F90]  }
0x293: {  	[tilespmem:s16+$0x6F30] =	vst v7;
	v7 =	vmul.f32 v13, v10;
	v13 =	vld [tilespmem:s16+$0x6FA0]  }
0x294: {  	[tilespmem:s16+$0x6F40] =	vst v8;
	v8 =	vmul.f32 v11, v10;
	v11 =	vbroadcast v1, $0x9;
	v15 =	vld [tilespmem:s16+$0x6FB0]  }
0x295: {  	[tilespmem:s16+$0x6F50] =	vst v7;
	v7 =	vmul.f32 v12, v10;
	v10 =	vld [tilespmem:s16+$0x6FC0]  }
0x296: {  	[tilespmem:s16+$0x6F60] =	vst v8;
	v8 =	vmul.f32 v14, v11;
	v12 =	vld [tilespmem:s16+$0x6FD0]  }
0x297: {  	[tilespmem:s16+$0x6F70] =	vst v7;
	v7 =	vmul.f32 v9, v11;
	v9 =	vld [tilespmem:s16+$0x6FE0]  }
0x298: {  	[tilespmem:s16+$0x6F80] =	vst v8;
	v8 =	vmul.f32 v13, v11;
	v13 =	vld [tilespmem:s16+$0x6FF0]  }
0x299: {  	[tilespmem:s16+$0x6F90] =	vst v7;
	v7 =	vmul.f32 v15, v11;
	v14 =	vld [tilespmem:s16+$0x7000]  }
0x29a: {  	[tilespmem:s16+$0x6FA0] =	vst v8;
	v8 =	vmul.f32 v10, v11;
	v10 =	vld [tilespmem:s16+$0x7010]  }
0x29b: {  	[tilespmem:s16+$0x6FB0] =	vst v7;
	v7 =	vmul.f32 v12, v11;
	v12 =	vld [tilespmem:s16+$0x7020]  }
0x29c: {  	[tilespmem:s16+$0x6FC0] =	vst v8;
	v8 =	vmul.f32 v9, v11;
	v9 =	vld [tilespmem:s16+$0x7030]  }
0x29d: {  	[tilespmem:s16+$0x6FD0] =	vst v7;
	v7 =	vmul.f32 v13, v11;
	v11 =	vld [tilespmem:s16+$0x7040]  }
0x29e: {  	[tilespmem:s16+$0x6FE0] =	vst v8;
	v8 =	vmul.f32 v14, v4;
	v13 =	vld [tilespmem:s16+$0x7050]  }
0x29f: {  	[tilespmem:s16+$0x6FF0] =	vst v7;
	v7 =	vmul.f32 v10, v4;
	v10 =	vld [tilespmem:s16+$0x7060]  }
0x2a0: {  	v14 =	vld [tilespmem:s16+$0x6B00];
	[tilespmem:s16+$0x7000] =	vst v8;
	v8 =	vmul.f32 v12, v4  }
0x2a1: {  	v12 =	vld [tilespmem:s16+$0x6B10];
	[tilespmem:s16+$0x7010] =	vst v7;
	v7 =	vmul.f32 v9, v4  }
0x2a2: {  	v9 =	vld [tilespmem:s16+$0x6B40];
	[tilespmem:s16+$0x7020] =	vst v8;
	v8 =	vmul.f32 v11, v4  }
0x2a3: {  	v11 =	vld [tilespmem:s16+$0x6B50];
	[tilespmem:s16+$0x7030] =	vst v7;
	v7 =	vmul.f32 v13, v4  }
0x2a4: {  	[tilespmem:s16+$0x7040] =	vst v8;
	v8 =	vmul.f32 v10, v4;
	v10 =	vbroadcast v1, $0xB;
	v13 =	vld [tilespmem:s16+$0x70A0]  }
0x2a5: {  	v4 =	vbroadcast v1, $0xF;
	v14 =	vmul.f32 v2, v14;
	[tilespmem:s16+$0x7050] =	vst v7;
	v7 =	vld [tilespmem:s16+$0x70B0]  }
0x2a6: {  	v12 =	vmul.f32 v12, v2;
	[tilespmem:s16+$0x7060] =	vst v8;
	v5 =	vmul.f32 v5, v10;
	v8 =	vld [tilespmem:s16+$0x70C0]  }
0x2a7: {  	v6 =	vmul.f32 v6, v10;
	[tilespmem:s16+$0x6B00] =	vst v14;
	v9 =	vmul.f32 v9, v2;
	v14 =	vld [tilespmem:s16+$0x70D0]  }
0x2a8: {  	v3 =	vmul.f32 v3, v4;
	v11 =	vmul.f32 v11, v2;
	[tilespmem:s16+$0x7080] =	vst v5;
	v2 =	vld [tilespmem:s16+$0x70E0]  }
0x2a9: {  	[tilespmem:s16+$0x7090] =	vst v6;
	v5 =	vmul.f32 v13, v10;
	v6 =	vld [tilespmem:s16+$0x70F0]  }
0x2aa: {  	v7 =	vmul.f32 v7, v10;
	v13 =	vld [tilespmem:s16+$0x7100];
	[tilespmem:s16+$0x72D0] =	vst v3  }
0x2ab: {  	[tilespmem:s16+$0x6B10] =	vst v12;
	v3 =	vmul.f32 v8, v10;
	v8 =	vld [tilespmem:s16+$0x7110]  }
0x2ac: {  	[tilespmem:s16+$0x6B40] =	vst v9;
	v9 =	vmul.f32 v14, v10;
	v12 =	vld [tilespmem:s16+$0x7120]  }
0x2ad: {  	v14 =	vbroadcast v1, $0xC;
	[tilespmem:s16+$0x70A0] =	vst v5;
	v5 =	vmul.f32 v2, v10;
	v15 =	vld [tilespmem:s16+$0x7130]  }
0x2ae: {  	[tilespmem:s16+$0x70D0] =	vst v9;
	v6 =	vmul.f32 v6, v10;
	v9 =	vld [tilespmem:s16+$0x7140]  }
0x2af: {  	[tilespmem:s16+$0x70B0] =	vst v7;
	v2 =	vmul.f32 v13, v14;
	v7 =	vld [tilespmem:s16+$0x7150]  }
0x2b0: {  	[tilespmem:s16+$0x70C0] =	vst v3;
	v3 =	vmul.f32 v8, v14;
	v8 =	vld [tilespmem:s16+$0x7160]  }
0x2b1: {  	[tilespmem:s16+$0x7100] =	vst v2;
	v2 =	vmul.f32 v12, v14;
	v10 =	vld [tilespmem:s16+$0x7170]  }
0x2b2: {  	[tilespmem:s16+$0x7110] =	vst v3;
	v3 =	vld [tilespmem:s16+$0x7180]  }
0x2b3: {  	[tilespmem:s16+$0x6B50] =	vst v11;
	v9 =	vmul.f32 v9, v14;
	v11 =	vld [tilespmem:s16+$0x7190]  }
0x2b4: {  	[tilespmem:s16+$0x70E0] =	vst v5;
	v5 =	vmul.f32 v7, v14;
	v7 =	vld [tilespmem:s16+$0x71A0]  }
0x2b5: {  	[tilespmem:s16+$0x7140] =	vst v9;
	v8 =	vmul.f32 v8, v14;
	v9 =	vbroadcast v1, $0xD;
	v12 =	vld [tilespmem:s16+$0x71B0]  }
0x2b6: {  	[tilespmem:s16+$0x7150] =	vst v5;
	v5 =	vmul.f32 v10, v14;
	v10 =	vld [tilespmem:s16+$0x71C0]  }
0x2b7: {  	[tilespmem:s16+$0x7160] =	vst v8;
	v3 =	vmul.f32 v3, v9;
	v8 =	vld [tilespmem:s16+$0x71D0]  }
0x2b8: {  	[tilespmem:s16+$0x7170] =	vst v5;
	v5 =	vmul.f32 v11, v9;
	v11 =	vld [tilespmem:s16+$0x71E0]  }
0x2b9: {  	[tilespmem:s16+$0x7180] =	vst v3;
	v3 =	vmul.f32 v7, v9;
	v7 =	vld [tilespmem:s16+$0x71F0]  }
0x2ba: {  	[tilespmem:s16+$0x7190] =	vst v5;
	v5 =	vmul.f32 v12, v9;
	v12 =	vld [tilespmem:s16+$0x7200]  }
0x2bb: {  	[tilespmem:s16+$0x71A0] =	vst v3;
	v3 =	vmul.f32 v10, v9;
	v10 =	vld [tilespmem:s16+$0x7210]  }
0x2bc: {  	[tilespmem:s16+$0x71B0] =	vst v5;
	v5 =	vmul.f32 v8, v9;
	v8 =	vld [tilespmem:s16+$0x7220]  }
0x2bd: {  	v1 =	vbroadcast v1, $0xE;
	[tilespmem:s16+$0x70F0] =	vst v6;
	v6 =	vmul.f32 v11, v9;
	v11 =	vld [tilespmem:s16+$0x7230]  }
0x2be: {  	[tilespmem:s16+$0x71D0] =	vst v5;
	v5 =	vmul.f32 v7, v9;
	v7 =	vld [tilespmem:s16+$0x7240]  }
0x2bf: {  	[tilespmem:s16+$0x71E0] =	vst v6;
	v6 =	vmul.f32 v12, v1;
	v9 =	vld [tilespmem:s16+$0x7250]  }
0x2c0: {  	[tilespmem:s16+$0x71F0] =	vst v5;
	v5 =	vmul.f32 v10, v1;
	v10 =	vld [tilespmem:s16+$0x7260]  }
0x2c1: {  	[tilespmem:s16+$0x7200] =	vst v6;
	v6 =	vmul.f32 v8, v1;
	v8 =	vld [tilespmem:s16+$0x7270]  }
0x2c2: {  	[tilespmem:s16+$0x7210] =	vst v5;
	v5 =	vmul.f32 v11, v1;
	v11 =	vld [tilespmem:s16+$0x7280]  }
0x2c3: {  	[tilespmem:s16+$0x7220] =	vst v6;
	v6 =	vmul.f32 v7, v1;
	v7 =	vld [tilespmem:s16+$0x7290]  }
0x2c4: {  	[tilespmem:s16+$0x7230] =	vst v5;
	v5 =	vmul.f32 v9, v1;
	v9 =	vld [tilespmem:s16+$0x72A0]  }
0x2c5: {  	[tilespmem:s16+$0x7240] =	vst v6;
	v6 =	vmul.f32 v10, v1;
	v10 =	vld [tilespmem:s16+$0x72B0]  }
0x2c6: {  	[tilespmem:s16+$0x71C0] =	vst v3;
	v1 =	vmul.f32 v8, v1;
	v3 =	vld [tilespmem:s16+$0x72C0]  }
0x2c7: {  	[tilespmem:s16+$0x7260] =	vst v6;
	v6 =	vmul.f32 v11, v4;
	v8 =	vld [tilespmem:s16+$0x72E0]  }
0x2c8: {  	[tilespmem:s16+$0x7270] =	vst v1;
	v1 =	vmul.f32 v7, v4;
	v7 =	vld [tilespmem:s16+$0x72F0]  }
0x2c9: {  	[tilespmem:s16+$0x7280] =	vst v6;
	v6 =	vmul.f32 v9, v4  }
0x2ca: {  	[tilespmem:s16+$0x7290] =	vst v1;
	v1 =	vmul.f32 v10, v4  }
0x2cb: {  	v9 =	vmul.f32 v15, v14;
	[tilespmem:s16+$0x72A0] =	vst v6  }
0x2cc: {  	[tilespmem:s16+$0x72B0] =	vst v1;
	v1 =	vmul.f32 v3, v4  }
.Ltmp4:
0x2cd: {  	[tilespmem:s16+$0x7130] =	vst v9;
	v3 =	vmul.f32 v7, v4;
	(pc) =	sbr.rel @p1 .LBB2_7-.Ltmp4, $4  }
0x2ce: {  	[tilespmem:s16+$0x72C0] =	vst v1  }
0x2cf: {  	v1 =	vmul.f32 v8, v4;
	[tilespmem:s16+$0x72F0] =	vst v3  }
0x2d0: {  	[tilespmem:s16+$0x7250] =	vst v5  }
0x2d1: {  	[tilespmem:s16+$0x72E0] =	vst v1  }
.Ltmp5:
0x2d2: {  	[tilespmem:s16+$0x7120] =	vst v2;
	(pc) =	sbr.rel @p0 .LBB2_10-.Ltmp5, $4  }
0x2d3: {  	[spmem:s3] =	stream.indirect.scatter.add.f32 [tilespmem:s19], [sflag:$0x5], $0x80, s29, s15, $0xb8;
	[tilespmem:$0x1E700] =	vst v63  }
0x2d4: {  	_ =	swait.ge [sflag:s13], $0x4000  }
0x2d5: {  	[sflag:s13] =	ssyncset.done $0x0  }
0x2d6: {  	[sflag:s13] =	ssyncadd.s32 $0xFFFFC000  }
0x2d7: {  	s0 =	sadd.s32 $0x3, s2  }
0x2d8: {  	s2 =	sshll.u32 s0, $0x7  }
0x2d9: {  	s2 =	sand.u32 $0x3FFFFF80, s2  }
0x2da: {  	v1 =	vld [tilespmem:s2+$0x0];
	_ =	sdelay $0x4  }
0x2db: {  	v2 =	vand.u32 $0xFFFF, v1  }
0x2dc: {  	v1 =	vshrl.u32 v1, $0x10;
	[tilespmem:$0x2880] =	vst v2  }
0x2dd: {  	[tilespmem:$0x2980] =	vst v1  }
0x2de: {  	v1 =	vld [tilespmem:s2+$0x10];
	_ =	sdelay $0x4  }
0x2df: {  	v2 =	vand.u32 $0xFFFF, v1  }
0x2e0: {  	v1 =	vshrl.u32 v1, $0x10;
	[tilespmem:$0x2890] =	vst v2  }
0x2e1: {  	[tilespmem:$0x2990] =	vst v1  }
0x2e2: {  	v1 =	vld [tilespmem:s2+$0x20];
	_ =	sdelay $0x4  }
0x2e3: {  	v2 =	vand.u32 $0xFFFF, v1  }
0x2e4: {  	v1 =	vshrl.u32 v1, $0x10;
	[tilespmem:$0x28A0] =	vst v2  }
0x2e5: {  	[tilespmem:$0x29A0] =	vst v1  }
0x2e6: {  	v1 =	vld [tilespmem:s2+$0x30];
	_ =	sdelay $0x4  }
0x2e7: {  	v2 =	vand.u32 $0xFFFF, v1  }
0x2e8: {  	v1 =	vshrl.u32 v1, $0x10;
	[tilespmem:$0x28B0] =	vst v2  }
0x2e9: {  	[tilespmem:$0x29B0] =	vst v1  }
0x2ea: {  	v1 =	vld [tilespmem:s2+$0x40];
	_ =	sdelay $0x4  }
0x2eb: {  	v2 =	vand.u32 $0xFFFF, v1  }
0x2ec: {  	v1 =	vshrl.u32 v1, $0x10;
	[tilespmem:$0x28C0] =	vst v2  }
0x2ed: {  	[tilespmem:$0x29C0] =	vst v1  }
0x2ee: {  	v1 =	vld [tilespmem:s2+$0x50];
	_ =	sdelay $0x4  }
0x2ef: {  	v2 =	vand.u32 $0xFFFF, v1  }
0x2f0: {  	v1 =	vshrl.u32 v1, $0x10;
	[tilespmem:$0x28D0] =	vst v2  }
0x2f1: {  	[tilespmem:$0x29D0] =	vst v1  }
0x2f2: {  	v1 =	vld [tilespmem:s2+$0x60];
	_ =	sdelay $0x4  }
0x2f3: {  	v2 =	vand.u32 $0xFFFF, v1  }
0x2f4: {  	v1 =	vshrl.u32 v1, $0x10;
	[tilespmem:$0x28E0] =	vst v2  }
0x2f5: {  	[tilespmem:$0x29E0] =	vst v1  }
0x2f6: {  	v1 =	vld [tilespmem:s2+$0x70];
	_ =	sdelay $0x4  }
0x2f7: {  	v2 =	vand.u32 $0xFFFF, v1  }
.Ltmp6:
0x2f8: {  	v1 =	vshrl.u32 v1, $0x10;
	[tilespmem:$0x28F0] =	vst v2;
	(pc) =	sbr.rel .LBB2_4-.Ltmp6, $4  }
0x2f9: {  	s0 =	sshll.u32 s0, $0x4;
	[tilespmem:$0x29F0] =	vst v1  }
0x2fa: {  	[tilespmem:s19], [sflag:$0x2] =	stream.indirect.gather [hbm4b:s1+s15], $0x80, s18, s15, $0xb8;
	[tilespmem:$0x1E700] =	vst v63  }
0x2fb: {  	s31 =	sadd.s32 $0x1, s31;
	s0 =	sadd.s32 s11, s0  }
0x2fc: {  	[tilespmem:s21], [sflag:$0x4] =	stream.linear.gather [hbm4b:s0+s4], $0x80, $0x38;
	[tilespmem:$0x1E700] =	vst v63  }
.LBB2_11:
0x2fd: {  	_ =	sfence.sel $0x180000  }
0x2fe: {  	[bflag:$0x0] =	sbarrier.arrive $0xFFFF  }
0x2ff: {  	_ =	strace $0x90000047  }
0x300: {  	s0 =	stileid.u32;
	[bflag:$0x2] =	sbarrier.arrive $0xFFFF  }
0x301: {  	p0 =	sne.s32 s0, $0x0;
	s0 =	rddreg [dreg:$0x4]  }
0x302: {  	s0 =	sadd.s32 @!p0 $0x100000, s0  }
0x303: {  	[sflag:s0] =	ssyncadd.tile.s32 @!p0 $0x1;
	_ =	shalt  }
.Lfunc_end2:
_tile_overlayer_lowered:
.L_overlay_start_2:
0x304: {  	(tag) =	ssettag $0x2  }
0x305: {  	s0 =	rddreg [dreg:$0x0];
	s2 =	stileid.u32  }
0x306: {  	s1 =	rddreg [dreg:$0x1];
	p0 =	sne.s32 s2, $0x0  }
0x307: {  	s3 =	rddreg [dreg:$0x2];
	[bflag:$0x3] =	sbarrier.arrive $0xFFFF;
	s2 =	simm.s32 @!p0 $0x1C05  }
0x308: {  	[timem:s3], [sflag:s2] =	dma.local @!p0 [hbm:s0], s1  }
0x309: {  	s0 =	simm.s32 @!p0 $0x5  }
0x30a: {  	_ =	swait.ge @!p0 [sflag:s0], s1  }
0x30b: {  	s1 =	ssub.s32 @!p0 $0x0, s1;
	[sflag:s0] =	ssyncset.done @!p0 $0x0  }
0x30c: {  	[sflag:s0] =	ssyncadd.s32 @!p0 s1  }
0x30d: {  	[bflag:$0x3] =	sbarrier.arrive $0xFFFF  }
0x30e: {  	_ =	shalt  }

</sc_bundles>
